<compile_context>
chip_gen: v7x
topology: tpu7x:2x2x1
jax: 0.10.2.dev20260603
libtpu: 0.0.44.dev20260713+nightly
codegen_flags: <defaults>
</compile_context>

<pallas_src>
import functools

import jax
import jax.numpy as jnp
from jax import lax
from jax.experimental import pallas as pl
from jax.experimental.pallas import tpu as pltpu
from jax.experimental.pallas import tpu_sc as plsc

KP_EXTENT = 1.2
EXTENT = 0.6
NUM_KP = 15
KPAD = 16
H = 32
CIN = 128
COUT = 128
N = 10000
NPAD = 10240
BQ = 128
NBLK = NPAD // BQ
ROWS = BQ * H
D = CIN + 16
TOTAL_ROWS = NPAD * H
OD = 42
ODP = 48


def _sc_gather(table, sx, sy, sz, idx3, nw, chunks):
    per_w = chunks * 128
    total = nw * per_w
    GRP = 2
    GR = GRP * 128
    nround = chunks // (2 * GRP)
    mesh = plsc.VectorSubcoreMesh(core_axis_name="c", subcore_axis_name="s")
    nc = plsc.get_sparse_core_info().num_cores

    @functools.partial(
        pl.kernel,
        mesh=mesh,
        compiler_params=pltpu.CompilerParams(needs_layout_passes=False),
        out_type=(jax.ShapeDtypeStruct((total, CIN), jnp.float32),
                  jax.ShapeDtypeStruct((total * 4,), jnp.float32)),
        scratch_types=[
            pltpu.VMEM((chunks, 128), jnp.int32),
            pltpu.VMEM((GR, CIN), jnp.float32),
            pltpu.VMEM((GR, CIN), jnp.float32),
            pltpu.VMEM((N,), jnp.float32),
            pltpu.VMEM((N,), jnp.float32),
            pltpu.VMEM((N,), jnp.float32),
            pltpu.VMEM((GR * 4,), jnp.float32),
            pltpu.VMEM((GR * 4,), jnp.float32),
            pltpu.SemaphoreType.DMA,
            pltpu.SemaphoreType.DMA,
            pltpu.SemaphoreType.DMA,
            pltpu.SemaphoreType.DMA,
        ],
    )
    def gk(table_hbm, sx_hbm, sy_hbm, sz_hbm, idx_hbm, outf_hbm, outp_hbm,
           idx_v, rows0, rows1, xt, yt, zt, pbuf0, pbuf1,
           gsem0, gsem1, wsem0, wsem1):
        wid = lax.axis_index("s") * nc + lax.axis_index("c")
        pltpu.sync_copy(idx_hbm.at[wid], idx_v)
        pltpu.sync_copy(sx_hbm, xt)
        pltpu.sync_copy(sy_hbm, yt)
        pltpu.sync_copy(sz_hbm, zt)
        base = wid * per_w
        gsems = (gsem0, gsem1)
        wsems = (wsem0, wsem1)
        rows = (rows0, rows1)
        pbufs = (pbuf0, pbuf1)

        def wb_descs(b, g):
            off = pl.multiple_of(base + g * GR, GR)
            return (
                pltpu.make_async_copy(
                    rows[b], outf_hbm.at[pl.ds(off, GR)], wsems[b]),
                pltpu.make_async_copy(
                    pbufs[b], outp_hbm.at[pl.ds(off * 4, GR * 4)],
                    wsems[b]),
            )

        def g_desc(b, u, c):
            return pltpu.make_async_copy(
                table_hbm.at[idx_v.at[c]],
                rows[b].at[pl.ds(u * 128, 128)], gsems[b])

        def body(j, _):
            for b in range(2):
                g = j * 2 + b

                @pl.when(j > 0)
                def _():
                    for d in wb_descs(b, g - 2):
                        d.wait()

                for u in range(GRP):
                    g_desc(b, u, g * GRP + u).start()
            for b in range(2):
                g = j * 2 + b
                for i in range(GRP * 8):
                    c = g * GRP + i // 8
                    idx16 = idx_v[c, pl.ds((i % 8) * 16, 16)]
                    pos = (lax.iota(jnp.int32, 16) + (i * 16)) * 4
                    gx = plsc.load_gather(xt, [idx16])
                    gy = plsc.load_gather(yt, [idx16])
                    gz = plsc.load_gather(zt, [idx16])
                    pb = pbufs[b]
                    plsc.store_scatter(pb, [pos], gx)
                    plsc.store_scatter(pb, [pos + 1], gy)
                    plsc.store_scatter(pb, [pos + 2], gz)
                for u in range(GRP):
                    g_desc(b, u, g * GRP + u).wait()
                for d in wb_descs(b, g):
                    d.start()
            return _

        lax.fori_loop(0, nround, body, None)
        for b in range(2):
            for d in wb_descs(b, (nround - 1) * 2 + b):
                d.wait()

    return gk(table, sx, sy, sz, idx3)


def _wsum(w, nf):
    w3 = w.astype(jnp.bfloat16).reshape(BQ, H, KPAD)
    nf3 = nf.astype(jnp.bfloat16).reshape(BQ, H, CIN)
    return lax.dot_general(w3, nf3, (((1,), (1,)), ((0,), (0,))),
                           preferred_element_type=jnp.float32)


def _rep_rows(x):
    return jnp.broadcast_to(x[:, None, :], (BQ, H, KPAD)).reshape(ROWS, KPAD)


def _tc_body(gf_ref, gx_ref, q_ref, kt_ref, wd_ref, db_ref, wgt_ref, o_ref):
    nf = gf_ref[...]
    xyz = gx_ref[...][:, 0:3]
    q = q_ref[...]
    qrep = jnp.broadcast_to(q[:, None, :], (BQ, H, 3)).reshape(ROWS, 3)
    npd = xyz - qrep
    np2 = jnp.sum(npd * npd, axis=1, keepdims=True)
    kt = kt_ref[...]

    npdot = (npd[:, 0:1] * kt[0:1, :] + npd[:, 1:2] * kt[1:2, :]
             + npd[:, 2:3] * kt[2:3, :])
    k2 = jnp.sum(kt * kt, axis=0, keepdims=True)
    sqd0 = jnp.maximum(np2 - 2.0 * npdot + k2, 0.0)
    w0 = jnp.maximum(1.0 - jnp.sqrt(sqd0) * (1.0 / EXTENT), 0.0)

    wf0 = _wsum(w0, nf)
    offm = db_ref[...]
    for k in range(NUM_KP):
        offm = offm + jnp.dot(wf0[:, k, :].astype(jnp.bfloat16), wd_ref[k],
                              preferred_element_type=jnp.float32)

    dk = [kt[d:d + 1, :] + KP_EXTENT * offm[:, d * KPAD:(d + 1) * KPAD]
          for d in range(3)]
    dk2 = dk[0] * dk[0] + dk[1] * dk[1] + dk[2] * dk[2]
    npdot2 = (npd[:, 0:1] * _rep_rows(dk[0])
              + npd[:, 1:2] * _rep_rows(dk[1])
              + npd[:, 2:3] * _rep_rows(dk[2]))
    sqd = jnp.maximum(np2 - 2.0 * npdot2 + _rep_rows(dk2), 0.0)
    w1 = jnp.maximum(1.0 - jnp.sqrt(sqd) * (1.0 / EXTENT), 0.0)

    wf = _wsum(w1, nf)
    out = jnp.zeros((BQ, COUT), jnp.float32)
    for k in range(NUM_KP):
        out = out + jnp.dot(wf[:, k, :].astype(jnp.bfloat16), wgt_ref[k],
                            preferred_element_type=jnp.float32)
    o_ref[...] = out


def _tc_compute(gathered_f, gathered_x, qpad, ktpad, wd_perm, db_perm, w_flat):
    nblk = qpad.shape[0] // BQ
    return pl.pallas_call(
        _tc_body,
        grid=(nblk,),
        in_specs=[
            pl.BlockSpec((ROWS, CIN), lambda i: (i, 0)),
            pl.BlockSpec((ROWS, 4), lambda i: (i, 0)),
            pl.BlockSpec((BQ, 3), lambda i: (i, 0)),
            pl.BlockSpec((3, KPAD), lambda i: (0, 0)),
            pl.BlockSpec((NUM_KP, CIN, ODP), lambda i: (0, 0, 0)),
            pl.BlockSpec((1, ODP), lambda i: (0, 0)),
            pl.BlockSpec((NUM_KP, CIN, COUT), lambda i: (0, 0, 0)),
        ],
        out_specs=pl.BlockSpec((BQ, COUT), lambda i: (i, 0)),
        out_shape=jax.ShapeDtypeStruct((qpad.shape[0], COUT), jnp.float32),
    )(gathered_f, gathered_x, qpad, ktpad, wd_perm, db_perm, w_flat)


def kernel(query_points, support_points, neighbors, features, K_points,
           deformable_weight, dbias, weight):
    nb = jnp.pad(neighbors, ((0, NPAD - N), (0, 0)))
    idx = nb.reshape(-1)

    info = plsc.get_sparse_core_info()
    nw = info.num_cores * info.num_subcores
    nslice = 2
    srows = TOTAL_ROWS // nslice
    chunks = srows // (nw * 128)
    idx4 = idx.reshape(nslice, nw, chunks, 128)

    qpad = jnp.pad(query_points, ((0, NPAD - N), (0, 0)))
    ktpad = jnp.pad(K_points, ((0, KPAD - NUM_KP), (0, 0))).T

    wd_flat = deformable_weight.reshape(NUM_KP * CIN, OD)
    cols = [j * 3 + d for d in range(3) for j in range(NUM_KP - 1)]
    wd_g = wd_flat[:, jnp.array(cols)].reshape(NUM_KP * CIN, 3, NUM_KP - 1)
    wd_perm = jnp.pad(wd_g, ((0, 0), (0, 0), (1, KPAD - NUM_KP))) \
        .reshape(NUM_KP, CIN, ODP).astype(jnp.bfloat16)
    db_g = dbias[jnp.array(cols)].reshape(1, 3, NUM_KP - 1)
    db_perm = jnp.pad(db_g, ((0, 0), (0, 0), (1, KPAD - NUM_KP))) \
        .reshape(1, ODP)

    w_flat = weight.astype(jnp.bfloat16)

    spts = NPAD // nslice
    outs = []
    for sl in range(nslice):
        gf, gp = _sc_gather(
            features, support_points[:, 0], support_points[:, 1],
            support_points[:, 2], idx4[sl], nw, chunks)
        gx = gp.reshape(srows, 4)
        outs.append(_tc_compute(gf, gx, qpad[sl * spts:(sl + 1) * spts],
                                ktpad, wd_perm, db_perm, w_flat))
    out = jnp.concatenate(outs, axis=0)
    return out[:N]

# --- scband reference (transcript-rebuilt; emitter-appended) ---
"""Pipeline reference for scband-deformable-kpconv-layer-48034914238863 (READ-ONLY COPY).

The authoritative reference and input builder live on the scoring server;
editing this copy changes nothing except your own understanding.
"""

import jax, jax.numpy as jnp
import numpy as np

KP_EXTENT = 1.2
RADIUS = 2.5
DENSITY_PARAMETER = 5.0
EXTENT = KP_EXTENT * RADIUS / DENSITY_PARAMETER
NUM_KP = 15
PDIM = 3
N_POINTS = 10000
N_NEIGHB = 32
C_IN = 128
C_OUT = 128
OFFSET_DIM = PDIM * (NUM_KP - 1)

def setup_inputs(seed: int = 0) -> dict:
    key = jax.random.key(seed)
    ks = jax.random.split(key, 9)
    query_points = jax.random.uniform(ks[0], (N_POINTS, PDIM), dtype=jnp.float32)
    support_points = jax.random.uniform(ks[1], (N_POINTS, PDIM), dtype=jnp.float32)
    neighbors = jax.random.randint(ks[2], (N_POINTS, N_NEIGHB), 0, N_POINTS, dtype=jnp.int32)
    features = jax.random.normal(ks[3], (N_POINTS, C_IN), dtype=jnp.float32)
    K_radius = 1.5 * EXTENT
    dirs = jax.random.normal(ks[4], (NUM_KP, PDIM), dtype=jnp.float32)
    dirs = dirs / jnp.maximum(jnp.linalg.norm(dirs, axis=1, keepdims=True), 1e-6)
    radii = jax.random.uniform(ks[5], (NUM_KP, 1), minval=0.3, maxval=1.0, dtype=jnp.float32) * K_radius
    K_points = (dirs * radii).at[0].set(0.0)
    deformable_weight = jax.random.normal(ks[6], (NUM_KP, C_IN, OFFSET_DIM), dtype=jnp.float32) * (1.0 / np.sqrt(C_IN))
    dbias = jnp.zeros((OFFSET_DIM,), dtype=jnp.float32)
    weight = jax.random.normal(ks[7], (NUM_KP, C_IN, C_OUT), dtype=jnp.float32) * (1.0 / np.sqrt(C_IN))
    return {"query_points": query_points, "support_points": support_points, "neighbors": neighbors, "features": features, "K_points": K_points, "deformable_weight": deformable_weight, "dbias": dbias, "weight": weight}

def reference(query_points, support_points, neighbors, features, K_points, deformable_weight, dbias, weight):
    # shadow support point and shadow (zero) feature row, as in KPConv_ops
    sp = jnp.concatenate([support_points, jnp.ones_like(support_points[:1, :]) * 1e6], axis=0)
    feats = jnp.concatenate([features, jnp.zeros_like(features[:1, :])], axis=0)
    neighb_pts = sp[neighbors] - query_points[:, None, :]          # [N, H, 3]
    neighb_feats = feats[neighbors]                                 # [N, H, Cin]
    # ---- rigid KPConv (KPConv_ops) predicting offsets ----
    diff0 = neighb_pts[:, :, None, :] - K_points[None, None, :, :]  # [N, H, K, 3]
    sqd0 = jnp.sum(diff0 * diff0, axis=3)                           # [N, H, K]
    w0 = jnp.maximum(1.0 - jnp.sqrt(sqd0) / EXTENT, 0.0)            # linear influence
    w0 = jnp.transpose(w0, (0, 2, 1))                               # [N, K, H]
    wf0 = jnp.matmul(w0, neighb_feats)                              # [N, K, Cin]
    ko0 = jnp.matmul(jnp.transpose(wf0, (1, 0, 2)), deformable_weight)  # [K, N, OFFSET_DIM]
    features0 = jnp.sum(ko0, axis=0) + dbias                        # [N, OFFSET_DIM]
    # ---- build offsets (not modulated, version 0) ----
    offsets = features0.reshape((-1, NUM_KP - 1, PDIM))
    offsets = jnp.concatenate([jnp.zeros_like(offsets[:, :1, :]), offsets], axis=1)  # [N, K, 3]
    offsets = offsets * KP_EXTENT
    # ---- deformable KPConv (KPConv_deform_ops) ----
    deformed_K = offsets + K_points[None, :, :]                     # [N, K, 3]
    diff = neighb_pts[:, :, None, :] - deformed_K[:, None, :, :]    # [N, H, K, 3]
    sqd = jnp.sum(diff * diff, axis=3)                              # [N, H, K]
    w = jnp.maximum(1.0 - jnp.sqrt(sqd) / EXTENT, 0.0)              # linear influence; out-of-range neighbors get weight 0
    w = jnp.transpose(w, (0, 2, 1))                                 # [N, K, H]
    wf = jnp.matmul(w, neighb_feats)                                # [N, K, Cin]
    ko = jnp.matmul(jnp.transpose(wf, (1, 0, 2)), weight)           # [K, N, Cout]
    return jnp.sum(ko, axis=0)                                      # [N, Cout]

if __name__ == "__main__":
    import jax
    _d = setup_inputs()
    print(jax.jit(kernel)(*tuple(_d.values())))

</pallas_src>

<mosaic_0001>
#map = affine_map<(d0, d1) -> (0, 0)>
#map1 = affine_map<(d0, d1) -> (0)>
#map2 = affine_map<(d0, d1) -> (0, 0, 0)>
module attributes {stable_mosaic.version = 14 : i64} {
  func.func @gk(%arg0: i32, %arg1: i32, %arg2: memref<10000x128xf32, #tpu.memory_space<hbm>>, %arg3: memref<10000xf32, #tpu.memory_space<hbm>>, %arg4: memref<10000xf32, #tpu.memory_space<hbm>>, %arg5: memref<10000xf32, #tpu.memory_space<hbm>>, %arg6: memref<32x40x128xi32, #tpu.memory_space<hbm>>, %arg7: memref<163840x128xf32, #tpu.memory_space<hbm>>, %arg8: memref<655360xf32, #tpu.memory_space<hbm>>, %arg9: memref<40x128xi32, #tpu.memory_space<vmem>>, %arg10: memref<256x128xf32, #tpu.memory_space<vmem>>, %arg11: memref<256x128xf32, #tpu.memory_space<vmem>>, %arg12: memref<10000xf32, #tpu.memory_space<vmem>>, %arg13: memref<10000xf32, #tpu.memory_space<vmem>>, %arg14: memref<10000xf32, #tpu.memory_space<vmem>>, %arg15: memref<1024xf32, #tpu.memory_space<vmem>>, %arg16: memref<1024xf32, #tpu.memory_space<vmem>>, %arg17: memref<!tpu.dma_semaphore, #tpu.memory_space<semaphore_mem>>, %arg18: memref<!tpu.dma_semaphore, #tpu.memory_space<semaphore_mem>>, %arg19: memref<!tpu.dma_semaphore, #tpu.memory_space<semaphore_mem>>, %arg20: memref<!tpu.dma_semaphore, #tpu.memory_space<semaphore_mem>>) attributes {dimension_semantics = [#tpu.dimension_semantics<core_parallel>, #tpu.dimension_semantics<subcore_parallel>], iteration_bounds = array<i64: 2, 16>, scalar_prefetch = 0 : i64, scratch_operands = 12 : i64, tpu.core_type = #tpu.core_type<sc_vector_subcore>, window_params = [{transform_indices = #map}, {transform_indices = #map1}, {transform_indices = #map1}, {transform_indices = #map1}, {transform_indices = #map2}, {transform_indices = #map}, {transform_indices = #map1}]} {
    %mul3A = arith.constant 2 : i32
    %mul3A_0 = arith.muli %arg1, %mul3A : i32
    %add3A = arith.addi %mul3A_0, %arg0 : i32
    "tpu.region"() ({
      %run_scoped3A = tpu.sem_alloc : memref<!tpu.dma_semaphore, #tpu.memory_space<semaphore_mem>>
      %dma_start3A = arith.constant 0 : i32
      %dma_start3A_27 = arith.constant 0 : i32
      %dma_start3A_28 = tpu.memref_slice %arg6[%add3A, %dma_start3A, %dma_start3A_27] : memref<32x40x128xi32, #tpu.memory_space<hbm>> -> memref<1x40x128xi32, #tpu.memory_space<hbm>>
      %dma_start3A_29 = tpu.memref_squeeze %dma_start3A_28 : memref<1x40x128xi32, #tpu.memory_space<hbm>> -> memref<40x128xi32, #tpu.memory_space<hbm>>
      %dma_start3A_30 = arith.constant 0 : i32
      %dma_start3A_31 = arith.constant 0 : i32
      %dma_start3A_32 = tpu.memref_slice %arg6[%add3A, %dma_start3A_30, %dma_start3A_31] : memref<32x40x128xi32, #tpu.memory_space<hbm>> -> memref<1x40x128xi32, #tpu.memory_space<hbm>>
      %dma_start3A_33 = tpu.memref_squeeze %dma_start3A_32 : memref<1x40x128xi32, #tpu.memory_space<hbm>> -> memref<40x128xi32, #tpu.memory_space<hbm>>
      tpu.enqueue_dma source(%dma_start3A_33 : memref<40x128xi32, #tpu.memory_space<hbm>>) target(%arg9 : memref<40x128xi32, #tpu.memory_space<vmem>>) target_semaphore(%run_scoped3A : memref<!tpu.dma_semaphore, #tpu.memory_space<semaphore_mem>>)
      %dma_wait3A_34 = arith.constant 0 : i32
      %dma_wait3A_35 = arith.constant 0 : i32
      %dma_wait3A_36 = tpu.memref_slice %arg6[%add3A, %dma_wait3A_34, %dma_wait3A_35] : memref<32x40x128xi32, #tpu.memory_space<hbm>> -> memref<1x40x128xi32, #tpu.memory_space<hbm>>
      %dma_wait3A_37 = tpu.memref_squeeze %dma_wait3A_36 : memref<1x40x128xi32, #tpu.memory_space<hbm>> -> memref<40x128xi32, #tpu.memory_space<hbm>>
      %dma_wait3A_38 = arith.constant 0 : i32
      %dma_wait3A_39 = arith.constant 0 : i32
      %dma_wait3A_40 = tpu.memref_slice %arg6[%add3A, %dma_wait3A_38, %dma_wait3A_39] : memref<32x40x128xi32, #tpu.memory_space<hbm>> -> memref<1x40x128xi32, #tpu.memory_space<hbm>>
      %dma_wait3A_41 = tpu.memref_squeeze %dma_wait3A_40 : memref<1x40x128xi32, #tpu.memory_space<hbm>> -> memref<40x128xi32, #tpu.memory_space<hbm>>
      tpu.wait_dma2 semaphore(%run_scoped3A : memref<!tpu.dma_semaphore, #tpu.memory_space<semaphore_mem>>) src(%dma_wait3A_41 : memref<40x128xi32, #tpu.memory_space<hbm>>) dst(%arg9 : memref<40x128xi32, #tpu.memory_space<vmem>>)
      tpu.yield
    }) : () -> ()
    "tpu.region"() ({
      %run_scoped3A = tpu.sem_alloc : memref<!tpu.dma_semaphore, #tpu.memory_space<semaphore_mem>>
      tpu.enqueue_dma source(%arg3 : memref<10000xf32, #tpu.memory_space<hbm>>) target(%arg12 : memref<10000xf32, #tpu.memory_space<vmem>>) target_semaphore(%run_scoped3A : memref<!tpu.dma_semaphore, #tpu.memory_space<semaphore_mem>>)
      tpu.wait_dma2 semaphore(%run_scoped3A : memref<!tpu.dma_semaphore, #tpu.memory_space<semaphore_mem>>) src(%arg3 : memref<10000xf32, #tpu.memory_space<hbm>>) dst(%arg12 : memref<10000xf32, #tpu.memory_space<vmem>>)
      tpu.yield
    }) : () -> ()
    "tpu.region"() ({
      %run_scoped3A = tpu.sem_alloc : memref<!tpu.dma_semaphore, #tpu.memory_space<semaphore_mem>>
      tpu.enqueue_dma source(%arg4 : memref<10000xf32, #tpu.memory_space<hbm>>) target(%arg13 : memref<10000xf32, #tpu.memory_space<vmem>>) target_semaphore(%run_scoped3A : memref<!tpu.dma_semaphore, #tpu.memory_space<semaphore_mem>>)
      tpu.wait_dma2 semaphore(%run_scoped3A : memref<!tpu.dma_semaphore, #tpu.memory_space<semaphore_mem>>) src(%arg4 : memref<10000xf32, #tpu.memory_space<hbm>>) dst(%arg13 : memref<10000xf32, #tpu.memory_space<vmem>>)
      tpu.yield
    }) : () -> ()
    "tpu.region"() ({
      %run_scoped3A = tpu.sem_alloc : memref<!tpu.dma_semaphore, #tpu.memory_space<semaphore_mem>>
      tpu.enqueue_dma source(%arg5 : memref<10000xf32, #tpu.memory_space<hbm>>) target(%arg14 : memref<10000xf32, #tpu.memory_space<vmem>>) target_semaphore(%run_scoped3A : memref<!tpu.dma_semaphore, #tpu.memory_space<semaphore_mem>>)
      tpu.wait_dma2 semaphore(%run_scoped3A : memref<!tpu.dma_semaphore, #tpu.memory_space<semaphore_mem>>) src(%arg5 : memref<10000xf32, #tpu.memory_space<hbm>>) dst(%arg14 : memref<10000xf32, #tpu.memory_space<vmem>>)
      tpu.yield
    }) : () -> ()
    %mul3A_1 = arith.constant 5120 : i32
    %mul3A_2 = arith.muli %add3A, %mul3A_1 : i32
    %scan3A = arith.constant 0 : i32
    %scan3A_3 = arith.constant 10 : i32
    %scan3A_4 = arith.addi %scan3A, %scan3A_3 : i32
    %scan3A_5 = arith.constant 1 : i32
    scf.for %scan3A_27 = %scan3A to %scan3A_4 step %scan3A_5  : i32 {
      %mul3A_28 = arith.constant 2 : i32
      %mul3A_29 = arith.muli %scan3A_27, %mul3A_28 : i32
      %add3A_30 = arith.constant 0 : i32
      %add3A_31 = arith.addi %mul3A_29, %add3A_30 : i32
      %gt3A = arith.constant 0 : i32
      %gt3A_32 = arith.cmpi sgt, %scan3A_27, %gt3A : i32
      %convert_element_type3A = arith.extui %gt3A_32 : i1 to i32
      %cond3A = arith.constant 0 : i32
      %cond3A_33 = arith.cmpi ne, %convert_element_type3A, %cond3A : i32
      scf.if %cond3A_33 {
        %sub3A = arith.constant 2 : i32
        %sub3A_911 = arith.subi %add3A_31, %sub3A : i32
        %mul3A_912 = arith.constant 256 : i32
        %mul3A_913 = arith.muli %sub3A_911, %mul3A_912 : i32
        %add3A_914 = arith.addi %mul3A_2, %mul3A_913 : i32
        %multiple_of3A_915 = tpu.assume_multiple %add3A_914, 256 : i32
        %mul3A_916 = arith.constant 4 : i32
        %mul3A_917 = arith.muli %multiple_of3A_915, %mul3A_916 : i32
        %dma_wait3A_918 = arith.constant 0 : i32
        %dma_wait3A_919 = tpu.memref_slice %arg7[%multiple_of3A_915, %dma_wait3A_918] : memref<163840x128xf32, #tpu.memory_space<hbm>> -> memref<256x128xf32, #tpu.memory_space<hbm>>
        %dma_wait3A_920 = arith.constant 0 : i32
        %dma_wait3A_921 = tpu.memref_slice %arg7[%multiple_of3A_915, %dma_wait3A_920] : memref<163840x128xf32, #tpu.memory_space<hbm>> -> memref<256x128xf32, #tpu.memory_space<hbm>>
        tpu.wait_dma2 semaphore(%arg19 : memref<!tpu.dma_semaphore, #tpu.memory_space<semaphore_mem>>) src(%arg10 : memref<256x128xf32, #tpu.memory_space<vmem>>) dst(%dma_wait3A_921 : memref<256x128xf32, #tpu.memory_space<hbm>>)
        %dma_wait3A_922 = tpu.memref_slice %arg8[%mul3A_917] : memref<655360xf32, #tpu.memory_space<hbm>> -> memref<1024xf32, #tpu.memory_space<hbm>>
        %dma_wait3A_923 = tpu.memref_slice %arg8[%mul3A_917] : memref<655360xf32, #tpu.memory_space<hbm>> -> memref<1024xf32, #tpu.memory_space<hbm>>
        tpu.wait_dma2 semaphore(%arg19 : memref<!tpu.dma_semaphore, #tpu.memory_space<semaphore_mem>>) src(%arg15 : memref<1024xf32, #tpu.memory_space<vmem>>) dst(%dma_wait3A_923 : memref<1024xf32, #tpu.memory_space<hbm>>)
      } else {
      }
      %mul3A_34 = arith.constant 2 : i32
      %mul3A_35 = arith.muli %add3A_31, %mul3A_34 : i32
      %add3A_36 = arith.constant 0 : i32
      %add3A_37 = arith.addi %mul3A_35, %add3A_36 : i32
      %dma_start3A = arith.constant 0 : i32
      %dma_start3A_38 = arith.constant 0 : i32
      %dma_start3A_39 = tpu.memref_slice %arg10[%dma_start3A, %dma_start3A_38] : memref<256x128xf32, #tpu.memory_space<vmem>> -> memref<128x128xf32, #tpu.memory_space<vmem>>
      %dma_start3A_40 = arith.constant 0 : i32
      %dma_start3A_41 = tpu.memref_slice %arg9[%add3A_37, %dma_start3A_40] : memref<40x128xi32, #tpu.memory_space<vmem>> -> memref<1x128xi32, #tpu.memory_space<vmem>>
      %dma_start3A_42 = tpu.memref_squeeze %dma_start3A_41 : memref<1x128xi32, #tpu.memory_space<vmem>> -> memref<128xi32, #tpu.memory_space<vmem>>
      %dma_start3A_43 = arith.constant 0 : i32
      %dma_start3A_44 = arith.constant 0 : i32
      %dma_start3A_45 = tpu.memref_slice %arg2[%dma_start3A_43, %dma_start3A_44] : memref<10000x128xf32, #tpu.memory_space<hbm>> -> memref<10000x128xf32, #tpu.memory_space<hbm>>
      tpu.enqueue_indirect_dma source(%dma_start3A_45 : memref<10000x128xf32, #tpu.memory_space<hbm>>) target(%dma_start3A_39 : memref<128x128xf32, #tpu.memory_space<vmem>>) offsets(%dma_start3A_42 : memref<128xi32, #tpu.memory_space<vmem>>) semaphore(%arg17 : memref<!tpu.dma_semaphore, #tpu.memory_space<semaphore_mem>>)
      %mul3A_46 = arith.constant 2 : i32
      %mul3A_47 = arith.muli %add3A_31, %mul3A_46 : i32
      %add3A_48 = arith.constant 1 : i32
      %add3A_49 = arith.addi %mul3A_47, %add3A_48 : i32
      %dma_start3A_50 = arith.constant 128 : i32
      %dma_start3A_51 = arith.constant 0 : i32
      %dma_start3A_52 = tpu.memref_slice %arg10[%dma_start3A_50, %dma_start3A_51] : memref<256x128xf32, #tpu.memory_space<vmem>> -> memref<128x128xf32, #tpu.memory_space<vmem>>
      %dma_start3A_53 = arith.constant 0 : i32
      %dma_start3A_54 = tpu.memref_slice %arg9[%add3A_49, %dma_start3A_53] : memref<40x128xi32, #tpu.memory_space<vmem>> -> memref<1x128xi32, #tpu.memory_space<vmem>>
      %dma_start3A_55 = tpu.memref_squeeze %dma_start3A_54 : memref<1x128xi32, #tpu.memory_space<vmem>> -> memref<128xi32, #tpu.memory_space<vmem>>
      %dma_start3A_56 = arith.constant 0 : i32
      %dma_start3A_57 = arith.constant 0 : i32
      %dma_start3A_58 = tpu.memref_slice %arg2[%dma_start3A_56, %dma_start3A_57] : memref<10000x128xf32, #tpu.memory_space<hbm>> -> memref<10000x128xf32, #tpu.memory_space<hbm>>
      tpu.enqueue_indirect_dma source(%dma_start3A_58 : memref<10000x128xf32, #tpu.memory_space<hbm>>) target(%dma_start3A_52 : memref<128x128xf32, #tpu.memory_space<vmem>>) offsets(%dma_start3A_55 : memref<128xi32, #tpu.memory_space<vmem>>) semaphore(%arg17 : memref<!tpu.dma_semaphore, #tpu.memory_space<semaphore_mem>>)
      %mul3A_59 = arith.constant 2 : i32
      %mul3A_60 = arith.muli %scan3A_27, %mul3A_59 : i32
      %add3A_61 = arith.constant 1 : i32
      %add3A_62 = arith.addi %mul3A_60, %add3A_61 : i32
      %gt3A_63 = arith.constant 0 : i32
      %gt3A_64 = arith.cmpi sgt, %scan3A_27, %gt3A_63 : i32
      %convert_element_type3A_65 = arith.extui %gt3A_64 : i1 to i32
      %cond3A_66 = arith.constant 0 : i32
      %cond3A_67 = arith.cmpi ne, %convert_element_type3A_65, %cond3A_66 : i32
      scf.if %cond3A_67 {
        %sub3A = arith.constant 2 : i32
        %sub3A_911 = arith.subi %add3A_62, %sub3A : i32
        %mul3A_912 = arith.constant 256 : i32
        %mul3A_913 = arith.muli %sub3A_911, %mul3A_912 : i32
        %add3A_914 = arith.addi %mul3A_2, %mul3A_913 : i32
        %multiple_of3A_915 = tpu.assume_multiple %add3A_914, 256 : i32
        %mul3A_916 = arith.constant 4 : i32
        %mul3A_917 = arith.muli %multiple_of3A_915, %mul3A_916 : i32
        %dma_wait3A_918 = arith.constant 0 : i32
        %dma_wait3A_919 = tpu.memref_slice %arg7[%multiple_of3A_915, %dma_wait3A_918] : memref<163840x128xf32, #tpu.memory_space<hbm>> -> memref<256x128xf32, #tpu.memory_space<hbm>>
        %dma_wait3A_920 = arith.constant 0 : i32
        %dma_wait3A_921 = tpu.memref_slice %arg7[%multiple_of3A_915, %dma_wait3A_920] : memref<163840x128xf32, #tpu.memory_space<hbm>> -> memref<256x128xf32, #tpu.memory_space<hbm>>
        tpu.wait_dma2 semaphore(%arg20 : memref<!tpu.dma_semaphore, #tpu.memory_space<semaphore_mem>>) src(%arg11 : memref<256x128xf32, #tpu.memory_space<vmem>>) dst(%dma_wait3A_921 : memref<256x128xf32, #tpu.memory_space<hbm>>)
        %dma_wait3A_922 = tpu.memref_slice %arg8[%mul3A_917] : memref<655360xf32, #tpu.memory_space<hbm>> -> memref<1024xf32, #tpu.memory_space<hbm>>
        %dma_wait3A_923 = tpu.memref_slice %arg8[%mul3A_917] : memref<655360xf32, #tpu.memory_space<hbm>> -> memref<1024xf32, #tpu.memory_space<hbm>>
        tpu.wait_dma2 semaphore(%arg20 : memref<!tpu.dma_semaphore, #tpu.memory_space<semaphore_mem>>) src(%arg16 : memref<1024xf32, #tpu.memory_space<vmem>>) dst(%dma_wait3A_923 : memref<1024xf32, #tpu.memory_space<hbm>>)
      } else {
      }
      %mul3A_68 = arith.constant 2 : i32
      %mul3A_69 = arith.muli %add3A_62, %mul3A_68 : i32
      %add3A_70 = arith.constant 0 : i32
      %add3A_71 = arith.addi %mul3A_69, %add3A_70 : i32
      %dma_start3A_72 = arith.constant 0 : i32
      %dma_start3A_73 = arith.constant 0 : i32
      %dma_start3A_74 = tpu.memref_slice %arg11[%dma_start3A_72, %dma_start3A_73] : memref<256x128xf32, #tpu.memory_space<vmem>> -> memref<128x128xf32, #tpu.memory_space<vmem>>
      %dma_start3A_75 = arith.constant 0 : i32
      %dma_start3A_76 = tpu.memref_slice %arg9[%add3A_71, %dma_start3A_75] : memref<40x128xi32, #tpu.memory_space<vmem>> -> memref<1x128xi32, #tpu.memory_space<vmem>>
      %dma_start3A_77 = tpu.memref_squeeze %dma_start3A_76 : memref<1x128xi32, #tpu.memory_space<vmem>> -> memref<128xi32, #tpu.memory_space<vmem>>
      %dma_start3A_78 = arith.constant 0 : i32
      %dma_start3A_79 = arith.constant 0 : i32
      %dma_start3A_80 = tpu.memref_slice %arg2[%dma_start3A_78, %dma_start3A_79] : memref<10000x128xf32, #tpu.memory_space<hbm>> -> memref<10000x128xf32, #tpu.memory_space<hbm>>
      tpu.enqueue_indirect_dma source(%dma_start3A_80 : memref<10000x128xf32, #tpu.memory_space<hbm>>) target(%dma_start3A_74 : memref<128x128xf32, #tpu.memory_space<vmem>>) offsets(%dma_start3A_77 : memref<128xi32, #tpu.memory_space<vmem>>) semaphore(%arg18 : memref<!tpu.dma_semaphore, #tpu.memory_space<semaphore_mem>>)
      %mul3A_81 = arith.constant 2 : i32
      %mul3A_82 = arith.muli %add3A_62, %mul3A_81 : i32
      %add3A_83 = arith.constant 1 : i32
      %add3A_84 = arith.addi %mul3A_82, %add3A_83 : i32
      %dma_start3A_85 = arith.constant 128 : i32
      %dma_start3A_86 = arith.constant 0 : i32
      %dma_start3A_87 = tpu.memref_slice %arg11[%dma_start3A_85, %dma_start3A_86] : memref<256x128xf32, #tpu.memory_space<vmem>> -> memref<128x128xf32, #tpu.memory_space<vmem>>
      %dma_start3A_88 = arith.constant 0 : i32
      %dma_start3A_89 = tpu.memref_slice %arg9[%add3A_84, %dma_start3A_88] : memref<40x128xi32, #tpu.memory_space<vmem>> -> memref<1x128xi32, #tpu.memory_space<vmem>>
      %dma_start3A_90 = tpu.memref_squeeze %dma_start3A_89 : memref<1x128xi32, #tpu.memory_space<vmem>> -> memref<128xi32, #tpu.memory_space<vmem>>
      %dma_start3A_91 = arith.constant 0 : i32
      %dma_start3A_92 = arith.constant 0 : i32
      %dma_start3A_93 = tpu.memref_slice %arg2[%dma_start3A_91, %dma_start3A_92] : memref<10000x128xf32, #tpu.memory_space<hbm>> -> memref<10000x128xf32, #tpu.memory_space<hbm>>
      tpu.enqueue_indirect_dma source(%dma_start3A_93 : memref<10000x128xf32, #tpu.memory_space<hbm>>) target(%dma_start3A_87 : memref<128x128xf32, #tpu.memory_space<vmem>>) offsets(%dma_start3A_90 : memref<128xi32, #tpu.memory_space<vmem>>) semaphore(%arg18 : memref<!tpu.dma_semaphore, #tpu.memory_space<semaphore_mem>>)
      %mul3A_94 = arith.constant 2 : i32
      %mul3A_95 = arith.muli %scan3A_27, %mul3A_94 : i32
      %add3A_96 = arith.constant 0 : i32
      %add3A_97 = arith.addi %mul3A_95, %add3A_96 : i32
      %mul3A_98 = arith.constant 2 : i32
      %mul3A_99 = arith.muli %add3A_97, %mul3A_98 : i32
      %add3A_100 = arith.constant 0 : i32
      %add3A_101 = arith.addi %mul3A_99, %add3A_100 : i32
      %get3A = arith.index_cast %add3A_101 : i32 to index
      %get3A_102 = arith.constant 0 : index
      %get3A_103 = tpu.vector_load %arg9[%get3A, %get3A_102] {strides = array<i32>} : memref<40x128xi32, #tpu.memory_space<vmem>>, vector<16xi32>,
      %iota3A = tpu.iota {dimensions = array<i32: 0>} : vector<16xi32>
      %add3A_104 = arith.constant 0 : i32
      %add3A_105 = vector.broadcast %add3A_104 : i32 to vector<16xi32>
      %add3A_106 = arith.addi %iota3A, %add3A_105 : vector<16xi32>
      %mul3A_107 = arith.constant 4 : i32
      %mul3A_108 = vector.broadcast %mul3A_107 : i32 to vector<16xi32>
      %mul3A_109 = arith.muli %add3A_106, %mul3A_108 : vector<16xi32>
      %gather3A = tpu.vector_load_idx %arg12[%get3A_103] : memref<10000xf32, #tpu.memory_space<vmem>>[vector<16xi32>], vector<16xf32>,
      %gather3A_110 = tpu.vector_load_idx %arg13[%get3A_103] : memref<10000xf32, #tpu.memory_space<vmem>>[vector<16xi32>], vector<16xf32>,
      %gather3A_111 = tpu.vector_load_idx %arg14[%get3A_103] : memref<10000xf32, #tpu.memory_space<vmem>>[vector<16xi32>], vector<16xf32>,
      tpu.vector_store_idx %arg15[%mul3A_109], %gather3A : memref<1024xf32, #tpu.memory_space<vmem>>[vector<16xi32>], vector<16xf32>,
      %add3A_112 = arith.constant 1 : i32
      %add3A_113 = vector.broadcast %add3A_112 : i32 to vector<16xi32>
      %add3A_114 = arith.addi %mul3A_109, %add3A_113 : vector<16xi32>
      tpu.vector_store_idx %arg15[%add3A_114], %gather3A_110 : memref<1024xf32, #tpu.memory_space<vmem>>[vector<16xi32>], vector<16xf32>,
      %add3A_115 = arith.constant 2 : i32
      %add3A_116 = vector.broadcast %add3A_115 : i32 to vector<16xi32>
      %add3A_117 = arith.addi %mul3A_109, %add3A_116 : vector<16xi32>
      tpu.vector_store_idx %arg15[%add3A_117], %gather3A_111 : memref<1024xf32, #tpu.memory_space<vmem>>[vector<16xi32>], vector<16xf32>,
      %mul3A_118 = arith.constant 2 : i32
      %mul3A_119 = arith.muli %add3A_97, %mul3A_118 : i32
      %add3A_120 = arith.constant 0 : i32
      %add3A_121 = arith.addi %mul3A_119, %add3A_120 : i32
      %get3A_122 = arith.index_cast %add3A_121 : i32 to index
      %get3A_123 = arith.constant 16 : index
      %get3A_124 = tpu.vector_load %arg9[%get3A_122, %get3A_123] {strides = array<i32>} : memref<40x128xi32, #tpu.memory_space<vmem>>, vector<16xi32>,
      %iota3A_125 = tpu.iota {dimensions = array<i32: 0>} : vector<16xi32>
      %add3A_126 = arith.constant 16 : i32
      %add3A_127 = vector.broadcast %add3A_126 : i32 to vector<16xi32>
      %add3A_128 = arith.addi %iota3A_125, %add3A_127 : vector<16xi32>
      %mul3A_129 = arith.constant 4 : i32
      %mul3A_130 = vector.broadcast %mul3A_129 : i32 to vector<16xi32>
      %mul3A_131 = arith.muli %add3A_128, %mul3A_130 : vector<16xi32>
      %gather3A_132 = tpu.vector_load_idx %arg12[%get3A_124] : memref<10000xf32, #tpu.memory_space<vmem>>[vector<16xi32>], vector<16xf32>,
      %gather3A_133 = tpu.vector_load_idx %arg13[%get3A_124] : memref<10000xf32, #tpu.memory_space<vmem>>[vector<16xi32>], vector<16xf32>,
      %gather3A_134 = tpu.vector_load_idx %arg14[%get3A_124] : memref<10000xf32, #tpu.memory_space<vmem>>[vector<16xi32>], vector<16xf32>,
      tpu.vector_store_idx %arg15[%mul3A_131], %gather3A_132 : memref<1024xf32, #tpu.memory_space<vmem>>[vector<16xi32>], vector<16xf32>,
      %add3A_135 = arith.constant 1 : i32
      %add3A_136 = vector.broadcast %add3A_135 : i32 to vector<16xi32>
      %add3A_137 = arith.addi %mul3A_131, %add3A_136 : vector<16xi32>
      tpu.vector_store_idx %arg15[%add3A_137], %gather3A_133 : memref<1024xf32, #tpu.memory_space<vmem>>[vector<16xi32>], vector<16xf32>,
      %add3A_138 = arith.constant 2 : i32
      %add3A_139 = vector.broadcast %add3A_138 : i32 to vector<16xi32>
      %add3A_140 = arith.addi %mul3A_131, %add3A_139 : vector<16xi32>
      tpu.vector_store_idx %arg15[%add3A_140], %gather3A_134 : memref<1024xf32, #tpu.memory_space<vmem>>[vector<16xi32>], vector<16xf32>,
      %mul3A_141 = arith.constant 2 : i32
      %mul3A_142 = arith.muli %add3A_97, %mul3A_141 : i32
      %add3A_143 = arith.constant 0 : i32
      %add3A_144 = arith.addi %mul3A_142, %add3A_143 : i32
      %get3A_145 = arith.index_cast %add3A_144 : i32 to index
      %get3A_146 = arith.constant 32 : index
      %get3A_147 = tpu.vector_load %arg9[%get3A_145, %get3A_146] {strides = array<i32>} : memref<40x128xi32, #tpu.memory_space<vmem>>, vector<16xi32>,
      %iota3A_148 = tpu.iota {dimensions = array<i32: 0>} : vector<16xi32>
      %add3A_149 = arith.constant 32 : i32
      %add3A_150 = vector.broadcast %add3A_149 : i32 to vector<16xi32>
      %add3A_151 = arith.addi %iota3A_148, %add3A_150 : vector<16xi32>
      %mul3A_152 = arith.constant 4 : i32
      %mul3A_153 = vector.broadcast %mul3A_152 : i32 to vector<16xi32>
      %mul3A_154 = arith.muli %add3A_151, %mul3A_153 : vector<16xi32>
      %gather3A_155 = tpu.vector_load_idx %arg12[%get3A_147] : memref<10000xf32, #tpu.memory_space<vmem>>[vector<16xi32>], vector<16xf32>,
      %gather3A_156 = tpu.vector_load_idx %arg13[%get3A_147] : memref<10000xf32, #tpu.memory_space<vmem>>[vector<16xi32>], vector<16xf32>,
      %gather3A_157 = tpu.vector_load_idx %arg14[%get3A_147] : memref<10000xf32, #tpu.memory_space<vmem>>[vector<16xi32>], vector<16xf32>,
      tpu.vector_store_idx %arg15[%mul3A_154], %gather3A_155 : memref<1024xf32, #tpu.memory_space<vmem>>[vector<16xi32>], vector<16xf32>,
      %add3A_158 = arith.constant 1 : i32
      %add3A_159 = vector.broadcast %add3A_158 : i32 to vector<16xi32>
      %add3A_160 = arith.addi %mul3A_154, %add3A_159 : vector<16xi32>
      tpu.vector_store_idx %arg15[%add3A_160], %gather3A_156 : memref<1024xf32, #tpu.memory_space<vmem>>[vector<16xi32>], vector<16xf32>,
      %add3A_161 = arith.constant 2 : i32
      %add3A_162 = vector.broadcast %add3A_161 : i32 to vector<16xi32>
      %add3A_163 = arith.addi %mul3A_154, %add3A_162 : vector<16xi32>
      tpu.vector_store_idx %arg15[%add3A_163], %gather3A_157 : memref<1024xf32, #tpu.memory_space<vmem>>[vector<16xi32>], vector<16xf32>,
      %mul3A_164 = arith.constant 2 : i32
      %mul3A_165 = arith.muli %add3A_97, %mul3A_164 : i32
      %add3A_166 = arith.constant 0 : i32
      %add3A_167 = arith.addi %mul3A_165, %add3A_166 : i32
      %get3A_168 = arith.index_cast %add3A_167 : i32 to index
      %get3A_169 = arith.constant 48 : index
      %get3A_170 = tpu.vector_load %arg9[%get3A_168, %get3A_169] {strides = array<i32>} : memref<40x128xi32, #tpu.memory_space<vmem>>, vector<16xi32>,
      %iota3A_171 = tpu.iota {dimensions = array<i32: 0>} : vector<16xi32>
      %add3A_172 = arith.constant 48 : i32
      %add3A_173 = vector.broadcast %add3A_172 : i32 to vector<16xi32>
      %add3A_174 = arith.addi %iota3A_171, %add3A_173 : vector<16xi32>
      %mul3A_175 = arith.constant 4 : i32
      %mul3A_176 = vector.broadcast %mul3A_175 : i32 to vector<16xi32>
      %mul3A_177 = arith.muli %add3A_174, %mul3A_176 : vector<16xi32>
      %gather3A_178 = tpu.vector_load_idx %arg12[%get3A_170] : memref<10000xf32, #tpu.memory_space<vmem>>[vector<16xi32>], vector<16xf32>,
      %gather3A_179 = tpu.vector_load_idx %arg13[%get3A_170] : memref<10000xf32, #tpu.memory_space<vmem>>[vector<16xi32>], vector<16xf32>,
      %gather3A_180 = tpu.vector_load_idx %arg14[%get3A_170] : memref<10000xf32, #tpu.memory_space<vmem>>[vector<16xi32>], vector<16xf32>,
      tpu.vector_store_idx %arg15[%mul3A_177], %gather3A_178 : memref<1024xf32, #tpu.memory_space<vmem>>[vector<16xi32>], vector<16xf32>,
      %add3A_181 = arith.constant 1 : i32
      %add3A_182 = vector.broadcast %add3A_181 : i32 to vector<16xi32>
      %add3A_183 = arith.addi %mul3A_177, %add3A_182 : vector<16xi32>
      tpu.vector_store_idx %arg15[%add3A_183], %gather3A_179 : memref<1024xf32, #tpu.memory_space<vmem>>[vector<16xi32>], vector<16xf32>,
      %add3A_184 = arith.constant 2 : i32
      %add3A_185 = vector.broadcast %add3A_184 : i32 to vector<16xi32>
      %add3A_186 = arith.addi %mul3A_177, %add3A_185 : vector<16xi32>
      tpu.vector_store_idx %arg15[%add3A_186], %gather3A_180 : memref<1024xf32, #tpu.memory_space<vmem>>[vector<16xi32>], vector<16xf32>,
      %mul3A_187 = arith.constant 2 : i32
      %mul3A_188 = arith.muli %add3A_97, %mul3A_187 : i32
      %add3A_189 = arith.constant 0 : i32
      %add3A_190 = arith.addi %mul3A_188, %add3A_189 : i32
      %get3A_191 = arith.index_cast %add3A_190 : i32 to index
      %get3A_192 = arith.constant 64 : index
      %get3A_193 = tpu.vector_load %arg9[%get3A_191, %get3A_192] {strides = array<i32>} : memref<40x128xi32, #tpu.memory_space<vmem>>, vector<16xi32>,
      %iota3A_194 = tpu.iota {dimensions = array<i32: 0>} : vector<16xi32>
      %add3A_195 = arith.constant 64 : i32
      %add3A_196 = vector.broadcast %add3A_195 : i32 to vector<16xi32>
      %add3A_197 = arith.addi %iota3A_194, %add3A_196 : vector<16xi32>
      %mul3A_198 = arith.constant 4 : i32
      %mul3A_199 = vector.broadcast %mul3A_198 : i32 to vector<16xi32>
      %mul3A_200 = arith.muli %add3A_197, %mul3A_199 : vector<16xi32>
      %gather3A_201 = tpu.vector_load_idx %arg12[%get3A_193] : memref<10000xf32, #tpu.memory_space<vmem>>[vector<16xi32>], vector<16xf32>,
      %gather3A_202 = tpu.vector_load_idx %arg13[%get3A_193] : memref<10000xf32, #tpu.memory_space<vmem>>[vector<16xi32>], vector<16xf32>,
      %gather3A_203 = tpu.vector_load_idx %arg14[%get3A_193] : memref<10000xf32, #tpu.memory_space<vmem>>[vector<16xi32>], vector<16xf32>,
      tpu.vector_store_idx %arg15[%mul3A_200], %gather3A_201 : memref<1024xf32, #tpu.memory_space<vmem>>[vector<16xi32>], vector<16xf32>,
      %add3A_204 = arith.constant 1 : i32
      %add3A_205 = vector.broadcast %add3A_204 : i32 to vector<16xi32>
      %add3A_206 = arith.addi %mul3A_200, %add3A_205 : vector<16xi32>
      tpu.vector_store_idx %arg15[%add3A_206], %gather3A_202 : memref<1024xf32, #tpu.memory_space<vmem>>[vector<16xi32>], vector<16xf32>,
      %add3A_207 = arith.constant 2 : i32
      %add3A_208 = vector.broadcast %add3A_207 : i32 to vector<16xi32>
      %add3A_209 = arith.addi %mul3A_200, %add3A_208 : vector<16xi32>
      tpu.vector_store_idx %arg15[%add3A_209], %gather3A_203 : memref<1024xf32, #tpu.memory_space<vmem>>[vector<16xi32>], vector<16xf32>,
      %mul3A_210 = arith.constant 2 : i32
      %mul3A_211 = arith.muli %add3A_97, %mul3A_210 : i32
      %add3A_212 = arith.constant 0 : i32
      %add3A_213 = arith.addi %mul3A_211, %add3A_212 : i32
      %get3A_214 = arith.index_cast %add3A_213 : i32 to index
      %get3A_215 = arith.constant 80 : index
      %get3A_216 = tpu.vector_load %arg9[%get3A_214, %get3A_215] {strides = array<i32>} : memref<40x128xi32, #tpu.memory_space<vmem>>, vector<16xi32>,
      %iota3A_217 = tpu.iota {dimensions = array<i32: 0>} : vector<16xi32>
      %add3A_218 = arith.constant 80 : i32
      %add3A_219 = vector.broadcast %add3A_218 : i32 to vector<16xi32>
      %add3A_220 = arith.addi %iota3A_217, %add3A_219 : vector<16xi32>
      %mul3A_221 = arith.constant 4 : i32
      %mul3A_222 = vector.broadcast %mul3A_221 : i32 to vector<16xi32>
      %mul3A_223 = arith.muli %add3A_220, %mul3A_222 : vector<16xi32>
      %gather3A_224 = tpu.vector_load_idx %arg12[%get3A_216] : memref<10000xf32, #tpu.memory_space<vmem>>[vector<16xi32>], vector<16xf32>,
      %gather3A_225 = tpu.vector_load_idx %arg13[%get3A_216] : memref<10000xf32, #tpu.memory_space<vmem>>[vector<16xi32>], vector<16xf32>,
      %gather3A_226 = tpu.vector_load_idx %arg14[%get3A_216] : memref<10000xf32, #tpu.memory_space<vmem>>[vector<16xi32>], vector<16xf32>,
      tpu.vector_store_idx %arg15[%mul3A_223], %gather3A_224 : memref<1024xf32, #tpu.memory_space<vmem>>[vector<16xi32>], vector<16xf32>,
      %add3A_227 = arith.constant 1 : i32
      %add3A_228 = vector.broadcast %add3A_227 : i32 to vector<16xi32>
      %add3A_229 = arith.addi %mul3A_223, %add3A_228 : vector<16xi32>
      tpu.vector_store_idx %arg15[%add3A_229], %gather3A_225 : memref<1024xf32, #tpu.memory_space<vmem>>[vector<16xi32>], vector<16xf32>,
      %add3A_230 = arith.constant 2 : i32
      %add3A_231 = vector.broadcast %add3A_230 : i32 to vector<16xi32>
      %add3A_232 = arith.addi %mul3A_223, %add3A_231 : vector<16xi32>
      tpu.vector_store_idx %arg15[%add3A_232], %gather3A_226 : memref<1024xf32, #tpu.memory_space<vmem>>[vector<16xi32>], vector<16xf32>,
      %mul3A_233 = arith.constant 2 : i32
      %mul3A_234 = arith.muli %add3A_97, %mul3A_233 : i32
      %add3A_235 = arith.constant 0 : i32
      %add3A_236 = arith.addi %mul3A_234, %add3A_235 : i32
      %get3A_237 = arith.index_cast %add3A_236 : i32 to index
      %get3A_238 = arith.constant 96 : index
      %get3A_239 = tpu.vector_load %arg9[%get3A_237, %get3A_238] {strides = array<i32>} : memref<40x128xi32, #tpu.memory_space<vmem>>, vector<16xi32>,
      %iota3A_240 = tpu.iota {dimensions = array<i32: 0>} : vector<16xi32>
      %add3A_241 = arith.constant 96 : i32
      %add3A_242 = vector.broadcast %add3A_241 : i32 to vector<16xi32>
      %add3A_243 = arith.addi %iota3A_240, %add3A_242 : vector<16xi32>
      %mul3A_244 = arith.constant 4 : i32
      %mul3A_245 = vector.broadcast %mul3A_244 : i32 to vector<16xi32>
      %mul3A_246 = arith.muli %add3A_243, %mul3A_245 : vector<16xi32>
      %gather3A_247 = tpu.vector_load_idx %arg12[%get3A_239] : memref<10000xf32, #tpu.memory_space<vmem>>[vector<16xi32>], vector<16xf32>,
      %gather3A_248 = tpu.vector_load_idx %arg13[%get3A_239] : memref<10000xf32, #tpu.memory_space<vmem>>[vector<16xi32>], vector<16xf32>,
      %gather3A_249 = tpu.vector_load_idx %arg14[%get3A_239] : memref<10000xf32, #tpu.memory_space<vmem>>[vector<16xi32>], vector<16xf32>,
      tpu.vector_store_idx %arg15[%mul3A_246], %gather3A_247 : memref<1024xf32, #tpu.memory_space<vmem>>[vector<16xi32>], vector<16xf32>,
      %add3A_250 = arith.constant 1 : i32
      %add3A_251 = vector.broadcast %add3A_250 : i32 to vector<16xi32>
      %add3A_252 = arith.addi %mul3A_246, %add3A_251 : vector<16xi32>
      tpu.vector_store_idx %arg15[%add3A_252], %gather3A_248 : memref<1024xf32, #tpu.memory_space<vmem>>[vector<16xi32>], vector<16xf32>,
      %add3A_253 = arith.constant 2 : i32
      %add3A_254 = vector.broadcast %add3A_253 : i32 to vector<16xi32>
      %add3A_255 = arith.addi %mul3A_246, %add3A_254 : vector<16xi32>
      tpu.vector_store_idx %arg15[%add3A_255], %gather3A_249 : memref<1024xf32, #tpu.memory_space<vmem>>[vector<16xi32>], vector<16xf32>,
      %mul3A_256 = arith.constant 2 : i32
      %mul3A_257 = arith.muli %add3A_97, %mul3A_256 : i32
      %add3A_258 = arith.constant 0 : i32
      %add3A_259 = arith.addi %mul3A_257, %add3A_258 : i32
      %get3A_260 = arith.index_cast %add3A_259 : i32 to index
      %get3A_261 = arith.constant 112 : index
      %get3A_262 = tpu.vector_load %arg9[%get3A_260, %get3A_261] {strides = array<i32>} : memref<40x128xi32, #tpu.memory_space<vmem>>, vector<16xi32>,
      %iota3A_263 = tpu.iota {dimensions = array<i32: 0>} : vector<16xi32>
      %add3A_264 = arith.constant 112 : i32
      %add3A_265 = vector.broadcast %add3A_264 : i32 to vector<16xi32>
      %add3A_266 = arith.addi %iota3A_263, %add3A_265 : vector<16xi32>
      %mul3A_267 = arith.constant 4 : i32
      %mul3A_268 = vector.broadcast %mul3A_267 : i32 to vector<16xi32>
      %mul3A_269 = arith.muli %add3A_266, %mul3A_268 : vector<16xi32>
      %gather3A_270 = tpu.vector_load_idx %arg12[%get3A_262] : memref<10000xf32, #tpu.memory_space<vmem>>[vector<16xi32>], vector<16xf32>,
      %gather3A_271 = tpu.vector_load_idx %arg13[%get3A_262] : memref<10000xf32, #tpu.memory_space<vmem>>[vector<16xi32>], vector<16xf32>,
      %gather3A_272 = tpu.vector_load_idx %arg14[%get3A_262] : memref<10000xf32, #tpu.memory_space<vmem>>[vector<16xi32>], vector<16xf32>,
      tpu.vector_store_idx %arg15[%mul3A_269], %gather3A_270 : memref<1024xf32, #tpu.memory_space<vmem>>[vector<16xi32>], vector<16xf32>,
      %add3A_273 = arith.constant 1 : i32
      %add3A_274 = vector.broadcast %add3A_273 : i32 to vector<16xi32>
      %add3A_275 = arith.addi %mul3A_269, %add3A_274 : vector<16xi32>
      tpu.vector_store_idx %arg15[%add3A_275], %gather3A_271 : memref<1024xf32, #tpu.memory_space<vmem>>[vector<16xi32>], vector<16xf32>,
      %add3A_276 = arith.constant 2 : i32
      %add3A_277 = vector.broadcast %add3A_276 : i32 to vector<16xi32>
      %add3A_278 = arith.addi %mul3A_269, %add3A_277 : vector<16xi32>
      tpu.vector_store_idx %arg15[%add3A_278], %gather3A_272 : memref<1024xf32, #tpu.memory_space<vmem>>[vector<16xi32>], vector<16xf32>,
      %mul3A_279 = arith.constant 2 : i32
      %mul3A_280 = arith.muli %add3A_97, %mul3A_279 : i32
      %add3A_281 = arith.constant 1 : i32
      %add3A_282 = arith.addi %mul3A_280, %add3A_281 : i32
      %get3A_283 = arith.index_cast %add3A_282 : i32 to index
      %get3A_284 = arith.constant 0 : index
      %get3A_285 = tpu.vector_load %arg9[%get3A_283, %get3A_284] {strides = array<i32>} : memref<40x128xi32, #tpu.memory_space<vmem>>, vector<16xi32>,
      %iota3A_286 = tpu.iota {dimensions = array<i32: 0>} : vector<16xi32>
      %add3A_287 = arith.constant 128 : i32
      %add3A_288 = vector.broadcast %add3A_287 : i32 to vector<16xi32>
      %add3A_289 = arith.addi %iota3A_286, %add3A_288 : vector<16xi32>
      %mul3A_290 = arith.constant 4 : i32
      %mul3A_291 = vector.broadcast %mul3A_290 : i32 to vector<16xi32>
      %mul3A_292 = arith.muli %add3A_289, %mul3A_291 : vector<16xi32>
      %gather3A_293 = tpu.vector_load_idx %arg12[%get3A_285] : memref<10000xf32, #tpu.memory_space<vmem>>[vector<16xi32>], vector<16xf32>,
      %gather3A_294 = tpu.vector_load_idx %arg13[%get3A_285] : memref<10000xf32, #tpu.memory_space<vmem>>[vector<16xi32>], vector<16xf32>,
      %gather3A_295 = tpu.vector_load_idx %arg14[%get3A_285] : memref<10000xf32, #tpu.memory_space<vmem>>[vector<16xi32>], vector<16xf32>,
      tpu.vector_store_idx %arg15[%mul3A_292], %gather3A_293 : memref<1024xf32, #tpu.memory_space<vmem>>[vector<16xi32>], vector<16xf32>,
      %add3A_296 = arith.constant 1 : i32
      %add3A_297 = vector.broadcast %add3A_296 : i32 to vector<16xi32>
      %add3A_298 = arith.addi %mul3A_292, %add3A_297 : vector<16xi32>
      tpu.vector_store_idx %arg15[%add3A_298], %gather3A_294 : memref<1024xf32, #tpu.memory_space<vmem>>[vector<16xi32>], vector<16xf32>,
      %add3A_299 = arith.constant 2 : i32
      %add3A_300 = vector.broadcast %add3A_299 : i32 to vector<16xi32>
      %add3A_301 = arith.addi %mul3A_292, %add3A_300 : vector<16xi32>
      tpu.vector_store_idx %arg15[%add3A_301], %gather3A_295 : memref<1024xf32, #tpu.memory_space<vmem>>[vector<16xi32>], vector<16xf32>,
      %mul3A_302 = arith.constant 2 : i32
      %mul3A_303 = arith.muli %add3A_97, %mul3A_302 : i32
      %add3A_304 = arith.constant 1 : i32
      %add3A_305 = arith.addi %mul3A_303, %add3A_304 : i32
      %get3A_306 = arith.index_cast %add3A_305 : i32 to index
      %get3A_307 = arith.constant 16 : index
      %get3A_308 = tpu.vector_load %arg9[%get3A_306, %get3A_307] {strides = array<i32>} : memref<40x128xi32, #tpu.memory_space<vmem>>, vector<16xi32>,
      %iota3A_309 = tpu.iota {dimensions = array<i32: 0>} : vector<16xi32>
      %add3A_310 = arith.constant 144 : i32
      %add3A_311 = vector.broadcast %add3A_310 : i32 to vector<16xi32>
      %add3A_312 = arith.addi %iota3A_309, %add3A_311 : vector<16xi32>
      %mul3A_313 = arith.constant 4 : i32
      %mul3A_314 = vector.broadcast %mul3A_313 : i32 to vector<16xi32>
      %mul3A_315 = arith.muli %add3A_312, %mul3A_314 : vector<16xi32>
      %gather3A_316 = tpu.vector_load_idx %arg12[%get3A_308] : memref<10000xf32, #tpu.memory_space<vmem>>[vector<16xi32>], vector<16xf32>,
      %gather3A_317 = tpu.vector_load_idx %arg13[%get3A_308] : memref<10000xf32, #tpu.memory_space<vmem>>[vector<16xi32>], vector<16xf32>,
      %gather3A_318 = tpu.vector_load_idx %arg14[%get3A_308] : memref<10000xf32, #tpu.memory_space<vmem>>[vector<16xi32>], vector<16xf32>,
      tpu.vector_store_idx %arg15[%mul3A_315], %gather3A_316 : memref<1024xf32, #tpu.memory_space<vmem>>[vector<16xi32>], vector<16xf32>,
      %add3A_319 = arith.constant 1 : i32
      %add3A_320 = vector.broadcast %add3A_319 : i32 to vector<16xi32>
      %add3A_321 = arith.addi %mul3A_315, %add3A_320 : vector<16xi32>
      tpu.vector_store_idx %arg15[%add3A_321], %gather3A_317 : memref<1024xf32, #tpu.memory_space<vmem>>[vector<16xi32>], vector<16xf32>,
      %add3A_322 = arith.constant 2 : i32
      %add3A_323 = vector.broadcast %add3A_322 : i32 to vector<16xi32>
      %add3A_324 = arith.addi %mul3A_315, %add3A_323 : vector<16xi32>
      tpu.vector_store_idx %arg15[%add3A_324], %gather3A_318 : memref<1024xf32, #tpu.memory_space<vmem>>[vector<16xi32>], vector<16xf32>,
      %mul3A_325 = arith.constant 2 : i32
      %mul3A_326 = arith.muli %add3A_97, %mul3A_325 : i32
      %add3A_327 = arith.constant 1 : i32
      %add3A_328 = arith.addi %mul3A_326, %add3A_327 : i32
      %get3A_329 = arith.index_cast %add3A_328 : i32 to index
      %get3A_330 = arith.constant 32 : index
      %get3A_331 = tpu.vector_load %arg9[%get3A_329, %get3A_330] {strides = array<i32>} : memref<40x128xi32, #tpu.memory_space<vmem>>, vector<16xi32>,
      %iota3A_332 = tpu.iota {dimensions = array<i32: 0>} : vector<16xi32>
      %add3A_333 = arith.constant 160 : i32
      %add3A_334 = vector.broadcast %add3A_333 : i32 to vector<16xi32>
      %add3A_335 = arith.addi %iota3A_332, %add3A_334 : vector<16xi32>
      %mul3A_336 = arith.constant 4 : i32
      %mul3A_337 = vector.broadcast %mul3A_336 : i32 to vector<16xi32>
      %mul3A_338 = arith.muli %add3A_335, %mul3A_337 : vector<16xi32>
      %gather3A_339 = tpu.vector_load_idx %arg12[%get3A_331] : memref<10000xf32, #tpu.memory_space<vmem>>[vector<16xi32>], vector<16xf32>,
      %gather3A_340 = tpu.vector_load_idx %arg13[%get3A_331] : memref<10000xf32, #tpu.memory_space<vmem>>[vector<16xi32>], vector<16xf32>,
      %gather3A_341 = tpu.vector_load_idx %arg14[%get3A_331] : memref<10000xf32, #tpu.memory_space<vmem>>[vector<16xi32>], vector<16xf32>,
      tpu.vector_store_idx %arg15[%mul3A_338], %gather3A_339 : memref<1024xf32, #tpu.memory_space<vmem>>[vector<16xi32>], vector<16xf32>,
      %add3A_342 = arith.constant 1 : i32
      %add3A_343 = vector.broadcast %add3A_342 : i32 to vector<16xi32>
      %add3A_344 = arith.addi %mul3A_338, %add3A_343 : vector<16xi32>
      tpu.vector_store_idx %arg15[%add3A_344], %gather3A_340 : memref<1024xf32, #tpu.memory_space<vmem>>[vector<16xi32>], vector<16xf32>,
      %add3A_345 = arith.constant 2 : i32
      %add3A_346 = vector.broadcast %add3A_345 : i32 to vector<16xi32>
      %add3A_347 = arith.addi %mul3A_338, %add3A_346 : vector<16xi32>
      tpu.vector_store_idx %arg15[%add3A_347], %gather3A_341 : memref<1024xf32, #tpu.memory_space<vmem>>[vector<16xi32>], vector<16xf32>,
      %mul3A_348 = arith.constant 2 : i32
      %mul3A_349 = arith.muli %add3A_97, %mul3A_348 : i32
      %add3A_350 = arith.constant 1 : i32
      %add3A_351 = arith.addi %mul3A_349, %add3A_350 : i32
      %get3A_352 = arith.index_cast %add3A_351 : i32 to index
      %get3A_353 = arith.constant 48 : index
      %get3A_354 = tpu.vector_load %arg9[%get3A_352, %get3A_353] {strides = array<i32>} : memref<40x128xi32, #tpu.memory_space<vmem>>, vector<16xi32>,
      %iota3A_355 = tpu.iota {dimensions = array<i32: 0>} : vector<16xi32>
      %add3A_356 = arith.constant 176 : i32
      %add3A_357 = vector.broadcast %add3A_356 : i32 to vector<16xi32>
      %add3A_358 = arith.addi %iota3A_355, %add3A_357 : vector<16xi32>
      %mul3A_359 = arith.constant 4 : i32
      %mul3A_360 = vector.broadcast %mul3A_359 : i32 to vector<16xi32>
      %mul3A_361 = arith.muli %add3A_358, %mul3A_360 : vector<16xi32>
      %gather3A_362 = tpu.vector_load_idx %arg12[%get3A_354] : memref<10000xf32, #tpu.memory_space<vmem>>[vector<16xi32>], vector<16xf32>,
      %gather3A_363 = tpu.vector_load_idx %arg13[%get3A_354] : memref<10000xf32, #tpu.memory_space<vmem>>[vector<16xi32>], vector<16xf32>,
      %gather3A_364 = tpu.vector_load_idx %arg14[%get3A_354] : memref<10000xf32, #tpu.memory_space<vmem>>[vector<16xi32>], vector<16xf32>,
      tpu.vector_store_idx %arg15[%mul3A_361], %gather3A_362 : memref<1024xf32, #tpu.memory_space<vmem>>[vector<16xi32>], vector<16xf32>,
      %add3A_365 = arith.constant 1 : i32
      %add3A_366 = vector.broadcast %add3A_365 : i32 to vector<16xi32>
      %add3A_367 = arith.addi %mul3A_361, %add3A_366 : vector<16xi32>
      tpu.vector_store_idx %arg15[%add3A_367], %gather3A_363 : memref<1024xf32, #tpu.memory_space<vmem>>[vector<16xi32>], vector<16xf32>,
      %add3A_368 = arith.constant 2 : i32
      %add3A_369 = vector.broadcast %add3A_368 : i32 to vector<16xi32>
      %add3A_370 = arith.addi %mul3A_361, %add3A_369 : vector<16xi32>
      tpu.vector_store_idx %arg15[%add3A_370], %gather3A_364 : memref<1024xf32, #tpu.memory_space<vmem>>[vector<16xi32>], vector<16xf32>,
      %mul3A_371 = arith.constant 2 : i32
      %mul3A_372 = arith.muli %add3A_97, %mul3A_371 : i32
      %add3A_373 = arith.constant 1 : i32
      %add3A_374 = arith.addi %mul3A_372, %add3A_373 : i32
      %get3A_375 = arith.index_cast %add3A_374 : i32 to index
      %get3A_376 = arith.constant 64 : index
      %get3A_377 = tpu.vector_load %arg9[%get3A_375, %get3A_376] {strides = array<i32>} : memref<40x128xi32, #tpu.memory_space<vmem>>, vector<16xi32>,
      %iota3A_378 = tpu.iota {dimensions = array<i32: 0>} : vector<16xi32>
      %add3A_379 = arith.constant 192 : i32
      %add3A_380 = vector.broadcast %add3A_379 : i32 to vector<16xi32>
      %add3A_381 = arith.addi %iota3A_378, %add3A_380 : vector<16xi32>
      %mul3A_382 = arith.constant 4 : i32
      %mul3A_383 = vector.broadcast %mul3A_382 : i32 to vector<16xi32>
      %mul3A_384 = arith.muli %add3A_381, %mul3A_383 : vector<16xi32>
      %gather3A_385 = tpu.vector_load_idx %arg12[%get3A_377] : memref<10000xf32, #tpu.memory_space<vmem>>[vector<16xi32>], vector<16xf32>,
      %gather3A_386 = tpu.vector_load_idx %arg13[%get3A_377] : memref<10000xf32, #tpu.memory_space<vmem>>[vector<16xi32>], vector<16xf32>,
      %gather3A_387 = tpu.vector_load_idx %arg14[%get3A_377] : memref<10000xf32, #tpu.memory_space<vmem>>[vector<16xi32>], vector<16xf32>,
      tpu.vector_store_idx %arg15[%mul3A_384], %gather3A_385 : memref<1024xf32, #tpu.memory_space<vmem>>[vector<16xi32>], vector<16xf32>,
      %add3A_388 = arith.constant 1 : i32
      %add3A_389 = vector.broadcast %add3A_388 : i32 to vector<16xi32>
      %add3A_390 = arith.addi %mul3A_384, %add3A_389 : vector<16xi32>
      tpu.vector_store_idx %arg15[%add3A_390], %gather3A_386 : memref<1024xf32, #tpu.memory_space<vmem>>[vector<16xi32>], vector<16xf32>,
      %add3A_391 = arith.constant 2 : i32
      %add3A_392 = vector.broadcast %add3A_391 : i32 to vector<16xi32>
      %add3A_393 = arith.addi %mul3A_384, %add3A_392 : vector<16xi32>
      tpu.vector_store_idx %arg15[%add3A_393], %gather3A_387 : memref<1024xf32, #tpu.memory_space<vmem>>[vector<16xi32>], vector<16xf32>,
      %mul3A_394 = arith.constant 2 : i32
      %mul3A_395 = arith.muli %add3A_97, %mul3A_394 : i32
      %add3A_396 = arith.constant 1 : i32
      %add3A_397 = arith.addi %mul3A_395, %add3A_396 : i32
      %get3A_398 = arith.index_cast %add3A_397 : i32 to index
      %get3A_399 = arith.constant 80 : index
      %get3A_400 = tpu.vector_load %arg9[%get3A_398, %get3A_399] {strides = array<i32>} : memref<40x128xi32, #tpu.memory_space<vmem>>, vector<16xi32>,
      %iota3A_401 = tpu.iota {dimensions = array<i32: 0>} : vector<16xi32>
      %add3A_402 = arith.constant 208 : i32
      %add3A_403 = vector.broadcast %add3A_402 : i32 to vector<16xi32>
      %add3A_404 = arith.addi %iota3A_401, %add3A_403 : vector<16xi32>
      %mul3A_405 = arith.constant 4 : i32
      %mul3A_406 = vector.broadcast %mul3A_405 : i32 to vector<16xi32>
      %mul3A_407 = arith.muli %add3A_404, %mul3A_406 : vector<16xi32>
      %gather3A_408 = tpu.vector_load_idx %arg12[%get3A_400] : memref<10000xf32, #tpu.memory_space<vmem>>[vector<16xi32>], vector<16xf32>,
      %gather3A_409 = tpu.vector_load_idx %arg13[%get3A_400] : memref<10000xf32, #tpu.memory_space<vmem>>[vector<16xi32>], vector<16xf32>,
      %gather3A_410 = tpu.vector_load_idx %arg14[%get3A_400] : memref<10000xf32, #tpu.memory_space<vmem>>[vector<16xi32>], vector<16xf32>,
      tpu.vector_store_idx %arg15[%mul3A_407], %gather3A_408 : memref<1024xf32, #tpu.memory_space<vmem>>[vector<16xi32>], vector<16xf32>,
      %add3A_411 = arith.constant 1 : i32
      %add3A_412 = vector.broadcast %add3A_411 : i32 to vector<16xi32>
      %add3A_413 = arith.addi %mul3A_407, %add3A_412 : vector<16xi32>
      tpu.vector_store_idx %arg15[%add3A_413], %gather3A_409 : memref<1024xf32, #tpu.memory_space<vmem>>[vector<16xi32>], vector<16xf32>,
      %add3A_414 = arith.constant 2 : i32
      %add3A_415 = vector.broadcast %add3A_414 : i32 to vector<16xi32>
      %add3A_416 = arith.addi %mul3A_407, %add3A_415 : vector<16xi32>
      tpu.vector_store_idx %arg15[%add3A_416], %gather3A_410 : memref<1024xf32, #tpu.memory_space<vmem>>[vector<16xi32>], vector<16xf32>,
      %mul3A_417 = arith.constant 2 : i32
      %mul3A_418 = arith.muli %add3A_97, %mul3A_417 : i32
      %add3A_419 = arith.constant 1 : i32
      %add3A_420 = arith.addi %mul3A_418, %add3A_419 : i32
      %get3A_421 = arith.index_cast %add3A_420 : i32 to index
      %get3A_422 = arith.constant 96 : index
      %get3A_423 = tpu.vector_load %arg9[%get3A_421, %get3A_422] {strides = array<i32>} : memref<40x128xi32, #tpu.memory_space<vmem>>, vector<16xi32>,
      %iota3A_424 = tpu.iota {dimensions = array<i32: 0>} : vector<16xi32>
      %add3A_425 = arith.constant 224 : i32
      %add3A_426 = vector.broadcast %add3A_425 : i32 to vector<16xi32>
      %add3A_427 = arith.addi %iota3A_424, %add3A_426 : vector<16xi32>
      %mul3A_428 = arith.constant 4 : i32
      %mul3A_429 = vector.broadcast %mul3A_428 : i32 to vector<16xi32>
      %mul3A_430 = arith.muli %add3A_427, %mul3A_429 : vector<16xi32>
      %gather3A_431 = tpu.vector_load_idx %arg12[%get3A_423] : memref<10000xf32, #tpu.memory_space<vmem>>[vector<16xi32>], vector<16xf32>,
      %gather3A_432 = tpu.vector_load_idx %arg13[%get3A_423] : memref<10000xf32, #tpu.memory_space<vmem>>[vector<16xi32>], vector<16xf32>,
      %gather3A_433 = tpu.vector_load_idx %arg14[%get3A_423] : memref<10000xf32, #tpu.memory_space<vmem>>[vector<16xi32>], vector<16xf32>,
      tpu.vector_store_idx %arg15[%mul3A_430], %gather3A_431 : memref<1024xf32, #tpu.memory_space<vmem>>[vector<16xi32>], vector<16xf32>,
      %add3A_434 = arith.constant 1 : i32
      %add3A_435 = vector.broadcast %add3A_434 : i32 to vector<16xi32>
      %add3A_436 = arith.addi %mul3A_430, %add3A_435 : vector<16xi32>
      tpu.vector_store_idx %arg15[%add3A_436], %gather3A_432 : memref<1024xf32, #tpu.memory_space<vmem>>[vector<16xi32>], vector<16xf32>,
      %add3A_437 = arith.constant 2 : i32
      %add3A_438 = vector.broadcast %add3A_437 : i32 to vector<16xi32>
      %add3A_439 = arith.addi %mul3A_430, %add3A_438 : vector<16xi32>
      tpu.vector_store_idx %arg15[%add3A_439], %gather3A_433 : memref<1024xf32, #tpu.memory_space<vmem>>[vector<16xi32>], vector<16xf32>,
      %mul3A_440 = arith.constant 2 : i32
      %mul3A_441 = arith.muli %add3A_97, %mul3A_440 : i32
      %add3A_442 = arith.constant 1 : i32
      %add3A_443 = arith.addi %mul3A_441, %add3A_442 : i32
      %get3A_444 = arith.index_cast %add3A_443 : i32 to index
      %get3A_445 = arith.constant 112 : index
      %get3A_446 = tpu.vector_load %arg9[%get3A_444, %get3A_445] {strides = array<i32>} : memref<40x128xi32, #tpu.memory_space<vmem>>, vector<16xi32>,
      %iota3A_447 = tpu.iota {dimensions = array<i32: 0>} : vector<16xi32>
      %add3A_448 = arith.constant 240 : i32
      %add3A_449 = vector.broadcast %add3A_448 : i32 to vector<16xi32>
      %add3A_450 = arith.addi %iota3A_447, %add3A_449 : vector<16xi32>
      %mul3A_451 = arith.constant 4 : i32
      %mul3A_452 = vector.broadcast %mul3A_451 : i32 to vector<16xi32>
      %mul3A_453 = arith.muli %add3A_450, %mul3A_452 : vector<16xi32>
      %gather3A_454 = tpu.vector_load_idx %arg12[%get3A_446] : memref<10000xf32, #tpu.memory_space<vmem>>[vector<16xi32>], vector<16xf32>,
      %gather3A_455 = tpu.vector_load_idx %arg13[%get3A_446] : memref<10000xf32, #tpu.memory_space<vmem>>[vector<16xi32>], vector<16xf32>,
      %gather3A_456 = tpu.vector_load_idx %arg14[%get3A_446] : memref<10000xf32, #tpu.memory_space<vmem>>[vector<16xi32>], vector<16xf32>,
      tpu.vector_store_idx %arg15[%mul3A_453], %gather3A_454 : memref<1024xf32, #tpu.memory_space<vmem>>[vector<16xi32>], vector<16xf32>,
      %add3A_457 = arith.constant 1 : i32
      %add3A_458 = vector.broadcast %add3A_457 : i32 to vector<16xi32>
      %add3A_459 = arith.addi %mul3A_453, %add3A_458 : vector<16xi32>
      tpu.vector_store_idx %arg15[%add3A_459], %gather3A_455 : memref<1024xf32, #tpu.memory_space<vmem>>[vector<16xi32>], vector<16xf32>,
      %add3A_460 = arith.constant 2 : i32
      %add3A_461 = vector.broadcast %add3A_460 : i32 to vector<16xi32>
      %add3A_462 = arith.addi %mul3A_453, %add3A_461 : vector<16xi32>
      tpu.vector_store_idx %arg15[%add3A_462], %gather3A_456 : memref<1024xf32, #tpu.memory_space<vmem>>[vector<16xi32>], vector<16xf32>,
      %mul3A_463 = arith.constant 2 : i32
      %mul3A_464 = arith.muli %add3A_97, %mul3A_463 : i32
      %add3A_465 = arith.constant 0 : i32
      %add3A_466 = arith.addi %mul3A_464, %add3A_465 : i32
      %dma_wait3A_467 = arith.constant 0 : i32
      %dma_wait3A_468 = arith.constant 0 : i32
      %dma_wait3A_469 = tpu.memref_slice %arg10[%dma_wait3A_467, %dma_wait3A_468] : memref<256x128xf32, #tpu.memory_space<vmem>> -> memref<128x128xf32, #tpu.memory_space<vmem>>
      %dma_wait3A_470 = arith.constant 0 : i32
      %dma_wait3A_471 = tpu.memref_slice %arg9[%add3A_466, %dma_wait3A_470] : memref<40x128xi32, #tpu.memory_space<vmem>> -> memref<1x128xi32, #tpu.memory_space<vmem>>
      %dma_wait3A_472 = tpu.memref_squeeze %dma_wait3A_471 : memref<1x128xi32, #tpu.memory_space<vmem>> -> memref<128xi32, #tpu.memory_space<vmem>>
      %dma_wait3A_473 = arith.constant 0 : i32
      %dma_wait3A_474 = arith.constant 0 : i32
      %dma_wait3A_475 = tpu.memref_slice %arg2[%dma_wait3A_473, %dma_wait3A_474] : memref<10000x128xf32, #tpu.memory_space<hbm>> -> memref<10000x128xf32, #tpu.memory_space<hbm>>
      tpu.wait_indirect_dma semaphore(%arg17 : memref<!tpu.dma_semaphore, #tpu.memory_space<semaphore_mem>>) src(%dma_wait3A_475 : memref<10000x128xf32, #tpu.memory_space<hbm>>) dst(%dma_wait3A_469 : memref<128x128xf32, #tpu.memory_space<vmem>>)
      %mul3A_476 = arith.constant 2 : i32
      %mul3A_477 = arith.muli %add3A_97, %mul3A_476 : i32
      %add3A_478 = arith.constant 1 : i32
      %add3A_479 = arith.addi %mul3A_477, %add3A_478 : i32
      %dma_wait3A_480 = arith.constant 128 : i32
      %dma_wait3A_481 = arith.constant 0 : i32
      %dma_wait3A_482 = tpu.memref_slice %arg10[%dma_wait3A_480, %dma_wait3A_481] : memref<256x128xf32, #tpu.memory_space<vmem>> -> memref<128x128xf32, #tpu.memory_space<vmem>>
      %dma_wait3A_483 = arith.constant 0 : i32
      %dma_wait3A_484 = tpu.memref_slice %arg9[%add3A_479, %dma_wait3A_483] : memref<40x128xi32, #tpu.memory_space<vmem>> -> memref<1x128xi32, #tpu.memory_space<vmem>>
      %dma_wait3A_485 = tpu.memref_squeeze %dma_wait3A_484 : memref<1x128xi32, #tpu.memory_space<vmem>> -> memref<128xi32, #tpu.memory_space<vmem>>
      %dma_wait3A_486 = arith.constant 0 : i32
      %dma_wait3A_487 = arith.constant 0 : i32
      %dma_wait3A_488 = tpu.memref_slice %arg2[%dma_wait3A_486, %dma_wait3A_487] : memref<10000x128xf32, #tpu.memory_space<hbm>> -> memref<10000x128xf32, #tpu.memory_space<hbm>>
      tpu.wait_indirect_dma semaphore(%arg17 : memref<!tpu.dma_semaphore, #tpu.memory_space<semaphore_mem>>) src(%dma_wait3A_488 : memref<10000x128xf32, #tpu.memory_space<hbm>>) dst(%dma_wait3A_482 : memref<128x128xf32, #tpu.memory_space<vmem>>)
      %mul3A_489 = arith.constant 256 : i32
      %mul3A_490 = arith.muli %add3A_97, %mul3A_489 : i32
      %add3A_491 = arith.addi %mul3A_2, %mul3A_490 : i32
      %multiple_of3A_492 = tpu.assume_multiple %add3A_491, 256 : i32
      %mul3A_493 = arith.constant 4 : i32
      %mul3A_494 = arith.muli %multiple_of3A_492, %mul3A_493 : i32
      %dma_start3A_495 = arith.constant 0 : i32
      %dma_start3A_496 = tpu.memref_slice %arg7[%multiple_of3A_492, %dma_start3A_495] : memref<163840x128xf32, #tpu.memory_space<hbm>> -> memref<256x128xf32, #tpu.memory_space<hbm>>
      %dma_start3A_497 = arith.constant 0 : i32
      %dma_start3A_498 = tpu.memref_slice %arg7[%multiple_of3A_492, %dma_start3A_497] : memref<163840x128xf32, #tpu.memory_space<hbm>> -> memref<256x128xf32, #tpu.memory_space<hbm>>
      tpu.enqueue_dma source(%arg10 : memref<256x128xf32, #tpu.memory_space<vmem>>) target(%dma_start3A_498 : memref<256x128xf32, #tpu.memory_space<hbm>>) target_semaphore(%arg19 : memref<!tpu.dma_semaphore, #tpu.memory_space<semaphore_mem>>)
      %dma_start3A_499 = tpu.memref_slice %arg8[%mul3A_494] : memref<655360xf32, #tpu.memory_space<hbm>> -> memref<1024xf32, #tpu.memory_space<hbm>>
      %dma_start3A_500 = tpu.memref_slice %arg8[%mul3A_494] : memref<655360xf32, #tpu.memory_space<hbm>> -> memref<1024xf32, #tpu.memory_space<hbm>>
      tpu.enqueue_dma source(%arg15 : memref<1024xf32, #tpu.memory_space<vmem>>) target(%dma_start3A_500 : memref<1024xf32, #tpu.memory_space<hbm>>) target_semaphore(%arg19 : memref<!tpu.dma_semaphore, #tpu.memory_space<semaphore_mem>>)
      %mul3A_501 = arith.constant 2 : i32
      %mul3A_502 = arith.muli %scan3A_27, %mul3A_501 : i32
      %add3A_503 = arith.constant 1 : i32
      %add3A_504 = arith.addi %mul3A_502, %add3A_503 : i32
      %mul3A_505 = arith.constant 2 : i32
      %mul3A_506 = arith.muli %add3A_504, %mul3A_505 : i32
      %add3A_507 = arith.constant 0 : i32
      %add3A_508 = arith.addi %mul3A_506, %add3A_507 : i32
      %get3A_509 = arith.index_cast %add3A_508 : i32 to index
      %get3A_510 = arith.constant 0 : index
      %get3A_511 = tpu.vector_load %arg9[%get3A_509, %get3A_510] {strides = array<i32>} : memref<40x128xi32, #tpu.memory_space<vmem>>, vector<16xi32>,
      %iota3A_512 = tpu.iota {dimensions = array<i32: 0>} : vector<16xi32>
      %add3A_513 = arith.constant 0 : i32
      %add3A_514 = vector.broadcast %add3A_513 : i32 to vector<16xi32>
      %add3A_515 = arith.addi %iota3A_512, %add3A_514 : vector<16xi32>
      %mul3A_516 = arith.constant 4 : i32
      %mul3A_517 = vector.broadcast %mul3A_516 : i32 to vector<16xi32>
      %mul3A_518 = arith.muli %add3A_515, %mul3A_517 : vector<16xi32>
      %gather3A_519 = tpu.vector_load_idx %arg12[%get3A_511] : memref<10000xf32, #tpu.memory_space<vmem>>[vector<16xi32>], vector<16xf32>,
      %gather3A_520 = tpu.vector_load_idx %arg13[%get3A_511] : memref<10000xf32, #tpu.memory_space<vmem>>[vector<16xi32>], vector<16xf32>,
      %gather3A_521 = tpu.vector_load_idx %arg14[%get3A_511] : memref<10000xf32, #tpu.memory_space<vmem>>[vector<16xi32>], vector<16xf32>,
      tpu.vector_store_idx %arg16[%mul3A_518], %gather3A_519 : memref<1024xf32, #tpu.memory_space<vmem>>[vector<16xi32>], vector<16xf32>,
      %add3A_522 = arith.constant 1 : i32
      %add3A_523 = vector.broadcast %add3A_522 : i32 to vector<16xi32>
      %add3A_524 = arith.addi %mul3A_518, %add3A_523 : vector<16xi32>
      tpu.vector_store_idx %arg16[%add3A_524], %gather3A_520 : memref<1024xf32, #tpu.memory_space<vmem>>[vector<16xi32>], vector<16xf32>,
      %add3A_525 = arith.constant 2 : i32
      %add3A_526 = vector.broadcast %add3A_525 : i32 to vector<16xi32>
      %add3A_527 = arith.addi %mul3A_518, %add3A_526 : vector<16xi32>
      tpu.vector_store_idx %arg16[%add3A_527], %gather3A_521 : memref<1024xf32, #tpu.memory_space<vmem>>[vector<16xi32>], vector<16xf32>,
      %mul3A_528 = arith.constant 2 : i32
      %mul3A_529 = arith.muli %add3A_504, %mul3A_528 : i32
      %add3A_530 = arith.constant 0 : i32
      %add3A_531 = arith.addi %mul3A_529, %add3A_530 : i32
      %get3A_532 = arith.index_cast %add3A_531 : i32 to index
      %get3A_533 = arith.constant 16 : index
      %get3A_534 = tpu.vector_load %arg9[%get3A_532, %get3A_533] {strides = array<i32>} : memref<40x128xi32, #tpu.memory_space<vmem>>, vector<16xi32>,
      %iota3A_535 = tpu.iota {dimensions = array<i32: 0>} : vector<16xi32>
      %add3A_536 = arith.constant 16 : i32
      %add3A_537 = vector.broadcast %add3A_536 : i32 to vector<16xi32>
      %add3A_538 = arith.addi %iota3A_535, %add3A_537 : vector<16xi32>
      %mul3A_539 = arith.constant 4 : i32
      %mul3A_540 = vector.broadcast %mul3A_539 : i32 to vector<16xi32>
      %mul3A_541 = arith.muli %add3A_538, %mul3A_540 : vector<16xi32>
      %gather3A_542 = tpu.vector_load_idx %arg12[%get3A_534] : memref<10000xf32, #tpu.memory_space<vmem>>[vector<16xi32>], vector<16xf32>,
      %gather3A_543 = tpu.vector_load_idx %arg13[%get3A_534] : memref<10000xf32, #tpu.memory_space<vmem>>[vector<16xi32>], vector<16xf32>,
      %gather3A_544 = tpu.vector_load_idx %arg14[%get3A_534] : memref<10000xf32, #tpu.memory_space<vmem>>[vector<16xi32>], vector<16xf32>,
      tpu.vector_store_idx %arg16[%mul3A_541], %gather3A_542 : memref<1024xf32, #tpu.memory_space<vmem>>[vector<16xi32>], vector<16xf32>,
      %add3A_545 = arith.constant 1 : i32
      %add3A_546 = vector.broadcast %add3A_545 : i32 to vector<16xi32>
      %add3A_547 = arith.addi %mul3A_541, %add3A_546 : vector<16xi32>
      tpu.vector_store_idx %arg16[%add3A_547], %gather3A_543 : memref<1024xf32, #tpu.memory_space<vmem>>[vector<16xi32>], vector<16xf32>,
      %add3A_548 = arith.constant 2 : i32
      %add3A_549 = vector.broadcast %add3A_548 : i32 to vector<16xi32>
      %add3A_550 = arith.addi %mul3A_541, %add3A_549 : vector<16xi32>
      tpu.vector_store_idx %arg16[%add3A_550], %gather3A_544 : memref<1024xf32, #tpu.memory_space<vmem>>[vector<16xi32>], vector<16xf32>,
      %mul3A_551 = arith.constant 2 : i32
      %mul3A_552 = arith.muli %add3A_504, %mul3A_551 : i32
      %add3A_553 = arith.constant 0 : i32
      %add3A_554 = arith.addi %mul3A_552, %add3A_553 : i32
      %get3A_555 = arith.index_cast %add3A_554 : i32 to index
      %get3A_556 = arith.constant 32 : index
      %get3A_557 = tpu.vector_load %arg9[%get3A_555, %get3A_556] {strides = array<i32>} : memref<40x128xi32, #tpu.memory_space<vmem>>, vector<16xi32>,
      %iota3A_558 = tpu.iota {dimensions = array<i32: 0>} : vector<16xi32>
      %add3A_559 = arith.constant 32 : i32
      %add3A_560 = vector.broadcast %add3A_559 : i32 to vector<16xi32>
      %add3A_561 = arith.addi %iota3A_558, %add3A_560 : vector<16xi32>
      %mul3A_562 = arith.constant 4 : i32
      %mul3A_563 = vector.broadcast %mul3A_562 : i32 to vector<16xi32>
      %mul3A_564 = arith.muli %add3A_561, %mul3A_563 : vector<16xi32>
      %gather3A_565 = tpu.vector_load_idx %arg12[%get3A_557] : memref<10000xf32, #tpu.memory_space<vmem>>[vector<16xi32>], vector<16xf32>,
      %gather3A_566 = tpu.vector_load_idx %arg13[%get3A_557] : memref<10000xf32, #tpu.memory_space<vmem>>[vector<16xi32>], vector<16xf32>,
      %gather3A_567 = tpu.vector_load_idx %arg14[%get3A_557] : memref<10000xf32, #tpu.memory_space<vmem>>[vector<16xi32>], vector<16xf32>,
      tpu.vector_store_idx %arg16[%mul3A_564], %gather3A_565 : memref<1024xf32, #tpu.memory_space<vmem>>[vector<16xi32>], vector<16xf32>,
      %add3A_568 = arith.constant 1 : i32
      %add3A_569 = vector.broadcast %add3A_568 : i32 to vector<16xi32>
      %add3A_570 = arith.addi %mul3A_564, %add3A_569 : vector<16xi32>
      tpu.vector_store_idx %arg16[%add3A_570], %gather3A_566 : memref<1024xf32, #tpu.memory_space<vmem>>[vector<16xi32>], vector<16xf32>,
      %add3A_571 = arith.constant 2 : i32
      %add3A_572 = vector.broadcast %add3A_571 : i32 to vector<16xi32>
      %add3A_573 = arith.addi %mul3A_564, %add3A_572 : vector<16xi32>
      tpu.vector_store_idx %arg16[%add3A_573], %gather3A_567 : memref<1024xf32, #tpu.memory_space<vmem>>[vector<16xi32>], vector<16xf32>,
      %mul3A_574 = arith.constant 2 : i32
      %mul3A_575 = arith.muli %add3A_504, %mul3A_574 : i32
      %add3A_576 = arith.constant 0 : i32
      %add3A_577 = arith.addi %mul3A_575, %add3A_576 : i32
      %get3A_578 = arith.index_cast %add3A_577 : i32 to index
      %get3A_579 = arith.constant 48 : index
      %get3A_580 = tpu.vector_load %arg9[%get3A_578, %get3A_579] {strides = array<i32>} : memref<40x128xi32, #tpu.memory_space<vmem>>, vector<16xi32>,
      %iota3A_581 = tpu.iota {dimensions = array<i32: 0>} : vector<16xi32>
      %add3A_582 = arith.constant 48 : i32
      %add3A_583 = vector.broadcast %add3A_582 : i32 to vector<16xi32>
      %add3A_584 = arith.addi %iota3A_581, %add3A_583 : vector<16xi32>
      %mul3A_585 = arith.constant 4 : i32
      %mul3A_586 = vector.broadcast %mul3A_585 : i32 to vector<16xi32>
      %mul3A_587 = arith.muli %add3A_584, %mul3A_586 : vector<16xi32>
      %gather3A_588 = tpu.vector_load_idx %arg12[%get3A_580] : memref<10000xf32, #tpu.memory_space<vmem>>[vector<16xi32>], vector<16xf32>,
      %gather3A_589 = tpu.vector_load_idx %arg13[%get3A_580] : memref<10000xf32, #tpu.memory_space<vmem>>[vector<16xi32>], vector<16xf32>,
      %gather3A_590 = tpu.vector_load_idx %arg14[%get3A_580] : memref<10000xf32, #tpu.memory_space<vmem>>[vector<16xi32>], vector<16xf32>,
      tpu.vector_store_idx %arg16[%mul3A_587], %gather3A_588 : memref<1024xf32, #tpu.memory_space<vmem>>[vector<16xi32>], vector<16xf32>,
      %add3A_591 = arith.constant 1 : i32
      %add3A_592 = vector.broadcast %add3A_591 : i32 to vector<16xi32>
      %add3A_593 = arith.addi %mul3A_587, %add3A_592 : vector<16xi32>
      tpu.vector_store_idx %arg16[%add3A_593], %gather3A_589 : memref<1024xf32, #tpu.memory_space<vmem>>[vector<16xi32>], vector<16xf32>,
      %add3A_594 = arith.constant 2 : i32
      %add3A_595 = vector.broadcast %add3A_594 : i32 to vector<16xi32>
      %add3A_596 = arith.addi %mul3A_587, %add3A_595 : vector<16xi32>
      tpu.vector_store_idx %arg16[%add3A_596], %gather3A_590 : memref<1024xf32, #tpu.memory_space<vmem>>[vector<16xi32>], vector<16xf32>,
      %mul3A_597 = arith.constant 2 : i32
      %mul3A_598 = arith.muli %add3A_504, %mul3A_597 : i32
      %add3A_599 = arith.constant 0 : i32
      %add3A_600 = arith.addi %mul3A_598, %add3A_599 : i32
      %get3A_601 = arith.index_cast %add3A_600 : i32 to index
      %get3A_602 = arith.constant 64 : index
      %get3A_603 = tpu.vector_load %arg9[%get3A_601, %get3A_602] {strides = array<i32>} : memref<40x128xi32, #tpu.memory_space<vmem>>, vector<16xi32>,
      %iota3A_604 = tpu.iota {dimensions = array<i32: 0>} : vector<16xi32>
      %add3A_605 = arith.constant 64 : i32
      %add3A_606 = vector.broadcast %add3A_605 : i32 to vector<16xi32>
      %add3A_607 = arith.addi %iota3A_604, %add3A_606 : vector<16xi32>
      %mul3A_608 = arith.constant 4 : i32
      %mul3A_609 = vector.broadcast %mul3A_608 : i32 to vector<16xi32>
      %mul3A_610 = arith.muli %add3A_607, %mul3A_609 : vector<16xi32>
      %gather3A_611 = tpu.vector_load_idx %arg12[%get3A_603] : memref<10000xf32, #tpu.memory_space<vmem>>[vector<16xi32>], vector<16xf32>,
      %gather3A_612 = tpu.vector_load_idx %arg13[%get3A_603] : memref<10000xf32, #tpu.memory_space<vmem>>[vector<16xi32>], vector<16xf32>,
      %gather3A_613 = tpu.vector_load_idx %arg14[%get3A_603] : memref<10000xf32, #tpu.memory_space<vmem>>[vector<16xi32>], vector<16xf32>,
      tpu.vector_store_idx %arg16[%mul3A_610], %gather3A_611 : memref<1024xf32, #tpu.memory_space<vmem>>[vector<16xi32>], vector<16xf32>,
      %add3A_614 = arith.constant 1 : i32
      %add3A_615 = vector.broadcast %add3A_614 : i32 to vector<16xi32>
      %add3A_616 = arith.addi %mul3A_610, %add3A_615 : vector<16xi32>
      tpu.vector_store_idx %arg16[%add3A_616], %gather3A_612 : memref<1024xf32, #tpu.memory_space<vmem>>[vector<16xi32>], vector<16xf32>,
      %add3A_617 = arith.constant 2 : i32
      %add3A_618 = vector.broadcast %add3A_617 : i32 to vector<16xi32>
      %add3A_619 = arith.addi %mul3A_610, %add3A_618 : vector<16xi32>
      tpu.vector_store_idx %arg16[%add3A_619], %gather3A_613 : memref<1024xf32, #tpu.memory_space<vmem>>[vector<16xi32>], vector<16xf32>,
      %mul3A_620 = arith.constant 2 : i32
      %mul3A_621 = arith.muli %add3A_504, %mul3A_620 : i32
      %add3A_622 = arith.constant 0 : i32
      %add3A_623 = arith.addi %mul3A_621, %add3A_622 : i32
      %get3A_624 = arith.index_cast %add3A_623 : i32 to index
      %get3A_625 = arith.constant 80 : index
      %get3A_626 = tpu.vector_load %arg9[%get3A_624, %get3A_625] {strides = array<i32>} : memref<40x128xi32, #tpu.memory_space<vmem>>, vector<16xi32>,
      %iota3A_627 = tpu.iota {dimensions = array<i32: 0>} : vector<16xi32>
      %add3A_628 = arith.constant 80 : i32
      %add3A_629 = vector.broadcast %add3A_628 : i32 to vector<16xi32>
      %add3A_630 = arith.addi %iota3A_627, %add3A_629 : vector<16xi32>
      %mul3A_631 = arith.constant 4 : i32
      %mul3A_632 = vector.broadcast %mul3A_631 : i32 to vector<16xi32>
      %mul3A_633 = arith.muli %add3A_630, %mul3A_632 : vector<16xi32>
      %gather3A_634 = tpu.vector_load_idx %arg12[%get3A_626] : memref<10000xf32, #tpu.memory_space<vmem>>[vector<16xi32>], vector<16xf32>,
      %gather3A_635 = tpu.vector_load_idx %arg13[%get3A_626] : memref<10000xf32, #tpu.memory_space<vmem>>[vector<16xi32>], vector<16xf32>,
      %gather3A_636 = tpu.vector_load_idx %arg14[%get3A_626] : memref<10000xf32, #tpu.memory_space<vmem>>[vector<16xi32>], vector<16xf32>,
      tpu.vector_store_idx %arg16[%mul3A_633], %gather3A_634 : memref<1024xf32, #tpu.memory_space<vmem>>[vector<16xi32>], vector<16xf32>,
      %add3A_637 = arith.constant 1 : i32
      %add3A_638 = vector.broadcast %add3A_637 : i32 to vector<16xi32>
      %add3A_639 = arith.addi %mul3A_633, %add3A_638 : vector<16xi32>
      tpu.vector_store_idx %arg16[%add3A_639], %gather3A_635 : memref<1024xf32, #tpu.memory_space<vmem>>[vector<16xi32>], vector<16xf32>,
      %add3A_640 = arith.constant 2 : i32
      %add3A_641 = vector.broadcast %add3A_640 : i32 to vector<16xi32>
      %add3A_642 = arith.addi %mul3A_633, %add3A_641 : vector<16xi32>
      tpu.vector_store_idx %arg16[%add3A_642], %gather3A_636 : memref<1024xf32, #tpu.memory_space<vmem>>[vector<16xi32>], vector<16xf32>,
      %mul3A_643 = arith.constant 2 : i32
      %mul3A_644 = arith.muli %add3A_504, %mul3A_643 : i32
      %add3A_645 = arith.constant 0 : i32
      %add3A_646 = arith.addi %mul3A_644, %add3A_645 : i32
      %get3A_647 = arith.index_cast %add3A_646 : i32 to index
      %get3A_648 = arith.constant 96 : index
      %get3A_649 = tpu.vector_load %arg9[%get3A_647, %get3A_648] {strides = array<i32>} : memref<40x128xi32, #tpu.memory_space<vmem>>, vector<16xi32>,
      %iota3A_650 = tpu.iota {dimensions = array<i32: 0>} : vector<16xi32>
      %add3A_651 = arith.constant 96 : i32
      %add3A_652 = vector.broadcast %add3A_651 : i32 to vector<16xi32>
      %add3A_653 = arith.addi %iota3A_650, %add3A_652 : vector<16xi32>
      %mul3A_654 = arith.constant 4 : i32
      %mul3A_655 = vector.broadcast %mul3A_654 : i32 to vector<16xi32>
      %mul3A_656 = arith.muli %add3A_653, %mul3A_655 : vector<16xi32>
      %gather3A_657 = tpu.vector_load_idx %arg12[%get3A_649] : memref<10000xf32, #tpu.memory_space<vmem>>[vector<16xi32>], vector<16xf32>,
      %gather3A_658 = tpu.vector_load_idx %arg13[%get3A_649] : memref<10000xf32, #tpu.memory_space<vmem>>[vector<16xi32>], vector<16xf32>,
      %gather3A_659 = tpu.vector_load_idx %arg14[%get3A_649] : memref<10000xf32, #tpu.memory_space<vmem>>[vector<16xi32>], vector<16xf32>,
      tpu.vector_store_idx %arg16[%mul3A_656], %gather3A_657 : memref<1024xf32, #tpu.memory_space<vmem>>[vector<16xi32>], vector<16xf32>,
      %add3A_660 = arith.constant 1 : i32
      %add3A_661 = vector.broadcast %add3A_660 : i32 to vector<16xi32>
      %add3A_662 = arith.addi %mul3A_656, %add3A_661 : vector<16xi32>
      tpu.vector_store_idx %arg16[%add3A_662], %gather3A_658 : memref<1024xf32, #tpu.memory_space<vmem>>[vector<16xi32>], vector<16xf32>,
      %add3A_663 = arith.constant 2 : i32
      %add3A_664 = vector.broadcast %add3A_663 : i32 to vector<16xi32>
      %add3A_665 = arith.addi %mul3A_656, %add3A_664 : vector<16xi32>
      tpu.vector_store_idx %arg16[%add3A_665], %gather3A_659 : memref<1024xf32, #tpu.memory_space<vmem>>[vector<16xi32>], vector<16xf32>,
      %mul3A_666 = arith.constant 2 : i32
      %mul3A_667 = arith.muli %add3A_504, %mul3A_666 : i32
      %add3A_668 = arith.constant 0 : i32
      %add3A_669 = arith.addi %mul3A_667, %add3A_668 : i32
      %get3A_670 = arith.index_cast %add3A_669 : i32 to index
      %get3A_671 = arith.constant 112 : index
      %get3A_672 = tpu.vector_load %arg9[%get3A_670, %get3A_671] {strides = array<i32>} : memref<40x128xi32, #tpu.memory_space<vmem>>, vector<16xi32>,
      %iota3A_673 = tpu.iota {dimensions = array<i32: 0>} : vector<16xi32>
      %add3A_674 = arith.constant 112 : i32
      %add3A_675 = vector.broadcast %add3A_674 : i32 to vector<16xi32>
      %add3A_676 = arith.addi %iota3A_673, %add3A_675 : vector<16xi32>
      %mul3A_677 = arith.constant 4 : i32
      %mul3A_678 = vector.broadcast %mul3A_677 : i32 to vector<16xi32>
      %mul3A_679 = arith.muli %add3A_676, %mul3A_678 : vector<16xi32>
      %gather3A_680 = tpu.vector_load_idx %arg12[%get3A_672] : memref<10000xf32, #tpu.memory_space<vmem>>[vector<16xi32>], vector<16xf32>,
      %gather3A_681 = tpu.vector_load_idx %arg13[%get3A_672] : memref<10000xf32, #tpu.memory_space<vmem>>[vector<16xi32>], vector<16xf32>,
      %gather3A_682 = tpu.vector_load_idx %arg14[%get3A_672] : memref<10000xf32, #tpu.memory_space<vmem>>[vector<16xi32>], vector<16xf32>,
      tpu.vector_store_idx %arg16[%mul3A_679], %gather3A_680 : memref<1024xf32, #tpu.memory_space<vmem>>[vector<16xi32>], vector<16xf32>,
      %add3A_683 = arith.constant 1 : i32
      %add3A_684 = vector.broadcast %add3A_683 : i32 to vector<16xi32>
      %add3A_685 = arith.addi %mul3A_679, %add3A_684 : vector<16xi32>
      tpu.vector_store_idx %arg16[%add3A_685], %gather3A_681 : memref<1024xf32, #tpu.memory_space<vmem>>[vector<16xi32>], vector<16xf32>,
      %add3A_686 = arith.constant 2 : i32
      %add3A_687 = vector.broadcast %add3A_686 : i32 to vector<16xi32>
      %add3A_688 = arith.addi %mul3A_679, %add3A_687 : vector<16xi32>
      tpu.vector_store_idx %arg16[%add3A_688], %gather3A_682 : memref<1024xf32, #tpu.memory_space<vmem>>[vector<16xi32>], vector<16xf32>,
      %mul3A_689 = arith.constant 2 : i32
      %mul3A_690 = arith.muli %add3A_504, %mul3A_689 : i32
      %add3A_691 = arith.constant 1 : i32
      %add3A_692 = arith.addi %mul3A_690, %add3A_691 : i32
      %get3A_693 = arith.index_cast %add3A_692 : i32 to index
      %get3A_694 = arith.constant 0 : index
      %get3A_695 = tpu.vector_load %arg9[%get3A_693, %get3A_694] {strides = array<i32>} : memref<40x128xi32, #tpu.memory_space<vmem>>, vector<16xi32>,
      %iota3A_696 = tpu.iota {dimensions = array<i32: 0>} : vector<16xi32>
      %add3A_697 = arith.constant 128 : i32
      %add3A_698 = vector.broadcast %add3A_697 : i32 to vector<16xi32>
      %add3A_699 = arith.addi %iota3A_696, %add3A_698 : vector<16xi32>
      %mul3A_700 = arith.constant 4 : i32
      %mul3A_701 = vector.broadcast %mul3A_700 : i32 to vector<16xi32>
      %mul3A_702 = arith.muli %add3A_699, %mul3A_701 : vector<16xi32>
      %gather3A_703 = tpu.vector_load_idx %arg12[%get3A_695] : memref<10000xf32, #tpu.memory_space<vmem>>[vector<16xi32>], vector<16xf32>,
      %gather3A_704 = tpu.vector_load_idx %arg13[%get3A_695] : memref<10000xf32, #tpu.memory_space<vmem>>[vector<16xi32>], vector<16xf32>,
      %gather3A_705 = tpu.vector_load_idx %arg14[%get3A_695] : memref<10000xf32, #tpu.memory_space<vmem>>[vector<16xi32>], vector<16xf32>,
      tpu.vector_store_idx %arg16[%mul3A_702], %gather3A_703 : memref<1024xf32, #tpu.memory_space<vmem>>[vector<16xi32>], vector<16xf32>,
      %add3A_706 = arith.constant 1 : i32
      %add3A_707 = vector.broadcast %add3A_706 : i32 to vector<16xi32>
      %add3A_708 = arith.addi %mul3A_702, %add3A_707 : vector<16xi32>
      tpu.vector_store_idx %arg16[%add3A_708], %gather3A_704 : memref<1024xf32, #tpu.memory_space<vmem>>[vector<16xi32>], vector<16xf32>,
      %add3A_709 = arith.constant 2 : i32
      %add3A_710 = vector.broadcast %add3A_709 : i32 to vector<16xi32>
      %add3A_711 = arith.addi %mul3A_702, %add3A_710 : vector<16xi32>
      tpu.vector_store_idx %arg16[%add3A_711], %gather3A_705 : memref<1024xf32, #tpu.memory_space<vmem>>[vector<16xi32>], vector<16xf32>,
      %mul3A_712 = arith.constant 2 : i32
      %mul3A_713 = arith.muli %add3A_504, %mul3A_712 : i32
      %add3A_714 = arith.constant 1 : i32
      %add3A_715 = arith.addi %mul3A_713, %add3A_714 : i32
      %get3A_716 = arith.index_cast %add3A_715 : i32 to index
      %get3A_717 = arith.constant 16 : index
      %get3A_718 = tpu.vector_load %arg9[%get3A_716, %get3A_717] {strides = array<i32>} : memref<40x128xi32, #tpu.memory_space<vmem>>, vector<16xi32>,
      %iota3A_719 = tpu.iota {dimensions = array<i32: 0>} : vector<16xi32>
      %add3A_720 = arith.constant 144 : i32
      %add3A_721 = vector.broadcast %add3A_720 : i32 to vector<16xi32>
      %add3A_722 = arith.addi %iota3A_719, %add3A_721 : vector<16xi32>
      %mul3A_723 = arith.constant 4 : i32
      %mul3A_724 = vector.broadcast %mul3A_723 : i32 to vector<16xi32>
      %mul3A_725 = arith.muli %add3A_722, %mul3A_724 : vector<16xi32>
      %gather3A_726 = tpu.vector_load_idx %arg12[%get3A_718] : memref<10000xf32, #tpu.memory_space<vmem>>[vector<16xi32>], vector<16xf32>,
      %gather3A_727 = tpu.vector_load_idx %arg13[%get3A_718] : memref<10000xf32, #tpu.memory_space<vmem>>[vector<16xi32>], vector<16xf32>,
      %gather3A_728 = tpu.vector_load_idx %arg14[%get3A_718] : memref<10000xf32, #tpu.memory_space<vmem>>[vector<16xi32>], vector<16xf32>,
      tpu.vector_store_idx %arg16[%mul3A_725], %gather3A_726 : memref<1024xf32, #tpu.memory_space<vmem>>[vector<16xi32>], vector<16xf32>,
      %add3A_729 = arith.constant 1 : i32
      %add3A_730 = vector.broadcast %add3A_729 : i32 to vector<16xi32>
      %add3A_731 = arith.addi %mul3A_725, %add3A_730 : vector<16xi32>
      tpu.vector_store_idx %arg16[%add3A_731], %gather3A_727 : memref<1024xf32, #tpu.memory_space<vmem>>[vector<16xi32>], vector<16xf32>,
      %add3A_732 = arith.constant 2 : i32
      %add3A_733 = vector.broadcast %add3A_732 : i32 to vector<16xi32>
      %add3A_734 = arith.addi %mul3A_725, %add3A_733 : vector<16xi32>
      tpu.vector_store_idx %arg16[%add3A_734], %gather3A_728 : memref<1024xf32, #tpu.memory_space<vmem>>[vector<16xi32>], vector<16xf32>,
      %mul3A_735 = arith.constant 2 : i32
      %mul3A_736 = arith.muli %add3A_504, %mul3A_735 : i32
      %add3A_737 = arith.constant 1 : i32
      %add3A_738 = arith.addi %mul3A_736, %add3A_737 : i32
      %get3A_739 = arith.index_cast %add3A_738 : i32 to index
      %get3A_740 = arith.constant 32 : index
      %get3A_741 = tpu.vector_load %arg9[%get3A_739, %get3A_740] {strides = array<i32>} : memref<40x128xi32, #tpu.memory_space<vmem>>, vector<16xi32>,
      %iota3A_742 = tpu.iota {dimensions = array<i32: 0>} : vector<16xi32>
      %add3A_743 = arith.constant 160 : i32
      %add3A_744 = vector.broadcast %add3A_743 : i32 to vector<16xi32>
      %add3A_745 = arith.addi %iota3A_742, %add3A_744 : vector<16xi32>
      %mul3A_746 = arith.constant 4 : i32
      %mul3A_747 = vector.broadcast %mul3A_746 : i32 to vector<16xi32>
      %mul3A_748 = arith.muli %add3A_745, %mul3A_747 : vector<16xi32>
      %gather3A_749 = tpu.vector_load_idx %arg12[%get3A_741] : memref<10000xf32, #tpu.memory_space<vmem>>[vector<16xi32>], vector<16xf32>,
      %gather3A_750 = tpu.vector_load_idx %arg13[%get3A_741] : memref<10000xf32, #tpu.memory_space<vmem>>[vector<16xi32>], vector<16xf32>,
      %gather3A_751 = tpu.vector_load_idx %arg14[%get3A_741] : memref<10000xf32, #tpu.memory_space<vmem>>[vector<16xi32>], vector<16xf32>,
      tpu.vector_store_idx %arg16[%mul3A_748], %gather3A_749 : memref<1024xf32, #tpu.memory_space<vmem>>[vector<16xi32>], vector<16xf32>,
      %add3A_752 = arith.constant 1 : i32
      %add3A_753 = vector.broadcast %add3A_752 : i32 to vector<16xi32>
      %add3A_754 = arith.addi %mul3A_748, %add3A_753 : vector<16xi32>
      tpu.vector_store_idx %arg16[%add3A_754], %gather3A_750 : memref<1024xf32, #tpu.memory_space<vmem>>[vector<16xi32>], vector<16xf32>,
      %add3A_755 = arith.constant 2 : i32
      %add3A_756 = vector.broadcast %add3A_755 : i32 to vector<16xi32>
      %add3A_757 = arith.addi %mul3A_748, %add3A_756 : vector<16xi32>
      tpu.vector_store_idx %arg16[%add3A_757], %gather3A_751 : memref<1024xf32, #tpu.memory_space<vmem>>[vector<16xi32>], vector<16xf32>,
      %mul3A_758 = arith.constant 2 : i32
      %mul3A_759 = arith.muli %add3A_504, %mul3A_758 : i32
      %add3A_760 = arith.constant 1 : i32
      %add3A_761 = arith.addi %mul3A_759, %add3A_760 : i32
      %get3A_762 = arith.index_cast %add3A_761 : i32 to index
      %get3A_763 = arith.constant 48 : index
      %get3A_764 = tpu.vector_load %arg9[%get3A_762, %get3A_763] {strides = array<i32>} : memref<40x128xi32, #tpu.memory_space<vmem>>, vector<16xi32>,
      %iota3A_765 = tpu.iota {dimensions = array<i32: 0>} : vector<16xi32>
      %add3A_766 = arith.constant 176 : i32
      %add3A_767 = vector.broadcast %add3A_766 : i32 to vector<16xi32>
      %add3A_768 = arith.addi %iota3A_765, %add3A_767 : vector<16xi32>
      %mul3A_769 = arith.constant 4 : i32
      %mul3A_770 = vector.broadcast %mul3A_769 : i32 to vector<16xi32>
      %mul3A_771 = arith.muli %add3A_768, %mul3A_770 : vector<16xi32>
      %gather3A_772 = tpu.vector_load_idx %arg12[%get3A_764] : memref<10000xf32, #tpu.memory_space<vmem>>[vector<16xi32>], vector<16xf32>,
      %gather3A_773 = tpu.vector_load_idx %arg13[%get3A_764] : memref<10000xf32, #tpu.memory_space<vmem>>[vector<16xi32>], vector<16xf32>,
      %gather3A_774 = tpu.vector_load_idx %arg14[%get3A_764] : memref<10000xf32, #tpu.memory_space<vmem>>[vector<16xi32>], vector<16xf32>,
      tpu.vector_store_idx %arg16[%mul3A_771], %gather3A_772 : memref<1024xf32, #tpu.memory_space<vmem>>[vector<16xi32>], vector<16xf32>,
      %add3A_775 = arith.constant 1 : i32
      %add3A_776 = vector.broadcast %add3A_775 : i32 to vector<16xi32>
      %add3A_777 = arith.addi %mul3A_771, %add3A_776 : vector<16xi32>
      tpu.vector_store_idx %arg16[%add3A_777], %gather3A_773 : memref<1024xf32, #tpu.memory_space<vmem>>[vector<16xi32>], vector<16xf32>,
      %add3A_778 = arith.constant 2 : i32
      %add3A_779 = vector.broadcast %add3A_778 : i32 to vector<16xi32>
      %add3A_780 = arith.addi %mul3A_771, %add3A_779 : vector<16xi32>
      tpu.vector_store_idx %arg16[%add3A_780], %gather3A_774 : memref<1024xf32, #tpu.memory_space<vmem>>[vector<16xi32>], vector<16xf32>,
      %mul3A_781 = arith.constant 2 : i32
      %mul3A_782 = arith.muli %add3A_504, %mul3A_781 : i32
      %add3A_783 = arith.constant 1 : i32
      %add3A_784 = arith.addi %mul3A_782, %add3A_783 : i32
      %get3A_785 = arith.index_cast %add3A_784 : i32 to index
      %get3A_786 = arith.constant 64 : index
      %get3A_787 = tpu.vector_load %arg9[%get3A_785, %get3A_786] {strides = array<i32>} : memref<40x128xi32, #tpu.memory_space<vmem>>, vector<16xi32>,
      %iota3A_788 = tpu.iota {dimensions = array<i32: 0>} : vector<16xi32>
      %add3A_789 = arith.constant 192 : i32
      %add3A_790 = vector.broadcast %add3A_789 : i32 to vector<16xi32>
      %add3A_791 = arith.addi %iota3A_788, %add3A_790 : vector<16xi32>
      %mul3A_792 = arith.constant 4 : i32
      %mul3A_793 = vector.broadcast %mul3A_792 : i32 to vector<16xi32>
      %mul3A_794 = arith.muli %add3A_791, %mul3A_793 : vector<16xi32>
      %gather3A_795 = tpu.vector_load_idx %arg12[%get3A_787] : memref<10000xf32, #tpu.memory_space<vmem>>[vector<16xi32>], vector<16xf32>,
      %gather3A_796 = tpu.vector_load_idx %arg13[%get3A_787] : memref<10000xf32, #tpu.memory_space<vmem>>[vector<16xi32>], vector<16xf32>,
      %gather3A_797 = tpu.vector_load_idx %arg14[%get3A_787] : memref<10000xf32, #tpu.memory_space<vmem>>[vector<16xi32>], vector<16xf32>,
      tpu.vector_store_idx %arg16[%mul3A_794], %gather3A_795 : memref<1024xf32, #tpu.memory_space<vmem>>[vector<16xi32>], vector<16xf32>,
      %add3A_798 = arith.constant 1 : i32
      %add3A_799 = vector.broadcast %add3A_798 : i32 to vector<16xi32>
      %add3A_800 = arith.addi %mul3A_794, %add3A_799 : vector<16xi32>
      tpu.vector_store_idx %arg16[%add3A_800], %gather3A_796 : memref<1024xf32, #tpu.memory_space<vmem>>[vector<16xi32>], vector<16xf32>,
      %add3A_801 = arith.constant 2 : i32
      %add3A_802 = vector.broadcast %add3A_801 : i32 to vector<16xi32>
      %add3A_803 = arith.addi %mul3A_794, %add3A_802 : vector<16xi32>
      tpu.vector_store_idx %arg16[%add3A_803], %gather3A_797 : memref<1024xf32, #tpu.memory_space<vmem>>[vector<16xi32>], vector<16xf32>,
      %mul3A_804 = arith.constant 2 : i32
      %mul3A_805 = arith.muli %add3A_504, %mul3A_804 : i32
      %add3A_806 = arith.constant 1 : i32
      %add3A_807 = arith.addi %mul3A_805, %add3A_806 : i32
      %get3A_808 = arith.index_cast %add3A_807 : i32 to index
      %get3A_809 = arith.constant 80 : index
      %get3A_810 = tpu.vector_load %arg9[%get3A_808, %get3A_809] {strides = array<i32>} : memref<40x128xi32, #tpu.memory_space<vmem>>, vector<16xi32>,
      %iota3A_811 = tpu.iota {dimensions = array<i32: 0>} : vector<16xi32>
      %add3A_812 = arith.constant 208 : i32
      %add3A_813 = vector.broadcast %add3A_812 : i32 to vector<16xi32>
      %add3A_814 = arith.addi %iota3A_811, %add3A_813 : vector<16xi32>
      %mul3A_815 = arith.constant 4 : i32
      %mul3A_816 = vector.broadcast %mul3A_815 : i32 to vector<16xi32>
      %mul3A_817 = arith.muli %add3A_814, %mul3A_816 : vector<16xi32>
      %gather3A_818 = tpu.vector_load_idx %arg12[%get3A_810] : memref<10000xf32, #tpu.memory_space<vmem>>[vector<16xi32>], vector<16xf32>,
      %gather3A_819 = tpu.vector_load_idx %arg13[%get3A_810] : memref<10000xf32, #tpu.memory_space<vmem>>[vector<16xi32>], vector<16xf32>,
      %gather3A_820 = tpu.vector_load_idx %arg14[%get3A_810] : memref<10000xf32, #tpu.memory_space<vmem>>[vector<16xi32>], vector<16xf32>,
      tpu.vector_store_idx %arg16[%mul3A_817], %gather3A_818 : memref<1024xf32, #tpu.memory_space<vmem>>[vector<16xi32>], vector<16xf32>,
      %add3A_821 = arith.constant 1 : i32
      %add3A_822 = vector.broadcast %add3A_821 : i32 to vector<16xi32>
      %add3A_823 = arith.addi %mul3A_817, %add3A_822 : vector<16xi32>
      tpu.vector_store_idx %arg16[%add3A_823], %gather3A_819 : memref<1024xf32, #tpu.memory_space<vmem>>[vector<16xi32>], vector<16xf32>,
      %add3A_824 = arith.constant 2 : i32
      %add3A_825 = vector.broadcast %add3A_824 : i32 to vector<16xi32>
      %add3A_826 = arith.addi %mul3A_817, %add3A_825 : vector<16xi32>
      tpu.vector_store_idx %arg16[%add3A_826], %gather3A_820 : memref<1024xf32, #tpu.memory_space<vmem>>[vector<16xi32>], vector<16xf32>,
      %mul3A_827 = arith.constant 2 : i32
      %mul3A_828 = arith.muli %add3A_504, %mul3A_827 : i32
      %add3A_829 = arith.constant 1 : i32
      %add3A_830 = arith.addi %mul3A_828, %add3A_829 : i32
      %get3A_831 = arith.index_cast %add3A_830 : i32 to index
      %get3A_832 = arith.constant 96 : index
      %get3A_833 = tpu.vector_load %arg9[%get3A_831, %get3A_832] {strides = array<i32>} : memref<40x128xi32, #tpu.memory_space<vmem>>, vector<16xi32>,
      %iota3A_834 = tpu.iota {dimensions = array<i32: 0>} : vector<16xi32>
      %add3A_835 = arith.constant 224 : i32
      %add3A_836 = vector.broadcast %add3A_835 : i32 to vector<16xi32>
      %add3A_837 = arith.addi %iota3A_834, %add3A_836 : vector<16xi32>
      %mul3A_838 = arith.constant 4 : i32
      %mul3A_839 = vector.broadcast %mul3A_838 : i32 to vector<16xi32>
      %mul3A_840 = arith.muli %add3A_837, %mul3A_839 : vector<16xi32>
      %gather3A_841 = tpu.vector_load_idx %arg12[%get3A_833] : memref<10000xf32, #tpu.memory_space<vmem>>[vector<16xi32>], vector<16xf32>,
      %gather3A_842 = tpu.vector_load_idx %arg13[%get3A_833] : memref<10000xf32, #tpu.memory_space<vmem>>[vector<16xi32>], vector<16xf32>,
      %gather3A_843 = tpu.vector_load_idx %arg14[%get3A_833] : memref<10000xf32, #tpu.memory_space<vmem>>[vector<16xi32>], vector<16xf32>,
      tpu.vector_store_idx %arg16[%mul3A_840], %gather3A_841 : memref<1024xf32, #tpu.memory_space<vmem>>[vector<16xi32>], vector<16xf32>,
      %add3A_844 = arith.constant 1 : i32
      %add3A_845 = vector.broadcast %add3A_844 : i32 to vector<16xi32>
      %add3A_846 = arith.addi %mul3A_840, %add3A_845 : vector<16xi32>
      tpu.vector_store_idx %arg16[%add3A_846], %gather3A_842 : memref<1024xf32, #tpu.memory_space<vmem>>[vector<16xi32>], vector<16xf32>,
      %add3A_847 = arith.constant 2 : i32
      %add3A_848 = vector.broadcast %add3A_847 : i32 to vector<16xi32>
      %add3A_849 = arith.addi %mul3A_840, %add3A_848 : vector<16xi32>
      tpu.vector_store_idx %arg16[%add3A_849], %gather3A_843 : memref<1024xf32, #tpu.memory_space<vmem>>[vector<16xi32>], vector<16xf32>,
      %mul3A_850 = arith.constant 2 : i32
      %mul3A_851 = arith.muli %add3A_504, %mul3A_850 : i32
      %add3A_852 = arith.constant 1 : i32
      %add3A_853 = arith.addi %mul3A_851, %add3A_852 : i32
      %get3A_854 = arith.index_cast %add3A_853 : i32 to index
      %get3A_855 = arith.constant 112 : index
      %get3A_856 = tpu.vector_load %arg9[%get3A_854, %get3A_855] {strides = array<i32>} : memref<40x128xi32, #tpu.memory_space<vmem>>, vector<16xi32>,
      %iota3A_857 = tpu.iota {dimensions = array<i32: 0>} : vector<16xi32>
      %add3A_858 = arith.constant 240 : i32
      %add3A_859 = vector.broadcast %add3A_858 : i32 to vector<16xi32>
      %add3A_860 = arith.addi %iota3A_857, %add3A_859 : vector<16xi32>
      %mul3A_861 = arith.constant 4 : i32
      %mul3A_862 = vector.broadcast %mul3A_861 : i32 to vector<16xi32>
      %mul3A_863 = arith.muli %add3A_860, %mul3A_862 : vector<16xi32>
      %gather3A_864 = tpu.vector_load_idx %arg12[%get3A_856] : memref<10000xf32, #tpu.memory_space<vmem>>[vector<16xi32>], vector<16xf32>,
      %gather3A_865 = tpu.vector_load_idx %arg13[%get3A_856] : memref<10000xf32, #tpu.memory_space<vmem>>[vector<16xi32>], vector<16xf32>,
      %gather3A_866 = tpu.vector_load_idx %arg14[%get3A_856] : memref<10000xf32, #tpu.memory_space<vmem>>[vector<16xi32>], vector<16xf32>,
      tpu.vector_store_idx %arg16[%mul3A_863], %gather3A_864 : memref<1024xf32, #tpu.memory_space<vmem>>[vector<16xi32>], vector<16xf32>,
      %add3A_867 = arith.constant 1 : i32
      %add3A_868 = vector.broadcast %add3A_867 : i32 to vector<16xi32>
      %add3A_869 = arith.addi %mul3A_863, %add3A_868 : vector<16xi32>
      tpu.vector_store_idx %arg16[%add3A_869], %gather3A_865 : memref<1024xf32, #tpu.memory_space<vmem>>[vector<16xi32>], vector<16xf32>,
      %add3A_870 = arith.constant 2 : i32
      %add3A_871 = vector.broadcast %add3A_870 : i32 to vector<16xi32>
      %add3A_872 = arith.addi %mul3A_863, %add3A_871 : vector<16xi32>
      tpu.vector_store_idx %arg16[%add3A_872], %gather3A_866 : memref<1024xf32, #tpu.memory_space<vmem>>[vector<16xi32>], vector<16xf32>,
      %mul3A_873 = arith.constant 2 : i32
      %mul3A_874 = arith.muli %add3A_504, %mul3A_873 : i32
      %add3A_875 = arith.constant 0 : i32
      %add3A_876 = arith.addi %mul3A_874, %add3A_875 : i32
      %dma_wait3A_877 = arith.constant 0 : i32
      %dma_wait3A_878 = arith.constant 0 : i32
      %dma_wait3A_879 = tpu.memref_slice %arg11[%dma_wait3A_877, %dma_wait3A_878] : memref<256x128xf32, #tpu.memory_space<vmem>> -> memref<128x128xf32, #tpu.memory_space<vmem>>
      %dma_wait3A_880 = arith.constant 0 : i32
      %dma_wait3A_881 = tpu.memref_slice %arg9[%add3A_876, %dma_wait3A_880] : memref<40x128xi32, #tpu.memory_space<vmem>> -> memref<1x128xi32, #tpu.memory_space<vmem>>
      %dma_wait3A_882 = tpu.memref_squeeze %dma_wait3A_881 : memref<1x128xi32, #tpu.memory_space<vmem>> -> memref<128xi32, #tpu.memory_space<vmem>>
      %dma_wait3A_883 = arith.constant 0 : i32
      %dma_wait3A_884 = arith.constant 0 : i32
      %dma_wait3A_885 = tpu.memref_slice %arg2[%dma_wait3A_883, %dma_wait3A_884] : memref<10000x128xf32, #tpu.memory_space<hbm>> -> memref<10000x128xf32, #tpu.memory_space<hbm>>
      tpu.wait_indirect_dma semaphore(%arg18 : memref<!tpu.dma_semaphore, #tpu.memory_space<semaphore_mem>>) src(%dma_wait3A_885 : memref<10000x128xf32, #tpu.memory_space<hbm>>) dst(%dma_wait3A_879 : memref<128x128xf32, #tpu.memory_space<vmem>>)
      %mul3A_886 = arith.constant 2 : i32
      %mul3A_887 = arith.muli %add3A_504, %mul3A_886 : i32
      %add3A_888 = arith.constant 1 : i32
      %add3A_889 = arith.addi %mul3A_887, %add3A_888 : i32
      %dma_wait3A_890 = arith.constant 128 : i32
      %dma_wait3A_891 = arith.constant 0 : i32
      %dma_wait3A_892 = tpu.memref_slice %arg11[%dma_wait3A_890, %dma_wait3A_891] : memref<256x128xf32, #tpu.memory_space<vmem>> -> memref<128x128xf32, #tpu.memory_space<vmem>>
      %dma_wait3A_893 = arith.constant 0 : i32
      %dma_wait3A_894 = tpu.memref_slice %arg9[%add3A_889, %dma_wait3A_893] : memref<40x128xi32, #tpu.memory_space<vmem>> -> memref<1x128xi32, #tpu.memory_space<vmem>>
      %dma_wait3A_895 = tpu.memref_squeeze %dma_wait3A_894 : memref<1x128xi32, #tpu.memory_space<vmem>> -> memref<128xi32, #tpu.memory_space<vmem>>
      %dma_wait3A_896 = arith.constant 0 : i32
      %dma_wait3A_897 = arith.constant 0 : i32
      %dma_wait3A_898 = tpu.memref_slice %arg2[%dma_wait3A_896, %dma_wait3A_897] : memref<10000x128xf32, #tpu.memory_space<hbm>> -> memref<10000x128xf32, #tpu.memory_space<hbm>>
      tpu.wait_indirect_dma semaphore(%arg18 : memref<!tpu.dma_semaphore, #tpu.memory_space<semaphore_mem>>) src(%dma_wait3A_898 : memref<10000x128xf32, #tpu.memory_space<hbm>>) dst(%dma_wait3A_892 : memref<128x128xf32, #tpu.memory_space<vmem>>)
      %mul3A_899 = arith.constant 256 : i32
      %mul3A_900 = arith.muli %add3A_504, %mul3A_899 : i32
      %add3A_901 = arith.addi %mul3A_2, %mul3A_900 : i32
      %multiple_of3A_902 = tpu.assume_multiple %add3A_901, 256 : i32
      %mul3A_903 = arith.constant 4 : i32
      %mul3A_904 = arith.muli %multiple_of3A_902, %mul3A_903 : i32
      %dma_start3A_905 = arith.constant 0 : i32
      %dma_start3A_906 = tpu.memref_slice %arg7[%multiple_of3A_902, %dma_start3A_905] : memref<163840x128xf32, #tpu.memory_space<hbm>> -> memref<256x128xf32, #tpu.memory_space<hbm>>
      %dma_start3A_907 = arith.constant 0 : i32
      %dma_start3A_908 = tpu.memref_slice %arg7[%multiple_of3A_902, %dma_start3A_907] : memref<163840x128xf32, #tpu.memory_space<hbm>> -> memref<256x128xf32, #tpu.memory_space<hbm>>
      tpu.enqueue_dma source(%arg11 : memref<256x128xf32, #tpu.memory_space<vmem>>) target(%dma_start3A_908 : memref<256x128xf32, #tpu.memory_space<hbm>>) target_semaphore(%arg20 : memref<!tpu.dma_semaphore, #tpu.memory_space<semaphore_mem>>)
      %dma_start3A_909 = tpu.memref_slice %arg8[%mul3A_904] : memref<655360xf32, #tpu.memory_space<hbm>> -> memref<1024xf32, #tpu.memory_space<hbm>>
      %dma_start3A_910 = tpu.memref_slice %arg8[%mul3A_904] : memref<655360xf32, #tpu.memory_space<hbm>> -> memref<1024xf32, #tpu.memory_space<hbm>>
      tpu.enqueue_dma source(%arg16 : memref<1024xf32, #tpu.memory_space<vmem>>) target(%dma_start3A_910 : memref<1024xf32, #tpu.memory_space<hbm>>) target_semaphore(%arg20 : memref<!tpu.dma_semaphore, #tpu.memory_space<semaphore_mem>>)
    }
    %scan3A_6 = arith.constant 10 : i32
    %add3A_7 = arith.constant 4608 : i32
    %add3A_8 = arith.addi %mul3A_2, %add3A_7 : i32
    %multiple_of3A = tpu.assume_multiple %add3A_8, 256 : i32
    %mul3A_9 = arith.constant 4 : i32
    %mul3A_10 = arith.muli %multiple_of3A, %mul3A_9 : i32
    %dma_wait3A = arith.constant 0 : i32
    %dma_wait3A_11 = tpu.memref_slice %arg7[%multiple_of3A, %dma_wait3A] : memref<163840x128xf32, #tpu.memory_space<hbm>> -> memref<256x128xf32, #tpu.memory_space<hbm>>
    %dma_wait3A_12 = arith.constant 0 : i32
    %dma_wait3A_13 = tpu.memref_slice %arg7[%multiple_of3A, %dma_wait3A_12] : memref<163840x128xf32, #tpu.memory_space<hbm>> -> memref<256x128xf32, #tpu.memory_space<hbm>>
    tpu.wait_dma2 semaphore(%arg19 : memref<!tpu.dma_semaphore, #tpu.memory_space<semaphore_mem>>) src(%arg10 : memref<256x128xf32, #tpu.memory_space<vmem>>) dst(%dma_wait3A_13 : memref<256x128xf32, #tpu.memory_space<hbm>>)
    %dma_wait3A_14 = tpu.memref_slice %arg8[%mul3A_10] : memref<655360xf32, #tpu.memory_space<hbm>> -> memref<1024xf32, #tpu.memory_space<hbm>>
    %dma_wait3A_15 = tpu.memref_slice %arg8[%mul3A_10] : memref<655360xf32, #tpu.memory_space<hbm>> -> memref<1024xf32, #tpu.memory_space<hbm>>
    tpu.wait_dma2 semaphore(%arg19 : memref<!tpu.dma_semaphore, #tpu.memory_space<semaphore_mem>>) src(%arg15 : memref<1024xf32, #tpu.memory_space<vmem>>) dst(%dma_wait3A_15 : memref<1024xf32, #tpu.memory_space<hbm>>)
    %add3A_16 = arith.constant 4864 : i32
    %add3A_17 = arith.addi %mul3A_2, %add3A_16 : i32
    %multiple_of3A_18 = tpu.assume_multiple %add3A_17, 256 : i32
    %mul3A_19 = arith.constant 4 : i32
    %mul3A_20 = arith.muli %multiple_of3A_18, %mul3A_19 : i32
    %dma_wait3A_21 = arith.constant 0 : i32
    %dma_wait3A_22 = tpu.memref_slice %arg7[%multiple_of3A_18, %dma_wait3A_21] : memref<163840x128xf32, #tpu.memory_space<hbm>> -> memref<256x128xf32, #tpu.memory_space<hbm>>
    %dma_wait3A_23 = arith.constant 0 : i32
    %dma_wait3A_24 = tpu.memref_slice %arg7[%multiple_of3A_18, %dma_wait3A_23] : memref<163840x128xf32, #tpu.memory_space<hbm>> -> memref<256x128xf32, #tpu.memory_space<hbm>>
    tpu.wait_dma2 semaphore(%arg20 : memref<!tpu.dma_semaphore, #tpu.memory_space<semaphore_mem>>) src(%arg11 : memref<256x128xf32, #tpu.memory_space<vmem>>) dst(%dma_wait3A_24 : memref<256x128xf32, #tpu.memory_space<hbm>>)
    %dma_wait3A_25 = tpu.memref_slice %arg8[%mul3A_20] : memref<655360xf32, #tpu.memory_space<hbm>> -> memref<1024xf32, #tpu.memory_space<hbm>>
    %dma_wait3A_26 = tpu.memref_slice %arg8[%mul3A_20] : memref<655360xf32, #tpu.memory_space<hbm>> -> memref<1024xf32, #tpu.memory_space<hbm>>
    tpu.wait_dma2 semaphore(%arg20 : memref<!tpu.dma_semaphore, #tpu.memory_space<semaphore_mem>>) src(%arg16 : memref<1024xf32, #tpu.memory_space<vmem>>) dst(%dma_wait3A_26 : memref<1024xf32, #tpu.memory_space<hbm>>)
    return
  }
}

#map = affine_map<(d0, d1) -> (0, 0)>
#map1 = affine_map<(d0, d1) -> (0)>
#map2 = affine_map<(d0, d1) -> (0, 0, 0)>
module attributes {stable_mosaic.version = 14 : i64} {
  func.func @gk(%arg0: i32, %arg1: i32, %arg2: memref<10000x128xf32, #tpu.memory_space<hbm>>, %arg3: memref<10000xf32, #tpu.memory_space<hbm>>, %arg4: memref<10000xf32, #tpu.memory_space<hbm>>, %arg5: memref<10000xf32, #tpu.memory_space<hbm>>, %arg6: memref<32x40x128xi32, #tpu.memory_space<hbm>>, %arg7: memref<163840x128xf32, #tpu.memory_space<hbm>>, %arg8: memref<655360xf32, #tpu.memory_space<hbm>>, %arg9: memref<40x128xi32, #tpu.memory_space<vmem>>, %arg10: memref<256x128xf32, #tpu.memory_space<vmem>>, %arg11: memref<256x128xf32, #tpu.memory_space<vmem>>, %arg12: memref<10000xf32, #tpu.memory_space<vmem>>, %arg13: memref<10000xf32, #tpu.memory_space<vmem>>, %arg14: memref<10000xf32, #tpu.memory_space<vmem>>, %arg15: memref<1024xf32, #tpu.memory_space<vmem>>, %arg16: memref<1024xf32, #tpu.memory_space<vmem>>, %arg17: memref<!tpu.dma_semaphore, #tpu.memory_space<semaphore_mem>>, %arg18: memref<!tpu.dma_semaphore, #tpu.memory_space<semaphore_mem>>, %arg19: memref<!tpu.dma_semaphore, #tpu.memory_space<semaphore_mem>>, %arg20: memref<!tpu.dma_semaphore, #tpu.memory_space<semaphore_mem>>) attributes {dimension_semantics = [#tpu.dimension_semantics<core_parallel>, #tpu.dimension_semantics<subcore_parallel>], iteration_bounds = array<i64: 2, 16>, scalar_prefetch = 0 : i64, scratch_operands = 12 : i64, tpu.core_type = #tpu.core_type<sc_vector_subcore>, window_params = [{transform_indices = #map}, {transform_indices = #map1}, {transform_indices = #map1}, {transform_indices = #map1}, {transform_indices = #map2}, {transform_indices = #map}, {transform_indices = #map1}]} {
    %mul3A = arith.constant 2 : i32
    %mul3A_0 = arith.muli %arg1, %mul3A : i32
    %add3A = arith.addi %mul3A_0, %arg0 : i32
    "tpu.region"() ({
      %run_scoped3A = tpu.sem_alloc : memref<!tpu.dma_semaphore, #tpu.memory_space<semaphore_mem>>
      %dma_start3A = arith.constant 0 : i32
      %dma_start3A_27 = arith.constant 0 : i32
      %dma_start3A_28 = tpu.memref_slice %arg6[%add3A, %dma_start3A, %dma_start3A_27] : memref<32x40x128xi32, #tpu.memory_space<hbm>> -> memref<1x40x128xi32, #tpu.memory_space<hbm>>
      %dma_start3A_29 = tpu.memref_squeeze %dma_start3A_28 : memref<1x40x128xi32, #tpu.memory_space<hbm>> -> memref<40x128xi32, #tpu.memory_space<hbm>>
      %dma_start3A_30 = arith.constant 0 : i32
      %dma_start3A_31 = arith.constant 0 : i32
      %dma_start3A_32 = tpu.memref_slice %arg6[%add3A, %dma_start3A_30, %dma_start3A_31] : memref<32x40x128xi32, #tpu.memory_space<hbm>> -> memref<1x40x128xi32, #tpu.memory_space<hbm>>
      %dma_start3A_33 = tpu.memref_squeeze %dma_start3A_32 : memref<1x40x128xi32, #tpu.memory_space<hbm>> -> memref<40x128xi32, #tpu.memory_space<hbm>>
      tpu.enqueue_dma source(%dma_start3A_33 : memref<40x128xi32, #tpu.memory_space<hbm>>) target(%arg9 : memref<40x128xi32, #tpu.memory_space<vmem>>) target_semaphore(%run_scoped3A : memref<!tpu.dma_semaphore, #tpu.memory_space<semaphore_mem>>)
      %dma_wait3A_34 = arith.constant 0 : i32
      %dma_wait3A_35 = arith.constant 0 : i32
      %dma_wait3A_36 = tpu.memref_slice %arg6[%add3A, %dma_wait3A_34, %dma_wait3A_35] : memref<32x40x128xi32, #tpu.memory_space<hbm>> -> memref<1x40x128xi32, #tpu.memory_space<hbm>>
      %dma_wait3A_37 = tpu.memref_squeeze %dma_wait3A_36 : memref<1x40x128xi32, #tpu.memory_space<hbm>> -> memref<40x128xi32, #tpu.memory_space<hbm>>
      %dma_wait3A_38 = arith.constant 0 : i32
      %dma_wait3A_39 = arith.constant 0 : i32
      %dma_wait3A_40 = tpu.memref_slice %arg6[%add3A, %dma_wait3A_38, %dma_wait3A_39] : memref<32x40x128xi32, #tpu.memory_space<hbm>> -> memref<1x40x128xi32, #tpu.memory_space<hbm>>
      %dma_wait3A_41 = tpu.memref_squeeze %dma_wait3A_40 : memref<1x40x128xi32, #tpu.memory_space<hbm>> -> memref<40x128xi32, #tpu.memory_space<hbm>>
      tpu.wait_dma2 semaphore(%run_scoped3A : memref<!tpu.dma_semaphore, #tpu.memory_space<semaphore_mem>>) src(%dma_wait3A_41 : memref<40x128xi32, #tpu.memory_space<hbm>>) dst(%arg9 : memref<40x128xi32, #tpu.memory_space<vmem>>)
      tpu.yield
    }) : () -> ()
    "tpu.region"() ({
      %run_scoped3A = tpu.sem_alloc : memref<!tpu.dma_semaphore, #tpu.memory_space<semaphore_mem>>
      tpu.enqueue_dma source(%arg3 : memref<10000xf32, #tpu.memory_space<hbm>>) target(%arg12 : memref<10000xf32, #tpu.memory_space<vmem>>) target_semaphore(%run_scoped3A : memref<!tpu.dma_semaphore, #tpu.memory_space<semaphore_mem>>)
      tpu.wait_dma2 semaphore(%run_scoped3A : memref<!tpu.dma_semaphore, #tpu.memory_space<semaphore_mem>>) src(%arg3 : memref<10000xf32, #tpu.memory_space<hbm>>) dst(%arg12 : memref<10000xf32, #tpu.memory_space<vmem>>)
      tpu.yield
    }) : () -> ()
    "tpu.region"() ({
      %run_scoped3A = tpu.sem_alloc : memref<!tpu.dma_semaphore, #tpu.memory_space<semaphore_mem>>
      tpu.enqueue_dma source(%arg4 : memref<10000xf32, #tpu.memory_space<hbm>>) target(%arg13 : memref<10000xf32, #tpu.memory_space<vmem>>) target_semaphore(%run_scoped3A : memref<!tpu.dma_semaphore, #tpu.memory_space<semaphore_mem>>)
      tpu.wait_dma2 semaphore(%run_scoped3A : memref<!tpu.dma_semaphore, #tpu.memory_space<semaphore_mem>>) src(%arg4 : memref<10000xf32, #tpu.memory_space<hbm>>) dst(%arg13 : memref<10000xf32, #tpu.memory_space<vmem>>)
      tpu.yield
    }) : () -> ()
    "tpu.region"() ({
      %run_scoped3A = tpu.sem_alloc : memref<!tpu.dma_semaphore, #tpu.memory_space<semaphore_mem>>
      tpu.enqueue_dma source(%arg5 : memref<10000xf32, #tpu.memory_space<hbm>>) target(%arg14 : memref<10000xf32, #tpu.memory_space<vmem>>) target_semaphore(%run_scoped3A : memref<!tpu.dma_semaphore, #tpu.memory_space<semaphore_mem>>)
      tpu.wait_dma2 semaphore(%run_scoped3A : memref<!tpu.dma_semaphore, #tpu.memory_space<semaphore_mem>>) src(%arg5 : memref<10000xf32, #tpu.memory_space<hbm>>) dst(%arg14 : memref<10000xf32, #tpu.memory_space<vmem>>)
      tpu.yield
    }) : () -> ()
    %mul3A_1 = arith.constant 5120 : i32
    %mul3A_2 = arith.muli %add3A, %mul3A_1 : i32
    %scan3A = arith.constant 0 : i32
    %scan3A_3 = arith.constant 10 : i32
    %scan3A_4 = arith.addi %scan3A, %scan3A_3 : i32
    %scan3A_5 = arith.constant 1 : i32
    scf.for %scan3A_27 = %scan3A to %scan3A_4 step %scan3A_5  : i32 {
      %mul3A_28 = arith.constant 2 : i32
      %mul3A_29 = arith.muli %scan3A_27, %mul3A_28 : i32
      %add3A_30 = arith.constant 0 : i32
      %add3A_31 = arith.addi %mul3A_29, %add3A_30 : i32
      %gt3A = arith.constant 0 : i32
      %gt3A_32 = arith.cmpi sgt, %scan3A_27, %gt3A : i32
      %convert_element_type3A = arith.extui %gt3A_32 : i1 to i32
      %cond3A = arith.constant 0 : i32
      %cond3A_33 = arith.cmpi ne, %convert_element_type3A, %cond3A : i32
      scf.if %cond3A_33 {
        %sub3A = arith.constant 2 : i32
        %sub3A_911 = arith.subi %add3A_31, %sub3A : i32
        %mul3A_912 = arith.constant 256 : i32
        %mul3A_913 = arith.muli %sub3A_911, %mul3A_912 : i32
        %add3A_914 = arith.addi %mul3A_2, %mul3A_913 : i32
        %multiple_of3A_915 = tpu.assume_multiple %add3A_914, 256 : i32
        %mul3A_916 = arith.constant 4 : i32
        %mul3A_917 = arith.muli %multiple_of3A_915, %mul3A_916 : i32
        %dma_wait3A_918 = arith.constant 0 : i32
        %dma_wait3A_919 = tpu.memref_slice %arg7[%multiple_of3A_915, %dma_wait3A_918] : memref<163840x128xf32, #tpu.memory_space<hbm>> -> memref<256x128xf32, #tpu.memory_space<hbm>>
        %dma_wait3A_920 = arith.constant 0 : i32
        %dma_wait3A_921 = tpu.memref_slice %arg7[%multiple_of3A_915, %dma_wait3A_920] : memref<163840x128xf32, #tpu.memory_space<hbm>> -> memref<256x128xf32, #tpu.memory_space<hbm>>
        tpu.wait_dma2 semaphore(%arg19 : memref<!tpu.dma_semaphore, #tpu.memory_space<semaphore_mem>>) src(%arg10 : memref<256x128xf32, #tpu.memory_space<vmem>>) dst(%dma_wait3A_921 : memref<256x128xf32, #tpu.memory_space<hbm>>)
        %dma_wait3A_922 = tpu.memref_slice %arg8[%mul3A_917] : memref<655360xf32, #tpu.memory_space<hbm>> -> memref<1024xf32, #tpu.memory_space<hbm>>
        %dma_wait3A_923 = tpu.memref_slice %arg8[%mul3A_917] : memref<655360xf32, #tpu.memory_space<hbm>> -> memref<1024xf32, #tpu.memory_space<hbm>>
        tpu.wait_dma2 semaphore(%arg19 : memref<!tpu.dma_semaphore, #tpu.memory_space<semaphore_mem>>) src(%arg15 : memref<1024xf32, #tpu.memory_space<vmem>>) dst(%dma_wait3A_923 : memref<1024xf32, #tpu.memory_space<hbm>>)
      } else {
      }
      %mul3A_34 = arith.constant 2 : i32
      %mul3A_35 = arith.muli %add3A_31, %mul3A_34 : i32
      %add3A_36 = arith.constant 0 : i32
      %add3A_37 = arith.addi %mul3A_35, %add3A_36 : i32
      %dma_start3A = arith.constant 0 : i32
      %dma_start3A_38 = arith.constant 0 : i32
      %dma_start3A_39 = tpu.memref_slice %arg10[%dma_start3A, %dma_start3A_38] : memref<256x128xf32, #tpu.memory_space<vmem>> -> memref<128x128xf32, #tpu.memory_space<vmem>>
      %dma_start3A_40 = arith.constant 0 : i32
      %dma_start3A_41 = tpu.memref_slice %arg9[%add3A_37, %dma_start3A_40] : memref<40x128xi32, #tpu.memory_space<vmem>> -> memref<1x128xi32, #tpu.memory_space<vmem>>
      %dma_start3A_42 = tpu.memref_squeeze %dma_start3A_41 : memref<1x128xi32, #tpu.memory_space<vmem>> -> memref<128xi32, #tpu.memory_space<vmem>>
      %dma_start3A_43 = arith.constant 0 : i32
      %dma_start3A_44 = arith.constant 0 : i32
      %dma_start3A_45 = tpu.memref_slice %arg2[%dma_start3A_43, %dma_start3A_44] : memref<10000x128xf32, #tpu.memory_space<hbm>> -> memref<10000x128xf32, #tpu.memory_space<hbm>>
      tpu.enqueue_indirect_dma source(%dma_start3A_45 : memref<10000x128xf32, #tpu.memory_space<hbm>>) target(%dma_start3A_39 : memref<128x128xf32, #tpu.memory_space<vmem>>) offsets(%dma_start3A_42 : memref<128xi32, #tpu.memory_space<vmem>>) semaphore(%arg17 : memref<!tpu.dma_semaphore, #tpu.memory_space<semaphore_mem>>)
      %mul3A_46 = arith.constant 2 : i32
      %mul3A_47 = arith.muli %add3A_31, %mul3A_46 : i32
      %add3A_48 = arith.constant 1 : i32
      %add3A_49 = arith.addi %mul3A_47, %add3A_48 : i32
      %dma_start3A_50 = arith.constant 128 : i32
      %dma_start3A_51 = arith.constant 0 : i32
      %dma_start3A_52 = tpu.memref_slice %arg10[%dma_start3A_50, %dma_start3A_51] : memref<256x128xf32, #tpu.memory_space<vmem>> -> memref<128x128xf32, #tpu.memory_space<vmem>>
      %dma_start3A_53 = arith.constant 0 : i32
      %dma_start3A_54 = tpu.memref_slice %arg9[%add3A_49, %dma_start3A_53] : memref<40x128xi32, #tpu.memory_space<vmem>> -> memref<1x128xi32, #tpu.memory_space<vmem>>
      %dma_start3A_55 = tpu.memref_squeeze %dma_start3A_54 : memref<1x128xi32, #tpu.memory_space<vmem>> -> memref<128xi32, #tpu.memory_space<vmem>>
      %dma_start3A_56 = arith.constant 0 : i32
      %dma_start3A_57 = arith.constant 0 : i32
      %dma_start3A_58 = tpu.memref_slice %arg2[%dma_start3A_56, %dma_start3A_57] : memref<10000x128xf32, #tpu.memory_space<hbm>> -> memref<10000x128xf32, #tpu.memory_space<hbm>>
      tpu.enqueue_indirect_dma source(%dma_start3A_58 : memref<10000x128xf32, #tpu.memory_space<hbm>>) target(%dma_start3A_52 : memref<128x128xf32, #tpu.memory_space<vmem>>) offsets(%dma_start3A_55 : memref<128xi32, #tpu.memory_space<vmem>>) semaphore(%arg17 : memref<!tpu.dma_semaphore, #tpu.memory_space<semaphore_mem>>)
      %mul3A_59 = arith.constant 2 : i32
      %mul3A_60 = arith.muli %scan3A_27, %mul3A_59 : i32
      %add3A_61 = arith.constant 1 : i32
      %add3A_62 = arith.addi %mul3A_60, %add3A_61 : i32
      %gt3A_63 = arith.constant 0 : i32
      %gt3A_64 = arith.cmpi sgt, %scan3A_27, %gt3A_63 : i32
      %convert_element_type3A_65 = arith.extui %gt3A_64 : i1 to i32
      %cond3A_66 = arith.constant 0 : i32
      %cond3A_67 = arith.cmpi ne, %convert_element_type3A_65, %cond3A_66 : i32
      scf.if %cond3A_67 {
        %sub3A = arith.constant 2 : i32
        %sub3A_911 = arith.subi %add3A_62, %sub3A : i32
        %mul3A_912 = arith.constant 256 : i32
        %mul3A_913 = arith.muli %sub3A_911, %mul3A_912 : i32
        %add3A_914 = arith.addi %mul3A_2, %mul3A_913 : i32
        %multiple_of3A_915 = tpu.assume_multiple %add3A_914, 256 : i32
        %mul3A_916 = arith.constant 4 : i32
        %mul3A_917 = arith.muli %multiple_of3A_915, %mul3A_916 : i32
        %dma_wait3A_918 = arith.constant 0 : i32
        %dma_wait3A_919 = tpu.memref_slice %arg7[%multiple_of3A_915, %dma_wait3A_918] : memref<163840x128xf32, #tpu.memory_space<hbm>> -> memref<256x128xf32, #tpu.memory_space<hbm>>
        %dma_wait3A_920 = arith.constant 0 : i32
        %dma_wait3A_921 = tpu.memref_slice %arg7[%multiple_of3A_915, %dma_wait3A_920] : memref<163840x128xf32, #tpu.memory_space<hbm>> -> memref<256x128xf32, #tpu.memory_space<hbm>>
        tpu.wait_dma2 semaphore(%arg20 : memref<!tpu.dma_semaphore, #tpu.memory_space<semaphore_mem>>) src(%arg11 : memref<256x128xf32, #tpu.memory_space<vmem>>) dst(%dma_wait3A_921 : memref<256x128xf32, #tpu.memory_space<hbm>>)
        %dma_wait3A_922 = tpu.memref_slice %arg8[%mul3A_917] : memref<655360xf32, #tpu.memory_space<hbm>> -> memref<1024xf32, #tpu.memory_space<hbm>>
        %dma_wait3A_923 = tpu.memref_slice %arg8[%mul3A_917] : memref<655360xf32, #tpu.memory_space<hbm>> -> memref<1024xf32, #tpu.memory_space<hbm>>
        tpu.wait_dma2 semaphore(%arg20 : memref<!tpu.dma_semaphore, #tpu.memory_space<semaphore_mem>>) src(%arg16 : memref<1024xf32, #tpu.memory_space<vmem>>) dst(%dma_wait3A_923 : memref<1024xf32, #tpu.memory_space<hbm>>)
      } else {
      }
      %mul3A_68 = arith.constant 2 : i32
      %mul3A_69 = arith.muli %add3A_62, %mul3A_68 : i32
      %add3A_70 = arith.constant 0 : i32
      %add3A_71 = arith.addi %mul3A_69, %add3A_70 : i32
      %dma_start3A_72 = arith.constant 0 : i32
      %dma_start3A_73 = arith.constant 0 : i32
      %dma_start3A_74 = tpu.memref_slice %arg11[%dma_start3A_72, %dma_start3A_73] : memref<256x128xf32, #tpu.memory_space<vmem>> -> memref<128x128xf32, #tpu.memory_space<vmem>>
      %dma_start3A_75 = arith.constant 0 : i32
      %dma_start3A_76 = tpu.memref_slice %arg9[%add3A_71, %dma_start3A_75] : memref<40x128xi32, #tpu.memory_space<vmem>> -> memref<1x128xi32, #tpu.memory_space<vmem>>
      %dma_start3A_77 = tpu.memref_squeeze %dma_start3A_76 : memref<1x128xi32, #tpu.memory_space<vmem>> -> memref<128xi32, #tpu.memory_space<vmem>>
      %dma_start3A_78 = arith.constant 0 : i32
      %dma_start3A_79 = arith.constant 0 : i32
      %dma_start3A_80 = tpu.memref_slice %arg2[%dma_start3A_78, %dma_start3A_79] : memref<10000x128xf32, #tpu.memory_space<hbm>> -> memref<10000x128xf32, #tpu.memory_space<hbm>>
      tpu.enqueue_indirect_dma source(%dma_start3A_80 : memref<10000x128xf32, #tpu.memory_space<hbm>>) target(%dma_start3A_74 : memref<128x128xf32, #tpu.memory_space<vmem>>) offsets(%dma_start3A_77 : memref<128xi32, #tpu.memory_space<vmem>>) semaphore(%arg18 : memref<!tpu.dma_semaphore, #tpu.memory_space<semaphore_mem>>)
      %mul3A_81 = arith.constant 2 : i32
      %mul3A_82 = arith.muli %add3A_62, %mul3A_81 : i32
      %add3A_83 = arith.constant 1 : i32
      %add3A_84 = arith.addi %mul3A_82, %add3A_83 : i32
      %dma_start3A_85 = arith.constant 128 : i32
      %dma_start3A_86 = arith.constant 0 : i32
      %dma_start3A_87 = tpu.memref_slice %arg11[%dma_start3A_85, %dma_start3A_86] : memref<256x128xf32, #tpu.memory_space<vmem>> -> memref<128x128xf32, #tpu.memory_space<vmem>>
      %dma_start3A_88 = arith.constant 0 : i32
      %dma_start3A_89 = tpu.memref_slice %arg9[%add3A_84, %dma_start3A_88] : memref<40x128xi32, #tpu.memory_space<vmem>> -> memref<1x128xi32, #tpu.memory_space<vmem>>
      %dma_start3A_90 = tpu.memref_squeeze %dma_start3A_89 : memref<1x128xi32, #tpu.memory_space<vmem>> -> memref<128xi32, #tpu.memory_space<vmem>>
      %dma_start3A_91 = arith.constant 0 : i32
      %dma_start3A_92 = arith.constant 0 : i32
      %dma_start3A_93 = tpu.memref_slice %arg2[%dma_start3A_91, %dma_start3A_92] : memref<10000x128xf32, #tpu.memory_space<hbm>> -> memref<10000x128xf32, #tpu.memory_space<hbm>>
      tpu.enqueue_indirect_dma source(%dma_start3A_93 : memref<10000x128xf32, #tpu.memory_space<hbm>>) target(%dma_start3A_87 : memref<128x128xf32, #tpu.memory_space<vmem>>) offsets(%dma_start3A_90 : memref<128xi32, #tpu.memory_space<vmem>>) semaphore(%arg18 : memref<!tpu.dma_semaphore, #tpu.memory_space<semaphore_mem>>)
      %mul3A_94 = arith.constant 2 : i32
      %mul3A_95 = arith.muli %scan3A_27, %mul3A_94 : i32
      %add3A_96 = arith.constant 0 : i32
      %add3A_97 = arith.addi %mul3A_95, %add3A_96 : i32
      %mul3A_98 = arith.constant 2 : i32
      %mul3A_99 = arith.muli %add3A_97, %mul3A_98 : i32
      %add3A_100 = arith.constant 0 : i32
      %add3A_101 = arith.addi %mul3A_99, %add3A_100 : i32
      %get3A = arith.index_cast %add3A_101 : i32 to index
      %get3A_102 = arith.constant 0 : index
      %get3A_103 = tpu.vector_load %arg9[%get3A, %get3A_102] {strides = array<i32>} : memref<40x128xi32, #tpu.memory_space<vmem>>, vector<16xi32>,
      %iota3A = tpu.iota {dimensions = array<i32: 0>} : vector<16xi32>
      %add3A_104 = arith.constant 0 : i32
      %add3A_105 = vector.broadcast %add3A_104 : i32 to vector<16xi32>
      %add3A_106 = arith.addi %iota3A, %add3A_105 : vector<16xi32>
      %mul3A_107 = arith.constant 4 : i32
      %mul3A_108 = vector.broadcast %mul3A_107 : i32 to vector<16xi32>
      %mul3A_109 = arith.muli %add3A_106, %mul3A_108 : vector<16xi32>
      %gather3A = tpu.vector_load_idx %arg12[%get3A_103] : memref<10000xf32, #tpu.memory_space<vmem>>[vector<16xi32>], vector<16xf32>,
      %gather3A_110 = tpu.vector_load_idx %arg13[%get3A_103] : memref<10000xf32, #tpu.memory_space<vmem>>[vector<16xi32>], vector<16xf32>,
      %gather3A_111 = tpu.vector_load_idx %arg14[%get3A_103] : memref<10000xf32, #tpu.memory_space<vmem>>[vector<16xi32>], vector<16xf32>,
      tpu.vector_store_idx %arg15[%mul3A_109], %gather3A : memref<1024xf32, #tpu.memory_space<vmem>>[vector<16xi32>], vector<16xf32>,
      %add3A_112 = arith.constant 1 : i32
      %add3A_113 = vector.broadcast %add3A_112 : i32 to vector<16xi32>
      %add3A_114 = arith.addi %mul3A_109, %add3A_113 : vector<16xi32>
      tpu.vector_store_idx %arg15[%add3A_114], %gather3A_110 : memref<1024xf32, #tpu.memory_space<vmem>>[vector<16xi32>], vector<16xf32>,
      %add3A_115 = arith.constant 2 : i32
      %add3A_116 = vector.broadcast %add3A_115 : i32 to vector<16xi32>
      %add3A_117 = arith.addi %mul3A_109, %add3A_116 : vector<16xi32>
      tpu.vector_store_idx %arg15[%add3A_117], %gather3A_111 : memref<1024xf32, #tpu.memory_space<vmem>>[vector<16xi32>], vector<16xf32>,
      %mul3A_118 = arith.constant 2 : i32
      %mul3A_119 = arith.muli %add3A_97, %mul3A_118 : i32
      %add3A_120 = arith.constant 0 : i32
      %add3A_121 = arith.addi %mul3A_119, %add3A_120 : i32
      %get3A_122 = arith.index_cast %add3A_121 : i32 to index
      %get3A_123 = arith.constant 16 : index
      %get3A_124 = tpu.vector_load %arg9[%get3A_122, %get3A_123] {strides = array<i32>} : memref<40x128xi32, #tpu.memory_space<vmem>>, vector<16xi32>,
      %iota3A_125 = tpu.iota {dimensions = array<i32: 0>} : vector<16xi32>
      %add3A_126 = arith.constant 16 : i32
      %add3A_127 = vector.broadcast %add3A_126 : i32 to vector<16xi32>
      %add3A_128 = arith.addi %iota3A_125, %add3A_127 : vector<16xi32>
      %mul3A_129 = arith.constant 4 : i32
      %mul3A_130 = vector.broadcast %mul3A_129 : i32 to vector<16xi32>
      %mul3A_131 = arith.muli %add3A_128, %mul3A_130 : vector<16xi32>
      %gather3A_132 = tpu.vector_load_idx %arg12[%get3A_124] : memref<10000xf32, #tpu.memory_space<vmem>>[vector<16xi32>], vector<16xf32>,
      %gather3A_133 = tpu.vector_load_idx %arg13[%get3A_124] : memref<10000xf32, #tpu.memory_space<vmem>>[vector<16xi32>], vector<16xf32>,
      %gather3A_134 = tpu.vector_load_idx %arg14[%get3A_124] : memref<10000xf32, #tpu.memory_space<vmem>>[vector<16xi32>], vector<16xf32>,
      tpu.vector_store_idx %arg15[%mul3A_131], %gather3A_132 : memref<1024xf32, #tpu.memory_space<vmem>>[vector<16xi32>], vector<16xf32>,
      %add3A_135 = arith.constant 1 : i32
      %add3A_136 = vector.broadcast %add3A_135 : i32 to vector<16xi32>
      %add3A_137 = arith.addi %mul3A_131, %add3A_136 : vector<16xi32>
      tpu.vector_store_idx %arg15[%add3A_137], %gather3A_133 : memref<1024xf32, #tpu.memory_space<vmem>>[vector<16xi32>], vector<16xf32>,
      %add3A_138 = arith.constant 2 : i32
      %add3A_139 = vector.broadcast %add3A_138 : i32 to vector<16xi32>
      %add3A_140 = arith.addi %mul3A_131, %add3A_139 : vector<16xi32>
      tpu.vector_store_idx %arg15[%add3A_140], %gather3A_134 : memref<1024xf32, #tpu.memory_space<vmem>>[vector<16xi32>], vector<16xf32>,
      %mul3A_141 = arith.constant 2 : i32
      %mul3A_142 = arith.muli %add3A_97, %mul3A_141 : i32
      %add3A_143 = arith.constant 0 : i32
      %add3A_144 = arith.addi %mul3A_142, %add3A_143 : i32
      %get3A_145 = arith.index_cast %add3A_144 : i32 to index
      %get3A_146 = arith.constant 32 : index
      %get3A_147 = tpu.vector_load %arg9[%get3A_145, %get3A_146] {strides = array<i32>} : memref<40x128xi32, #tpu.memory_space<vmem>>, vector<16xi32>,
      %iota3A_148 = tpu.iota {dimensions = array<i32: 0>} : vector<16xi32>
      %add3A_149 = arith.constant 32 : i32
      %add3A_150 = vector.broadcast %add3A_149 : i32 to vector<16xi32>
      %add3A_151 = arith.addi %iota3A_148, %add3A_150 : vector<16xi32>
      %mul3A_152 = arith.constant 4 : i32
      %mul3A_153 = vector.broadcast %mul3A_152 : i32 to vector<16xi32>
      %mul3A_154 = arith.muli %add3A_151, %mul3A_153 : vector<16xi32>
      %gather3A_155 = tpu.vector_load_idx %arg12[%get3A_147] : memref<10000xf32, #tpu.memory_space<vmem>>[vector<16xi32>], vector<16xf32>,
      %gather3A_156 = tpu.vector_load_idx %arg13[%get3A_147] : memref<10000xf32, #tpu.memory_space<vmem>>[vector<16xi32>], vector<16xf32>,
      %gather3A_157 = tpu.vector_load_idx %arg14[%get3A_147] : memref<10000xf32, #tpu.memory_space<vmem>>[vector<16xi32>], vector<16xf32>,
      tpu.vector_store_idx %arg15[%mul3A_154], %gather3A_155 : memref<1024xf32, #tpu.memory_space<vmem>>[vector<16xi32>], vector<16xf32>,
      %add3A_158 = arith.constant 1 : i32
      %add3A_159 = vector.broadcast %add3A_158 : i32 to vector<16xi32>
      %add3A_160 = arith.addi %mul3A_154, %add3A_159 : vector<16xi32>
      tpu.vector_store_idx %arg15[%add3A_160], %gather3A_156 : memref<1024xf32, #tpu.memory_space<vmem>>[vector<16xi32>], vector<16xf32>,
      %add3A_161 = arith.constant 2 : i32
      %add3A_162 = vector.broadcast %add3A_161 : i32 to vector<16xi32>
      %add3A_163 = arith.addi %mul3A_154, %add3A_162 : vector<16xi32>
      tpu.vector_store_idx %arg15[%add3A_163], %gather3A_157 : memref<1024xf32, #tpu.memory_space<vmem>>[vector<16xi32>], vector<16xf32>,
      %mul3A_164 = arith.constant 2 : i32
      %mul3A_165 = arith.muli %add3A_97, %mul3A_164 : i32
      %add3A_166 = arith.constant 0 : i32
      %add3A_167 = arith.addi %mul3A_165, %add3A_166 : i32
      %get3A_168 = arith.index_cast %add3A_167 : i32 to index
      %get3A_169 = arith.constant 48 : index
      %get3A_170 = tpu.vector_load %arg9[%get3A_168, %get3A_169] {strides = array<i32>} : memref<40x128xi32, #tpu.memory_space<vmem>>, vector<16xi32>,
      %iota3A_171 = tpu.iota {dimensions = array<i32: 0>} : vector<16xi32>
      %add3A_172 = arith.constant 48 : i32
      %add3A_173 = vector.broadcast %add3A_172 : i32 to vector<16xi32>
      %add3A_174 = arith.addi %iota3A_171, %add3A_173 : vector<16xi32>
      %mul3A_175 = arith.constant 4 : i32
      %mul3A_176 = vector.broadcast %mul3A_175 : i32 to vector<16xi32>
      %mul3A_177 = arith.muli %add3A_174, %mul3A_176 : vector<16xi32>
      %gather3A_178 = tpu.vector_load_idx %arg12[%get3A_170] : memref<10000xf32, #tpu.memory_space<vmem>>[vector<16xi32>], vector<16xf32>,
      %gather3A_179 = tpu.vector_load_idx %arg13[%get3A_170] : memref<10000xf32, #tpu.memory_space<vmem>>[vector<16xi32>], vector<16xf32>,
      %gather3A_180 = tpu.vector_load_idx %arg14[%get3A_170] : memref<10000xf32, #tpu.memory_space<vmem>>[vector<16xi32>], vector<16xf32>,
      tpu.vector_store_idx %arg15[%mul3A_177], %gather3A_178 : memref<1024xf32, #tpu.memory_space<vmem>>[vector<16xi32>], vector<16xf32>,
      %add3A_181 = arith.constant 1 : i32
      %add3A_182 = vector.broadcast %add3A_181 : i32 to vector<16xi32>
      %add3A_183 = arith.addi %mul3A_177, %add3A_182 : vector<16xi32>
      tpu.vector_store_idx %arg15[%add3A_183], %gather3A_179 : memref<1024xf32, #tpu.memory_space<vmem>>[vector<16xi32>], vector<16xf32>,
      %add3A_184 = arith.constant 2 : i32
      %add3A_185 = vector.broadcast %add3A_184 : i32 to vector<16xi32>
      %add3A_186 = arith.addi %mul3A_177, %add3A_185 : vector<16xi32>
      tpu.vector_store_idx %arg15[%add3A_186], %gather3A_180 : memref<1024xf32, #tpu.memory_space<vmem>>[vector<16xi32>], vector<16xf32>,
      %mul3A_187 = arith.constant 2 : i32
      %mul3A_188 = arith.muli %add3A_97, %mul3A_187 : i32
      %add3A_189 = arith.constant 0 : i32
      %add3A_190 = arith.addi %mul3A_188, %add3A_189 : i32
      %get3A_191 = arith.index_cast %add3A_190 : i32 to index
      %get3A_192 = arith.constant 64 : index
      %get3A_193 = tpu.vector_load %arg9[%get3A_191, %get3A_192] {strides = array<i32>} : memref<40x128xi32, #tpu.memory_space<vmem>>, vector<16xi32>,
      %iota3A_194 = tpu.iota {dimensions = array<i32: 0>} : vector<16xi32>
      %add3A_195 = arith.constant 64 : i32
      %add3A_196 = vector.broadcast %add3A_195 : i32 to vector<16xi32>
      %add3A_197 = arith.addi %iota3A_194, %add3A_196 : vector<16xi32>
      %mul3A_198 = arith.constant 4 : i32
      %mul3A_199 = vector.broadcast %mul3A_198 : i32 to vector<16xi32>
      %mul3A_200 = arith.muli %add3A_197, %mul3A_199 : vector<16xi32>
      %gather3A_201 = tpu.vector_load_idx %arg12[%get3A_193] : memref<10000xf32, #tpu.memory_space<vmem>>[vector<16xi32>], vector<16xf32>,
      %gather3A_202 = tpu.vector_load_idx %arg13[%get3A_193] : memref<10000xf32, #tpu.memory_space<vmem>>[vector<16xi32>], vector<16xf32>,
      %gather3A_203 = tpu.vector_load_idx %arg14[%get3A_193] : memref<10000xf32, #tpu.memory_space<vmem>>[vector<16xi32>], vector<16xf32>,
      tpu.vector_store_idx %arg15[%mul3A_200], %gather3A_201 : memref<1024xf32, #tpu.memory_space<vmem>>[vector<16xi32>], vector<16xf32>,
      %add3A_204 = arith.constant 1 : i32
      %add3A_205 = vector.broadcast %add3A_204 : i32 to vector<16xi32>
      %add3A_206 = arith.addi %mul3A_200, %add3A_205 : vector<16xi32>
      tpu.vector_store_idx %arg15[%add3A_206], %gather3A_202 : memref<1024xf32, #tpu.memory_space<vmem>>[vector<16xi32>], vector<16xf32>,
      %add3A_207 = arith.constant 2 : i32
      %add3A_208 = vector.broadcast %add3A_207 : i32 to vector<16xi32>
      %add3A_209 = arith.addi %mul3A_200, %add3A_208 : vector<16xi32>
      tpu.vector_store_idx %arg15[%add3A_209], %gather3A_203 : memref<1024xf32, #tpu.memory_space<vmem>>[vector<16xi32>], vector<16xf32>,
      %mul3A_210 = arith.constant 2 : i32
      %mul3A_211 = arith.muli %add3A_97, %mul3A_210 : i32
      %add3A_212 = arith.constant 0 : i32
      %add3A_213 = arith.addi %mul3A_211, %add3A_212 : i32
      %get3A_214 = arith.index_cast %add3A_213 : i32 to index
      %get3A_215 = arith.constant 80 : index
      %get3A_216 = tpu.vector_load %arg9[%get3A_214, %get3A_215] {strides = array<i32>} : memref<40x128xi32, #tpu.memory_space<vmem>>, vector<16xi32>,
      %iota3A_217 = tpu.iota {dimensions = array<i32: 0>} : vector<16xi32>
      %add3A_218 = arith.constant 80 : i32
      %add3A_219 = vector.broadcast %add3A_218 : i32 to vector<16xi32>
      %add3A_220 = arith.addi %iota3A_217, %add3A_219 : vector<16xi32>
      %mul3A_221 = arith.constant 4 : i32
      %mul3A_222 = vector.broadcast %mul3A_221 : i32 to vector<16xi32>
      %mul3A_223 = arith.muli %add3A_220, %mul3A_222 : vector<16xi32>
      %gather3A_224 = tpu.vector_load_idx %arg12[%get3A_216] : memref<10000xf32, #tpu.memory_space<vmem>>[vector<16xi32>], vector<16xf32>,
      %gather3A_225 = tpu.vector_load_idx %arg13[%get3A_216] : memref<10000xf32, #tpu.memory_space<vmem>>[vector<16xi32>], vector<16xf32>,
      %gather3A_226 = tpu.vector_load_idx %arg14[%get3A_216] : memref<10000xf32, #tpu.memory_space<vmem>>[vector<16xi32>], vector<16xf32>,
      tpu.vector_store_idx %arg15[%mul3A_223], %gather3A_224 : memref<1024xf32, #tpu.memory_space<vmem>>[vector<16xi32>], vector<16xf32>,
      %add3A_227 = arith.constant 1 : i32
      %add3A_228 = vector.broadcast %add3A_227 : i32 to vector<16xi32>
      %add3A_229 = arith.addi %mul3A_223, %add3A_228 : vector<16xi32>
      tpu.vector_store_idx %arg15[%add3A_229], %gather3A_225 : memref<1024xf32, #tpu.memory_space<vmem>>[vector<16xi32>], vector<16xf32>,
      %add3A_230 = arith.constant 2 : i32
      %add3A_231 = vector.broadcast %add3A_230 : i32 to vector<16xi32>
      %add3A_232 = arith.addi %mul3A_223, %add3A_231 : vector<16xi32>
      tpu.vector_store_idx %arg15[%add3A_232], %gather3A_226 : memref<1024xf32, #tpu.memory_space<vmem>>[vector<16xi32>], vector<16xf32>,
      %mul3A_233 = arith.constant 2 : i32
      %mul3A_234 = arith.muli %add3A_97, %mul3A_233 : i32
      %add3A_235 = arith.constant 0 : i32
      %add3A_236 = arith.addi %mul3A_234, %add3A_235 : i32
      %get3A_237 = arith.index_cast %add3A_236 : i32 to index
      %get3A_238 = arith.constant 96 : index
      %get3A_239 = tpu.vector_load %arg9[%get3A_237, %get3A_238] {strides = array<i32>} : memref<40x128xi32, #tpu.memory_space<vmem>>, vector<16xi32>,
      %iota3A_240 = tpu.iota {dimensions = array<i32: 0>} : vector<16xi32>
      %add3A_241 = arith.constant 96 : i32
      %add3A_242 = vector.broadcast %add3A_241 : i32 to vector<16xi32>
      %add3A_243 = arith.addi %iota3A_240, %add3A_242 : vector<16xi32>
      %mul3A_244 = arith.constant 4 : i32
      %mul3A_245 = vector.broadcast %mul3A_244 : i32 to vector<16xi32>
      %mul3A_246 = arith.muli %add3A_243, %mul3A_245 : vector<16xi32>
      %gather3A_247 = tpu.vector_load_idx %arg12[%get3A_239] : memref<10000xf32, #tpu.memory_space<vmem>>[vector<16xi32>], vector<16xf32>,
      %gather3A_248 = tpu.vector_load_idx %arg13[%get3A_239] : memref<10000xf32, #tpu.memory_space<vmem>>[vector<16xi32>], vector<16xf32>,
      %gather3A_249 = tpu.vector_load_idx %arg14[%get3A_239] : memref<10000xf32, #tpu.memory_space<vmem>>[vector<16xi32>], vector<16xf32>,
      tpu.vector_store_idx %arg15[%mul3A_246], %gather3A_247 : memref<1024xf32, #tpu.memory_space<vmem>>[vector<16xi32>], vector<16xf32>,
      %add3A_250 = arith.constant 1 : i32
      %add3A_251 = vector.broadcast %add3A_250 : i32 to vector<16xi32>
      %add3A_252 = arith.addi %mul3A_246, %add3A_251 : vector<16xi32>
      tpu.vector_store_idx %arg15[%add3A_252], %gather3A_248 : memref<1024xf32, #tpu.memory_space<vmem>>[vector<16xi32>], vector<16xf32>,
      %add3A_253 = arith.constant 2 : i32
      %add3A_254 = vector.broadcast %add3A_253 : i32 to vector<16xi32>
      %add3A_255 = arith.addi %mul3A_246, %add3A_254 : vector<16xi32>
      tpu.vector_store_idx %arg15[%add3A_255], %gather3A_249 : memref<1024xf32, #tpu.memory_space<vmem>>[vector<16xi32>], vector<16xf32>,
      %mul3A_256 = arith.constant 2 : i32
      %mul3A_257 = arith.muli %add3A_97, %mul3A_256 : i32
      %add3A_258 = arith.constant 0 : i32
      %add3A_259 = arith.addi %mul3A_257, %add3A_258 : i32
      %get3A_260 = arith.index_cast %add3A_259 : i32 to index
      %get3A_261 = arith.constant 112 : index
      %get3A_262 = tpu.vector_load %arg9[%get3A_260, %get3A_261] {strides = array<i32>} : memref<40x128xi32, #tpu.memory_space<vmem>>, vector<16xi32>,
      %iota3A_263 = tpu.iota {dimensions = array<i32: 0>} : vector<16xi32>
      %add3A_264 = arith.constant 112 : i32
      %add3A_265 = vector.broadcast %add3A_264 : i32 to vector<16xi32>
      %add3A_266 = arith.addi %iota3A_263, %add3A_265 : vector<16xi32>
      %mul3A_267 = arith.constant 4 : i32
      %mul3A_268 = vector.broadcast %mul3A_267 : i32 to vector<16xi32>
      %mul3A_269 = arith.muli %add3A_266, %mul3A_268 : vector<16xi32>
      %gather3A_270 = tpu.vector_load_idx %arg12[%get3A_262] : memref<10000xf32, #tpu.memory_space<vmem>>[vector<16xi32>], vector<16xf32>,
      %gather3A_271 = tpu.vector_load_idx %arg13[%get3A_262] : memref<10000xf32, #tpu.memory_space<vmem>>[vector<16xi32>], vector<16xf32>,
      %gather3A_272 = tpu.vector_load_idx %arg14[%get3A_262] : memref<10000xf32, #tpu.memory_space<vmem>>[vector<16xi32>], vector<16xf32>,
      tpu.vector_store_idx %arg15[%mul3A_269], %gather3A_270 : memref<1024xf32, #tpu.memory_space<vmem>>[vector<16xi32>], vector<16xf32>,
      %add3A_273 = arith.constant 1 : i32
      %add3A_274 = vector.broadcast %add3A_273 : i32 to vector<16xi32>
      %add3A_275 = arith.addi %mul3A_269, %add3A_274 : vector<16xi32>
      tpu.vector_store_idx %arg15[%add3A_275], %gather3A_271 : memref<1024xf32, #tpu.memory_space<vmem>>[vector<16xi32>], vector<16xf32>,
      %add3A_276 = arith.constant 2 : i32
      %add3A_277 = vector.broadcast %add3A_276 : i32 to vector<16xi32>
      %add3A_278 = arith.addi %mul3A_269, %add3A_277 : vector<16xi32>
      tpu.vector_store_idx %arg15[%add3A_278], %gather3A_272 : memref<1024xf32, #tpu.memory_space<vmem>>[vector<16xi32>], vector<16xf32>,
      %mul3A_279 = arith.constant 2 : i32
      %mul3A_280 = arith.muli %add3A_97, %mul3A_279 : i32
      %add3A_281 = arith.constant 1 : i32
      %add3A_282 = arith.addi %mul3A_280, %add3A_281 : i32
      %get3A_283 = arith.index_cast %add3A_282 : i32 to index
      %get3A_284 = arith.constant 0 : index
      %get3A_285 = tpu.vector_load %arg9[%get3A_283, %get3A_284] {strides = array<i32>} : memref<40x128xi32, #tpu.memory_space<vmem>>, vector<16xi32>,
      %iota3A_286 = tpu.iota {dimensions = array<i32: 0>} : vector<16xi32>
      %add3A_287 = arith.constant 128 : i32
      %add3A_288 = vector.broadcast %add3A_287 : i32 to vector<16xi32>
      %add3A_289 = arith.addi %iota3A_286, %add3A_288 : vector<16xi32>
      %mul3A_290 = arith.constant 4 : i32
      %mul3A_291 = vector.broadcast %mul3A_290 : i32 to vector<16xi32>
      %mul3A_292 = arith.muli %add3A_289, %mul3A_291 : vector<16xi32>
      %gather3A_293 = tpu.vector_load_idx %arg12[%get3A_285] : memref<10000xf32, #tpu.memory_space<vmem>>[vector<16xi32>], vector<16xf32>,
      %gather3A_294 = tpu.vector_load_idx %arg13[%get3A_285] : memref<10000xf32, #tpu.memory_space<vmem>>[vector<16xi32>], vector<16xf32>,
      %gather3A_295 = tpu.vector_load_idx %arg14[%get3A_285] : memref<10000xf32, #tpu.memory_space<vmem>>[vector<16xi32>], vector<16xf32>,
      tpu.vector_store_idx %arg15[%mul3A_292], %gather3A_293 : memref<1024xf32, #tpu.memory_space<vmem>>[vector<16xi32>], vector<16xf32>,
      %add3A_296 = arith.constant 1 : i32
      %add3A_297 = vector.broadcast %add3A_296 : i32 to vector<16xi32>
      %add3A_298 = arith.addi %mul3A_292, %add3A_297 : vector<16xi32>
      tpu.vector_store_idx %arg15[%add3A_298], %gather3A_294 : memref<1024xf32, #tpu.memory_space<vmem>>[vector<16xi32>], vector<16xf32>,
      %add3A_299 = arith.constant 2 : i32
      %add3A_300 = vector.broadcast %add3A_299 : i32 to vector<16xi32>
      %add3A_301 = arith.addi %mul3A_292, %add3A_300 : vector<16xi32>
      tpu.vector_store_idx %arg15[%add3A_301], %gather3A_295 : memref<1024xf32, #tpu.memory_space<vmem>>[vector<16xi32>], vector<16xf32>,
      %mul3A_302 = arith.constant 2 : i32
      %mul3A_303 = arith.muli %add3A_97, %mul3A_302 : i32
      %add3A_304 = arith.constant 1 : i32
      %add3A_305 = arith.addi %mul3A_303, %add3A_304 : i32
      %get3A_306 = arith.index_cast %add3A_305 : i32 to index
      %get3A_307 = arith.constant 16 : index
      %get3A_308 = tpu.vector_load %arg9[%get3A_306, %get3A_307] {strides = array<i32>} : memref<40x128xi32, #tpu.memory_space<vmem>>, vector<16xi32>,
      %iota3A_309 = tpu.iota {dimensions = array<i32: 0>} : vector<16xi32>
      %add3A_310 = arith.constant 144 : i32
      %add3A_311 = vector.broadcast %add3A_310 : i32 to vector<16xi32>
      %add3A_312 = arith.addi %iota3A_309, %add3A_311 : vector<16xi32>
      %mul3A_313 = arith.constant 4 : i32
      %mul3A_314 = vector.broadcast %mul3A_313 : i32 to vector<16xi32>
      %mul3A_315 = arith.muli %add3A_312, %mul3A_314 : vector<16xi32>
      %gather3A_316 = tpu.vector_load_idx %arg12[%get3A_308] : memref<10000xf32, #tpu.memory_space<vmem>>[vector<16xi32>], vector<16xf32>,
      %gather3A_317 = tpu.vector_load_idx %arg13[%get3A_308] : memref<10000xf32, #tpu.memory_space<vmem>>[vector<16xi32>], vector<16xf32>,
      %gather3A_318 = tpu.vector_load_idx %arg14[%get3A_308] : memref<10000xf32, #tpu.memory_space<vmem>>[vector<16xi32>], vector<16xf32>,
      tpu.vector_store_idx %arg15[%mul3A_315], %gather3A_316 : memref<1024xf32, #tpu.memory_space<vmem>>[vector<16xi32>], vector<16xf32>,
      %add3A_319 = arith.constant 1 : i32
      %add3A_320 = vector.broadcast %add3A_319 : i32 to vector<16xi32>
      %add3A_321 = arith.addi %mul3A_315, %add3A_320 : vector<16xi32>
      tpu.vector_store_idx %arg15[%add3A_321], %gather3A_317 : memref<1024xf32, #tpu.memory_space<vmem>>[vector<16xi32>], vector<16xf32>,
      %add3A_322 = arith.constant 2 : i32
      %add3A_323 = vector.broadcast %add3A_322 : i32 to vector<16xi32>
      %add3A_324 = arith.addi %mul3A_315, %add3A_323 : vector<16xi32>
      tpu.vector_store_idx %arg15[%add3A_324], %gather3A_318 : memref<1024xf32, #tpu.memory_space<vmem>>[vector<16xi32>], vector<16xf32>,
      %mul3A_325 = arith.constant 2 : i32
      %mul3A_326 = arith.muli %add3A_97, %mul3A_325 : i32
      %add3A_327 = arith.constant 1 : i32
      %add3A_328 = arith.addi %mul3A_326, %add3A_327 : i32
      %get3A_329 = arith.index_cast %add3A_328 : i32 to index
      %get3A_330 = arith.constant 32 : index
      %get3A_331 = tpu.vector_load %arg9[%get3A_329, %get3A_330] {strides = array<i32>} : memref<40x128xi32, #tpu.memory_space<vmem>>, vector<16xi32>,
      %iota3A_332 = tpu.iota {dimensions = array<i32: 0>} : vector<16xi32>
      %add3A_333 = arith.constant 160 : i32
      %add3A_334 = vector.broadcast %add3A_333 : i32 to vector<16xi32>
      %add3A_335 = arith.addi %iota3A_332, %add3A_334 : vector<16xi32>
      %mul3A_336 = arith.constant 4 : i32
      %mul3A_337 = vector.broadcast %mul3A_336 : i32 to vector<16xi32>
      %mul3A_338 = arith.muli %add3A_335, %mul3A_337 : vector<16xi32>
      %gather3A_339 = tpu.vector_load_idx %arg12[%get3A_331] : memref<10000xf32, #tpu.memory_space<vmem>>[vector<16xi32>], vector<16xf32>,
      %gather3A_340 = tpu.vector_load_idx %arg13[%get3A_331] : memref<10000xf32, #tpu.memory_space<vmem>>[vector<16xi32>], vector<16xf32>,
      %gather3A_341 = tpu.vector_load_idx %arg14[%get3A_331] : memref<10000xf32, #tpu.memory_space<vmem>>[vector<16xi32>], vector<16xf32>,
      tpu.vector_store_idx %arg15[%mul3A_338], %gather3A_339 : memref<1024xf32, #tpu.memory_space<vmem>>[vector<16xi32>], vector<16xf32>,
      %add3A_342 = arith.constant 1 : i32
      %add3A_343 = vector.broadcast %add3A_342 : i32 to vector<16xi32>
      %add3A_344 = arith.addi %mul3A_338, %add3A_343 : vector<16xi32>
      tpu.vector_store_idx %arg15[%add3A_344], %gather3A_340 : memref<1024xf32, #tpu.memory_space<vmem>>[vector<16xi32>], vector<16xf32>,
      %add3A_345 = arith.constant 2 : i32
      %add3A_346 = vector.broadcast %add3A_345 : i32 to vector<16xi32>
      %add3A_347 = arith.addi %mul3A_338, %add3A_346 : vector<16xi32>
      tpu.vector_store_idx %arg15[%add3A_347], %gather3A_341 : memref<1024xf32, #tpu.memory_space<vmem>>[vector<16xi32>], vector<16xf32>,
      %mul3A_348 = arith.constant 2 : i32
      %mul3A_349 = arith.muli %add3A_97, %mul3A_348 : i32
      %add3A_350 = arith.constant 1 : i32
      %add3A_351 = arith.addi %mul3A_349, %add3A_350 : i32
      %get3A_352 = arith.index_cast %add3A_351 : i32 to index
      %get3A_353 = arith.constant 48 : index
      %get3A_354 = tpu.vector_load %arg9[%get3A_352, %get3A_353] {strides = array<i32>} : memref<40x128xi32, #tpu.memory_space<vmem>>, vector<16xi32>,
      %iota3A_355 = tpu.iota {dimensions = array<i32: 0>} : vector<16xi32>
      %add3A_356 = arith.constant 176 : i32
      %add3A_357 = vector.broadcast %add3A_356 : i32 to vector<16xi32>
      %add3A_358 = arith.addi %iota3A_355, %add3A_357 : vector<16xi32>
      %mul3A_359 = arith.constant 4 : i32
      %mul3A_360 = vector.broadcast %mul3A_359 : i32 to vector<16xi32>
      %mul3A_361 = arith.muli %add3A_358, %mul3A_360 : vector<16xi32>
      %gather3A_362 = tpu.vector_load_idx %arg12[%get3A_354] : memref<10000xf32, #tpu.memory_space<vmem>>[vector<16xi32>], vector<16xf32>,
      %gather3A_363 = tpu.vector_load_idx %arg13[%get3A_354] : memref<10000xf32, #tpu.memory_space<vmem>>[vector<16xi32>], vector<16xf32>,
      %gather3A_364 = tpu.vector_load_idx %arg14[%get3A_354] : memref<10000xf32, #tpu.memory_space<vmem>>[vector<16xi32>], vector<16xf32>,
      tpu.vector_store_idx %arg15[%mul3A_361], %gather3A_362 : memref<1024xf32, #tpu.memory_space<vmem>>[vector<16xi32>], vector<16xf32>,
      %add3A_365 = arith.constant 1 : i32
      %add3A_366 = vector.broadcast %add3A_365 : i32 to vector<16xi32>
      %add3A_367 = arith.addi %mul3A_361, %add3A_366 : vector<16xi32>
      tpu.vector_store_idx %arg15[%add3A_367], %gather3A_363 : memref<1024xf32, #tpu.memory_space<vmem>>[vector<16xi32>], vector<16xf32>,
      %add3A_368 = arith.constant 2 : i32
      %add3A_369 = vector.broadcast %add3A_368 : i32 to vector<16xi32>
      %add3A_370 = arith.addi %mul3A_361, %add3A_369 : vector<16xi32>
      tpu.vector_store_idx %arg15[%add3A_370], %gather3A_364 : memref<1024xf32, #tpu.memory_space<vmem>>[vector<16xi32>], vector<16xf32>,
      %mul3A_371 = arith.constant 2 : i32
      %mul3A_372 = arith.muli %add3A_97, %mul3A_371 : i32
      %add3A_373 = arith.constant 1 : i32
      %add3A_374 = arith.addi %mul3A_372, %add3A_373 : i32
      %get3A_375 = arith.index_cast %add3A_374 : i32 to index
      %get3A_376 = arith.constant 64 : index
      %get3A_377 = tpu.vector_load %arg9[%get3A_375, %get3A_376] {strides = array<i32>} : memref<40x128xi32, #tpu.memory_space<vmem>>, vector<16xi32>,
      %iota3A_378 = tpu.iota {dimensions = array<i32: 0>} : vector<16xi32>
      %add3A_379 = arith.constant 192 : i32
      %add3A_380 = vector.broadcast %add3A_379 : i32 to vector<16xi32>
      %add3A_381 = arith.addi %iota3A_378, %add3A_380 : vector<16xi32>
      %mul3A_382 = arith.constant 4 : i32
      %mul3A_383 = vector.broadcast %mul3A_382 : i32 to vector<16xi32>
      %mul3A_384 = arith.muli %add3A_381, %mul3A_383 : vector<16xi32>
      %gather3A_385 = tpu.vector_load_idx %arg12[%get3A_377] : memref<10000xf32, #tpu.memory_space<vmem>>[vector<16xi32>], vector<16xf32>,
      %gather3A_386 = tpu.vector_load_idx %arg13[%get3A_377] : memref<10000xf32, #tpu.memory_space<vmem>>[vector<16xi32>], vector<16xf32>,
      %gather3A_387 = tpu.vector_load_idx %arg14[%get3A_377] : memref<10000xf32, #tpu.memory_space<vmem>>[vector<16xi32>], vector<16xf32>,
      tpu.vector_store_idx %arg15[%mul3A_384], %gather3A_385 : memref<1024xf32, #tpu.memory_space<vmem>>[vector<16xi32>], vector<16xf32>,
      %add3A_388 = arith.constant 1 : i32
      %add3A_389 = vector.broadcast %add3A_388 : i32 to vector<16xi32>
      %add3A_390 = arith.addi %mul3A_384, %add3A_389 : vector<16xi32>
      tpu.vector_store_idx %arg15[%add3A_390], %gather3A_386 : memref<1024xf32, #tpu.memory_space<vmem>>[vector<16xi32>], vector<16xf32>,
      %add3A_391 = arith.constant 2 : i32
      %add3A_392 = vector.broadcast %add3A_391 : i32 to vector<16xi32>
      %add3A_393 = arith.addi %mul3A_384, %add3A_392 : vector<16xi32>
      tpu.vector_store_idx %arg15[%add3A_393], %gather3A_387 : memref<1024xf32, #tpu.memory_space<vmem>>[vector<16xi32>], vector<16xf32>,
      %mul3A_394 = arith.constant 2 : i32
      %mul3A_395 = arith.muli %add3A_97, %mul3A_394 : i32
      %add3A_396 = arith.constant 1 : i32
      %add3A_397 = arith.addi %mul3A_395, %add3A_396 : i32
      %get3A_398 = arith.index_cast %add3A_397 : i32 to index
      %get3A_399 = arith.constant 80 : index
      %get3A_400 = tpu.vector_load %arg9[%get3A_398, %get3A_399] {strides = array<i32>} : memref<40x128xi32, #tpu.memory_space<vmem>>, vector<16xi32>,
      %iota3A_401 = tpu.iota {dimensions = array<i32: 0>} : vector<16xi32>
      %add3A_402 = arith.constant 208 : i32
      %add3A_403 = vector.broadcast %add3A_402 : i32 to vector<16xi32>
      %add3A_404 = arith.addi %iota3A_401, %add3A_403 : vector<16xi32>
      %mul3A_405 = arith.constant 4 : i32
      %mul3A_406 = vector.broadcast %mul3A_405 : i32 to vector<16xi32>
      %mul3A_407 = arith.muli %add3A_404, %mul3A_406 : vector<16xi32>
      %gather3A_408 = tpu.vector_load_idx %arg12[%get3A_400] : memref<10000xf32, #tpu.memory_space<vmem>>[vector<16xi32>], vector<16xf32>,
      %gather3A_409 = tpu.vector_load_idx %arg13[%get3A_400] : memref<10000xf32, #tpu.memory_space<vmem>>[vector<16xi32>], vector<16xf32>,
      %gather3A_410 = tpu.vector_load_idx %arg14[%get3A_400] : memref<10000xf32, #tpu.memory_space<vmem>>[vector<16xi32>], vector<16xf32>,
      tpu.vector_store_idx %arg15[%mul3A_407], %gather3A_408 : memref<1024xf32, #tpu.memory_space<vmem>>[vector<16xi32>], vector<16xf32>,
      %add3A_411 = arith.constant 1 : i32
      %add3A_412 = vector.broadcast %add3A_411 : i32 to vector<16xi32>
      %add3A_413 = arith.addi %mul3A_407, %add3A_412 : vector<16xi32>
      tpu.vector_store_idx %arg15[%add3A_413], %gather3A_409 : memref<1024xf32, #tpu.memory_space<vmem>>[vector<16xi32>], vector<16xf32>,
      %add3A_414 = arith.constant 2 : i32
      %add3A_415 = vector.broadcast %add3A_414 : i32 to vector<16xi32>
      %add3A_416 = arith.addi %mul3A_407, %add3A_415 : vector<16xi32>
      tpu.vector_store_idx %arg15[%add3A_416], %gather3A_410 : memref<1024xf32, #tpu.memory_space<vmem>>[vector<16xi32>], vector<16xf32>,
      %mul3A_417 = arith.constant 2 : i32
      %mul3A_418 = arith.muli %add3A_97, %mul3A_417 : i32
      %add3A_419 = arith.constant 1 : i32
      %add3A_420 = arith.addi %mul3A_418, %add3A_419 : i32
      %get3A_421 = arith.index_cast %add3A_420 : i32 to index
      %get3A_422 = arith.constant 96 : index
      %get3A_423 = tpu.vector_load %arg9[%get3A_421, %get3A_422] {strides = array<i32>} : memref<40x128xi32, #tpu.memory_space<vmem>>, vector<16xi32>,
      %iota3A_424 = tpu.iota {dimensions = array<i32: 0>} : vector<16xi32>
      %add3A_425 = arith.constant 224 : i32
      %add3A_426 = vector.broadcast %add3A_425 : i32 to vector<16xi32>
      %add3A_427 = arith.addi %iota3A_424, %add3A_426 : vector<16xi32>
      %mul3A_428 = arith.constant 4 : i32
      %mul3A_429 = vector.broadcast %mul3A_428 : i32 to vector<16xi32>
      %mul3A_430 = arith.muli %add3A_427, %mul3A_429 : vector<16xi32>
      %gather3A_431 = tpu.vector_load_idx %arg12[%get3A_423] : memref<10000xf32, #tpu.memory_space<vmem>>[vector<16xi32>], vector<16xf32>,
      %gather3A_432 = tpu.vector_load_idx %arg13[%get3A_423] : memref<10000xf32, #tpu.memory_space<vmem>>[vector<16xi32>], vector<16xf32>,
      %gather3A_433 = tpu.vector_load_idx %arg14[%get3A_423] : memref<10000xf32, #tpu.memory_space<vmem>>[vector<16xi32>], vector<16xf32>,
      tpu.vector_store_idx %arg15[%mul3A_430], %gather3A_431 : memref<1024xf32, #tpu.memory_space<vmem>>[vector<16xi32>], vector<16xf32>,
      %add3A_434 = arith.constant 1 : i32
      %add3A_435 = vector.broadcast %add3A_434 : i32 to vector<16xi32>
      %add3A_436 = arith.addi %mul3A_430, %add3A_435 : vector<16xi32>
      tpu.vector_store_idx %arg15[%add3A_436], %gather3A_432 : memref<1024xf32, #tpu.memory_space<vmem>>[vector<16xi32>], vector<16xf32>,
      %add3A_437 = arith.constant 2 : i32
      %add3A_438 = vector.broadcast %add3A_437 : i32 to vector<16xi32>
      %add3A_439 = arith.addi %mul3A_430, %add3A_438 : vector<16xi32>
      tpu.vector_store_idx %arg15[%add3A_439], %gather3A_433 : memref<1024xf32, #tpu.memory_space<vmem>>[vector<16xi32>], vector<16xf32>,
      %mul3A_440 = arith.constant 2 : i32
      %mul3A_441 = arith.muli %add3A_97, %mul3A_440 : i32
      %add3A_442 = arith.constant 1 : i32
      %add3A_443 = arith.addi %mul3A_441, %add3A_442 : i32
      %get3A_444 = arith.index_cast %add3A_443 : i32 to index
      %get3A_445 = arith.constant 112 : index
      %get3A_446 = tpu.vector_load %arg9[%get3A_444, %get3A_445] {strides = array<i32>} : memref<40x128xi32, #tpu.memory_space<vmem>>, vector<16xi32>,
      %iota3A_447 = tpu.iota {dimensions = array<i32: 0>} : vector<16xi32>
      %add3A_448 = arith.constant 240 : i32
      %add3A_449 = vector.broadcast %add3A_448 : i32 to vector<16xi32>
      %add3A_450 = arith.addi %iota3A_447, %add3A_449 : vector<16xi32>
      %mul3A_451 = arith.constant 4 : i32
      %mul3A_452 = vector.broadcast %mul3A_451 : i32 to vector<16xi32>
      %mul3A_453 = arith.muli %add3A_450, %mul3A_452 : vector<16xi32>
      %gather3A_454 = tpu.vector_load_idx %arg12[%get3A_446] : memref<10000xf32, #tpu.memory_space<vmem>>[vector<16xi32>], vector<16xf32>,
      %gather3A_455 = tpu.vector_load_idx %arg13[%get3A_446] : memref<10000xf32, #tpu.memory_space<vmem>>[vector<16xi32>], vector<16xf32>,
      %gather3A_456 = tpu.vector_load_idx %arg14[%get3A_446] : memref<10000xf32, #tpu.memory_space<vmem>>[vector<16xi32>], vector<16xf32>,
      tpu.vector_store_idx %arg15[%mul3A_453], %gather3A_454 : memref<1024xf32, #tpu.memory_space<vmem>>[vector<16xi32>], vector<16xf32>,
      %add3A_457 = arith.constant 1 : i32
      %add3A_458 = vector.broadcast %add3A_457 : i32 to vector<16xi32>
      %add3A_459 = arith.addi %mul3A_453, %add3A_458 : vector<16xi32>
      tpu.vector_store_idx %arg15[%add3A_459], %gather3A_455 : memref<1024xf32, #tpu.memory_space<vmem>>[vector<16xi32>], vector<16xf32>,
      %add3A_460 = arith.constant 2 : i32
      %add3A_461 = vector.broadcast %add3A_460 : i32 to vector<16xi32>
      %add3A_462 = arith.addi %mul3A_453, %add3A_461 : vector<16xi32>
      tpu.vector_store_idx %arg15[%add3A_462], %gather3A_456 : memref<1024xf32, #tpu.memory_space<vmem>>[vector<16xi32>], vector<16xf32>,
      %mul3A_463 = arith.constant 2 : i32
      %mul3A_464 = arith.muli %add3A_97, %mul3A_463 : i32
      %add3A_465 = arith.constant 0 : i32
      %add3A_466 = arith.addi %mul3A_464, %add3A_465 : i32
      %dma_wait3A_467 = arith.constant 0 : i32
      %dma_wait3A_468 = arith.constant 0 : i32
      %dma_wait3A_469 = tpu.memref_slice %arg10[%dma_wait3A_467, %dma_wait3A_468] : memref<256x128xf32, #tpu.memory_space<vmem>> -> memref<128x128xf32, #tpu.memory_space<vmem>>
      %dma_wait3A_470 = arith.constant 0 : i32
      %dma_wait3A_471 = tpu.memref_slice %arg9[%add3A_466, %dma_wait3A_470] : memref<40x128xi32, #tpu.memory_space<vmem>> -> memref<1x128xi32, #tpu.memory_space<vmem>>
      %dma_wait3A_472 = tpu.memref_squeeze %dma_wait3A_471 : memref<1x128xi32, #tpu.memory_space<vmem>> -> memref<128xi32, #tpu.memory_space<vmem>>
      %dma_wait3A_473 = arith.constant 0 : i32
      %dma_wait3A_474 = arith.constant 0 : i32
      %dma_wait3A_475 = tpu.memref_slice %arg2[%dma_wait3A_473, %dma_wait3A_474] : memref<10000x128xf32, #tpu.memory_space<hbm>> -> memref<10000x128xf32, #tpu.memory_space<hbm>>
      tpu.wait_indirect_dma semaphore(%arg17 : memref<!tpu.dma_semaphore, #tpu.memory_space<semaphore_mem>>) src(%dma_wait3A_475 : memref<10000x128xf32, #tpu.memory_space<hbm>>) dst(%dma_wait3A_469 : memref<128x128xf32, #tpu.memory_space<vmem>>)
      %mul3A_476 = arith.constant 2 : i32
      %mul3A_477 = arith.muli %add3A_97, %mul3A_476 : i32
      %add3A_478 = arith.constant 1 : i32
      %add3A_479 = arith.addi %mul3A_477, %add3A_478 : i32
      %dma_wait3A_480 = arith.constant 128 : i32
      %dma_wait3A_481 = arith.constant 0 : i32
      %dma_wait3A_482 = tpu.memref_slice %arg10[%dma_wait3A_480, %dma_wait3A_481] : memref<256x128xf32, #tpu.memory_space<vmem>> -> memref<128x128xf32, #tpu.memory_space<vmem>>
      %dma_wait3A_483 = arith.constant 0 : i32
      %dma_wait3A_484 = tpu.memref_slice %arg9[%add3A_479, %dma_wait3A_483] : memref<40x128xi32, #tpu.memory_space<vmem>> -> memref<1x128xi32, #tpu.memory_space<vmem>>
      %dma_wait3A_485 = tpu.memref_squeeze %dma_wait3A_484 : memref<1x128xi32, #tpu.memory_space<vmem>> -> memref<128xi32, #tpu.memory_space<vmem>>
      %dma_wait3A_486 = arith.constant 0 : i32
      %dma_wait3A_487 = arith.constant 0 : i32
      %dma_wait3A_488 = tpu.memref_slice %arg2[%dma_wait3A_486, %dma_wait3A_487] : memref<10000x128xf32, #tpu.memory_space<hbm>> -> memref<10000x128xf32, #tpu.memory_space<hbm>>
      tpu.wait_indirect_dma semaphore(%arg17 : memref<!tpu.dma_semaphore, #tpu.memory_space<semaphore_mem>>) src(%dma_wait3A_488 : memref<10000x128xf32, #tpu.memory_space<hbm>>) dst(%dma_wait3A_482 : memref<128x128xf32, #tpu.memory_space<vmem>>)
      %mul3A_489 = arith.constant 256 : i32
      %mul3A_490 = arith.muli %add3A_97, %mul3A_489 : i32
      %add3A_491 = arith.addi %mul3A_2, %mul3A_490 : i32
      %multiple_of3A_492 = tpu.assume_multiple %add3A_491, 256 : i32
      %mul3A_493 = arith.constant 4 : i32
      %mul3A_494 = arith.muli %multiple_of3A_492, %mul3A_493 : i32
      %dma_start3A_495 = arith.constant 0 : i32
      %dma_start3A_496 = tpu.memref_slice %arg7[%multiple_of3A_492, %dma_start3A_495] : memref<163840x128xf32, #tpu.memory_space<hbm>> -> memref<256x128xf32, #tpu.memory_space<hbm>>
      %dma_start3A_497 = arith.constant 0 : i32
      %dma_start3A_498 = tpu.memref_slice %arg7[%multiple_of3A_492, %dma_start3A_497] : memref<163840x128xf32, #tpu.memory_space<hbm>> -> memref<256x128xf32, #tpu.memory_space<hbm>>
      tpu.enqueue_dma source(%arg10 : memref<256x128xf32, #tpu.memory_space<vmem>>) target(%dma_start3A_498 : memref<256x128xf32, #tpu.memory_space<hbm>>) target_semaphore(%arg19 : memref<!tpu.dma_semaphore, #tpu.memory_space<semaphore_mem>>)
      %dma_start3A_499 = tpu.memref_slice %arg8[%mul3A_494] : memref<655360xf32, #tpu.memory_space<hbm>> -> memref<1024xf32, #tpu.memory_space<hbm>>
      %dma_start3A_500 = tpu.memref_slice %arg8[%mul3A_494] : memref<655360xf32, #tpu.memory_space<hbm>> -> memref<1024xf32, #tpu.memory_space<hbm>>
      tpu.enqueue_dma source(%arg15 : memref<1024xf32, #tpu.memory_space<vmem>>) target(%dma_start3A_500 : memref<1024xf32, #tpu.memory_space<hbm>>) target_semaphore(%arg19 : memref<!tpu.dma_semaphore, #tpu.memory_space<semaphore_mem>>)
      %mul3A_501 = arith.constant 2 : i32
      %mul3A_502 = arith.muli %scan3A_27, %mul3A_501 : i32
      %add3A_503 = arith.constant 1 : i32
      %add3A_504 = arith.addi %mul3A_502, %add3A_503 : i32
      %mul3A_505 = arith.constant 2 : i32
      %mul3A_506 = arith.muli %add3A_504, %mul3A_505 : i32
      %add3A_507 = arith.constant 0 : i32
      %add3A_508 = arith.addi %mul3A_506, %add3A_507 : i32
      %get3A_509 = arith.index_cast %add3A_508 : i32 to index
      %get3A_510 = arith.constant 0 : index
      %get3A_511 = tpu.vector_load %arg9[%get3A_509, %get3A_510] {strides = array<i32>} : memref<40x128xi32, #tpu.memory_space<vmem>>, vector<16xi32>,
      %iota3A_512 = tpu.iota {dimensions = array<i32: 0>} : vector<16xi32>
      %add3A_513 = arith.constant 0 : i32
      %add3A_514 = vector.broadcast %add3A_513 : i32 to vector<16xi32>
      %add3A_515 = arith.addi %iota3A_512, %add3A_514 : vector<16xi32>
      %mul3A_516 = arith.constant 4 : i32
      %mul3A_517 = vector.broadcast %mul3A_516 : i32 to vector<16xi32>
      %mul3A_518 = arith.muli %add3A_515, %mul3A_517 : vector<16xi32>
      %gather3A_519 = tpu.vector_load_idx %arg12[%get3A_511] : memref<10000xf32, #tpu.memory_space<vmem>>[vector<16xi32>], vector<16xf32>,
      %gather3A_520 = tpu.vector_load_idx %arg13[%get3A_511] : memref<10000xf32, #tpu.memory_space<vmem>>[vector<16xi32>], vector<16xf32>,
      %gather3A_521 = tpu.vector_load_idx %arg14[%get3A_511] : memref<10000xf32, #tpu.memory_space<vmem>>[vector<16xi32>], vector<16xf32>,
      tpu.vector_store_idx %arg16[%mul3A_518], %gather3A_519 : memref<1024xf32, #tpu.memory_space<vmem>>[vector<16xi32>], vector<16xf32>,
      %add3A_522 = arith.constant 1 : i32
      %add3A_523 = vector.broadcast %add3A_522 : i32 to vector<16xi32>
      %add3A_524 = arith.addi %mul3A_518, %add3A_523 : vector<16xi32>
      tpu.vector_store_idx %arg16[%add3A_524], %gather3A_520 : memref<1024xf32, #tpu.memory_space<vmem>>[vector<16xi32>], vector<16xf32>,
      %add3A_525 = arith.constant 2 : i32
      %add3A_526 = vector.broadcast %add3A_525 : i32 to vector<16xi32>
      %add3A_527 = arith.addi %mul3A_518, %add3A_526 : vector<16xi32>
      tpu.vector_store_idx %arg16[%add3A_527], %gather3A_521 : memref<1024xf32, #tpu.memory_space<vmem>>[vector<16xi32>], vector<16xf32>,
      %mul3A_528 = arith.constant 2 : i32
      %mul3A_529 = arith.muli %add3A_504, %mul3A_528 : i32
      %add3A_530 = arith.constant 0 : i32
      %add3A_531 = arith.addi %mul3A_529, %add3A_530 : i32
      %get3A_532 = arith.index_cast %add3A_531 : i32 to index
      %get3A_533 = arith.constant 16 : index
      %get3A_534 = tpu.vector_load %arg9[%get3A_532, %get3A_533] {strides = array<i32>} : memref<40x128xi32, #tpu.memory_space<vmem>>, vector<16xi32>,
      %iota3A_535 = tpu.iota {dimensions = array<i32: 0>} : vector<16xi32>
      %add3A_536 = arith.constant 16 : i32
      %add3A_537 = vector.broadcast %add3A_536 : i32 to vector<16xi32>
      %add3A_538 = arith.addi %iota3A_535, %add3A_537 : vector<16xi32>
      %mul3A_539 = arith.constant 4 : i32
      %mul3A_540 = vector.broadcast %mul3A_539 : i32 to vector<16xi32>
      %mul3A_541 = arith.muli %add3A_538, %mul3A_540 : vector<16xi32>
      %gather3A_542 = tpu.vector_load_idx %arg12[%get3A_534] : memref<10000xf32, #tpu.memory_space<vmem>>[vector<16xi32>], vector<16xf32>,
      %gather3A_543 = tpu.vector_load_idx %arg13[%get3A_534] : memref<10000xf32, #tpu.memory_space<vmem>>[vector<16xi32>], vector<16xf32>,
      %gather3A_544 = tpu.vector_load_idx %arg14[%get3A_534] : memref<10000xf32, #tpu.memory_space<vmem>>[vector<16xi32>], vector<16xf32>,
      tpu.vector_store_idx %arg16[%mul3A_541], %gather3A_542 : memref<1024xf32, #tpu.memory_space<vmem>>[vector<16xi32>], vector<16xf32>,
      %add3A_545 = arith.constant 1 : i32
      %add3A_546 = vector.broadcast %add3A_545 : i32 to vector<16xi32>
      %add3A_547 = arith.addi %mul3A_541, %add3A_546 : vector<16xi32>
      tpu.vector_store_idx %arg16[%add3A_547], %gather3A_543 : memref<1024xf32, #tpu.memory_space<vmem>>[vector<16xi32>], vector<16xf32>,
      %add3A_548 = arith.constant 2 : i32
      %add3A_549 = vector.broadcast %add3A_548 : i32 to vector<16xi32>
      %add3A_550 = arith.addi %mul3A_541, %add3A_549 : vector<16xi32>
      tpu.vector_store_idx %arg16[%add3A_550], %gather3A_544 : memref<1024xf32, #tpu.memory_space<vmem>>[vector<16xi32>], vector<16xf32>,
      %mul3A_551 = arith.constant 2 : i32
      %mul3A_552 = arith.muli %add3A_504, %mul3A_551 : i32
      %add3A_553 = arith.constant 0 : i32
      %add3A_554 = arith.addi %mul3A_552, %add3A_553 : i32
      %get3A_555 = arith.index_cast %add3A_554 : i32 to index
      %get3A_556 = arith.constant 32 : index
      %get3A_557 = tpu.vector_load %arg9[%get3A_555, %get3A_556] {strides = array<i32>} : memref<40x128xi32, #tpu.memory_space<vmem>>, vector<16xi32>,
      %iota3A_558 = tpu.iota {dimensions = array<i32: 0>} : vector<16xi32>
      %add3A_559 = arith.constant 32 : i32
      %add3A_560 = vector.broadcast %add3A_559 : i32 to vector<16xi32>
      %add3A_561 = arith.addi %iota3A_558, %add3A_560 : vector<16xi32>
      %mul3A_562 = arith.constant 4 : i32
      %mul3A_563 = vector.broadcast %mul3A_562 : i32 to vector<16xi32>
      %mul3A_564 = arith.muli %add3A_561, %mul3A_563 : vector<16xi32>
      %gather3A_565 = tpu.vector_load_idx %arg12[%get3A_557] : memref<10000xf32, #tpu.memory_space<vmem>>[vector<16xi32>], vector<16xf32>,
      %gather3A_566 = tpu.vector_load_idx %arg13[%get3A_557] : memref<10000xf32, #tpu.memory_space<vmem>>[vector<16xi32>], vector<16xf32>,
      %gather3A_567 = tpu.vector_load_idx %arg14[%get3A_557] : memref<10000xf32, #tpu.memory_space<vmem>>[vector<16xi32>], vector<16xf32>,
      tpu.vector_store_idx %arg16[%mul3A_564], %gather3A_565 : memref<1024xf32, #tpu.memory_space<vmem>>[vector<16xi32>], vector<16xf32>,
      %add3A_568 = arith.constant 1 : i32
      %add3A_569 = vector.broadcast %add3A_568 : i32 to vector<16xi32>
      %add3A_570 = arith.addi %mul3A_564, %add3A_569 : vector<16xi32>
      tpu.vector_store_idx %arg16[%add3A_570], %gather3A_566 : memref<1024xf32, #tpu.memory_space<vmem>>[vector<16xi32>], vector<16xf32>,
      %add3A_571 = arith.constant 2 : i32
      %add3A_572 = vector.broadcast %add3A_571 : i32 to vector<16xi32>
      %add3A_573 = arith.addi %mul3A_564, %add3A_572 : vector<16xi32>
      tpu.vector_store_idx %arg16[%add3A_573], %gather3A_567 : memref<1024xf32, #tpu.memory_space<vmem>>[vector<16xi32>], vector<16xf32>,
      %mul3A_574 = arith.constant 2 : i32
      %mul3A_575 = arith.muli %add3A_504, %mul3A_574 : i32
      %add3A_576 = arith.constant 0 : i32
      %add3A_577 = arith.addi %mul3A_575, %add3A_576 : i32
      %get3A_578 = arith.index_cast %add3A_577 : i32 to index
      %get3A_579 = arith.constant 48 : index
      %get3A_580 = tpu.vector_load %arg9[%get3A_578, %get3A_579] {strides = array<i32>} : memref<40x128xi32, #tpu.memory_space<vmem>>, vector<16xi32>,
      %iota3A_581 = tpu.iota {dimensions = array<i32: 0>} : vector<16xi32>
      %add3A_582 = arith.constant 48 : i32
      %add3A_583 = vector.broadcast %add3A_582 : i32 to vector<16xi32>
      %add3A_584 = arith.addi %iota3A_581, %add3A_583 : vector<16xi32>
      %mul3A_585 = arith.constant 4 : i32
      %mul3A_586 = vector.broadcast %mul3A_585 : i32 to vector<16xi32>
      %mul3A_587 = arith.muli %add3A_584, %mul3A_586 : vector<16xi32>
      %gather3A_588 = tpu.vector_load_idx %arg12[%get3A_580] : memref<10000xf32, #tpu.memory_space<vmem>>[vector<16xi32>], vector<16xf32>,
      %gather3A_589 = tpu.vector_load_idx %arg13[%get3A_580] : memref<10000xf32, #tpu.memory_space<vmem>>[vector<16xi32>], vector<16xf32>,
      %gather3A_590 = tpu.vector_load_idx %arg14[%get3A_580] : memref<10000xf32, #tpu.memory_space<vmem>>[vector<16xi32>], vector<16xf32>,
      tpu.vector_store_idx %arg16[%mul3A_587], %gather3A_588 : memref<1024xf32, #tpu.memory_space<vmem>>[vector<16xi32>], vector<16xf32>,
      %add3A_591 = arith.constant 1 : i32
      %add3A_592 = vector.broadcast %add3A_591 : i32 to vector<16xi32>
      %add3A_593 = arith.addi %mul3A_587, %add3A_592 : vector<16xi32>
      tpu.vector_store_idx %arg16[%add3A_593], %gather3A_589 : memref<1024xf32, #tpu.memory_space<vmem>>[vector<16xi32>], vector<16xf32>,
      %add3A_594 = arith.constant 2 : i32
      %add3A_595 = vector.broadcast %add3A_594 : i32 to vector<16xi32>
      %add3A_596 = arith.addi %mul3A_587, %add3A_595 : vector<16xi32>
      tpu.vector_store_idx %arg16[%add3A_596], %gather3A_590 : memref<1024xf32, #tpu.memory_space<vmem>>[vector<16xi32>], vector<16xf32>,
      %mul3A_597 = arith.constant 2 : i32
      %mul3A_598 = arith.muli %add3A_504, %mul3A_597 : i32
      %add3A_599 = arith.constant 0 : i32
      %add3A_600 = arith.addi %mul3A_598, %add3A_599 : i32
      %get3A_601 = arith.index_cast %add3A_600 : i32 to index
      %get3A_602 = arith.constant 64 : index
      %get3A_603 = tpu.vector_load %arg9[%get3A_601, %get3A_602] {strides = array<i32>} : memref<40x128xi32, #tpu.memory_space<vmem>>, vector<16xi32>,
      %iota3A_604 = tpu.iota {dimensions = array<i32: 0>} : vector<16xi32>
      %add3A_605 = arith.constant 64 : i32
      %add3A_606 = vector.broadcast %add3A_605 : i32 to vector<16xi32>
      %add3A_607 = arith.addi %iota3A_604, %add3A_606 : vector<16xi32>
      %mul3A_608 = arith.constant 4 : i32
      %mul3A_609 = vector.broadcast %mul3A_608 : i32 to vector<16xi32>
      %mul3A_610 = arith.muli %add3A_607, %mul3A_609 : vector<16xi32>
      %gather3A_611 = tpu.vector_load_idx %arg12[%get3A_603] : memref<10000xf32, #tpu.memory_space<vmem>>[vector<16xi32>], vector<16xf32>,
      %gather3A_612 = tpu.vector_load_idx %arg13[%get3A_603] : memref<10000xf32, #tpu.memory_space<vmem>>[vector<16xi32>], vector<16xf32>,
      %gather3A_613 = tpu.vector_load_idx %arg14[%get3A_603] : memref<10000xf32, #tpu.memory_space<vmem>>[vector<16xi32>], vector<16xf32>,
      tpu.vector_store_idx %arg16[%mul3A_610], %gather3A_611 : memref<1024xf32, #tpu.memory_space<vmem>>[vector<16xi32>], vector<16xf32>,
      %add3A_614 = arith.constant 1 : i32
      %add3A_615 = vector.broadcast %add3A_614 : i32 to vector<16xi32>
      %add3A_616 = arith.addi %mul3A_610, %add3A_615 : vector<16xi32>
      tpu.vector_store_idx %arg16[%add3A_616], %gather3A_612 : memref<1024xf32, #tpu.memory_space<vmem>>[vector<16xi32>], vector<16xf32>,
      %add3A_617 = arith.constant 2 : i32
      %add3A_618 = vector.broadcast %add3A_617 : i32 to vector<16xi32>
      %add3A_619 = arith.addi %mul3A_610, %add3A_618 : vector<16xi32>
      tpu.vector_store_idx %arg16[%add3A_619], %gather3A_613 : memref<1024xf32, #tpu.memory_space<vmem>>[vector<16xi32>], vector<16xf32>,
      %mul3A_620 = arith.constant 2 : i32
      %mul3A_621 = arith.muli %add3A_504, %mul3A_620 : i32
      %add3A_622 = arith.constant 0 : i32
      %add3A_623 = arith.addi %mul3A_621, %add3A_622 : i32
      %get3A_624 = arith.index_cast %add3A_623 : i32 to index
      %get3A_625 = arith.constant 80 : index
      %get3A_626 = tpu.vector_load %arg9[%get3A_624, %get3A_625] {strides = array<i32>} : memref<40x128xi32, #tpu.memory_space<vmem>>, vector<16xi32>,
      %iota3A_627 = tpu.iota {dimensions = array<i32: 0>} : vector<16xi32>
      %add3A_628 = arith.constant 80 : i32
      %add3A_629 = vector.broadcast %add3A_628 : i32 to vector<16xi32>
      %add3A_630 = arith.addi %iota3A_627, %add3A_629 : vector<16xi32>
      %mul3A_631 = arith.constant 4 : i32
      %mul3A_632 = vector.broadcast %mul3A_631 : i32 to vector<16xi32>
      %mul3A_633 = arith.muli %add3A_630, %mul3A_632 : vector<16xi32>
      %gather3A_634 = tpu.vector_load_idx %arg12[%get3A_626] : memref<10000xf32, #tpu.memory_space<vmem>>[vector<16xi32>], vector<16xf32>,
      %gather3A_635 = tpu.vector_load_idx %arg13[%get3A_626] : memref<10000xf32, #tpu.memory_space<vmem>>[vector<16xi32>], vector<16xf32>,
      %gather3A_636 = tpu.vector_load_idx %arg14[%get3A_626] : memref<10000xf32, #tpu.memory_space<vmem>>[vector<16xi32>], vector<16xf32>,
      tpu.vector_store_idx %arg16[%mul3A_633], %gather3A_634 : memref<1024xf32, #tpu.memory_space<vmem>>[vector<16xi32>], vector<16xf32>,
      %add3A_637 = arith.constant 1 : i32
      %add3A_638 = vector.broadcast %add3A_637 : i32 to vector<16xi32>
      %add3A_639 = arith.addi %mul3A_633, %add3A_638 : vector<16xi32>
      tpu.vector_store_idx %arg16[%add3A_639], %gather3A_635 : memref<1024xf32, #tpu.memory_space<vmem>>[vector<16xi32>], vector<16xf32>,
      %add3A_640 = arith.constant 2 : i32
      %add3A_641 = vector.broadcast %add3A_640 : i32 to vector<16xi32>
      %add3A_642 = arith.addi %mul3A_633, %add3A_641 : vector<16xi32>
      tpu.vector_store_idx %arg16[%add3A_642], %gather3A_636 : memref<1024xf32, #tpu.memory_space<vmem>>[vector<16xi32>], vector<16xf32>,
      %mul3A_643 = arith.constant 2 : i32
      %mul3A_644 = arith.muli %add3A_504, %mul3A_643 : i32
      %add3A_645 = arith.constant 0 : i32
      %add3A_646 = arith.addi %mul3A_644, %add3A_645 : i32
      %get3A_647 = arith.index_cast %add3A_646 : i32 to index
      %get3A_648 = arith.constant 96 : index
      %get3A_649 = tpu.vector_load %arg9[%get3A_647, %get3A_648] {strides = array<i32>} : memref<40x128xi32, #tpu.memory_space<vmem>>, vector<16xi32>,
      %iota3A_650 = tpu.iota {dimensions = array<i32: 0>} : vector<16xi32>
      %add3A_651 = arith.constant 96 : i32
      %add3A_652 = vector.broadcast %add3A_651 : i32 to vector<16xi32>
      %add3A_653 = arith.addi %iota3A_650, %add3A_652 : vector<16xi32>
      %mul3A_654 = arith.constant 4 : i32
      %mul3A_655 = vector.broadcast %mul3A_654 : i32 to vector<16xi32>
      %mul3A_656 = arith.muli %add3A_653, %mul3A_655 : vector<16xi32>
      %gather3A_657 = tpu.vector_load_idx %arg12[%get3A_649] : memref<10000xf32, #tpu.memory_space<vmem>>[vector<16xi32>], vector<16xf32>,
      %gather3A_658 = tpu.vector_load_idx %arg13[%get3A_649] : memref<10000xf32, #tpu.memory_space<vmem>>[vector<16xi32>], vector<16xf32>,
      %gather3A_659 = tpu.vector_load_idx %arg14[%get3A_649] : memref<10000xf32, #tpu.memory_space<vmem>>[vector<16xi32>], vector<16xf32>,
      tpu.vector_store_idx %arg16[%mul3A_656], %gather3A_657 : memref<1024xf32, #tpu.memory_space<vmem>>[vector<16xi32>], vector<16xf32>,
      %add3A_660 = arith.constant 1 : i32
      %add3A_661 = vector.broadcast %add3A_660 : i32 to vector<16xi32>
      %add3A_662 = arith.addi %mul3A_656, %add3A_661 : vector<16xi32>
      tpu.vector_store_idx %arg16[%add3A_662], %gather3A_658 : memref<1024xf32, #tpu.memory_space<vmem>>[vector<16xi32>], vector<16xf32>,
      %add3A_663 = arith.constant 2 : i32
      %add3A_664 = vector.broadcast %add3A_663 : i32 to vector<16xi32>
      %add3A_665 = arith.addi %mul3A_656, %add3A_664 : vector<16xi32>
      tpu.vector_store_idx %arg16[%add3A_665], %gather3A_659 : memref<1024xf32, #tpu.memory_space<vmem>>[vector<16xi32>], vector<16xf32>,
      %mul3A_666 = arith.constant 2 : i32
      %mul3A_667 = arith.muli %add3A_504, %mul3A_666 : i32
      %add3A_668 = arith.constant 0 : i32
      %add3A_669 = arith.addi %mul3A_667, %add3A_668 : i32
      %get3A_670 = arith.index_cast %add3A_669 : i32 to index
      %get3A_671 = arith.constant 112 : index
      %get3A_672 = tpu.vector_load %arg9[%get3A_670, %get3A_671] {strides = array<i32>} : memref<40x128xi32, #tpu.memory_space<vmem>>, vector<16xi32>,
      %iota3A_673 = tpu.iota {dimensions = array<i32: 0>} : vector<16xi32>
      %add3A_674 = arith.constant 112 : i32
      %add3A_675 = vector.broadcast %add3A_674 : i32 to vector<16xi32>
      %add3A_676 = arith.addi %iota3A_673, %add3A_675 : vector<16xi32>
      %mul3A_677 = arith.constant 4 : i32
      %mul3A_678 = vector.broadcast %mul3A_677 : i32 to vector<16xi32>
      %mul3A_679 = arith.muli %add3A_676, %mul3A_678 : vector<16xi32>
      %gather3A_680 = tpu.vector_load_idx %arg12[%get3A_672] : memref<10000xf32, #tpu.memory_space<vmem>>[vector<16xi32>], vector<16xf32>,
      %gather3A_681 = tpu.vector_load_idx %arg13[%get3A_672] : memref<10000xf32, #tpu.memory_space<vmem>>[vector<16xi32>], vector<16xf32>,
      %gather3A_682 = tpu.vector_load_idx %arg14[%get3A_672] : memref<10000xf32, #tpu.memory_space<vmem>>[vector<16xi32>], vector<16xf32>,
      tpu.vector_store_idx %arg16[%mul3A_679], %gather3A_680 : memref<1024xf32, #tpu.memory_space<vmem>>[vector<16xi32>], vector<16xf32>,
      %add3A_683 = arith.constant 1 : i32
      %add3A_684 = vector.broadcast %add3A_683 : i32 to vector<16xi32>
      %add3A_685 = arith.addi %mul3A_679, %add3A_684 : vector<16xi32>
      tpu.vector_store_idx %arg16[%add3A_685], %gather3A_681 : memref<1024xf32, #tpu.memory_space<vmem>>[vector<16xi32>], vector<16xf32>,
      %add3A_686 = arith.constant 2 : i32
      %add3A_687 = vector.broadcast %add3A_686 : i32 to vector<16xi32>
      %add3A_688 = arith.addi %mul3A_679, %add3A_687 : vector<16xi32>
      tpu.vector_store_idx %arg16[%add3A_688], %gather3A_682 : memref<1024xf32, #tpu.memory_space<vmem>>[vector<16xi32>], vector<16xf32>,
      %mul3A_689 = arith.constant 2 : i32
      %mul3A_690 = arith.muli %add3A_504, %mul3A_689 : i32
      %add3A_691 = arith.constant 1 : i32
      %add3A_692 = arith.addi %mul3A_690, %add3A_691 : i32
      %get3A_693 = arith.index_cast %add3A_692 : i32 to index
      %get3A_694 = arith.constant 0 : index
      %get3A_695 = tpu.vector_load %arg9[%get3A_693, %get3A_694] {strides = array<i32>} : memref<40x128xi32, #tpu.memory_space<vmem>>, vector<16xi32>,
      %iota3A_696 = tpu.iota {dimensions = array<i32: 0>} : vector<16xi32>
      %add3A_697 = arith.constant 128 : i32
      %add3A_698 = vector.broadcast %add3A_697 : i32 to vector<16xi32>
      %add3A_699 = arith.addi %iota3A_696, %add3A_698 : vector<16xi32>
      %mul3A_700 = arith.constant 4 : i32
      %mul3A_701 = vector.broadcast %mul3A_700 : i32 to vector<16xi32>
      %mul3A_702 = arith.muli %add3A_699, %mul3A_701 : vector<16xi32>
      %gather3A_703 = tpu.vector_load_idx %arg12[%get3A_695] : memref<10000xf32, #tpu.memory_space<vmem>>[vector<16xi32>], vector<16xf32>,
      %gather3A_704 = tpu.vector_load_idx %arg13[%get3A_695] : memref<10000xf32, #tpu.memory_space<vmem>>[vector<16xi32>], vector<16xf32>,
      %gather3A_705 = tpu.vector_load_idx %arg14[%get3A_695] : memref<10000xf32, #tpu.memory_space<vmem>>[vector<16xi32>], vector<16xf32>,
      tpu.vector_store_idx %arg16[%mul3A_702], %gather3A_703 : memref<1024xf32, #tpu.memory_space<vmem>>[vector<16xi32>], vector<16xf32>,
      %add3A_706 = arith.constant 1 : i32
      %add3A_707 = vector.broadcast %add3A_706 : i32 to vector<16xi32>
      %add3A_708 = arith.addi %mul3A_702, %add3A_707 : vector<16xi32>
      tpu.vector_store_idx %arg16[%add3A_708], %gather3A_704 : memref<1024xf32, #tpu.memory_space<vmem>>[vector<16xi32>], vector<16xf32>,
      %add3A_709 = arith.constant 2 : i32
      %add3A_710 = vector.broadcast %add3A_709 : i32 to vector<16xi32>
      %add3A_711 = arith.addi %mul3A_702, %add3A_710 : vector<16xi32>
      tpu.vector_store_idx %arg16[%add3A_711], %gather3A_705 : memref<1024xf32, #tpu.memory_space<vmem>>[vector<16xi32>], vector<16xf32>,
      %mul3A_712 = arith.constant 2 : i32
      %mul3A_713 = arith.muli %add3A_504, %mul3A_712 : i32
      %add3A_714 = arith.constant 1 : i32
      %add3A_715 = arith.addi %mul3A_713, %add3A_714 : i32
      %get3A_716 = arith.index_cast %add3A_715 : i32 to index
      %get3A_717 = arith.constant 16 : index
      %get3A_718 = tpu.vector_load %arg9[%get3A_716, %get3A_717] {strides = array<i32>} : memref<40x128xi32, #tpu.memory_space<vmem>>, vector<16xi32>,
      %iota3A_719 = tpu.iota {dimensions = array<i32: 0>} : vector<16xi32>
      %add3A_720 = arith.constant 144 : i32
      %add3A_721 = vector.broadcast %add3A_720 : i32 to vector<16xi32>
      %add3A_722 = arith.addi %iota3A_719, %add3A_721 : vector<16xi32>
      %mul3A_723 = arith.constant 4 : i32
      %mul3A_724 = vector.broadcast %mul3A_723 : i32 to vector<16xi32>
      %mul3A_725 = arith.muli %add3A_722, %mul3A_724 : vector<16xi32>
      %gather3A_726 = tpu.vector_load_idx %arg12[%get3A_718] : memref<10000xf32, #tpu.memory_space<vmem>>[vector<16xi32>], vector<16xf32>,
      %gather3A_727 = tpu.vector_load_idx %arg13[%get3A_718] : memref<10000xf32, #tpu.memory_space<vmem>>[vector<16xi32>], vector<16xf32>,
      %gather3A_728 = tpu.vector_load_idx %arg14[%get3A_718] : memref<10000xf32, #tpu.memory_space<vmem>>[vector<16xi32>], vector<16xf32>,
      tpu.vector_store_idx %arg16[%mul3A_725], %gather3A_726 : memref<1024xf32, #tpu.memory_space<vmem>>[vector<16xi32>], vector<16xf32>,
      %add3A_729 = arith.constant 1 : i32
      %add3A_730 = vector.broadcast %add3A_729 : i32 to vector<16xi32>
      %add3A_731 = arith.addi %mul3A_725, %add3A_730 : vector<16xi32>
      tpu.vector_store_idx %arg16[%add3A_731], %gather3A_727 : memref<1024xf32, #tpu.memory_space<vmem>>[vector<16xi32>], vector<16xf32>,
      %add3A_732 = arith.constant 2 : i32
      %add3A_733 = vector.broadcast %add3A_732 : i32 to vector<16xi32>
      %add3A_734 = arith.addi %mul3A_725, %add3A_733 : vector<16xi32>
      tpu.vector_store_idx %arg16[%add3A_734], %gather3A_728 : memref<1024xf32, #tpu.memory_space<vmem>>[vector<16xi32>], vector<16xf32>,
      %mul3A_735 = arith.constant 2 : i32
      %mul3A_736 = arith.muli %add3A_504, %mul3A_735 : i32
      %add3A_737 = arith.constant 1 : i32
      %add3A_738 = arith.addi %mul3A_736, %add3A_737 : i32
      %get3A_739 = arith.index_cast %add3A_738 : i32 to index
      %get3A_740 = arith.constant 32 : index
      %get3A_741 = tpu.vector_load %arg9[%get3A_739, %get3A_740] {strides = array<i32>} : memref<40x128xi32, #tpu.memory_space<vmem>>, vector<16xi32>,
      %iota3A_742 = tpu.iota {dimensions = array<i32: 0>} : vector<16xi32>
      %add3A_743 = arith.constant 160 : i32
      %add3A_744 = vector.broadcast %add3A_743 : i32 to vector<16xi32>
      %add3A_745 = arith.addi %iota3A_742, %add3A_744 : vector<16xi32>
      %mul3A_746 = arith.constant 4 : i32
      %mul3A_747 = vector.broadcast %mul3A_746 : i32 to vector<16xi32>
      %mul3A_748 = arith.muli %add3A_745, %mul3A_747 : vector<16xi32>
      %gather3A_749 = tpu.vector_load_idx %arg12[%get3A_741] : memref<10000xf32, #tpu.memory_space<vmem>>[vector<16xi32>], vector<16xf32>,
      %gather3A_750 = tpu.vector_load_idx %arg13[%get3A_741] : memref<10000xf32, #tpu.memory_space<vmem>>[vector<16xi32>], vector<16xf32>,
      %gather3A_751 = tpu.vector_load_idx %arg14[%get3A_741] : memref<10000xf32, #tpu.memory_space<vmem>>[vector<16xi32>], vector<16xf32>,
      tpu.vector_store_idx %arg16[%mul3A_748], %gather3A_749 : memref<1024xf32, #tpu.memory_space<vmem>>[vector<16xi32>], vector<16xf32>,
      %add3A_752 = arith.constant 1 : i32
      %add3A_753 = vector.broadcast %add3A_752 : i32 to vector<16xi32>
      %add3A_754 = arith.addi %mul3A_748, %add3A_753 : vector<16xi32>
      tpu.vector_store_idx %arg16[%add3A_754], %gather3A_750 : memref<1024xf32, #tpu.memory_space<vmem>>[vector<16xi32>], vector<16xf32>,
      %add3A_755 = arith.constant 2 : i32
      %add3A_756 = vector.broadcast %add3A_755 : i32 to vector<16xi32>
      %add3A_757 = arith.addi %mul3A_748, %add3A_756 : vector<16xi32>
      tpu.vector_store_idx %arg16[%add3A_757], %gather3A_751 : memref<1024xf32, #tpu.memory_space<vmem>>[vector<16xi32>], vector<16xf32>,
      %mul3A_758 = arith.constant 2 : i32
      %mul3A_759 = arith.muli %add3A_504, %mul3A_758 : i32
      %add3A_760 = arith.constant 1 : i32
      %add3A_761 = arith.addi %mul3A_759, %add3A_760 : i32
      %get3A_762 = arith.index_cast %add3A_761 : i32 to index
      %get3A_763 = arith.constant 48 : index
      %get3A_764 = tpu.vector_load %arg9[%get3A_762, %get3A_763] {strides = array<i32>} : memref<40x128xi32, #tpu.memory_space<vmem>>, vector<16xi32>,
      %iota3A_765 = tpu.iota {dimensions = array<i32: 0>} : vector<16xi32>
      %add3A_766 = arith.constant 176 : i32
      %add3A_767 = vector.broadcast %add3A_766 : i32 to vector<16xi32>
      %add3A_768 = arith.addi %iota3A_765, %add3A_767 : vector<16xi32>
      %mul3A_769 = arith.constant 4 : i32
      %mul3A_770 = vector.broadcast %mul3A_769 : i32 to vector<16xi32>
      %mul3A_771 = arith.muli %add3A_768, %mul3A_770 : vector<16xi32>
      %gather3A_772 = tpu.vector_load_idx %arg12[%get3A_764] : memref<10000xf32, #tpu.memory_space<vmem>>[vector<16xi32>], vector<16xf32>,
      %gather3A_773 = tpu.vector_load_idx %arg13[%get3A_764] : memref<10000xf32, #tpu.memory_space<vmem>>[vector<16xi32>], vector<16xf32>,
      %gather3A_774 = tpu.vector_load_idx %arg14[%get3A_764] : memref<10000xf32, #tpu.memory_space<vmem>>[vector<16xi32>], vector<16xf32>,
      tpu.vector_store_idx %arg16[%mul3A_771], %gather3A_772 : memref<1024xf32, #tpu.memory_space<vmem>>[vector<16xi32>], vector<16xf32>,
      %add3A_775 = arith.constant 1 : i32
      %add3A_776 = vector.broadcast %add3A_775 : i32 to vector<16xi32>
      %add3A_777 = arith.addi %mul3A_771, %add3A_776 : vector<16xi32>
      tpu.vector_store_idx %arg16[%add3A_777], %gather3A_773 : memref<1024xf32, #tpu.memory_space<vmem>>[vector<16xi32>], vector<16xf32>,
      %add3A_778 = arith.constant 2 : i32
      %add3A_779 = vector.broadcast %add3A_778 : i32 to vector<16xi32>
      %add3A_780 = arith.addi %mul3A_771, %add3A_779 : vector<16xi32>
      tpu.vector_store_idx %arg16[%add3A_780], %gather3A_774 : memref<1024xf32, #tpu.memory_space<vmem>>[vector<16xi32>], vector<16xf32>,
      %mul3A_781 = arith.constant 2 : i32
      %mul3A_782 = arith.muli %add3A_504, %mul3A_781 : i32
      %add3A_783 = arith.constant 1 : i32
      %add3A_784 = arith.addi %mul3A_782, %add3A_783 : i32
      %get3A_785 = arith.index_cast %add3A_784 : i32 to index
      %get3A_786 = arith.constant 64 : index
      %get3A_787 = tpu.vector_load %arg9[%get3A_785, %get3A_786] {strides = array<i32>} : memref<40x128xi32, #tpu.memory_space<vmem>>, vector<16xi32>,
      %iota3A_788 = tpu.iota {dimensions = array<i32: 0>} : vector<16xi32>
      %add3A_789 = arith.constant 192 : i32
      %add3A_790 = vector.broadcast %add3A_789 : i32 to vector<16xi32>
      %add3A_791 = arith.addi %iota3A_788, %add3A_790 : vector<16xi32>
      %mul3A_792 = arith.constant 4 : i32
      %mul3A_793 = vector.broadcast %mul3A_792 : i32 to vector<16xi32>
      %mul3A_794 = arith.muli %add3A_791, %mul3A_793 : vector<16xi32>
      %gather3A_795 = tpu.vector_load_idx %arg12[%get3A_787] : memref<10000xf32, #tpu.memory_space<vmem>>[vector<16xi32>], vector<16xf32>,
      %gather3A_796 = tpu.vector_load_idx %arg13[%get3A_787] : memref<10000xf32, #tpu.memory_space<vmem>>[vector<16xi32>], vector<16xf32>,
      %gather3A_797 = tpu.vector_load_idx %arg14[%get3A_787] : memref<10000xf32, #tpu.memory_space<vmem>>[vector<16xi32>], vector<16xf32>,
      tpu.vector_store_idx %arg16[%mul3A_794], %gather3A_795 : memref<1024xf32, #tpu.memory_space<vmem>>[vector<16xi32>], vector<16xf32>,
      %add3A_798 = arith.constant 1 : i32
      %add3A_799 = vector.broadcast %add3A_798 : i32 to vector<16xi32>
      %add3A_800 = arith.addi %mul3A_794, %add3A_799 : vector<16xi32>
      tpu.vector_store_idx %arg16[%add3A_800], %gather3A_796 : memref<1024xf32, #tpu.memory_space<vmem>>[vector<16xi32>], vector<16xf32>,
      %add3A_801 = arith.constant 2 : i32
      %add3A_802 = vector.broadcast %add3A_801 : i32 to vector<16xi32>
      %add3A_803 = arith.addi %mul3A_794, %add3A_802 : vector<16xi32>
      tpu.vector_store_idx %arg16[%add3A_803], %gather3A_797 : memref<1024xf32, #tpu.memory_space<vmem>>[vector<16xi32>], vector<16xf32>,
      %mul3A_804 = arith.constant 2 : i32
      %mul3A_805 = arith.muli %add3A_504, %mul3A_804 : i32
      %add3A_806 = arith.constant 1 : i32
      %add3A_807 = arith.addi %mul3A_805, %add3A_806 : i32
      %get3A_808 = arith.index_cast %add3A_807 : i32 to index
      %get3A_809 = arith.constant 80 : index
      %get3A_810 = tpu.vector_load %arg9[%get3A_808, %get3A_809] {strides = array<i32>} : memref<40x128xi32, #tpu.memory_space<vmem>>, vector<16xi32>,
      %iota3A_811 = tpu.iota {dimensions = array<i32: 0>} : vector<16xi32>
      %add3A_812 = arith.constant 208 : i32
      %add3A_813 = vector.broadcast %add3A_812 : i32 to vector<16xi32>
      %add3A_814 = arith.addi %iota3A_811, %add3A_813 : vector<16xi32>
      %mul3A_815 = arith.constant 4 : i32
      %mul3A_816 = vector.broadcast %mul3A_815 : i32 to vector<16xi32>
      %mul3A_817 = arith.muli %add3A_814, %mul3A_816 : vector<16xi32>
      %gather3A_818 = tpu.vector_load_idx %arg12[%get3A_810] : memref<10000xf32, #tpu.memory_space<vmem>>[vector<16xi32>], vector<16xf32>,
      %gather3A_819 = tpu.vector_load_idx %arg13[%get3A_810] : memref<10000xf32, #tpu.memory_space<vmem>>[vector<16xi32>], vector<16xf32>,
      %gather3A_820 = tpu.vector_load_idx %arg14[%get3A_810] : memref<10000xf32, #tpu.memory_space<vmem>>[vector<16xi32>], vector<16xf32>,
      tpu.vector_store_idx %arg16[%mul3A_817], %gather3A_818 : memref<1024xf32, #tpu.memory_space<vmem>>[vector<16xi32>], vector<16xf32>,
      %add3A_821 = arith.constant 1 : i32
      %add3A_822 = vector.broadcast %add3A_821 : i32 to vector<16xi32>
      %add3A_823 = arith.addi %mul3A_817, %add3A_822 : vector<16xi32>
      tpu.vector_store_idx %arg16[%add3A_823], %gather3A_819 : memref<1024xf32, #tpu.memory_space<vmem>>[vector<16xi32>], vector<16xf32>,
      %add3A_824 = arith.constant 2 : i32
      %add3A_825 = vector.broadcast %add3A_824 : i32 to vector<16xi32>
      %add3A_826 = arith.addi %mul3A_817, %add3A_825 : vector<16xi32>
      tpu.vector_store_idx %arg16[%add3A_826], %gather3A_820 : memref<1024xf32, #tpu.memory_space<vmem>>[vector<16xi32>], vector<16xf32>,
      %mul3A_827 = arith.constant 2 : i32
      %mul3A_828 = arith.muli %add3A_504, %mul3A_827 : i32
      %add3A_829 = arith.constant 1 : i32
      %add3A_830 = arith.addi %mul3A_828, %add3A_829 : i32
      %get3A_831 = arith.index_cast %add3A_830 : i32 to index
      %get3A_832 = arith.constant 96 : index
      %get3A_833 = tpu.vector_load %arg9[%get3A_831, %get3A_832] {strides = array<i32>} : memref<40x128xi32, #tpu.memory_space<vmem>>, vector<16xi32>,
      %iota3A_834 = tpu.iota {dimensions = array<i32: 0>} : vector<16xi32>
      %add3A_835 = arith.constant 224 : i32
      %add3A_836 = vector.broadcast %add3A_835 : i32 to vector<16xi32>
      %add3A_837 = arith.addi %iota3A_834, %add3A_836 : vector<16xi32>
      %mul3A_838 = arith.constant 4 : i32
      %mul3A_839 = vector.broadcast %mul3A_838 : i32 to vector<16xi32>
      %mul3A_840 = arith.muli %add3A_837, %mul3A_839 : vector<16xi32>
      %gather3A_841 = tpu.vector_load_idx %arg12[%get3A_833] : memref<10000xf32, #tpu.memory_space<vmem>>[vector<16xi32>], vector<16xf32>,
      %gather3A_842 = tpu.vector_load_idx %arg13[%get3A_833] : memref<10000xf32, #tpu.memory_space<vmem>>[vector<16xi32>], vector<16xf32>,
      %gather3A_843 = tpu.vector_load_idx %arg14[%get3A_833] : memref<10000xf32, #tpu.memory_space<vmem>>[vector<16xi32>], vector<16xf32>,
      tpu.vector_store_idx %arg16[%mul3A_840], %gather3A_841 : memref<1024xf32, #tpu.memory_space<vmem>>[vector<16xi32>], vector<16xf32>,
      %add3A_844 = arith.constant 1 : i32
      %add3A_845 = vector.broadcast %add3A_844 : i32 to vector<16xi32>
      %add3A_846 = arith.addi %mul3A_840, %add3A_845 : vector<16xi32>
      tpu.vector_store_idx %arg16[%add3A_846], %gather3A_842 : memref<1024xf32, #tpu.memory_space<vmem>>[vector<16xi32>], vector<16xf32>,
      %add3A_847 = arith.constant 2 : i32
      %add3A_848 = vector.broadcast %add3A_847 : i32 to vector<16xi32>
      %add3A_849 = arith.addi %mul3A_840, %add3A_848 : vector<16xi32>
      tpu.vector_store_idx %arg16[%add3A_849], %gather3A_843 : memref<1024xf32, #tpu.memory_space<vmem>>[vector<16xi32>], vector<16xf32>,
      %mul3A_850 = arith.constant 2 : i32
      %mul3A_851 = arith.muli %add3A_504, %mul3A_850 : i32
      %add3A_852 = arith.constant 1 : i32
      %add3A_853 = arith.addi %mul3A_851, %add3A_852 : i32
      %get3A_854 = arith.index_cast %add3A_853 : i32 to index
      %get3A_855 = arith.constant 112 : index
      %get3A_856 = tpu.vector_load %arg9[%get3A_854, %get3A_855] {strides = array<i32>} : memref<40x128xi32, #tpu.memory_space<vmem>>, vector<16xi32>,
      %iota3A_857 = tpu.iota {dimensions = array<i32: 0>} : vector<16xi32>
      %add3A_858 = arith.constant 240 : i32
      %add3A_859 = vector.broadcast %add3A_858 : i32 to vector<16xi32>
      %add3A_860 = arith.addi %iota3A_857, %add3A_859 : vector<16xi32>
      %mul3A_861 = arith.constant 4 : i32
      %mul3A_862 = vector.broadcast %mul3A_861 : i32 to vector<16xi32>
      %mul3A_863 = arith.muli %add3A_860, %mul3A_862 : vector<16xi32>
      %gather3A_864 = tpu.vector_load_idx %arg12[%get3A_856] : memref<10000xf32, #tpu.memory_space<vmem>>[vector<16xi32>], vector<16xf32>,
      %gather3A_865 = tpu.vector_load_idx %arg13[%get3A_856] : memref<10000xf32, #tpu.memory_space<vmem>>[vector<16xi32>], vector<16xf32>,
      %gather3A_866 = tpu.vector_load_idx %arg14[%get3A_856] : memref<10000xf32, #tpu.memory_space<vmem>>[vector<16xi32>], vector<16xf32>,
      tpu.vector_store_idx %arg16[%mul3A_863], %gather3A_864 : memref<1024xf32, #tpu.memory_space<vmem>>[vector<16xi32>], vector<16xf32>,
      %add3A_867 = arith.constant 1 : i32
      %add3A_868 = vector.broadcast %add3A_867 : i32 to vector<16xi32>
      %add3A_869 = arith.addi %mul3A_863, %add3A_868 : vector<16xi32>
      tpu.vector_store_idx %arg16[%add3A_869], %gather3A_865 : memref<1024xf32, #tpu.memory_space<vmem>>[vector<16xi32>], vector<16xf32>,
      %add3A_870 = arith.constant 2 : i32
      %add3A_871 = vector.broadcast %add3A_870 : i32 to vector<16xi32>
      %add3A_872 = arith.addi %mul3A_863, %add3A_871 : vector<16xi32>
      tpu.vector_store_idx %arg16[%add3A_872], %gather3A_866 : memref<1024xf32, #tpu.memory_space<vmem>>[vector<16xi32>], vector<16xf32>,
      %mul3A_873 = arith.constant 2 : i32
      %mul3A_874 = arith.muli %add3A_504, %mul3A_873 : i32
      %add3A_875 = arith.constant 0 : i32
      %add3A_876 = arith.addi %mul3A_874, %add3A_875 : i32
      %dma_wait3A_877 = arith.constant 0 : i32
      %dma_wait3A_878 = arith.constant 0 : i32
      %dma_wait3A_879 = tpu.memref_slice %arg11[%dma_wait3A_877, %dma_wait3A_878] : memref<256x128xf32, #tpu.memory_space<vmem>> -> memref<128x128xf32, #tpu.memory_space<vmem>>
      %dma_wait3A_880 = arith.constant 0 : i32
      %dma_wait3A_881 = tpu.memref_slice %arg9[%add3A_876, %dma_wait3A_880] : memref<40x128xi32, #tpu.memory_space<vmem>> -> memref<1x128xi32, #tpu.memory_space<vmem>>
      %dma_wait3A_882 = tpu.memref_squeeze %dma_wait3A_881 : memref<1x128xi32, #tpu.memory_space<vmem>> -> memref<128xi32, #tpu.memory_space<vmem>>
      %dma_wait3A_883 = arith.constant 0 : i32
      %dma_wait3A_884 = arith.constant 0 : i32
      %dma_wait3A_885 = tpu.memref_slice %arg2[%dma_wait3A_883, %dma_wait3A_884] : memref<10000x128xf32, #tpu.memory_space<hbm>> -> memref<10000x128xf32, #tpu.memory_space<hbm>>
      tpu.wait_indirect_dma semaphore(%arg18 : memref<!tpu.dma_semaphore, #tpu.memory_space<semaphore_mem>>) src(%dma_wait3A_885 : memref<10000x128xf32, #tpu.memory_space<hbm>>) dst(%dma_wait3A_879 : memref<128x128xf32, #tpu.memory_space<vmem>>)
      %mul3A_886 = arith.constant 2 : i32
      %mul3A_887 = arith.muli %add3A_504, %mul3A_886 : i32
      %add3A_888 = arith.constant 1 : i32
      %add3A_889 = arith.addi %mul3A_887, %add3A_888 : i32
      %dma_wait3A_890 = arith.constant 128 : i32
      %dma_wait3A_891 = arith.constant 0 : i32
      %dma_wait3A_892 = tpu.memref_slice %arg11[%dma_wait3A_890, %dma_wait3A_891] : memref<256x128xf32, #tpu.memory_space<vmem>> -> memref<128x128xf32, #tpu.memory_space<vmem>>
      %dma_wait3A_893 = arith.constant 0 : i32
      %dma_wait3A_894 = tpu.memref_slice %arg9[%add3A_889, %dma_wait3A_893] : memref<40x128xi32, #tpu.memory_space<vmem>> -> memref<1x128xi32, #tpu.memory_space<vmem>>
      %dma_wait3A_895 = tpu.memref_squeeze %dma_wait3A_894 : memref<1x128xi32, #tpu.memory_space<vmem>> -> memref<128xi32, #tpu.memory_space<vmem>>
      %dma_wait3A_896 = arith.constant 0 : i32
      %dma_wait3A_897 = arith.constant 0 : i32
      %dma_wait3A_898 = tpu.memref_slice %arg2[%dma_wait3A_896, %dma_wait3A_897] : memref<10000x128xf32, #tpu.memory_space<hbm>> -> memref<10000x128xf32, #tpu.memory_space<hbm>>
      tpu.wait_indirect_dma semaphore(%arg18 : memref<!tpu.dma_semaphore, #tpu.memory_space<semaphore_mem>>) src(%dma_wait3A_898 : memref<10000x128xf32, #tpu.memory_space<hbm>>) dst(%dma_wait3A_892 : memref<128x128xf32, #tpu.memory_space<vmem>>)
      %mul3A_899 = arith.constant 256 : i32
      %mul3A_900 = arith.muli %add3A_504, %mul3A_899 : i32
      %add3A_901 = arith.addi %mul3A_2, %mul3A_900 : i32
      %multiple_of3A_902 = tpu.assume_multiple %add3A_901, 256 : i32
      %mul3A_903 = arith.constant 4 : i32
      %mul3A_904 = arith.muli %multiple_of3A_902, %mul3A_903 : i32
      %dma_start3A_905 = arith.constant 0 : i32
      %dma_start3A_906 = tpu.memref_slice %arg7[%multiple_of3A_902, %dma_start3A_905] : memref<163840x128xf32, #tpu.memory_space<hbm>> -> memref<256x128xf32, #tpu.memory_space<hbm>>
      %dma_start3A_907 = arith.constant 0 : i32
      %dma_start3A_908 = tpu.memref_slice %arg7[%multiple_of3A_902, %dma_start3A_907] : memref<163840x128xf32, #tpu.memory_space<hbm>> -> memref<256x128xf32, #tpu.memory_space<hbm>>
      tpu.enqueue_dma source(%arg11 : memref<256x128xf32, #tpu.memory_space<vmem>>) target(%dma_start3A_908 : memref<256x128xf32, #tpu.memory_space<hbm>>) target_semaphore(%arg20 : memref<!tpu.dma_semaphore, #tpu.memory_space<semaphore_mem>>)
      %dma_start3A_909 = tpu.memref_slice %arg8[%mul3A_904] : memref<655360xf32, #tpu.memory_space<hbm>> -> memref<1024xf32, #tpu.memory_space<hbm>>
      %dma_start3A_910 = tpu.memref_slice %arg8[%mul3A_904] : memref<655360xf32, #tpu.memory_space<hbm>> -> memref<1024xf32, #tpu.memory_space<hbm>>
      tpu.enqueue_dma source(%arg16 : memref<1024xf32, #tpu.memory_space<vmem>>) target(%dma_start3A_910 : memref<1024xf32, #tpu.memory_space<hbm>>) target_semaphore(%arg20 : memref<!tpu.dma_semaphore, #tpu.memory_space<semaphore_mem>>)
    }
    %scan3A_6 = arith.constant 10 : i32
    %add3A_7 = arith.constant 4608 : i32
    %add3A_8 = arith.addi %mul3A_2, %add3A_7 : i32
    %multiple_of3A = tpu.assume_multiple %add3A_8, 256 : i32
    %mul3A_9 = arith.constant 4 : i32
    %mul3A_10 = arith.muli %multiple_of3A, %mul3A_9 : i32
    %dma_wait3A = arith.constant 0 : i32
    %dma_wait3A_11 = tpu.memref_slice %arg7[%multiple_of3A, %dma_wait3A] : memref<163840x128xf32, #tpu.memory_space<hbm>> -> memref<256x128xf32, #tpu.memory_space<hbm>>
    %dma_wait3A_12 = arith.constant 0 : i32
    %dma_wait3A_13 = tpu.memref_slice %arg7[%multiple_of3A, %dma_wait3A_12] : memref<163840x128xf32, #tpu.memory_space<hbm>> -> memref<256x128xf32, #tpu.memory_space<hbm>>
    tpu.wait_dma2 semaphore(%arg19 : memref<!tpu.dma_semaphore, #tpu.memory_space<semaphore_mem>>) src(%arg10 : memref<256x128xf32, #tpu.memory_space<vmem>>) dst(%dma_wait3A_13 : memref<256x128xf32, #tpu.memory_space<hbm>>)
    %dma_wait3A_14 = tpu.memref_slice %arg8[%mul3A_10] : memref<655360xf32, #tpu.memory_space<hbm>> -> memref<1024xf32, #tpu.memory_space<hbm>>
    %dma_wait3A_15 = tpu.memref_slice %arg8[%mul3A_10] : memref<655360xf32, #tpu.memory_space<hbm>> -> memref<1024xf32, #tpu.memory_space<hbm>>
    tpu.wait_dma2 semaphore(%arg19 : memref<!tpu.dma_semaphore, #tpu.memory_space<semaphore_mem>>) src(%arg15 : memref<1024xf32, #tpu.memory_space<vmem>>) dst(%dma_wait3A_15 : memref<1024xf32, #tpu.memory_space<hbm>>)
    %add3A_16 = arith.constant 4864 : i32
    %add3A_17 = arith.addi %mul3A_2, %add3A_16 : i32
    %multiple_of3A_18 = tpu.assume_multiple %add3A_17, 256 : i32
    %mul3A_19 = arith.constant 4 : i32
    %mul3A_20 = arith.muli %multiple_of3A_18, %mul3A_19 : i32
    %dma_wait3A_21 = arith.constant 0 : i32
    %dma_wait3A_22 = tpu.memref_slice %arg7[%multiple_of3A_18, %dma_wait3A_21] : memref<163840x128xf32, #tpu.memory_space<hbm>> -> memref<256x128xf32, #tpu.memory_space<hbm>>
    %dma_wait3A_23 = arith.constant 0 : i32
    %dma_wait3A_24 = tpu.memref_slice %arg7[%multiple_of3A_18, %dma_wait3A_23] : memref<163840x128xf32, #tpu.memory_space<hbm>> -> memref<256x128xf32, #tpu.memory_space<hbm>>
    tpu.wait_dma2 semaphore(%arg20 : memref<!tpu.dma_semaphore, #tpu.memory_space<semaphore_mem>>) src(%arg11 : memref<256x128xf32, #tpu.memory_space<vmem>>) dst(%dma_wait3A_24 : memref<256x128xf32, #tpu.memory_space<hbm>>)
    %dma_wait3A_25 = tpu.memref_slice %arg8[%mul3A_20] : memref<655360xf32, #tpu.memory_space<hbm>> -> memref<1024xf32, #tpu.memory_space<hbm>>
    %dma_wait3A_26 = tpu.memref_slice %arg8[%mul3A_20] : memref<655360xf32, #tpu.memory_space<hbm>> -> memref<1024xf32, #tpu.memory_space<hbm>>
    tpu.wait_dma2 semaphore(%arg20 : memref<!tpu.dma_semaphore, #tpu.memory_space<semaphore_mem>>) src(%arg16 : memref<1024xf32, #tpu.memory_space<vmem>>) dst(%dma_wait3A_26 : memref<1024xf32, #tpu.memory_space<hbm>>)
    return
  }
}

module attributes {stable_mosaic.version = 14 : i64} {
  func.func @_tc_body(%arg0: i32, %arg1: memref<4096x128xf32, #tpu.memory_space<vmem>>, %arg2: memref<4096x4xf32, #tpu.memory_space<vmem>>, %arg3: memref<128x3xf32, #tpu.memory_space<vmem>>, %arg4: memref<3x16xf32, #tpu.memory_space<vmem>>, %arg5: memref<15x128x48xbf16, #tpu.memory_space<vmem>>, %arg6: memref<1x48xf32, #tpu.memory_space<vmem>>, %arg7: memref<15x128x128xbf16, #tpu.memory_space<vmem>>, %arg8: memref<128x128xf32, #tpu.memory_space<vmem>>) attributes {dimension_semantics = [#tpu.dimension_semantics<arbitrary>], iteration_bounds = array<i64: 40>, scalar_prefetch = 0 : i64, scratch_operands = 0 : i64, tpu.core_type = #tpu.core_type<tc>, window_params = [{transform_indices = @transform_0, window_bounds = array<i64: 4096, 128>}, {transform_indices = @transform_1, window_bounds = array<i64: 4096, 4>}, {transform_indices = @transform_2, window_bounds = array<i64: 128, 3>}, {pipeline_mode = #tpu.pipeline_mode<synchronous>, transform_indices = @transform_3, window_bounds = array<i64: 3, 16>}, {pipeline_mode = #tpu.pipeline_mode<synchronous>, transform_indices = @transform_4, window_bounds = array<i64: 15, 128, 48>}, {pipeline_mode = #tpu.pipeline_mode<synchronous>, transform_indices = @transform_5, window_bounds = array<i64: 1, 48>}, {pipeline_mode = #tpu.pipeline_mode<synchronous>, transform_indices = @transform_6, window_bounds = array<i64: 15, 128, 128>}, {transform_indices = @transform_7, window_bounds = array<i64: 128, 128>}]} {
    %get3A = arith.constant 0 : index
    %get3A_0 = arith.constant 0 : index
    %get3A_1 = vector.load %arg1[%get3A, %get3A_0] : memref<4096x128xf32, #tpu.memory_space<vmem>>, vector<4096x128xf32>
    %get3A_2 = arith.constant 0 : index
    %get3A_3 = arith.constant 0 : index
    %get3A_4 = vector.load %arg2[%get3A_2, %get3A_3] : memref<4096x4xf32, #tpu.memory_space<vmem>>, vector<4096x4xf32>
    %slice3A = vector.extract_strided_slice %get3A_4 {offsets = [0, 0], sizes = [4096, 3], strides = [1, 1]} : vector<4096x4xf32> to vector<4096x3xf32>
    %get3A_5 = arith.constant 0 : index
    %get3A_6 = arith.constant 0 : index
    %get3A_7 = vector.load %arg3[%get3A_5, %get3A_6] : memref<128x3xf32, #tpu.memory_space<vmem>>, vector<128x3xf32>
    %broadcast_in_dim3A = vector.shape_cast %get3A_7 : vector<128x3xf32> to vector<128x1x3xf32>
    %broadcast_in_dim3A_8 = vector.shape_cast %broadcast_in_dim3A : vector<128x1x3xf32> to vector<128x1x3xf32>
    %broadcast_in_dim3A_9 = vector.broadcast %broadcast_in_dim3A_8 : vector<128x1x3xf32> to vector<128x32x3xf32>
    %reshape3A = vector.shape_cast %broadcast_in_dim3A_9 : vector<128x32x3xf32> to vector<4096x3xf32>
    %sub3A = arith.subf %slice3A, %reshape3A : vector<4096x3xf32>
    %mul3A = arith.mulf %sub3A, %sub3A : vector<4096x3xf32>
    %reduce_sum3A = arith.constant dense<0.000000e+00> : vector<4096xf32>
    %reduce_sum3A_10 = vector.multi_reduction <add>, %mul3A, %reduce_sum3A [1] : vector<4096x3xf32> to vector<4096xf32>
    %broadcast_in_dim3A_11 = vector.shape_cast %reduce_sum3A_10 : vector<4096xf32> to vector<4096x1xf32>
    %get3A_12 = arith.constant 0 : index
    %get3A_13 = arith.constant 0 : index
    %get3A_14 = vector.load %arg4[%get3A_12, %get3A_13] : memref<3x16xf32, #tpu.memory_space<vmem>>, vector<3x16xf32>
    %slice3A_15 = vector.extract_strided_slice %sub3A {offsets = [0, 0], sizes = [4096, 1], strides = [1, 1]} : vector<4096x3xf32> to vector<4096x1xf32>
    %slice3A_16 = vector.extract_strided_slice %get3A_14 {offsets = [0, 0], sizes = [1, 16], strides = [1, 1]} : vector<3x16xf32> to vector<1x16xf32>
    %mul3A_17 = vector.broadcast %slice3A_15 : vector<4096x1xf32> to vector<4096x16xf32>
    %mul3A_18 = vector.broadcast %slice3A_16 : vector<1x16xf32> to vector<4096x16xf32>
    %mul3A_19 = arith.mulf %mul3A_17, %mul3A_18 : vector<4096x16xf32>
    %slice3A_20 = vector.extract_strided_slice %sub3A {offsets = [0, 1], sizes = [4096, 1], strides = [1, 1]} : vector<4096x3xf32> to vector<4096x1xf32>
    %slice3A_21 = vector.extract_strided_slice %get3A_14 {offsets = [1, 0], sizes = [1, 16], strides = [1, 1]} : vector<3x16xf32> to vector<1x16xf32>
    %mul3A_22 = vector.broadcast %slice3A_20 : vector<4096x1xf32> to vector<4096x16xf32>
    %mul3A_23 = vector.broadcast %slice3A_21 : vector<1x16xf32> to vector<4096x16xf32>
    %mul3A_24 = arith.mulf %mul3A_22, %mul3A_23 : vector<4096x16xf32>
    %add3A = arith.addf %mul3A_19, %mul3A_24 : vector<4096x16xf32>
    %slice3A_25 = vector.extract_strided_slice %sub3A {offsets = [0, 2], sizes = [4096, 1], strides = [1, 1]} : vector<4096x3xf32> to vector<4096x1xf32>
    %slice3A_26 = vector.extract_strided_slice %get3A_14 {offsets = [2, 0], sizes = [1, 16], strides = [1, 1]} : vector<3x16xf32> to vector<1x16xf32>
    %mul3A_27 = vector.broadcast %slice3A_25 : vector<4096x1xf32> to vector<4096x16xf32>
    %mul3A_28 = vector.broadcast %slice3A_26 : vector<1x16xf32> to vector<4096x16xf32>
    %mul3A_29 = arith.mulf %mul3A_27, %mul3A_28 : vector<4096x16xf32>
    %add3A_30 = arith.addf %add3A, %mul3A_29 : vector<4096x16xf32>
    %mul3A_31 = arith.mulf %get3A_14, %get3A_14 : vector<3x16xf32>
    %reduce_sum3A_32 = arith.constant dense<0.000000e+00> : vector<16xf32>
    %reduce_sum3A_33 = vector.multi_reduction <add>, %mul3A_31, %reduce_sum3A_32 [0] : vector<3x16xf32> to vector<16xf32>
    %broadcast_in_dim3A_34 = vector.shape_cast %reduce_sum3A_33 : vector<16xf32> to vector<1x16xf32>
    %mul3A_35 = arith.constant 2.000000e+00 : f32
    %mul3A_36 = vector.broadcast %mul3A_35 : f32 to vector<4096x16xf32>
    %mul3A_37 = arith.mulf %mul3A_36, %add3A_30 : vector<4096x16xf32>
    %sub3A_38 = vector.broadcast %broadcast_in_dim3A_11 : vector<4096x1xf32> to vector<4096x16xf32>
    %sub3A_39 = arith.subf %sub3A_38, %mul3A_37 : vector<4096x16xf32>
    %add3A_40 = vector.broadcast %broadcast_in_dim3A_34 : vector<1x16xf32> to vector<4096x16xf32>
    %add3A_41 = arith.addf %sub3A_39, %add3A_40 : vector<4096x16xf32>
    %max3A = arith.constant 0.000000e+00 : f32
    %max3A_42 = vector.broadcast %max3A : f32 to vector<4096x16xf32>
    %max3A_43 = arith.maximumf %add3A_41, %max3A_42 : vector<4096x16xf32>
    %sqrt3A = math.sqrt %max3A_43 : vector<4096x16xf32>
    %mul3A_44 = arith.constant 1.66666663 : f32
    %mul3A_45 = vector.broadcast %mul3A_44 : f32 to vector<4096x16xf32>
    %mul3A_46 = arith.mulf %sqrt3A, %mul3A_45 : vector<4096x16xf32>
    %sub3A_47 = arith.constant 1.000000e+00 : f32
    %sub3A_48 = vector.broadcast %sub3A_47 : f32 to vector<4096x16xf32>
    %sub3A_49 = arith.subf %sub3A_48, %mul3A_46 : vector<4096x16xf32>
    %max3A_50 = arith.constant 0.000000e+00 : f32
    %max3A_51 = vector.broadcast %max3A_50 : f32 to vector<4096x16xf32>
    %max3A_52 = arith.maximumf %sub3A_49, %max3A_51 : vector<4096x16xf32>
    %convert_element_type3A = arith.truncf %max3A_52 : vector<4096x16xf32> to vector<4096x16xbf16>
    %reshape3A_53 = vector.shape_cast %convert_element_type3A : vector<4096x16xbf16> to vector<128x32x16xbf16>
    %convert_element_type3A_54 = arith.truncf %get3A_1 : vector<4096x128xf32> to vector<4096x128xbf16>
    %reshape3A_55 = vector.shape_cast %convert_element_type3A_54 : vector<4096x128xbf16> to vector<128x32x128xbf16>
    %dot_general3A = arith.constant dense<0.000000e+00> : vector<128x16x128xf32>
    %dot_general3A_56 = tpu.matmul %reshape3A_53, %reshape3A_55, %dot_general3A {dimension_numbers = #tpu.dot_dimension_numbers<[1], [1], [2], [2], [0, 0, 0, 2, 1, 2], [0], [0]>, transpose_lhs_hint = false} : vector<128x32x16xbf16>, vector<128x32x128xbf16>, vector<128x16x128xf32> -> vector<128x16x128xf32>
    %get3A_57 = arith.constant 0 : index
    %get3A_58 = arith.constant 0 : index
    %get3A_59 = vector.load %arg6[%get3A_57, %get3A_58] : memref<1x48xf32, #tpu.memory_space<vmem>>, vector<1x48xf32>
    %slice3A_60 = vector.extract_strided_slice %dot_general3A_56 {offsets = [0, 0, 0], sizes = [128, 1, 128], strides = [1, 1, 1]} : vector<128x16x128xf32> to vector<128x1x128xf32>
    %squeeze3A = vector.shape_cast %slice3A_60 : vector<128x1x128xf32> to vector<128x128xf32>
    %convert_element_type3A_61 = arith.truncf %squeeze3A : vector<128x128xf32> to vector<128x128xbf16>
    %get3A_62 = arith.constant 0 : index
    %get3A_63 = arith.constant 0 : index
    %get3A_64 = arith.constant 0 : index
    %get3A_65 = vector.load %arg5[%get3A_62, %get3A_63, %get3A_64] : memref<15x128x48xbf16, #tpu.memory_space<vmem>>, vector<1x128x48xbf16>
    %get3A_66 = vector.shape_cast %get3A_65 : vector<1x128x48xbf16> to vector<128x48xbf16>
    %dot_general3A_67 = arith.constant dense<0.000000e+00> : vector<128x48xf32>
    %dot_general3A_68 = tpu.matmul %convert_element_type3A_61, %get3A_66, %dot_general3A_67 {dimension_numbers = #tpu.dot_dimension_numbers<[1], [0], [0], [1], [0, 0, 1, 1], [], []>, transpose_lhs_hint = false} : vector<128x128xbf16>, vector<128x48xbf16>, vector<128x48xf32> -> vector<128x48xf32>
    %add3A_69 = vector.broadcast %get3A_59 : vector<1x48xf32> to vector<128x48xf32>
    %add3A_70 = arith.addf %add3A_69, %dot_general3A_68 : vector<128x48xf32>
    %slice3A_71 = vector.extract_strided_slice %dot_general3A_56 {offsets = [0, 1, 0], sizes = [128, 1, 128], strides = [1, 1, 1]} : vector<128x16x128xf32> to vector<128x1x128xf32>
    %squeeze3A_72 = vector.shape_cast %slice3A_71 : vector<128x1x128xf32> to vector<128x128xf32>
    %convert_element_type3A_73 = arith.truncf %squeeze3A_72 : vector<128x128xf32> to vector<128x128xbf16>
    %get3A_74 = arith.constant 1 : index
    %get3A_75 = arith.constant 0 : index
    %get3A_76 = arith.constant 0 : index
    %get3A_77 = vector.load %arg5[%get3A_74, %get3A_75, %get3A_76] : memref<15x128x48xbf16, #tpu.memory_space<vmem>>, vector<1x128x48xbf16>
    %get3A_78 = vector.shape_cast %get3A_77 : vector<1x128x48xbf16> to vector<128x48xbf16>
    %dot_general3A_79 = arith.constant dense<0.000000e+00> : vector<128x48xf32>
    %dot_general3A_80 = tpu.matmul %convert_element_type3A_73, %get3A_78, %dot_general3A_79 {dimension_numbers = #tpu.dot_dimension_numbers<[1], [0], [0], [1], [0, 0, 1, 1], [], []>, transpose_lhs_hint = false} : vector<128x128xbf16>, vector<128x48xbf16>, vector<128x48xf32> -> vector<128x48xf32>
    %add3A_81 = arith.addf %add3A_70, %dot_general3A_80 : vector<128x48xf32>
    %slice3A_82 = vector.extract_strided_slice %dot_general3A_56 {offsets = [0, 2, 0], sizes = [128, 1, 128], strides = [1, 1, 1]} : vector<128x16x128xf32> to vector<128x1x128xf32>
    %squeeze3A_83 = vector.shape_cast %slice3A_82 : vector<128x1x128xf32> to vector<128x128xf32>
    %convert_element_type3A_84 = arith.truncf %squeeze3A_83 : vector<128x128xf32> to vector<128x128xbf16>
    %get3A_85 = arith.constant 2 : index
    %get3A_86 = arith.constant 0 : index
    %get3A_87 = arith.constant 0 : index
    %get3A_88 = vector.load %arg5[%get3A_85, %get3A_86, %get3A_87] : memref<15x128x48xbf16, #tpu.memory_space<vmem>>, vector<1x128x48xbf16>
    %get3A_89 = vector.shape_cast %get3A_88 : vector<1x128x48xbf16> to vector<128x48xbf16>
    %dot_general3A_90 = arith.constant dense<0.000000e+00> : vector<128x48xf32>
    %dot_general3A_91 = tpu.matmul %convert_element_type3A_84, %get3A_89, %dot_general3A_90 {dimension_numbers = #tpu.dot_dimension_numbers<[1], [0], [0], [1], [0, 0, 1, 1], [], []>, transpose_lhs_hint = false} : vector<128x128xbf16>, vector<128x48xbf16>, vector<128x48xf32> -> vector<128x48xf32>
    %add3A_92 = arith.addf %add3A_81, %dot_general3A_91 : vector<128x48xf32>
    %slice3A_93 = vector.extract_strided_slice %dot_general3A_56 {offsets = [0, 3, 0], sizes = [128, 1, 128], strides = [1, 1, 1]} : vector<128x16x128xf32> to vector<128x1x128xf32>
    %squeeze3A_94 = vector.shape_cast %slice3A_93 : vector<128x1x128xf32> to vector<128x128xf32>
    %convert_element_type3A_95 = arith.truncf %squeeze3A_94 : vector<128x128xf32> to vector<128x128xbf16>
    %get3A_96 = arith.constant 3 : index
    %get3A_97 = arith.constant 0 : index
    %get3A_98 = arith.constant 0 : index
    %get3A_99 = vector.load %arg5[%get3A_96, %get3A_97, %get3A_98] : memref<15x128x48xbf16, #tpu.memory_space<vmem>>, vector<1x128x48xbf16>
    %get3A_100 = vector.shape_cast %get3A_99 : vector<1x128x48xbf16> to vector<128x48xbf16>
    %dot_general3A_101 = arith.constant dense<0.000000e+00> : vector<128x48xf32>
    %dot_general3A_102 = tpu.matmul %convert_element_type3A_95, %get3A_100, %dot_general3A_101 {dimension_numbers = #tpu.dot_dimension_numbers<[1], [0], [0], [1], [0, 0, 1, 1], [], []>, transpose_lhs_hint = false} : vector<128x128xbf16>, vector<128x48xbf16>, vector<128x48xf32> -> vector<128x48xf32>
    %add3A_103 = arith.addf %add3A_92, %dot_general3A_102 : vector<128x48xf32>
    %slice3A_104 = vector.extract_strided_slice %dot_general3A_56 {offsets = [0, 4, 0], sizes = [128, 1, 128], strides = [1, 1, 1]} : vector<128x16x128xf32> to vector<128x1x128xf32>
    %squeeze3A_105 = vector.shape_cast %slice3A_104 : vector<128x1x128xf32> to vector<128x128xf32>
    %convert_element_type3A_106 = arith.truncf %squeeze3A_105 : vector<128x128xf32> to vector<128x128xbf16>
    %get3A_107 = arith.constant 4 : index
    %get3A_108 = arith.constant 0 : index
    %get3A_109 = arith.constant 0 : index
    %get3A_110 = vector.load %arg5[%get3A_107, %get3A_108, %get3A_109] : memref<15x128x48xbf16, #tpu.memory_space<vmem>>, vector<1x128x48xbf16>
    %get3A_111 = vector.shape_cast %get3A_110 : vector<1x128x48xbf16> to vector<128x48xbf16>
    %dot_general3A_112 = arith.constant dense<0.000000e+00> : vector<128x48xf32>
    %dot_general3A_113 = tpu.matmul %convert_element_type3A_106, %get3A_111, %dot_general3A_112 {dimension_numbers = #tpu.dot_dimension_numbers<[1], [0], [0], [1], [0, 0, 1, 1], [], []>, transpose_lhs_hint = false} : vector<128x128xbf16>, vector<128x48xbf16>, vector<128x48xf32> -> vector<128x48xf32>
    %add3A_114 = arith.addf %add3A_103, %dot_general3A_113 : vector<128x48xf32>
    %slice3A_115 = vector.extract_strided_slice %dot_general3A_56 {offsets = [0, 5, 0], sizes = [128, 1, 128], strides = [1, 1, 1]} : vector<128x16x128xf32> to vector<128x1x128xf32>
    %squeeze3A_116 = vector.shape_cast %slice3A_115 : vector<128x1x128xf32> to vector<128x128xf32>
    %convert_element_type3A_117 = arith.truncf %squeeze3A_116 : vector<128x128xf32> to vector<128x128xbf16>
    %get3A_118 = arith.constant 5 : index
    %get3A_119 = arith.constant 0 : index
    %get3A_120 = arith.constant 0 : index
    %get3A_121 = vector.load %arg5[%get3A_118, %get3A_119, %get3A_120] : memref<15x128x48xbf16, #tpu.memory_space<vmem>>, vector<1x128x48xbf16>
    %get3A_122 = vector.shape_cast %get3A_121 : vector<1x128x48xbf16> to vector<128x48xbf16>
    %dot_general3A_123 = arith.constant dense<0.000000e+00> : vector<128x48xf32>
    %dot_general3A_124 = tpu.matmul %convert_element_type3A_117, %get3A_122, %dot_general3A_123 {dimension_numbers = #tpu.dot_dimension_numbers<[1], [0], [0], [1], [0, 0, 1, 1], [], []>, transpose_lhs_hint = false} : vector<128x128xbf16>, vector<128x48xbf16>, vector<128x48xf32> -> vector<128x48xf32>
    %add3A_125 = arith.addf %add3A_114, %dot_general3A_124 : vector<128x48xf32>
    %slice3A_126 = vector.extract_strided_slice %dot_general3A_56 {offsets = [0, 6, 0], sizes = [128, 1, 128], strides = [1, 1, 1]} : vector<128x16x128xf32> to vector<128x1x128xf32>
    %squeeze3A_127 = vector.shape_cast %slice3A_126 : vector<128x1x128xf32> to vector<128x128xf32>
    %convert_element_type3A_128 = arith.truncf %squeeze3A_127 : vector<128x128xf32> to vector<128x128xbf16>
    %get3A_129 = arith.constant 6 : index
    %get3A_130 = arith.constant 0 : index
    %get3A_131 = arith.constant 0 : index
    %get3A_132 = vector.load %arg5[%get3A_129, %get3A_130, %get3A_131] : memref<15x128x48xbf16, #tpu.memory_space<vmem>>, vector<1x128x48xbf16>
    %get3A_133 = vector.shape_cast %get3A_132 : vector<1x128x48xbf16> to vector<128x48xbf16>
    %dot_general3A_134 = arith.constant dense<0.000000e+00> : vector<128x48xf32>
    %dot_general3A_135 = tpu.matmul %convert_element_type3A_128, %get3A_133, %dot_general3A_134 {dimension_numbers = #tpu.dot_dimension_numbers<[1], [0], [0], [1], [0, 0, 1, 1], [], []>, transpose_lhs_hint = false} : vector<128x128xbf16>, vector<128x48xbf16>, vector<128x48xf32> -> vector<128x48xf32>
    %add3A_136 = arith.addf %add3A_125, %dot_general3A_135 : vector<128x48xf32>
    %slice3A_137 = vector.extract_strided_slice %dot_general3A_56 {offsets = [0, 7, 0], sizes = [128, 1, 128], strides = [1, 1, 1]} : vector<128x16x128xf32> to vector<128x1x128xf32>
    %squeeze3A_138 = vector.shape_cast %slice3A_137 : vector<128x1x128xf32> to vector<128x128xf32>
    %convert_element_type3A_139 = arith.truncf %squeeze3A_138 : vector<128x128xf32> to vector<128x128xbf16>
    %get3A_140 = arith.constant 7 : index
    %get3A_141 = arith.constant 0 : index
    %get3A_142 = arith.constant 0 : index
    %get3A_143 = vector.load %arg5[%get3A_140, %get3A_141, %get3A_142] : memref<15x128x48xbf16, #tpu.memory_space<vmem>>, vector<1x128x48xbf16>
    %get3A_144 = vector.shape_cast %get3A_143 : vector<1x128x48xbf16> to vector<128x48xbf16>
    %dot_general3A_145 = arith.constant dense<0.000000e+00> : vector<128x48xf32>
    %dot_general3A_146 = tpu.matmul %convert_element_type3A_139, %get3A_144, %dot_general3A_145 {dimension_numbers = #tpu.dot_dimension_numbers<[1], [0], [0], [1], [0, 0, 1, 1], [], []>, transpose_lhs_hint = false} : vector<128x128xbf16>, vector<128x48xbf16>, vector<128x48xf32> -> vector<128x48xf32>
    %add3A_147 = arith.addf %add3A_136, %dot_general3A_146 : vector<128x48xf32>
    %slice3A_148 = vector.extract_strided_slice %dot_general3A_56 {offsets = [0, 8, 0], sizes = [128, 1, 128], strides = [1, 1, 1]} : vector<128x16x128xf32> to vector<128x1x128xf32>
    %squeeze3A_149 = vector.shape_cast %slice3A_148 : vector<128x1x128xf32> to vector<128x128xf32>
    %convert_element_type3A_150 = arith.truncf %squeeze3A_149 : vector<128x128xf32> to vector<128x128xbf16>
    %get3A_151 = arith.constant 8 : index
    %get3A_152 = arith.constant 0 : index
    %get3A_153 = arith.constant 0 : index
    %get3A_154 = vector.load %arg5[%get3A_151, %get3A_152, %get3A_153] : memref<15x128x48xbf16, #tpu.memory_space<vmem>>, vector<1x128x48xbf16>
    %get3A_155 = vector.shape_cast %get3A_154 : vector<1x128x48xbf16> to vector<128x48xbf16>
    %dot_general3A_156 = arith.constant dense<0.000000e+00> : vector<128x48xf32>
    %dot_general3A_157 = tpu.matmul %convert_element_type3A_150, %get3A_155, %dot_general3A_156 {dimension_numbers = #tpu.dot_dimension_numbers<[1], [0], [0], [1], [0, 0, 1, 1], [], []>, transpose_lhs_hint = false} : vector<128x128xbf16>, vector<128x48xbf16>, vector<128x48xf32> -> vector<128x48xf32>
    %add3A_158 = arith.addf %add3A_147, %dot_general3A_157 : vector<128x48xf32>
    %slice3A_159 = vector.extract_strided_slice %dot_general3A_56 {offsets = [0, 9, 0], sizes = [128, 1, 128], strides = [1, 1, 1]} : vector<128x16x128xf32> to vector<128x1x128xf32>
    %squeeze3A_160 = vector.shape_cast %slice3A_159 : vector<128x1x128xf32> to vector<128x128xf32>
    %convert_element_type3A_161 = arith.truncf %squeeze3A_160 : vector<128x128xf32> to vector<128x128xbf16>
    %get3A_162 = arith.constant 9 : index
    %get3A_163 = arith.constant 0 : index
    %get3A_164 = arith.constant 0 : index
    %get3A_165 = vector.load %arg5[%get3A_162, %get3A_163, %get3A_164] : memref<15x128x48xbf16, #tpu.memory_space<vmem>>, vector<1x128x48xbf16>
    %get3A_166 = vector.shape_cast %get3A_165 : vector<1x128x48xbf16> to vector<128x48xbf16>
    %dot_general3A_167 = arith.constant dense<0.000000e+00> : vector<128x48xf32>
    %dot_general3A_168 = tpu.matmul %convert_element_type3A_161, %get3A_166, %dot_general3A_167 {dimension_numbers = #tpu.dot_dimension_numbers<[1], [0], [0], [1], [0, 0, 1, 1], [], []>, transpose_lhs_hint = false} : vector<128x128xbf16>, vector<128x48xbf16>, vector<128x48xf32> -> vector<128x48xf32>
    %add3A_169 = arith.addf %add3A_158, %dot_general3A_168 : vector<128x48xf32>
    %slice3A_170 = vector.extract_strided_slice %dot_general3A_56 {offsets = [0, 10, 0], sizes = [128, 1, 128], strides = [1, 1, 1]} : vector<128x16x128xf32> to vector<128x1x128xf32>
    %squeeze3A_171 = vector.shape_cast %slice3A_170 : vector<128x1x128xf32> to vector<128x128xf32>
    %convert_element_type3A_172 = arith.truncf %squeeze3A_171 : vector<128x128xf32> to vector<128x128xbf16>
    %get3A_173 = arith.constant 10 : index
    %get3A_174 = arith.constant 0 : index
    %get3A_175 = arith.constant 0 : index
    %get3A_176 = vector.load %arg5[%get3A_173, %get3A_174, %get3A_175] : memref<15x128x48xbf16, #tpu.memory_space<vmem>>, vector<1x128x48xbf16>
    %get3A_177 = vector.shape_cast %get3A_176 : vector<1x128x48xbf16> to vector<128x48xbf16>
    %dot_general3A_178 = arith.constant dense<0.000000e+00> : vector<128x48xf32>
    %dot_general3A_179 = tpu.matmul %convert_element_type3A_172, %get3A_177, %dot_general3A_178 {dimension_numbers = #tpu.dot_dimension_numbers<[1], [0], [0], [1], [0, 0, 1, 1], [], []>, transpose_lhs_hint = false} : vector<128x128xbf16>, vector<128x48xbf16>, vector<128x48xf32> -> vector<128x48xf32>
    %add3A_180 = arith.addf %add3A_169, %dot_general3A_179 : vector<128x48xf32>
    %slice3A_181 = vector.extract_strided_slice %dot_general3A_56 {offsets = [0, 11, 0], sizes = [128, 1, 128], strides = [1, 1, 1]} : vector<128x16x128xf32> to vector<128x1x128xf32>
    %squeeze3A_182 = vector.shape_cast %slice3A_181 : vector<128x1x128xf32> to vector<128x128xf32>
    %convert_element_type3A_183 = arith.truncf %squeeze3A_182 : vector<128x128xf32> to vector<128x128xbf16>
    %get3A_184 = arith.constant 11 : index
    %get3A_185 = arith.constant 0 : index
    %get3A_186 = arith.constant 0 : index
    %get3A_187 = vector.load %arg5[%get3A_184, %get3A_185, %get3A_186] : memref<15x128x48xbf16, #tpu.memory_space<vmem>>, vector<1x128x48xbf16>
    %get3A_188 = vector.shape_cast %get3A_187 : vector<1x128x48xbf16> to vector<128x48xbf16>
    %dot_general3A_189 = arith.constant dense<0.000000e+00> : vector<128x48xf32>
    %dot_general3A_190 = tpu.matmul %convert_element_type3A_183, %get3A_188, %dot_general3A_189 {dimension_numbers = #tpu.dot_dimension_numbers<[1], [0], [0], [1], [0, 0, 1, 1], [], []>, transpose_lhs_hint = false} : vector<128x128xbf16>, vector<128x48xbf16>, vector<128x48xf32> -> vector<128x48xf32>
    %add3A_191 = arith.addf %add3A_180, %dot_general3A_190 : vector<128x48xf32>
    %slice3A_192 = vector.extract_strided_slice %dot_general3A_56 {offsets = [0, 12, 0], sizes = [128, 1, 128], strides = [1, 1, 1]} : vector<128x16x128xf32> to vector<128x1x128xf32>
    %squeeze3A_193 = vector.shape_cast %slice3A_192 : vector<128x1x128xf32> to vector<128x128xf32>
    %convert_element_type3A_194 = arith.truncf %squeeze3A_193 : vector<128x128xf32> to vector<128x128xbf16>
    %get3A_195 = arith.constant 12 : index
    %get3A_196 = arith.constant 0 : index
    %get3A_197 = arith.constant 0 : index
    %get3A_198 = vector.load %arg5[%get3A_195, %get3A_196, %get3A_197] : memref<15x128x48xbf16, #tpu.memory_space<vmem>>, vector<1x128x48xbf16>
    %get3A_199 = vector.shape_cast %get3A_198 : vector<1x128x48xbf16> to vector<128x48xbf16>
    %dot_general3A_200 = arith.constant dense<0.000000e+00> : vector<128x48xf32>
    %dot_general3A_201 = tpu.matmul %convert_element_type3A_194, %get3A_199, %dot_general3A_200 {dimension_numbers = #tpu.dot_dimension_numbers<[1], [0], [0], [1], [0, 0, 1, 1], [], []>, transpose_lhs_hint = false} : vector<128x128xbf16>, vector<128x48xbf16>, vector<128x48xf32> -> vector<128x48xf32>
    %add3A_202 = arith.addf %add3A_191, %dot_general3A_201 : vector<128x48xf32>
    %slice3A_203 = vector.extract_strided_slice %dot_general3A_56 {offsets = [0, 13, 0], sizes = [128, 1, 128], strides = [1, 1, 1]} : vector<128x16x128xf32> to vector<128x1x128xf32>
    %squeeze3A_204 = vector.shape_cast %slice3A_203 : vector<128x1x128xf32> to vector<128x128xf32>
    %convert_element_type3A_205 = arith.truncf %squeeze3A_204 : vector<128x128xf32> to vector<128x128xbf16>
    %get3A_206 = arith.constant 13 : index
    %get3A_207 = arith.constant 0 : index
    %get3A_208 = arith.constant 0 : index
    %get3A_209 = vector.load %arg5[%get3A_206, %get3A_207, %get3A_208] : memref<15x128x48xbf16, #tpu.memory_space<vmem>>, vector<1x128x48xbf16>
    %get3A_210 = vector.shape_cast %get3A_209 : vector<1x128x48xbf16> to vector<128x48xbf16>
    %dot_general3A_211 = arith.constant dense<0.000000e+00> : vector<128x48xf32>
    %dot_general3A_212 = tpu.matmul %convert_element_type3A_205, %get3A_210, %dot_general3A_211 {dimension_numbers = #tpu.dot_dimension_numbers<[1], [0], [0], [1], [0, 0, 1, 1], [], []>, transpose_lhs_hint = false} : vector<128x128xbf16>, vector<128x48xbf16>, vector<128x48xf32> -> vector<128x48xf32>
    %add3A_213 = arith.addf %add3A_202, %dot_general3A_212 : vector<128x48xf32>
    %slice3A_214 = vector.extract_strided_slice %dot_general3A_56 {offsets = [0, 14, 0], sizes = [128, 1, 128], strides = [1, 1, 1]} : vector<128x16x128xf32> to vector<128x1x128xf32>
    %squeeze3A_215 = vector.shape_cast %slice3A_214 : vector<128x1x128xf32> to vector<128x128xf32>
    %convert_element_type3A_216 = arith.truncf %squeeze3A_215 : vector<128x128xf32> to vector<128x128xbf16>
    %get3A_217 = arith.constant 14 : index
    %get3A_218 = arith.constant 0 : index
    %get3A_219 = arith.constant 0 : index
    %get3A_220 = vector.load %arg5[%get3A_217, %get3A_218, %get3A_219] : memref<15x128x48xbf16, #tpu.memory_space<vmem>>, vector<1x128x48xbf16>
    %get3A_221 = vector.shape_cast %get3A_220 : vector<1x128x48xbf16> to vector<128x48xbf16>
    %dot_general3A_222 = arith.constant dense<0.000000e+00> : vector<128x48xf32>
    %dot_general3A_223 = tpu.matmul %convert_element_type3A_216, %get3A_221, %dot_general3A_222 {dimension_numbers = #tpu.dot_dimension_numbers<[1], [0], [0], [1], [0, 0, 1, 1], [], []>, transpose_lhs_hint = false} : vector<128x128xbf16>, vector<128x48xbf16>, vector<128x48xf32> -> vector<128x48xf32>
    %add3A_224 = arith.addf %add3A_213, %dot_general3A_223 : vector<128x48xf32>
    %slice3A_225 = vector.extract_strided_slice %get3A_14 {offsets = [0, 0], sizes = [1, 16], strides = [1, 1]} : vector<3x16xf32> to vector<1x16xf32>
    %slice3A_226 = vector.extract_strided_slice %add3A_224 {offsets = [0, 0], sizes = [128, 16], strides = [1, 1]} : vector<128x48xf32> to vector<128x16xf32>
    %mul3A_227 = arith.constant 1.200000e+00 : f32
    %mul3A_228 = vector.broadcast %mul3A_227 : f32 to vector<128x16xf32>
    %mul3A_229 = arith.mulf %mul3A_228, %slice3A_226 : vector<128x16xf32>
    %add3A_230 = vector.broadcast %slice3A_225 : vector<1x16xf32> to vector<128x16xf32>
    %add3A_231 = arith.addf %add3A_230, %mul3A_229 : vector<128x16xf32>
    %slice3A_232 = vector.extract_strided_slice %get3A_14 {offsets = [1, 0], sizes = [1, 16], strides = [1, 1]} : vector<3x16xf32> to vector<1x16xf32>
    %slice3A_233 = vector.extract_strided_slice %add3A_224 {offsets = [0, 16], sizes = [128, 16], strides = [1, 1]} : vector<128x48xf32> to vector<128x16xf32>
    %mul3A_234 = arith.constant 1.200000e+00 : f32
    %mul3A_235 = vector.broadcast %mul3A_234 : f32 to vector<128x16xf32>
    %mul3A_236 = arith.mulf %mul3A_235, %slice3A_233 : vector<128x16xf32>
    %add3A_237 = vector.broadcast %slice3A_232 : vector<1x16xf32> to vector<128x16xf32>
    %add3A_238 = arith.addf %add3A_237, %mul3A_236 : vector<128x16xf32>
    %slice3A_239 = vector.extract_strided_slice %get3A_14 {offsets = [2, 0], sizes = [1, 16], strides = [1, 1]} : vector<3x16xf32> to vector<1x16xf32>
    %slice3A_240 = vector.extract_strided_slice %add3A_224 {offsets = [0, 32], sizes = [128, 16], strides = [1, 1]} : vector<128x48xf32> to vector<128x16xf32>
    %mul3A_241 = arith.constant 1.200000e+00 : f32
    %mul3A_242 = vector.broadcast %mul3A_241 : f32 to vector<128x16xf32>
    %mul3A_243 = arith.mulf %mul3A_242, %slice3A_240 : vector<128x16xf32>
    %add3A_244 = vector.broadcast %slice3A_239 : vector<1x16xf32> to vector<128x16xf32>
    %add3A_245 = arith.addf %add3A_244, %mul3A_243 : vector<128x16xf32>
    %mul3A_246 = arith.mulf %add3A_231, %add3A_231 : vector<128x16xf32>
    %mul3A_247 = arith.mulf %add3A_238, %add3A_238 : vector<128x16xf32>
    %add3A_248 = arith.addf %mul3A_246, %mul3A_247 : vector<128x16xf32>
    %mul3A_249 = arith.mulf %add3A_245, %add3A_245 : vector<128x16xf32>
    %add3A_250 = arith.addf %add3A_248, %mul3A_249 : vector<128x16xf32>
    %slice3A_251 = vector.extract_strided_slice %sub3A {offsets = [0, 0], sizes = [4096, 1], strides = [1, 1]} : vector<4096x3xf32> to vector<4096x1xf32>
    %broadcast_in_dim3A_252 = vector.shape_cast %add3A_231 : vector<128x16xf32> to vector<128x1x16xf32>
    %broadcast_in_dim3A_253 = vector.shape_cast %broadcast_in_dim3A_252 : vector<128x1x16xf32> to vector<128x1x16xf32>
    %broadcast_in_dim3A_254 = vector.broadcast %broadcast_in_dim3A_253 : vector<128x1x16xf32> to vector<128x32x16xf32>
    %reshape3A_255 = vector.shape_cast %broadcast_in_dim3A_254 : vector<128x32x16xf32> to vector<4096x16xf32>
    %mul3A_256 = vector.broadcast %slice3A_251 : vector<4096x1xf32> to vector<4096x16xf32>
    %mul3A_257 = arith.mulf %mul3A_256, %reshape3A_255 : vector<4096x16xf32>
    %slice3A_258 = vector.extract_strided_slice %sub3A {offsets = [0, 1], sizes = [4096, 1], strides = [1, 1]} : vector<4096x3xf32> to vector<4096x1xf32>
    %broadcast_in_dim3A_259 = vector.shape_cast %add3A_238 : vector<128x16xf32> to vector<128x1x16xf32>
    %broadcast_in_dim3A_260 = vector.shape_cast %broadcast_in_dim3A_259 : vector<128x1x16xf32> to vector<128x1x16xf32>
    %broadcast_in_dim3A_261 = vector.broadcast %broadcast_in_dim3A_260 : vector<128x1x16xf32> to vector<128x32x16xf32>
    %reshape3A_262 = vector.shape_cast %broadcast_in_dim3A_261 : vector<128x32x16xf32> to vector<4096x16xf32>
    %mul3A_263 = vector.broadcast %slice3A_258 : vector<4096x1xf32> to vector<4096x16xf32>
    %mul3A_264 = arith.mulf %mul3A_263, %reshape3A_262 : vector<4096x16xf32>
    %add3A_265 = arith.addf %mul3A_257, %mul3A_264 : vector<4096x16xf32>
    %slice3A_266 = vector.extract_strided_slice %sub3A {offsets = [0, 2], sizes = [4096, 1], strides = [1, 1]} : vector<4096x3xf32> to vector<4096x1xf32>
    %broadcast_in_dim3A_267 = vector.shape_cast %add3A_245 : vector<128x16xf32> to vector<128x1x16xf32>
    %broadcast_in_dim3A_268 = vector.shape_cast %broadcast_in_dim3A_267 : vector<128x1x16xf32> to vector<128x1x16xf32>
    %broadcast_in_dim3A_269 = vector.broadcast %broadcast_in_dim3A_268 : vector<128x1x16xf32> to vector<128x32x16xf32>
    %reshape3A_270 = vector.shape_cast %broadcast_in_dim3A_269 : vector<128x32x16xf32> to vector<4096x16xf32>
    %mul3A_271 = vector.broadcast %slice3A_266 : vector<4096x1xf32> to vector<4096x16xf32>
    %mul3A_272 = arith.mulf %mul3A_271, %reshape3A_270 : vector<4096x16xf32>
    %add3A_273 = arith.addf %add3A_265, %mul3A_272 : vector<4096x16xf32>
    %mul3A_274 = arith.constant 2.000000e+00 : f32
    %mul3A_275 = vector.broadcast %mul3A_274 : f32 to vector<4096x16xf32>
    %mul3A_276 = arith.mulf %mul3A_275, %add3A_273 : vector<4096x16xf32>
    %sub3A_277 = vector.broadcast %broadcast_in_dim3A_11 : vector<4096x1xf32> to vector<4096x16xf32>
    %sub3A_278 = arith.subf %sub3A_277, %mul3A_276 : vector<4096x16xf32>
    %broadcast_in_dim3A_279 = vector.shape_cast %add3A_250 : vector<128x16xf32> to vector<128x1x16xf32>
    %broadcast_in_dim3A_280 = vector.shape_cast %broadcast_in_dim3A_279 : vector<128x1x16xf32> to vector<128x1x16xf32>
    %broadcast_in_dim3A_281 = vector.broadcast %broadcast_in_dim3A_280 : vector<128x1x16xf32> to vector<128x32x16xf32>
    %reshape3A_282 = vector.shape_cast %broadcast_in_dim3A_281 : vector<128x32x16xf32> to vector<4096x16xf32>
    %add3A_283 = arith.addf %sub3A_278, %reshape3A_282 : vector<4096x16xf32>
    %max3A_284 = arith.constant 0.000000e+00 : f32
    %max3A_285 = vector.broadcast %max3A_284 : f32 to vector<4096x16xf32>
    %max3A_286 = arith.maximumf %add3A_283, %max3A_285 : vector<4096x16xf32>
    %sqrt3A_287 = math.sqrt %max3A_286 : vector<4096x16xf32>
    %mul3A_288 = arith.constant 1.66666663 : f32
    %mul3A_289 = vector.broadcast %mul3A_288 : f32 to vector<4096x16xf32>
    %mul3A_290 = arith.mulf %sqrt3A_287, %mul3A_289 : vector<4096x16xf32>
    %sub3A_291 = arith.constant 1.000000e+00 : f32
    %sub3A_292 = vector.broadcast %sub3A_291 : f32 to vector<4096x16xf32>
    %sub3A_293 = arith.subf %sub3A_292, %mul3A_290 : vector<4096x16xf32>
    %max3A_294 = arith.constant 0.000000e+00 : f32
    %max3A_295 = vector.broadcast %max3A_294 : f32 to vector<4096x16xf32>
    %max3A_296 = arith.maximumf %sub3A_293, %max3A_295 : vector<4096x16xf32>
    %convert_element_type3A_297 = arith.truncf %max3A_296 : vector<4096x16xf32> to vector<4096x16xbf16>
    %reshape3A_298 = vector.shape_cast %convert_element_type3A_297 : vector<4096x16xbf16> to vector<128x32x16xbf16>
    %convert_element_type3A_299 = arith.truncf %get3A_1 : vector<4096x128xf32> to vector<4096x128xbf16>
    %reshape3A_300 = vector.shape_cast %convert_element_type3A_299 : vector<4096x128xbf16> to vector<128x32x128xbf16>
    %dot_general3A_301 = arith.constant dense<0.000000e+00> : vector<128x16x128xf32>
    %dot_general3A_302 = tpu.matmul %reshape3A_298, %reshape3A_300, %dot_general3A_301 {dimension_numbers = #tpu.dot_dimension_numbers<[1], [1], [2], [2], [0, 0, 0, 2, 1, 2], [0], [0]>, transpose_lhs_hint = false} : vector<128x32x16xbf16>, vector<128x32x128xbf16>, vector<128x16x128xf32> -> vector<128x16x128xf32>
    %broadcast_in_dim3A_303 = arith.constant 0.000000e+00 : f32
    %broadcast_in_dim3A_304 = vector.broadcast %broadcast_in_dim3A_303 : f32 to vector<128x128xf32>
    %slice3A_305 = vector.extract_strided_slice %dot_general3A_302 {offsets = [0, 0, 0], sizes = [128, 1, 128], strides = [1, 1, 1]} : vector<128x16x128xf32> to vector<128x1x128xf32>
    %squeeze3A_306 = vector.shape_cast %slice3A_305 : vector<128x1x128xf32> to vector<128x128xf32>
    %convert_element_type3A_307 = arith.truncf %squeeze3A_306 : vector<128x128xf32> to vector<128x128xbf16>
    %get3A_308 = arith.constant 0 : index
    %get3A_309 = arith.constant 0 : index
    %get3A_310 = arith.constant 0 : index
    %get3A_311 = vector.load %arg7[%get3A_308, %get3A_309, %get3A_310] : memref<15x128x128xbf16, #tpu.memory_space<vmem>>, vector<1x128x128xbf16>
    %get3A_312 = vector.shape_cast %get3A_311 : vector<1x128x128xbf16> to vector<128x128xbf16>
    %dot_general3A_313 = arith.constant dense<0.000000e+00> : vector<128x128xf32>
    %dot_general3A_314 = tpu.matmul %convert_element_type3A_307, %get3A_312, %dot_general3A_313 {dimension_numbers = #tpu.dot_dimension_numbers<[1], [0], [0], [1], [0, 0, 1, 1], [], []>, transpose_lhs_hint = false} : vector<128x128xbf16>, vector<128x128xbf16>, vector<128x128xf32> -> vector<128x128xf32>
    %add3A_315 = arith.addf %broadcast_in_dim3A_304, %dot_general3A_314 : vector<128x128xf32>
    %slice3A_316 = vector.extract_strided_slice %dot_general3A_302 {offsets = [0, 1, 0], sizes = [128, 1, 128], strides = [1, 1, 1]} : vector<128x16x128xf32> to vector<128x1x128xf32>
    %squeeze3A_317 = vector.shape_cast %slice3A_316 : vector<128x1x128xf32> to vector<128x128xf32>
    %convert_element_type3A_318 = arith.truncf %squeeze3A_317 : vector<128x128xf32> to vector<128x128xbf16>
    %get3A_319 = arith.constant 1 : index
    %get3A_320 = arith.constant 0 : index
    %get3A_321 = arith.constant 0 : index
    %get3A_322 = vector.load %arg7[%get3A_319, %get3A_320, %get3A_321] : memref<15x128x128xbf16, #tpu.memory_space<vmem>>, vector<1x128x128xbf16>
    %get3A_323 = vector.shape_cast %get3A_322 : vector<1x128x128xbf16> to vector<128x128xbf16>
    %dot_general3A_324 = arith.constant dense<0.000000e+00> : vector<128x128xf32>
    %dot_general3A_325 = tpu.matmul %convert_element_type3A_318, %get3A_323, %dot_general3A_324 {dimension_numbers = #tpu.dot_dimension_numbers<[1], [0], [0], [1], [0, 0, 1, 1], [], []>, transpose_lhs_hint = false} : vector<128x128xbf16>, vector<128x128xbf16>, vector<128x128xf32> -> vector<128x128xf32>
    %add3A_326 = arith.addf %add3A_315, %dot_general3A_325 : vector<128x128xf32>
    %slice3A_327 = vector.extract_strided_slice %dot_general3A_302 {offsets = [0, 2, 0], sizes = [128, 1, 128], strides = [1, 1, 1]} : vector<128x16x128xf32> to vector<128x1x128xf32>
    %squeeze3A_328 = vector.shape_cast %slice3A_327 : vector<128x1x128xf32> to vector<128x128xf32>
    %convert_element_type3A_329 = arith.truncf %squeeze3A_328 : vector<128x128xf32> to vector<128x128xbf16>
    %get3A_330 = arith.constant 2 : index
    %get3A_331 = arith.constant 0 : index
    %get3A_332 = arith.constant 0 : index
    %get3A_333 = vector.load %arg7[%get3A_330, %get3A_331, %get3A_332] : memref<15x128x128xbf16, #tpu.memory_space<vmem>>, vector<1x128x128xbf16>
    %get3A_334 = vector.shape_cast %get3A_333 : vector<1x128x128xbf16> to vector<128x128xbf16>
    %dot_general3A_335 = arith.constant dense<0.000000e+00> : vector<128x128xf32>
    %dot_general3A_336 = tpu.matmul %convert_element_type3A_329, %get3A_334, %dot_general3A_335 {dimension_numbers = #tpu.dot_dimension_numbers<[1], [0], [0], [1], [0, 0, 1, 1], [], []>, transpose_lhs_hint = false} : vector<128x128xbf16>, vector<128x128xbf16>, vector<128x128xf32> -> vector<128x128xf32>
    %add3A_337 = arith.addf %add3A_326, %dot_general3A_336 : vector<128x128xf32>
    %slice3A_338 = vector.extract_strided_slice %dot_general3A_302 {offsets = [0, 3, 0], sizes = [128, 1, 128], strides = [1, 1, 1]} : vector<128x16x128xf32> to vector<128x1x128xf32>
    %squeeze3A_339 = vector.shape_cast %slice3A_338 : vector<128x1x128xf32> to vector<128x128xf32>
    %convert_element_type3A_340 = arith.truncf %squeeze3A_339 : vector<128x128xf32> to vector<128x128xbf16>
    %get3A_341 = arith.constant 3 : index
    %get3A_342 = arith.constant 0 : index
    %get3A_343 = arith.constant 0 : index
    %get3A_344 = vector.load %arg7[%get3A_341, %get3A_342, %get3A_343] : memref<15x128x128xbf16, #tpu.memory_space<vmem>>, vector<1x128x128xbf16>
    %get3A_345 = vector.shape_cast %get3A_344 : vector<1x128x128xbf16> to vector<128x128xbf16>
    %dot_general3A_346 = arith.constant dense<0.000000e+00> : vector<128x128xf32>
    %dot_general3A_347 = tpu.matmul %convert_element_type3A_340, %get3A_345, %dot_general3A_346 {dimension_numbers = #tpu.dot_dimension_numbers<[1], [0], [0], [1], [0, 0, 1, 1], [], []>, transpose_lhs_hint = false} : vector<128x128xbf16>, vector<128x128xbf16>, vector<128x128xf32> -> vector<128x128xf32>
    %add3A_348 = arith.addf %add3A_337, %dot_general3A_347 : vector<128x128xf32>
    %slice3A_349 = vector.extract_strided_slice %dot_general3A_302 {offsets = [0, 4, 0], sizes = [128, 1, 128], strides = [1, 1, 1]} : vector<128x16x128xf32> to vector<128x1x128xf32>
    %squeeze3A_350 = vector.shape_cast %slice3A_349 : vector<128x1x128xf32> to vector<128x128xf32>
    %convert_element_type3A_351 = arith.truncf %squeeze3A_350 : vector<128x128xf32> to vector<128x128xbf16>
    %get3A_352 = arith.constant 4 : index
    %get3A_353 = arith.constant 0 : index
    %get3A_354 = arith.constant 0 : index
    %get3A_355 = vector.load %arg7[%get3A_352, %get3A_353, %get3A_354] : memref<15x128x128xbf16, #tpu.memory_space<vmem>>, vector<1x128x128xbf16>
    %get3A_356 = vector.shape_cast %get3A_355 : vector<1x128x128xbf16> to vector<128x128xbf16>
    %dot_general3A_357 = arith.constant dense<0.000000e+00> : vector<128x128xf32>
    %dot_general3A_358 = tpu.matmul %convert_element_type3A_351, %get3A_356, %dot_general3A_357 {dimension_numbers = #tpu.dot_dimension_numbers<[1], [0], [0], [1], [0, 0, 1, 1], [], []>, transpose_lhs_hint = false} : vector<128x128xbf16>, vector<128x128xbf16>, vector<128x128xf32> -> vector<128x128xf32>
    %add3A_359 = arith.addf %add3A_348, %dot_general3A_358 : vector<128x128xf32>
    %slice3A_360 = vector.extract_strided_slice %dot_general3A_302 {offsets = [0, 5, 0], sizes = [128, 1, 128], strides = [1, 1, 1]} : vector<128x16x128xf32> to vector<128x1x128xf32>
    %squeeze3A_361 = vector.shape_cast %slice3A_360 : vector<128x1x128xf32> to vector<128x128xf32>
    %convert_element_type3A_362 = arith.truncf %squeeze3A_361 : vector<128x128xf32> to vector<128x128xbf16>
    %get3A_363 = arith.constant 5 : index
    %get3A_364 = arith.constant 0 : index
    %get3A_365 = arith.constant 0 : index
    %get3A_366 = vector.load %arg7[%get3A_363, %get3A_364, %get3A_365] : memref<15x128x128xbf16, #tpu.memory_space<vmem>>, vector<1x128x128xbf16>
    %get3A_367 = vector.shape_cast %get3A_366 : vector<1x128x128xbf16> to vector<128x128xbf16>
    %dot_general3A_368 = arith.constant dense<0.000000e+00> : vector<128x128xf32>
    %dot_general3A_369 = tpu.matmul %convert_element_type3A_362, %get3A_367, %dot_general3A_368 {dimension_numbers = #tpu.dot_dimension_numbers<[1], [0], [0], [1], [0, 0, 1, 1], [], []>, transpose_lhs_hint = false} : vector<128x128xbf16>, vector<128x128xbf16>, vector<128x128xf32> -> vector<128x128xf32>
    %add3A_370 = arith.addf %add3A_359, %dot_general3A_369 : vector<128x128xf32>
    %slice3A_371 = vector.extract_strided_slice %dot_general3A_302 {offsets = [0, 6, 0], sizes = [128, 1, 128], strides = [1, 1, 1]} : vector<128x16x128xf32> to vector<128x1x128xf32>
    %squeeze3A_372 = vector.shape_cast %slice3A_371 : vector<128x1x128xf32> to vector<128x128xf32>
    %convert_element_type3A_373 = arith.truncf %squeeze3A_372 : vector<128x128xf32> to vector<128x128xbf16>
    %get3A_374 = arith.constant 6 : index
    %get3A_375 = arith.constant 0 : index
    %get3A_376 = arith.constant 0 : index
    %get3A_377 = vector.load %arg7[%get3A_374, %get3A_375, %get3A_376] : memref<15x128x128xbf16, #tpu.memory_space<vmem>>, vector<1x128x128xbf16>
    %get3A_378 = vector.shape_cast %get3A_377 : vector<1x128x128xbf16> to vector<128x128xbf16>
    %dot_general3A_379 = arith.constant dense<0.000000e+00> : vector<128x128xf32>
    %dot_general3A_380 = tpu.matmul %convert_element_type3A_373, %get3A_378, %dot_general3A_379 {dimension_numbers = #tpu.dot_dimension_numbers<[1], [0], [0], [1], [0, 0, 1, 1], [], []>, transpose_lhs_hint = false} : vector<128x128xbf16>, vector<128x128xbf16>, vector<128x128xf32> -> vector<128x128xf32>
    %add3A_381 = arith.addf %add3A_370, %dot_general3A_380 : vector<128x128xf32>
    %slice3A_382 = vector.extract_strided_slice %dot_general3A_302 {offsets = [0, 7, 0], sizes = [128, 1, 128], strides = [1, 1, 1]} : vector<128x16x128xf32> to vector<128x1x128xf32>
    %squeeze3A_383 = vector.shape_cast %slice3A_382 : vector<128x1x128xf32> to vector<128x128xf32>
    %convert_element_type3A_384 = arith.truncf %squeeze3A_383 : vector<128x128xf32> to vector<128x128xbf16>
    %get3A_385 = arith.constant 7 : index
    %get3A_386 = arith.constant 0 : index
    %get3A_387 = arith.constant 0 : index
    %get3A_388 = vector.load %arg7[%get3A_385, %get3A_386, %get3A_387] : memref<15x128x128xbf16, #tpu.memory_space<vmem>>, vector<1x128x128xbf16>
    %get3A_389 = vector.shape_cast %get3A_388 : vector<1x128x128xbf16> to vector<128x128xbf16>
    %dot_general3A_390 = arith.constant dense<0.000000e+00> : vector<128x128xf32>
    %dot_general3A_391 = tpu.matmul %convert_element_type3A_384, %get3A_389, %dot_general3A_390 {dimension_numbers = #tpu.dot_dimension_numbers<[1], [0], [0], [1], [0, 0, 1, 1], [], []>, transpose_lhs_hint = false} : vector<128x128xbf16>, vector<128x128xbf16>, vector<128x128xf32> -> vector<128x128xf32>
    %add3A_392 = arith.addf %add3A_381, %dot_general3A_391 : vector<128x128xf32>
    %slice3A_393 = vector.extract_strided_slice %dot_general3A_302 {offsets = [0, 8, 0], sizes = [128, 1, 128], strides = [1, 1, 1]} : vector<128x16x128xf32> to vector<128x1x128xf32>
    %squeeze3A_394 = vector.shape_cast %slice3A_393 : vector<128x1x128xf32> to vector<128x128xf32>
    %convert_element_type3A_395 = arith.truncf %squeeze3A_394 : vector<128x128xf32> to vector<128x128xbf16>
    %get3A_396 = arith.constant 8 : index
    %get3A_397 = arith.constant 0 : index
    %get3A_398 = arith.constant 0 : index
    %get3A_399 = vector.load %arg7[%get3A_396, %get3A_397, %get3A_398] : memref<15x128x128xbf16, #tpu.memory_space<vmem>>, vector<1x128x128xbf16>
    %get3A_400 = vector.shape_cast %get3A_399 : vector<1x128x128xbf16> to vector<128x128xbf16>
    %dot_general3A_401 = arith.constant dense<0.000000e+00> : vector<128x128xf32>
    %dot_general3A_402 = tpu.matmul %convert_element_type3A_395, %get3A_400, %dot_general3A_401 {dimension_numbers = #tpu.dot_dimension_numbers<[1], [0], [0], [1], [0, 0, 1, 1], [], []>, transpose_lhs_hint = false} : vector<128x128xbf16>, vector<128x128xbf16>, vector<128x128xf32> -> vector<128x128xf32>
    %add3A_403 = arith.addf %add3A_392, %dot_general3A_402 : vector<128x128xf32>
    %slice3A_404 = vector.extract_strided_slice %dot_general3A_302 {offsets = [0, 9, 0], sizes = [128, 1, 128], strides = [1, 1, 1]} : vector<128x16x128xf32> to vector<128x1x128xf32>
    %squeeze3A_405 = vector.shape_cast %slice3A_404 : vector<128x1x128xf32> to vector<128x128xf32>
    %convert_element_type3A_406 = arith.truncf %squeeze3A_405 : vector<128x128xf32> to vector<128x128xbf16>
    %get3A_407 = arith.constant 9 : index
    %get3A_408 = arith.constant 0 : index
    %get3A_409 = arith.constant 0 : index
    %get3A_410 = vector.load %arg7[%get3A_407, %get3A_408, %get3A_409] : memref<15x128x128xbf16, #tpu.memory_space<vmem>>, vector<1x128x128xbf16>
    %get3A_411 = vector.shape_cast %get3A_410 : vector<1x128x128xbf16> to vector<128x128xbf16>
    %dot_general3A_412 = arith.constant dense<0.000000e+00> : vector<128x128xf32>
    %dot_general3A_413 = tpu.matmul %convert_element_type3A_406, %get3A_411, %dot_general3A_412 {dimension_numbers = #tpu.dot_dimension_numbers<[1], [0], [0], [1], [0, 0, 1, 1], [], []>, transpose_lhs_hint = false} : vector<128x128xbf16>, vector<128x128xbf16>, vector<128x128xf32> -> vector<128x128xf32>
    %add3A_414 = arith.addf %add3A_403, %dot_general3A_413 : vector<128x128xf32>
    %slice3A_415 = vector.extract_strided_slice %dot_general3A_302 {offsets = [0, 10, 0], sizes = [128, 1, 128], strides = [1, 1, 1]} : vector<128x16x128xf32> to vector<128x1x128xf32>
    %squeeze3A_416 = vector.shape_cast %slice3A_415 : vector<128x1x128xf32> to vector<128x128xf32>
    %convert_element_type3A_417 = arith.truncf %squeeze3A_416 : vector<128x128xf32> to vector<128x128xbf16>
    %get3A_418 = arith.constant 10 : index
    %get3A_419 = arith.constant 0 : index
    %get3A_420 = arith.constant 0 : index
    %get3A_421 = vector.load %arg7[%get3A_418, %get3A_419, %get3A_420] : memref<15x128x128xbf16, #tpu.memory_space<vmem>>, vector<1x128x128xbf16>
    %get3A_422 = vector.shape_cast %get3A_421 : vector<1x128x128xbf16> to vector<128x128xbf16>
    %dot_general3A_423 = arith.constant dense<0.000000e+00> : vector<128x128xf32>
    %dot_general3A_424 = tpu.matmul %convert_element_type3A_417, %get3A_422, %dot_general3A_423 {dimension_numbers = #tpu.dot_dimension_numbers<[1], [0], [0], [1], [0, 0, 1, 1], [], []>, transpose_lhs_hint = false} : vector<128x128xbf16>, vector<128x128xbf16>, vector<128x128xf32> -> vector<128x128xf32>
    %add3A_425 = arith.addf %add3A_414, %dot_general3A_424 : vector<128x128xf32>
    %slice3A_426 = vector.extract_strided_slice %dot_general3A_302 {offsets = [0, 11, 0], sizes = [128, 1, 128], strides = [1, 1, 1]} : vector<128x16x128xf32> to vector<128x1x128xf32>
    %squeeze3A_427 = vector.shape_cast %slice3A_426 : vector<128x1x128xf32> to vector<128x128xf32>
    %convert_element_type3A_428 = arith.truncf %squeeze3A_427 : vector<128x128xf32> to vector<128x128xbf16>
    %get3A_429 = arith.constant 11 : index
    %get3A_430 = arith.constant 0 : index
    %get3A_431 = arith.constant 0 : index
    %get3A_432 = vector.load %arg7[%get3A_429, %get3A_430, %get3A_431] : memref<15x128x128xbf16, #tpu.memory_space<vmem>>, vector<1x128x128xbf16>
    %get3A_433 = vector.shape_cast %get3A_432 : vector<1x128x128xbf16> to vector<128x128xbf16>
    %dot_general3A_434 = arith.constant dense<0.000000e+00> : vector<128x128xf32>
    %dot_general3A_435 = tpu.matmul %convert_element_type3A_428, %get3A_433, %dot_general3A_434 {dimension_numbers = #tpu.dot_dimension_numbers<[1], [0], [0], [1], [0, 0, 1, 1], [], []>, transpose_lhs_hint = false} : vector<128x128xbf16>, vector<128x128xbf16>, vector<128x128xf32> -> vector<128x128xf32>
    %add3A_436 = arith.addf %add3A_425, %dot_general3A_435 : vector<128x128xf32>
    %slice3A_437 = vector.extract_strided_slice %dot_general3A_302 {offsets = [0, 12, 0], sizes = [128, 1, 128], strides = [1, 1, 1]} : vector<128x16x128xf32> to vector<128x1x128xf32>
    %squeeze3A_438 = vector.shape_cast %slice3A_437 : vector<128x1x128xf32> to vector<128x128xf32>
    %convert_element_type3A_439 = arith.truncf %squeeze3A_438 : vector<128x128xf32> to vector<128x128xbf16>
    %get3A_440 = arith.constant 12 : index
    %get3A_441 = arith.constant 0 : index
    %get3A_442 = arith.constant 0 : index
    %get3A_443 = vector.load %arg7[%get3A_440, %get3A_441, %get3A_442] : memref<15x128x128xbf16, #tpu.memory_space<vmem>>, vector<1x128x128xbf16>
    %get3A_444 = vector.shape_cast %get3A_443 : vector<1x128x128xbf16> to vector<128x128xbf16>
    %dot_general3A_445 = arith.constant dense<0.000000e+00> : vector<128x128xf32>
    %dot_general3A_446 = tpu.matmul %convert_element_type3A_439, %get3A_444, %dot_general3A_445 {dimension_numbers = #tpu.dot_dimension_numbers<[1], [0], [0], [1], [0, 0, 1, 1], [], []>, transpose_lhs_hint = false} : vector<128x128xbf16>, vector<128x128xbf16>, vector<128x128xf32> -> vector<128x128xf32>
    %add3A_447 = arith.addf %add3A_436, %dot_general3A_446 : vector<128x128xf32>
    %slice3A_448 = vector.extract_strided_slice %dot_general3A_302 {offsets = [0, 13, 0], sizes = [128, 1, 128], strides = [1, 1, 1]} : vector<128x16x128xf32> to vector<128x1x128xf32>
    %squeeze3A_449 = vector.shape_cast %slice3A_448 : vector<128x1x128xf32> to vector<128x128xf32>
    %convert_element_type3A_450 = arith.truncf %squeeze3A_449 : vector<128x128xf32> to vector<128x128xbf16>
    %get3A_451 = arith.constant 13 : index
    %get3A_452 = arith.constant 0 : index
    %get3A_453 = arith.constant 0 : index
    %get3A_454 = vector.load %arg7[%get3A_451, %get3A_452, %get3A_453] : memref<15x128x128xbf16, #tpu.memory_space<vmem>>, vector<1x128x128xbf16>
    %get3A_455 = vector.shape_cast %get3A_454 : vector<1x128x128xbf16> to vector<128x128xbf16>
    %dot_general3A_456 = arith.constant dense<0.000000e+00> : vector<128x128xf32>
    %dot_general3A_457 = tpu.matmul %convert_element_type3A_450, %get3A_455, %dot_general3A_456 {dimension_numbers = #tpu.dot_dimension_numbers<[1], [0], [0], [1], [0, 0, 1, 1], [], []>, transpose_lhs_hint = false} : vector<128x128xbf16>, vector<128x128xbf16>, vector<128x128xf32> -> vector<128x128xf32>
    %add3A_458 = arith.addf %add3A_447, %dot_general3A_457 : vector<128x128xf32>
    %slice3A_459 = vector.extract_strided_slice %dot_general3A_302 {offsets = [0, 14, 0], sizes = [128, 1, 128], strides = [1, 1, 1]} : vector<128x16x128xf32> to vector<128x1x128xf32>
    %squeeze3A_460 = vector.shape_cast %slice3A_459 : vector<128x1x128xf32> to vector<128x128xf32>
    %convert_element_type3A_461 = arith.truncf %squeeze3A_460 : vector<128x128xf32> to vector<128x128xbf16>
    %get3A_462 = arith.constant 14 : index
    %get3A_463 = arith.constant 0 : index
    %get3A_464 = arith.constant 0 : index
    %get3A_465 = vector.load %arg7[%get3A_462, %get3A_463, %get3A_464] : memref<15x128x128xbf16, #tpu.memory_space<vmem>>, vector<1x128x128xbf16>
    %get3A_466 = vector.shape_cast %get3A_465 : vector<1x128x128xbf16> to vector<128x128xbf16>
    %dot_general3A_467 = arith.constant dense<0.000000e+00> : vector<128x128xf32>
    %dot_general3A_468 = tpu.matmul %convert_element_type3A_461, %get3A_466, %dot_general3A_467 {dimension_numbers = #tpu.dot_dimension_numbers<[1], [0], [0], [1], [0, 0, 1, 1], [], []>, transpose_lhs_hint = false} : vector<128x128xbf16>, vector<128x128xbf16>, vector<128x128xf32> -> vector<128x128xf32>
    %add3A_469 = arith.addf %add3A_458, %dot_general3A_468 : vector<128x128xf32>
    %swap3A = arith.constant 0 : index
    %swap3A_470 = arith.constant 0 : index
    %swap3A_471 = vector.load %arg8[%swap3A, %swap3A_470] : memref<128x128xf32, #tpu.memory_space<vmem>>, vector<128x128xf32>
    tpu.vector_store %arg8[%swap3A, %swap3A_470], %add3A_469 {strides = array<i32>} : memref<128x128xf32, #tpu.memory_space<vmem>>, vector<128x128xf32>,
    return
  }
  func.func @transform_0(%arg0: i32) -> (i32, i32) {
    %c0_i32 = arith.constant 0 : i32
    %c0_i32_0 = arith.constant 0 : i32
    return %arg0, %c0_i32 : i32, i32
  }
  func.func @transform_1(%arg0: i32) -> (i32, i32) {
    %c0_i32 = arith.constant 0 : i32
    %c0_i32_0 = arith.constant 0 : i32
    return %arg0, %c0_i32 : i32, i32
  }
  func.func @transform_2(%arg0: i32) -> (i32, i32) {
    %c0_i32 = arith.constant 0 : i32
    %c0_i32_0 = arith.constant 0 : i32
    return %arg0, %c0_i32 : i32, i32
  }
  func.func @transform_3(%arg0: i32) -> (i32, i32) {
    %c0_i32 = arith.constant 0 : i32
    %c0_i32_0 = arith.constant 0 : i32
    %c0_i32_1 = arith.constant 0 : i32
    return %c0_i32, %c0_i32_0 : i32, i32
  }
  func.func @transform_4(%arg0: i32) -> (i32, i32, i32) {
    %c0_i32 = arith.constant 0 : i32
    %c0_i32_0 = arith.constant 0 : i32
    %c0_i32_1 = arith.constant 0 : i32
    %c0_i32_2 = arith.constant 0 : i32
    return %c0_i32, %c0_i32_0, %c0_i32_1 : i32, i32, i32
  }
  func.func @transform_5(%arg0: i32) -> (i32, i32) {
    %c0_i32 = arith.constant 0 : i32
    %c0_i32_0 = arith.constant 0 : i32
    %c0_i32_1 = arith.constant 0 : i32
    return %c0_i32, %c0_i32_0 : i32, i32
  }
  func.func @transform_6(%arg0: i32) -> (i32, i32, i32) {
    %c0_i32 = arith.constant 0 : i32
    %c0_i32_0 = arith.constant 0 : i32
    %c0_i32_1 = arith.constant 0 : i32
    %c0_i32_2 = arith.constant 0 : i32
    return %c0_i32, %c0_i32_0, %c0_i32_1 : i32, i32, i32
  }
  func.func @transform_7(%arg0: i32) -> (i32, i32) {
    %c0_i32 = arith.constant 0 : i32
    %c0_i32_0 = arith.constant 0 : i32
    return %arg0, %c0_i32 : i32, i32
  }
}

</mosaic_0001>

<sc_bundles>
// kernel: kernel.6.cloned.1.call-start
scs
__scs_entry_jumppad:
0x0: {  	(pc) =	sbr.rel $0x88, $3  }
0x1: {  	(tag) =	ssettag $0x0;
	lr =	simm.s32 $0x1  }
0x2: {  	[smem:$0x3F99] =	sst lr;
	_ =	strace $0xD0000000  }
0x3: {  	_ = 	snop  }
0x4: {  	_ = 	snop  }
0x5: {  	_ = 	snop  }
0x6: {  	_ = 	snop  }
0x7: {  	_ = 	snop  }
__scs_overlays_trampoline_lowered:
0x8: {  	[smem:$0x3FA8] =	sst s0  }
0x9: {  	[smem:$0x3FA9] =	sst s1  }
0xa: {  	[smem:$0x3FAA] =	sst s2  }
0xb: {  	[smem:$0x3FAB] =	sst s3  }
0xc: {  	[smem:$0x3FAC] =	sst s4  }
0xd: {  	[smem:$0x3FAD] =	sst s5  }
0xe: {  	[smem:$0x3FAE] =	sst s6  }
0xf: {  	[smem:$0x3FAF] =	sst s7  }
0x10: {  	[smem:$0x3FB0] =	sst s8  }
0x11: {  	[smem:$0x3FB1] =	sst s9;
	s0 =	simm.s32 @!p0 $0x0  }
0x12: {  	s1 =	sld [smem:$0x3F97];
	s0 =	simm.s32 @p0 $0x1  }
0x13: {  	[smem:$0x3FB2] =	sst s0;
	s0 =	simm.s32 @!p1 $0x0  }
0x14: {  	s2 =	sld [smem:$0x3F96];
	s0 =	simm.s32 @p1 $0x1  }
0x15: {  	[smem:$0x3FB3] =	sst s0;
	s0 =	simm.s32 @!p2 $0x0  }
0x16: {  	s3 =	sld [smem:$0x3FDB];
	s0 =	simm.s32 @p2 $0x1  }
0x17: {  	s4 =	simm.s32 $0x1BF5;
	[smem:$0x3FB5] =	sst s0  }
0x18: {  	s0 =	sld [smem:$0x3F98];
	_ =	swait.ge [sflag:s4], $0x0  }
0x19: {  	s7 =	sld [smem:$0x3F99]  }
0x1a: {  	s8 =	sadd.s32 $0xFFFFE003, lr  }
0x1b: {  	s9 =	sadd.s32 $0xFFFFFEF7, lr;
	s5 =	simm.s32 $0xFFFFFFFF;
	p2 =	slt.u32 s8, $0xFFFFF086  }
0x1c: {  	p1 =	slt.u32 s9, $0xF7A;
	s5 =	simm.s32 @!p2 $0x0  }
0x1d: {  	s5 =	simm.s32 @p1 $0x1;
	p0 =	seq.s32 s7, s2  }
0x1e: {  	s7 =	smul.u32 @!p0 $0xF7A, s2;
	p2 =	seq.s32 @!p0 s5, $0x0  }
0x1f: {  	s9 =	smul.u32 $0xF7A, s1;
	s8 =	simm.s32 @!p0 $0x1BF5;
	p2 =	por !p2, p0  }
0x20: {  	[sflag:s8] =	ssyncset.s32 @!p0 $0xFFFFF086;
	s6 =	sadd.s32 @!p0 s3, s7;
	s7 =	simm.s32 @!p0 $0x108  }
0x21: {  	s3 =	sadd.s32 s3, s9;
	s6 =	sadd.s32 @!p0 $0x88, s6;
	s7 =	simm.s32 @p2 $0x1082  }
0x22: {  	[simem:s7], [sflag:s8] =	dma.local @!p0 [hbm:s6], $0xF7A  }
0x23: {  	s9 =	sor.u32 $0xD0000000, s2;
	s6 =	simm.s32 $0x108;
	_ =	swait.ge @!p0 [sflag:s8], $0x0  }
0x24: {  	s3 =	sadd.s32 $0x88, s3;
	s6 =	simm.s32 @!p1 $0x1082;
	[sflag:s4] =	ssyncset.s32 $0xFFFFF086  }
0x25: {  	[simem:s6], [sflag:s4] =	dma.local [hbm:s3], $0xF7A  }
0x26: {  	[smem:$0x3F99] =	sst s1;
	(tag) =	ssettag s2;
	_ =	strace s9  }
0x27: {  	s1 =	sld [smem:$0x3FA9]  }
0x28: {  	s2 =	sld [smem:$0x3FAA]  }
0x29: {  	s4 =	sld [smem:$0x3FAC]  }
0x2a: {  	p0 =	seq.s32 s5, $0x0;
	s5 =	sld [smem:$0x3FAD]  }
0x2b: {  	s6 =	sld [smem:$0x3FAE]  }
0x2c: {  	s7 =	sld [smem:$0x3FAF]  }
0x2d: {  	s3 =	simm.s32 $0x108;
	s8 =	sld [smem:$0x3FB0]  }
0x2e: {  	s3 =	simm.s32 @!p0 $0x1082;
	s9 =	sld [smem:$0x3FB1]  }
0x2f: {  	lr =	sadd.s32 s0, s3;
	s0 =	sld [smem:$0x3FA8]  }
0x30: {  	s3 =	sld [smem:$0x3FAB]  }
0x31: {  	[smem:$0x3FB4] =	sst s10  }
0x32: {  	s10 =	sld [smem:$0x3FB2];
	_ =	sdelay $0x3  }
0x33: {  	p0 =	seq.s32 s10, $0x1;
	s10 =	sld [smem:$0x3FB4];
	_ =	sdelay $0x3  }
0x34: {  	[smem:$0x3FB4] =	sst s10  }
0x35: {  	s10 =	sld [smem:$0x3FB3];
	_ =	sdelay $0x3  }
0x36: {  	p1 =	seq.s32 s10, $0x1;
	s10 =	sld [smem:$0x3FB4];
	_ =	sdelay $0x3  }
0x37: {  	[smem:$0x3FB4] =	sst s10  }
0x38: {  	s10 =	sld [smem:$0x3FB5]  }
0x39: {  	_ = 	snop;
	(pc) =	sbr.ind lr, $3  }
0x3a: {  	_ = 	snop  }
0x3b: {  	_ = 	snop  }
0x3c: {  	p2 =	seq.s32 s10, $0x1;
	s10 =	sld [smem:$0x3FB4]  }
0x3d: {  	_ =	shalt  }
0x3e: {  	_ =	shalt  }
0x3f: {  	_ =	shalt  }
0x40: {  	_ =	shalt  }
0x41: {  	_ =	shalt  }
0x42: {  	_ =	shalt  }
0x43: {  	_ =	shalt  }
0x44: {  	_ =	shalt  }
0x45: {  	_ =	shalt  }
0x46: {  	_ =	shalt  }
0x47: {  	_ =	shalt  }
0x48: {  	_ =	shalt  }
0x49: {  	_ =	shalt  }
0x4a: {  	_ =	shalt  }
0x4b: {  	_ =	shalt  }
0x4c: {  	_ =	shalt  }
0x4d: {  	_ =	shalt  }
0x4e: {  	_ =	shalt  }
0x4f: {  	_ =	shalt  }
0x50: {  	_ =	shalt  }
0x51: {  	_ =	shalt  }
0x52: {  	_ =	shalt  }
0x53: {  	_ =	shalt  }
0x54: {  	_ =	shalt  }
0x55: {  	_ =	shalt  }
0x56: {  	_ =	shalt  }
0x57: {  	_ =	shalt  }
0x58: {  	_ =	shalt  }
0x59: {  	_ =	shalt  }
0x5a: {  	_ =	shalt  }
0x5b: {  	_ =	shalt  }
0x5c: {  	_ =	shalt  }
0x5d: {  	_ =	shalt  }
0x5e: {  	_ =	shalt  }
0x5f: {  	_ =	shalt  }
0x60: {  	_ =	shalt  }
0x61: {  	_ =	shalt  }
0x62: {  	_ =	shalt  }
0x63: {  	_ =	shalt  }
0x64: {  	_ =	shalt  }
0x65: {  	_ =	shalt  }
0x66: {  	_ =	shalt  }
0x67: {  	_ =	shalt  }
0x68: {  	_ =	shalt  }
0x69: {  	_ =	shalt  }
0x6a: {  	_ =	shalt  }
0x6b: {  	_ =	shalt  }
0x6c: {  	_ =	shalt  }
0x6d: {  	_ =	shalt  }
0x6e: {  	_ =	shalt  }
0x6f: {  	_ =	shalt  }
0x70: {  	_ =	shalt  }
0x71: {  	_ =	shalt  }
0x72: {  	_ =	shalt  }
0x73: {  	_ =	shalt  }
0x74: {  	_ =	shalt  }
0x75: {  	_ =	shalt  }
0x76: {  	_ =	shalt  }
0x77: {  	_ =	shalt  }
0x78: {  	_ =	shalt  }
0x79: {  	_ =	shalt  }
0x7a: {  	_ =	shalt  }
0x7b: {  	_ =	shalt  }
0x7c: {  	_ =	shalt  }
0x7d: {  	_ =	shalt  }
0x7e: {  	_ =	shalt  }
0x7f: {  	_ =	shalt  }
0x80: {  	_ =	shalt  }
0x81: {  	_ =	shalt  }
0x82: {  	_ =	shalt  }
0x83: {  	_ =	shalt  }
0x84: {  	_ =	shalt  }
0x85: {  	_ =	shalt  }
0x86: {  	_ =	shalt  }
0x87: {  	_ =	shalt  }
.Lfunc_end0:
.L_simem_size_0:
called_computation_lowered:
.L_overlay_start_0:
0x88: {  	s2 =	sld [smem:$0x3FD9]  }
0x89: {  	s3 =	sld [smem:$0x3FFE];
	_ =	sdelay $0x1  }
0x8a: {  	s1 =	srdreg.scid  }
0x8b: {  	s0 =	sand.u32 $0x1, s1  }
0x8c: {  	s17 =	sshll.u32 s0, $0xA;
	s2 =	sadd.s32 s3, s2  }
0x8d: {  	s2 =	sadd.s32 s2, s17  }
0x8e: {  	[smem:$0x3FC0] =	sst s2  }
0x8f: {  	_ = 	snop  }
0x90: {  	s4 =	sld [smem:$0x3FC6]  }
0x91: {  	s18 =	sld [smem:$0x3FD0];
	(tm) =	ssettm $0x1  }
0x92: {  	s19 =	sld [smem:$0x3FFB];
	_ =	sdelay $0x3  }
0x93: {  	_ =	strace s19  }
0x94: {  	s2 =	sld [smem:$0x3FFC];
	_ =	sdelay $0x3  }
0x95: {  	_ =	strace s2  }
0x96: {  	s2 =	sld [smem:$0x3FFD];
	_ =	sdelay $0x3  }
0x97: {  	_ =	strace s2  }
0x98: {  	_ =	strace $0x8FFFFFFF  }
0x99: {  	s20 =	sld [smem:$0x3FDB];
	_ =	sdelay $0x1  }
0x9a: {  	s5 =	simm.s32 $_scs_section_size  }
0x9b: {  	s6 =	simm.s32 $_size__tile_overlayer_lowered;
	s7 =	simm.s32 $_tile_overlayer_lowered  }
0x9c: {  	s8 =	simm.s32 $0x1BFF;
	s21 =	sshll.u32 s7, $0x1;
	s5 =	sadd.s32 s5, s20  }
0x9d: {  	s22 =	simm.s32 $0x0;
	s6 =	sshll.u32 s6, $0x1;
	s7 =	sadd.s32 s21, s5  }
0x9e: {  	[timem:s22], [sflag:s8] =	dma.local [hbm:s7], s6  }
0x9f: {  	_ =	swait.ge [sflag:s8], s6  }
0xa0: {  	s6 =	ssub.s32 $0x0, s6;
	[sflag:s8] =	ssyncset.done $0x0  }
0xa1: {  	[sflag:s8] =	ssyncadd.s32 s6;
	_ =	sdelay $0x1  }
0xa2: {  	s23 =	simm.s32 $0x1B8B  }
0xa3: {  	_ =	swait.ge [sflag:s23], $0x1  }
0xa4: {  	[sflag:s23] =	ssyncset.done $0x0  }
0xa5: {  	[sflag:s23] =	ssyncadd.s32 $0xFFFFFFFF  }
0xa6: {  	s6 =	sld [smem:$0x0]  }
0xa7: {  	s7 =	sand.u32 $0xFFFFFFFE, s1  }
0xa8: {  	p0 =	sne.s32 s1, s7  }
0xa9: {  	s7 =	sshll.u32 @p0 s7, $0xE  }
0xaa: {  	s7 =	sadd.s32 @p0 $0x11B8D, s7;
	s8 =	sshll.u32 @p0 s6, $0x11  }
0xab: {  	s7 =	sor.u32 @p0 s8, s7  }
0xac: {  	[sflag:s7] =	ssyncadd.remote.s32 @p0 $0x1;
	_ =	sdelay $0x1  }
0xad: {  	s7 =	simm.s32 @p0 $0x1B8D  }
0xae: {  	_ =	swait.eq @p0 [sflag:s7], $0x1  }
0xaf: {  	[sflag:s7] =	ssyncadd.s32 @p0 $0xFFFFFFFF  }
0xb0: {  	s8 =	sshll.u32 @!p0 s1, $0xE  }
0xb1: {  	s8 =	sor.u32 @!p0 $0x4000, s8;
	s7 =	simm.s32 @!p0 $0x1B8D  }
0xb2: {  	s6 =	sshll.u32 @!p0 s6, $0x11;
	s8 =	sadd.s32 @!p0 $0x11B8D, s8;
	_ =	swait.eq @!p0 [sflag:s7], $0x1  }
0xb3: {  	s6 =	sor.u32 @!p0 s6, s8;
	[sflag:s7] =	ssyncadd.s32 @!p0 $0xFFFFFFFF  }
0xb4: {  	s25 =	simm.s32 $0x1B8E;
	s24 =	sld [smem:$0x3FFE];
	[sflag:s6] =	ssyncadd.remote.s32 @!p0 $0x1  }
0xb5: {  	s26 =	simm.s32 $execute0_lowered;
	[smem:$0x3FD2] =	sst s25  }
0xb6: {  	s7 =	sshll.u32 s26, $0x1;
	_ =	strace $0x80000049;
	[dreg:$0x1] =	wrdreg $0xFFFFFFFF  }
0xb7: {  	s28 =	simm.s32 $_size_execute0_lowered;
	s5 =	sadd.s32 s5, s7;
	[dreg:$0x0] =	wrdreg $0x0  }
0xb8: {  	s7 =	sshll.u32 s28, $0x1;
	[dreg:$0x2] =	wrdreg s5  }
0xb9: {  	[dreg:$0x3] =	wrdreg s7  }
0xba: {  	[dreg:$0x4] =	wrdreg $0xC0  }
0xbb: {  	_ =	task [dreg:s22], $0x5FFFF  }
0xbc: {  	[dreg:$0x1] =	wrdreg $0xFFFFFFFF  }
0xbd: {  	[dreg:$0x0] =	wrdreg $0x60  }
0xbe: {  	[dreg:$0x2] =	wrdreg s4  }
0xbf: {  	[dreg:$0x3] =	wrdreg s24  }
0xc0: {  	[dreg:$0x4] =	wrdreg s18  }
0xc1: {  	[dreg:$0x5] =	wrdreg $0x9  }
0xc2: {  	_ =	task.clear_ibuf [dreg:s22], $0x6FFFF;
	_ =	strace $0x90000049  }
0xc3: {  	s29 =	simm.s32 $0x9;
	_ =	strace $0x8000004B  }
0xc4: {  	_ =	swait.ge [sflag:s29], $0x1  }
0xc5: {  	[sflag:s29] =	ssyncadd.s32 $0xFFFFFFFF  }
0xc6: {  	_ =	strace $0x9000004B  }
0xc7: {  	_ =	sfence  }
0xc8: {  	s30 =	sld [smem:$0x0];
	_ =	sdelay $0x2  }
0xc9: {  	s31 =	sshll.u32 s1, $0xD;
	s1 =	sshrl.u32 s1, $0x2  }
0xca: {  	s4 =	sand.u32 $0x4000, s31;
	s1 =	sadd.s32 s1, s30  }
0xcb: {  	s0 =	sor.u32 s4, s0;
	s1 =	sshll.u32 s1, $0x11  }
0xcc: {  	s0 =	sor.u32 s1, s0  }
0xcd: {  	s0 =	sadd.s32 $0x8F2B, s0  }
0xce: {  	[sflag:s0] =	ssyncadd.remote.s32 $0x1  }
0xcf: {  	_ =	sfence.sel $0xFFFF  }
0xd0: {  	[dreg:$0x0] =	wrdreg $0xFFFFFFFF;
	(pc) =	sbr.abs _section_cstart, $3  }
0xd1: {  	[dreg:$0x1] =	wrdreg $0xFFFFFFFF  }
0xd2: {  	_ =	task.clear_ibuf [dreg:s22], $0x2FFFF;
	_ =	strace $0x9FFFFFFF  }
0xd3: {  	(tm) =	ssettm $0x7FFFFFFF  }
tec
execute0_lowered:
.L_overlay_start_1:
0x0: {  	(tag) =	ssettag $0x1  }
0x1: {  	s1 =	rddreg [dreg:$0x0]  }
0x2: {  	s0 =	rddreg [dreg:$0x1];
	v0 =	vlaneseq.u32  }
0x3: {  	s2 =	rddreg [dreg:$0x2];
	v0 =	vmul.u32 $0x4, v0  }
0x4: {  	s4 =	simm.s32 $0x0;
	s3 =	srdreg.scid;
	s8 =	stileid.u32  }
0x5: {  	s14 =	simm.s32 $0x5;
	s15 =	simm.s32 $0x11400;
	s16 =	simm.s32 $0x13B80;
	v1 =	vor.u32 $0x1, v0;
	v2 =	vor.u32 $0x2, v0  }
0x6: {  	s17 =	simm.s32 $0x16300;
	s30 =	simm.s32 $0xD400;
	s18 =	simm.s32 $0x80;
	v3 =	vor.u32 $0x40, v0;
	v4 =	vor.u32 $0x41, v0;
	v5 =	vor.u32 $0x42, v0  }
0x7: {  	s19 =	simm.s32 $0x9400;
	s20 =	simm.s32 $0x18A80;
	s21 =	simm.s32 $0x1;
	v6 =	vor.u32 $0x80, v0;
	v7 =	vor.u32 $0x81, v0;
	v8 =	vor.u32 $0x82, v0  }
0x8: {  	s31 =	simm.s32 $0x1400;
	s22 =	simm.s32 $0x18E80;
	s23 =	simm.s32 $0x2;
	v9 =	vor.u32 $0xC0, v0;
	v10 =	vor.u32 $0xC1, v0;
	v11 =	vor.u32 $0xC2, v0  }
0x9: {  	[smem:$0x7FF] =	sst s4;
	s3 =	sand.u32 $0x1, s3;
	s5 =	sshll.u32 s8, $0x1;
	v12 =	vor.u32 $0x100, v0;
	v13 =	vor.u32 $0x101, v0;
	v14 =	vor.u32 $0x102, v0  }
0xa: {  	s6 =	sadd.s32 $0x2000, s0;
	s24 =	sadd.s32 $0x1A00, s0;
	s25 =	sadd.s32 $0x1400, s0;
	v15 =	vor.u32 $0x140, v0;
	v16 =	vor.u32 $0x141, v0;
	v17 =	vor.u32 $0x142, v0  }
0xb: {  	s26 =	smul.u32 $0x2800, s8;
	_ =	strace $0x8000004A;
	[dreg:$0x6] =	wrdreg s6;
	v18 =	vor.u32 $0x180, v0;
	v19 =	vor.u32 $0x181, v0;
	v20 =	vor.u32 $0x182, v0  }
0xc: {  	s9 =	sadd.s32 $0x2A0600, s0;
	s13 =	smul.u32 $0x28000, s8;
	[dreg:$0x7] =	wrdreg s24;
	v21 =	vor.u32 $0x1C0, v0;
	v22 =	vor.u32 $0x1C1, v0;
	v23 =	vor.u32 $0x1C2, v0  }
0xd: {  	s5 =	sor.u32 s3, s5;
	[dreg:$0x8] =	wrdreg s25;
	s11 =	smul.u32 $0x1400, s3;
	v24 =	vor.u32 $0x200, v0;
	v25 =	vor.u32 $0x201, v0;
	v26 =	vor.u32 $0x202, v0  }
0xe: {  	s10 =	ssub.s32 $0x2, s3;
	[dreg:$0x4] =	wrdreg s30;
	s6 =	smul.u32 $0x1400, s5;
	v27 =	vor.u32 $0x240, v0;
	v28 =	vor.u32 $0x241, v0;
	v29 =	vor.u32 $0x242, v0  }
0xf: {  	s3 =	smul.u32 $0x14000, s3;
	[dreg:$0x5] =	wrdreg s31;
	s24 =	simm.s32 $0x3;
	v30 =	vor.u32 $0x280, v0;
	v31 =	vor.u32 $0x281, v0;
	v32 =	vor.u32 $0x282, v0  }
0x10: {  	s25 =	simm.s32 $0x4;
	s28 =	sshrl.u32 s10, $0x1;
	v33 =	vor.u32 $0x2C0, v0;
	v34 =	vor.u32 $0x2C1, v0;
	v35 =	vor.u32 $0x2C2, v0;
	s7 =	sshrl.u32 s6, $0x3  }
0x11: {  	s29 =	sadd.s32 s13, s9;
	v36 =	vor.u32 $0x300, v0;
	v37 =	vor.u32 $0x301, v0;
	v38 =	vor.u32 $0x302, v0;
	s5 =	sadd.s32 s11, s26;
	s7 =	sadd.s32 s7, s0  }
0x12: {  	v39 =	vor.u32 $0x340, v0;
	v40 =	vor.u32 $0x341, v0;
	v41 =	vor.u32 $0x342, v0;
	s13 =	sadd.s32 s3, s29;
	s0 =	ssub.s32 s10, s28;
	s7 =	sadd.s32 $0x29B600, s7  }
0x13: {  	v42 =	vor.u32 $0x380, v0;
	v43 =	vor.u32 $0x381, v0;
	v44 =	vor.u32 $0x382, v0;
	s5 =	sshrl.u32 s5, $0x1;
	s0 =	smax.u32 s0, $0x1;
	[dreg:$0x9] =	wrdreg s7  }
0x14: {  	v45 =	vor.u32 $0x3C0, v0;
	v46 =	vor.u32 $0x3C1, v0;
	v47 =	vor.u32 $0x3C2, v0;
	s26 =	simm.s32 $0x0;
	s12 =	sadd.s32 s5, s2;
	[dreg:$0xa] =	wrdreg s0  }
.LBB2_1:
0x15: {  	s0 =	rddreg [dreg:$0x9]  }
0x16: {  	[tilespmem:s4], [sflag:$0x5] =	stream.linear.gather [hbm4b:s0+s4], $0x1400, $0x38;
	[tilespmem:$0x19280] =	vst v63  }
0x17: {  	_ =	swait.ge [sflag:s14], $0x1400  }
0x18: {  	[sflag:s14] =	ssyncset.done $0x0  }
0x19: {  	s10 =	rddreg [dreg:$0x6];
	[sflag:s14] =	ssyncadd.s32 $0xFFFFEC00  }
0x1a: {  	[tilespmem:s15], [sflag:$0x5] =	stream.linear.gather [hbm4b:s10+s4], $0x2780, $0x38;
	[tilespmem:$0x19280] =	vst v63  }
0x1b: {  	_ =	swait.ge [sflag:s14], $0x2780  }
0x1c: {  	[sflag:s14] =	ssyncset.done $0x0  }
0x1d: {  	s11 =	rddreg [dreg:$0x7];
	[sflag:s14] =	ssyncadd.s32 $0xFFFFD880  }
0x1e: {  	[tilespmem:s16], [sflag:$0x5] =	stream.linear.gather [hbm4b:s11+s4], $0x2780, $0x38;
	[tilespmem:$0x19280] =	vst v63  }
0x1f: {  	_ =	swait.ge [sflag:s14], $0x2780  }
0x20: {  	[sflag:s14] =	ssyncset.done $0x0  }
0x21: {  	s28 =	rddreg [dreg:$0x8];
	[sflag:s14] =	ssyncadd.s32 $0xFFFFD880  }
0x22: {  	[tilespmem:s17], [sflag:$0x5] =	stream.linear.gather [hbm4b:s28+s4], $0x2780, $0x38;
	[tilespmem:$0x19280] =	vst v63  }
0x23: {  	s3 =	simm.s32 $0x100;
	_ =	swait.ge [sflag:s14], $0x2780  }
0x24: {  	s29 =	smov.u32 s13;
	s30 =	smov.u32 s12;
	[sflag:s14] =	ssyncset.done $0x0  }
0x25: {  	s31 =	simm.s32 $0x0;
	s0 =	simm.s32 $0x0;
	[sflag:s14] =	ssyncadd.s32 $0xFFFFD880  }
.LBB2_2:
0x26: {  	p0 =	sne.s32 s31, $0x0  }
0x27: {  	s5 =	simm.s32 @p0 $0x3  }
0x28: {  	_ =	swait.ge @p0 [sflag:s5], $0x8000  }
0x29: {  	[sflag:s5] =	ssyncset.done @p0 $0x0  }
0x2a: {  	[sflag:s5] =	ssyncadd.s32 @p0 $0xFFFF8000  }
0x2b: {  	_ =	swait.ge @p0 [sflag:s5], $0x400  }
0x2c: {  	s7 =	simm.s32 @p0 $0x80;
	[sflag:s5] =	ssyncset.done @p0 $0x0  }
0x2d: {  	s28 =	simm.s32 @p0 $0x1400;
	[sflag:s5] =	ssyncadd.s32 @p0 $0xFFFFFC00;
	s5 =	sshra.s32 @p0 s31, $0x2  }
0x2e: {  	[tilespmem:s28], [sflag:$0x1] =	stream.indirect.gather @p0 [hbm4b:s1+s7], $0x80, s5, s7, $0xb8;
	[tilespmem:$0x19280] =	vst v63  }
0x2f: {  	s5 =	sadd.s32 @p0 $0x80, s5;
	s28 =	simm.s32 @p0 $0x5400  }
0x30: {  	[tilespmem:s28], [sflag:$0x1] =	stream.indirect.gather @p0 [hbm4b:s1+s7], $0x80, s5, s7, $0xb8;
	[tilespmem:$0x19280] =	vst v63  }
0x31: {  	s5 =	simm.s32 @p0 $0x4  }
0x32: {  	_ =	swait.ge @p0 [sflag:s5], $0x8000  }
0x33: {  	[sflag:s5] =	ssyncset.done @p0 $0x0  }
0x34: {  	[sflag:s5] =	ssyncadd.s32 @p0 $0xFFFF8000  }
0x35: {  	_ =	swait.ge @p0 [sflag:s5], $0x400  }
0x36: {  	s28 =	simm.s32 @!p0 $0x80;
	[sflag:s5] =	ssyncset.done @p0 $0x0  }
0x37: {  	s7 =	simm.s32 @!p0 $0x1400;
	[sflag:s5] =	ssyncadd.s32 @p0 $0xFFFFFC00;
	s5 =	sshra.s32 @!p0 s31, $0x2  }
0x38: {  	[tilespmem:s7], [sflag:$0x1] =	stream.indirect.gather @!p0 [hbm4b:s1+s28], $0x80, s5, s28, $0xb8;
	[tilespmem:$0x19280] =	vst v63  }
0x39: {  	s8 =	simm.s32 @!p0 $0x5400;
	s7 =	sadd.s32 @!p0 $0x80, s5  }
0x3a: {  	[tilespmem:s8], [sflag:$0x1] =	stream.indirect.gather @!p0 [hbm4b:s1+s28], $0x80, s7, s28, $0xb8;
	[tilespmem:$0x19280] =	vst v63  }
0x3b: {  	s28 =	smov.u32 s3  }
0x3c: {  	s8 =	sshll.u32 s0, $0x9;
	s28 =	simm.s32 @!p0 $0x100  }
0x3d: {  	[tilespmem:s19], [sflag:$0x2] =	stream.indirect.gather [hbm4b:s1+s18], $0x80, s28, s18, $0xb8;
	[tilespmem:$0x19280] =	vst v63  }
0x3e: {  	s10 =	rddreg [dreg:$0x4];
	s5 =	smov.u32 @p0 s8;
	s11 =	sadd.s32 $0x80, s28  }
0x3f: {  	[tilespmem:s10], [sflag:$0x2] =	stream.indirect.gather [hbm4b:s1+s18], $0x80, s11, s18, $0xb8;
	[tilespmem:$0x19280] =	vst v63  }
0x40: {  	v48 =	vld [tilespmem:s5+$0x0];
	_ =	sdelay $0x7  }
0x41: {  	v49 =	vld.idx.msk [tilespmem:v48+s15+$0x0], $0xffff  }
0x42: {  	v50 =	vld.idx.msk [tilespmem:v48+s16+$0x0], $0xffff  }
0x43: {  	v48 =	vld.idx.msk [tilespmem:v48+s17+$0x0], $0xffff;
	_ =	sdelay $0x2  }
0x44: {  	[tilespmem:v0+s20+$0x0] =	vst.idx.msk $0xffff, v49  }
0x45: {  	[tilespmem:v1+s20+$0x0] =	vst.idx.msk $0xffff, v50  }
0x46: {  	s11 =	sshra.s32 s31, $0x2;
	[tilespmem:v2+s20+$0x0] =	vst.idx.msk $0xffff, v48  }
0x47: {  	v48 =	vld [tilespmem:s11+$0x10];
	_ =	sdelay $0x7  }
0x48: {  	v49 =	vld.idx.msk [tilespmem:v48+s15+$0x0], $0xffff  }
0x49: {  	v50 =	vld.idx.msk [tilespmem:v48+s16+$0x0], $0xffff  }
0x4a: {  	v48 =	vld.idx.msk [tilespmem:v48+s17+$0x0], $0xffff;
	_ =	sdelay $0x2  }
0x4b: {  	[tilespmem:v3+s20+$0x0] =	vst.idx.msk $0xffff, v49  }
0x4c: {  	[tilespmem:v4+s20+$0x0] =	vst.idx.msk $0xffff, v50  }
0x4d: {  	[tilespmem:v5+s20+$0x0] =	vst.idx.msk $0xffff, v48  }
0x4e: {  	v48 =	vld [tilespmem:s11+$0x20];
	_ =	sdelay $0x7  }
0x4f: {  	v49 =	vld.idx.msk [tilespmem:v48+s15+$0x0], $0xffff  }
0x50: {  	v50 =	vld.idx.msk [tilespmem:v48+s16+$0x0], $0xffff  }
0x51: {  	v48 =	vld.idx.msk [tilespmem:v48+s17+$0x0], $0xffff;
	_ =	sdelay $0x2  }
0x52: {  	[tilespmem:v6+s20+$0x0] =	vst.idx.msk $0xffff, v49  }
0x53: {  	[tilespmem:v7+s20+$0x0] =	vst.idx.msk $0xffff, v50  }
0x54: {  	[tilespmem:v8+s20+$0x0] =	vst.idx.msk $0xffff, v48  }
0x55: {  	v48 =	vld [tilespmem:s11+$0x30];
	_ =	sdelay $0x7  }
0x56: {  	v49 =	vld.idx.msk [tilespmem:v48+s15+$0x0], $0xffff  }
0x57: {  	v50 =	vld.idx.msk [tilespmem:v48+s16+$0x0], $0xffff  }
0x58: {  	v48 =	vld.idx.msk [tilespmem:v48+s17+$0x0], $0xffff;
	_ =	sdelay $0x2  }
0x59: {  	[tilespmem:v9+s20+$0x0] =	vst.idx.msk $0xffff, v49  }
0x5a: {  	[tilespmem:v10+s20+$0x0] =	vst.idx.msk $0xffff, v50  }
0x5b: {  	[tilespmem:v11+s20+$0x0] =	vst.idx.msk $0xffff, v48  }
0x5c: {  	v48 =	vld [tilespmem:s11+$0x40];
	_ =	sdelay $0x7  }
0x5d: {  	v49 =	vld.idx.msk [tilespmem:v48+s15+$0x0], $0xffff  }
0x5e: {  	v50 =	vld.idx.msk [tilespmem:v48+s16+$0x0], $0xffff  }
0x5f: {  	v48 =	vld.idx.msk [tilespmem:v48+s17+$0x0], $0xffff;
	_ =	sdelay $0x2  }
0x60: {  	[tilespmem:v12+s20+$0x0] =	vst.idx.msk $0xffff, v49  }
0x61: {  	[tilespmem:v13+s20+$0x0] =	vst.idx.msk $0xffff, v50  }
0x62: {  	[tilespmem:v14+s20+$0x0] =	vst.idx.msk $0xffff, v48  }
0x63: {  	v48 =	vld [tilespmem:s11+$0x50];
	_ =	sdelay $0x7  }
0x64: {  	v49 =	vld.idx.msk [tilespmem:v48+s15+$0x0], $0xffff  }
0x65: {  	v50 =	vld.idx.msk [tilespmem:v48+s16+$0x0], $0xffff  }
0x66: {  	v48 =	vld.idx.msk [tilespmem:v48+s17+$0x0], $0xffff;
	_ =	sdelay $0x2  }
0x67: {  	[tilespmem:v15+s20+$0x0] =	vst.idx.msk $0xffff, v49  }
0x68: {  	[tilespmem:v16+s20+$0x0] =	vst.idx.msk $0xffff, v50  }
0x69: {  	[tilespmem:v17+s20+$0x0] =	vst.idx.msk $0xffff, v48  }
0x6a: {  	v48 =	vld [tilespmem:s11+$0x60];
	_ =	sdelay $0x7  }
0x6b: {  	v49 =	vld.idx.msk [tilespmem:v48+s15+$0x0], $0xffff  }
0x6c: {  	v50 =	vld.idx.msk [tilespmem:v48+s16+$0x0], $0xffff  }
0x6d: {  	v48 =	vld.idx.msk [tilespmem:v48+s17+$0x0], $0xffff;
	_ =	sdelay $0x2  }
0x6e: {  	[tilespmem:v18+s20+$0x0] =	vst.idx.msk $0xffff, v49  }
0x6f: {  	[tilespmem:v19+s20+$0x0] =	vst.idx.msk $0xffff, v50  }
0x70: {  	[tilespmem:v20+s20+$0x0] =	vst.idx.msk $0xffff, v48  }
0x71: {  	v48 =	vld [tilespmem:s11+$0x70];
	_ =	sdelay $0x7  }
0x72: {  	v49 =	vld.idx.msk [tilespmem:v48+s15+$0x0], $0xffff  }
0x73: {  	v50 =	vld.idx.msk [tilespmem:v48+s16+$0x0], $0xffff  }
0x74: {  	v48 =	vld.idx.msk [tilespmem:v48+s17+$0x0], $0xffff;
	_ =	sdelay $0x2  }
0x75: {  	[tilespmem:v21+s20+$0x0] =	vst.idx.msk $0xffff, v49  }
0x76: {  	s8 =	sadd.s32 @p0 $0x80, s8;
	[tilespmem:v22+s20+$0x0] =	vst.idx.msk $0xffff, v50  }
0x77: {  	s7 =	smov.u32 @p0 s8;
	[tilespmem:v23+s20+$0x0] =	vst.idx.msk $0xffff, v48  }
0x78: {  	v48 =	vld [tilespmem:s7+$0x0];
	_ =	sdelay $0x7  }
0x79: {  	v49 =	vld.idx.msk [tilespmem:v48+s15+$0x0], $0xffff  }
0x7a: {  	v50 =	vld.idx.msk [tilespmem:v48+s16+$0x0], $0xffff  }
0x7b: {  	v48 =	vld.idx.msk [tilespmem:v48+s17+$0x0], $0xffff;
	_ =	sdelay $0x2  }
0x7c: {  	[tilespmem:v24+s20+$0x0] =	vst.idx.msk $0xffff, v49  }
0x7d: {  	[tilespmem:v25+s20+$0x0] =	vst.idx.msk $0xffff, v50  }
0x7e: {  	[tilespmem:v26+s20+$0x0] =	vst.idx.msk $0xffff, v48  }
0x7f: {  	v48 =	vld [tilespmem:s11+$0x90];
	_ =	sdelay $0x7  }
0x80: {  	v49 =	vld.idx.msk [tilespmem:v48+s15+$0x0], $0xffff  }
0x81: {  	v50 =	vld.idx.msk [tilespmem:v48+s16+$0x0], $0xffff  }
0x82: {  	v48 =	vld.idx.msk [tilespmem:v48+s17+$0x0], $0xffff;
	_ =	sdelay $0x2  }
0x83: {  	[tilespmem:v27+s20+$0x0] =	vst.idx.msk $0xffff, v49  }
0x84: {  	[tilespmem:v28+s20+$0x0] =	vst.idx.msk $0xffff, v50  }
0x85: {  	[tilespmem:v29+s20+$0x0] =	vst.idx.msk $0xffff, v48  }
0x86: {  	v48 =	vld [tilespmem:s11+$0xA0];
	_ =	sdelay $0x7  }
0x87: {  	v49 =	vld.idx.msk [tilespmem:v48+s15+$0x0], $0xffff  }
0x88: {  	v50 =	vld.idx.msk [tilespmem:v48+s16+$0x0], $0xffff  }
0x89: {  	v48 =	vld.idx.msk [tilespmem:v48+s17+$0x0], $0xffff;
	_ =	sdelay $0x2  }
0x8a: {  	[tilespmem:v30+s20+$0x0] =	vst.idx.msk $0xffff, v49  }
0x8b: {  	[tilespmem:v31+s20+$0x0] =	vst.idx.msk $0xffff, v50  }
0x8c: {  	[tilespmem:v32+s20+$0x0] =	vst.idx.msk $0xffff, v48  }
0x8d: {  	v48 =	vld [tilespmem:s11+$0xB0];
	_ =	sdelay $0x7  }
0x8e: {  	v49 =	vld.idx.msk [tilespmem:v48+s15+$0x0], $0xffff  }
0x8f: {  	v50 =	vld.idx.msk [tilespmem:v48+s16+$0x0], $0xffff  }
0x90: {  	v48 =	vld.idx.msk [tilespmem:v48+s17+$0x0], $0xffff;
	_ =	sdelay $0x2  }
0x91: {  	[tilespmem:v33+s20+$0x0] =	vst.idx.msk $0xffff, v49  }
0x92: {  	[tilespmem:v34+s20+$0x0] =	vst.idx.msk $0xffff, v50  }
0x93: {  	[tilespmem:v35+s20+$0x0] =	vst.idx.msk $0xffff, v48  }
0x94: {  	v48 =	vld [tilespmem:s11+$0xC0];
	_ =	sdelay $0x7  }
0x95: {  	v49 =	vld.idx.msk [tilespmem:v48+s15+$0x0], $0xffff  }
0x96: {  	v50 =	vld.idx.msk [tilespmem:v48+s16+$0x0], $0xffff  }
0x97: {  	v48 =	vld.idx.msk [tilespmem:v48+s17+$0x0], $0xffff;
	_ =	sdelay $0x2  }
0x98: {  	[tilespmem:v36+s20+$0x0] =	vst.idx.msk $0xffff, v49  }
0x99: {  	[tilespmem:v37+s20+$0x0] =	vst.idx.msk $0xffff, v50  }
0x9a: {  	[tilespmem:v38+s20+$0x0] =	vst.idx.msk $0xffff, v48  }
0x9b: {  	v48 =	vld [tilespmem:s11+$0xD0];
	_ =	sdelay $0x7  }
0x9c: {  	v49 =	vld.idx.msk [tilespmem:v48+s15+$0x0], $0xffff  }
0x9d: {  	v50 =	vld.idx.msk [tilespmem:v48+s16+$0x0], $0xffff  }
0x9e: {  	v48 =	vld.idx.msk [tilespmem:v48+s17+$0x0], $0xffff;
	_ =	sdelay $0x2  }
0x9f: {  	[tilespmem:v39+s20+$0x0] =	vst.idx.msk $0xffff, v49  }
0xa0: {  	[tilespmem:v40+s20+$0x0] =	vst.idx.msk $0xffff, v50  }
0xa1: {  	[tilespmem:v41+s20+$0x0] =	vst.idx.msk $0xffff, v48  }
0xa2: {  	v48 =	vld [tilespmem:s11+$0xE0];
	_ =	sdelay $0x7  }
0xa3: {  	v49 =	vld.idx.msk [tilespmem:v48+s15+$0x0], $0xffff  }
0xa4: {  	v50 =	vld.idx.msk [tilespmem:v48+s16+$0x0], $0xffff  }
0xa5: {  	v48 =	vld.idx.msk [tilespmem:v48+s17+$0x0], $0xffff;
	_ =	sdelay $0x2  }
0xa6: {  	[tilespmem:v42+s20+$0x0] =	vst.idx.msk $0xffff, v49  }
0xa7: {  	[tilespmem:v43+s20+$0x0] =	vst.idx.msk $0xffff, v50  }
0xa8: {  	[tilespmem:v44+s20+$0x0] =	vst.idx.msk $0xffff, v48  }
0xa9: {  	v48 =	vld [tilespmem:s11+$0xF0];
	_ =	sdelay $0x7  }
0xaa: {  	v49 =	vld.idx.msk [tilespmem:v48+s15+$0x0], $0xffff  }
0xab: {  	v50 =	vld.idx.msk [tilespmem:v48+s16+$0x0], $0xffff  }
0xac: {  	v48 =	vld.idx.msk [tilespmem:v48+s17+$0x0], $0xffff;
	_ =	sdelay $0x2  }
0xad: {  	[tilespmem:v45+s20+$0x0] =	vst.idx.msk $0xffff, v49  }
0xae: {  	[tilespmem:v46+s20+$0x0] =	vst.idx.msk $0xffff, v50  }
0xaf: {  	[tilespmem:v47+s20+$0x0] =	vst.idx.msk $0xffff, v48  }
0xb0: {  	_ =	swait.ge [sflag:s21], $0x4000  }
0xb1: {  	[sflag:s21] =	ssyncset.done $0x0  }
0xb2: {  	[sflag:s21] =	ssyncadd.s32 $0xFFFFC000  }
0xb3: {  	_ =	swait.ge [sflag:s21], $0x4000  }
0xb4: {  	[sflag:s21] =	ssyncset.done $0x0  }
0xb5: {  	s10 =	rddreg [dreg:$0x5];
	[sflag:s21] =	ssyncadd.s32 $0xFFFFC000  }
0xb6: {  	[hbm4b:s29+s4] =	stream.linear.scatter [tilespmem:s10], [sflag:$0x3], $0x8000, $0x38;
	[tilespmem:$0x19280] =	vst v63  }
0xb7: {  	_ = 	snop  }
0xb8: {  	[hbm4b:s30+s4] =	stream.linear.scatter [tilespmem:s20], [sflag:$0x3], $0x400, $0x38;
	[tilespmem:$0x19280] =	vst v63  }
0xb9: {  	v61 =	vld [tilespmem:s28+$0x0];
	_ =	sdelay $0x7  }
0xba: {  	v62 =	vld.idx.msk [tilespmem:v61+s15+$0x0], $0xffff  }
0xbb: {  	v63 =	vld.idx.msk [tilespmem:v61+s16+$0x0], $0xffff  }
0xbc: {  	v48 =	vld.idx.msk [tilespmem:v61+s17+$0x0], $0xffff;
	_ =	sdelay $0x2  }
0xbd: {  	[tilespmem:v0+s22+$0x0] =	vst.idx.msk $0xffff, v62  }
0xbe: {  	[tilespmem:v1+s22+$0x0] =	vst.idx.msk $0xffff, v63  }
0xbf: {  	[tilespmem:v2+s22+$0x0] =	vst.idx.msk $0xffff, v48  }
0xc0: {  	v48 =	vld [tilespmem:s28+$0x10];
	_ =	sdelay $0x7  }
0xc1: {  	v49 =	vld.idx.msk [tilespmem:v48+s15+$0x0], $0xffff  }
0xc2: {  	v50 =	vld.idx.msk [tilespmem:v48+s16+$0x0], $0xffff  }
0xc3: {  	v48 =	vld.idx.msk [tilespmem:v48+s17+$0x0], $0xffff;
	_ =	sdelay $0x2  }
0xc4: {  	[tilespmem:v3+s22+$0x0] =	vst.idx.msk $0xffff, v49  }
0xc5: {  	[tilespmem:v4+s22+$0x0] =	vst.idx.msk $0xffff, v50  }
0xc6: {  	[tilespmem:v5+s22+$0x0] =	vst.idx.msk $0xffff, v48  }
0xc7: {  	v48 =	vld [tilespmem:s28+$0x20];
	_ =	sdelay $0x7  }
0xc8: {  	v49 =	vld.idx.msk [tilespmem:v48+s15+$0x0], $0xffff  }
0xc9: {  	v50 =	vld.idx.msk [tilespmem:v48+s16+$0x0], $0xffff  }
0xca: {  	v48 =	vld.idx.msk [tilespmem:v48+s17+$0x0], $0xffff;
	_ =	sdelay $0x2  }
0xcb: {  	[tilespmem:v6+s22+$0x0] =	vst.idx.msk $0xffff, v49  }
0xcc: {  	[tilespmem:v7+s22+$0x0] =	vst.idx.msk $0xffff, v50  }
0xcd: {  	[tilespmem:v8+s22+$0x0] =	vst.idx.msk $0xffff, v48  }
0xce: {  	v48 =	vld [tilespmem:s28+$0x30];
	_ =	sdelay $0x7  }
0xcf: {  	v49 =	vld.idx.msk [tilespmem:v48+s15+$0x0], $0xffff  }
0xd0: {  	v50 =	vld.idx.msk [tilespmem:v48+s16+$0x0], $0xffff  }
0xd1: {  	v48 =	vld.idx.msk [tilespmem:v48+s17+$0x0], $0xffff;
	_ =	sdelay $0x2  }
0xd2: {  	[tilespmem:v9+s22+$0x0] =	vst.idx.msk $0xffff, v49  }
0xd3: {  	[tilespmem:v10+s22+$0x0] =	vst.idx.msk $0xffff, v50  }
0xd4: {  	[tilespmem:v11+s22+$0x0] =	vst.idx.msk $0xffff, v48  }
0xd5: {  	v48 =	vld [tilespmem:s28+$0x40];
	_ =	sdelay $0x7  }
0xd6: {  	v49 =	vld.idx.msk [tilespmem:v48+s15+$0x0], $0xffff  }
0xd7: {  	v50 =	vld.idx.msk [tilespmem:v48+s16+$0x0], $0xffff  }
0xd8: {  	v48 =	vld.idx.msk [tilespmem:v48+s17+$0x0], $0xffff;
	_ =	sdelay $0x2  }
0xd9: {  	[tilespmem:v12+s22+$0x0] =	vst.idx.msk $0xffff, v49  }
0xda: {  	[tilespmem:v13+s22+$0x0] =	vst.idx.msk $0xffff, v50  }
0xdb: {  	[tilespmem:v14+s22+$0x0] =	vst.idx.msk $0xffff, v48  }
0xdc: {  	v48 =	vld [tilespmem:s28+$0x50];
	_ =	sdelay $0x7  }
0xdd: {  	v49 =	vld.idx.msk [tilespmem:v48+s15+$0x0], $0xffff  }
0xde: {  	v50 =	vld.idx.msk [tilespmem:v48+s16+$0x0], $0xffff  }
0xdf: {  	v48 =	vld.idx.msk [tilespmem:v48+s17+$0x0], $0xffff;
	_ =	sdelay $0x2  }
0xe0: {  	[tilespmem:v15+s22+$0x0] =	vst.idx.msk $0xffff, v49  }
0xe1: {  	[tilespmem:v16+s22+$0x0] =	vst.idx.msk $0xffff, v50  }
0xe2: {  	[tilespmem:v17+s22+$0x0] =	vst.idx.msk $0xffff, v48  }
0xe3: {  	v48 =	vld [tilespmem:s28+$0x60];
	_ =	sdelay $0x7  }
0xe4: {  	v49 =	vld.idx.msk [tilespmem:v48+s15+$0x0], $0xffff  }
0xe5: {  	v50 =	vld.idx.msk [tilespmem:v48+s16+$0x0], $0xffff  }
0xe6: {  	v48 =	vld.idx.msk [tilespmem:v48+s17+$0x0], $0xffff;
	_ =	sdelay $0x2  }
0xe7: {  	[tilespmem:v18+s22+$0x0] =	vst.idx.msk $0xffff, v49  }
0xe8: {  	[tilespmem:v19+s22+$0x0] =	vst.idx.msk $0xffff, v50  }
0xe9: {  	[tilespmem:v20+s22+$0x0] =	vst.idx.msk $0xffff, v48  }
0xea: {  	v48 =	vld [tilespmem:s28+$0x70];
	_ =	sdelay $0x7  }
0xeb: {  	v49 =	vld.idx.msk [tilespmem:v48+s15+$0x0], $0xffff  }
0xec: {  	v50 =	vld.idx.msk [tilespmem:v48+s16+$0x0], $0xffff  }
0xed: {  	v48 =	vld.idx.msk [tilespmem:v48+s17+$0x0], $0xffff;
	_ =	sdelay $0x2  }
0xee: {  	[tilespmem:v21+s22+$0x0] =	vst.idx.msk $0xffff, v49  }
0xef: {  	[tilespmem:v22+s22+$0x0] =	vst.idx.msk $0xffff, v50  }
0xf0: {  	[tilespmem:v23+s22+$0x0] =	vst.idx.msk $0xffff, v48  }
0xf1: {  	v48 =	vld [tilespmem:s28+$0x80];
	_ =	sdelay $0x7  }
0xf2: {  	v49 =	vld.idx.msk [tilespmem:v48+s15+$0x0], $0xffff  }
0xf3: {  	v50 =	vld.idx.msk [tilespmem:v48+s16+$0x0], $0xffff  }
0xf4: {  	v48 =	vld.idx.msk [tilespmem:v48+s17+$0x0], $0xffff;
	_ =	sdelay $0x2  }
0xf5: {  	[tilespmem:v24+s22+$0x0] =	vst.idx.msk $0xffff, v49  }
0xf6: {  	[tilespmem:v25+s22+$0x0] =	vst.idx.msk $0xffff, v50  }
0xf7: {  	[tilespmem:v26+s22+$0x0] =	vst.idx.msk $0xffff, v48  }
0xf8: {  	v48 =	vld [tilespmem:s28+$0x90];
	_ =	sdelay $0x7  }
0xf9: {  	v49 =	vld.idx.msk [tilespmem:v48+s15+$0x0], $0xffff  }
0xfa: {  	v50 =	vld.idx.msk [tilespmem:v48+s16+$0x0], $0xffff  }
0xfb: {  	v48 =	vld.idx.msk [tilespmem:v48+s17+$0x0], $0xffff;
	_ =	sdelay $0x2  }
0xfc: {  	[tilespmem:v27+s22+$0x0] =	vst.idx.msk $0xffff, v49  }
0xfd: {  	[tilespmem:v28+s22+$0x0] =	vst.idx.msk $0xffff, v50  }
0xfe: {  	[tilespmem:v29+s22+$0x0] =	vst.idx.msk $0xffff, v48  }
0xff: {  	v48 =	vld [tilespmem:s28+$0xA0];
	_ =	sdelay $0x7  }
0x100: {  	v49 =	vld.idx.msk [tilespmem:v48+s15+$0x0], $0xffff  }
0x101: {  	v50 =	vld.idx.msk [tilespmem:v48+s16+$0x0], $0xffff  }
0x102: {  	v48 =	vld.idx.msk [tilespmem:v48+s17+$0x0], $0xffff;
	_ =	sdelay $0x2  }
0x103: {  	[tilespmem:v30+s22+$0x0] =	vst.idx.msk $0xffff, v49  }
0x104: {  	[tilespmem:v31+s22+$0x0] =	vst.idx.msk $0xffff, v50  }
0x105: {  	[tilespmem:v32+s22+$0x0] =	vst.idx.msk $0xffff, v48  }
0x106: {  	v48 =	vld [tilespmem:s28+$0xB0];
	_ =	sdelay $0x7  }
0x107: {  	v49 =	vld.idx.msk [tilespmem:v48+s15+$0x0], $0xffff  }
0x108: {  	v50 =	vld.idx.msk [tilespmem:v48+s16+$0x0], $0xffff  }
0x109: {  	v48 =	vld.idx.msk [tilespmem:v48+s17+$0x0], $0xffff;
	_ =	sdelay $0x2  }
0x10a: {  	[tilespmem:v33+s22+$0x0] =	vst.idx.msk $0xffff, v49  }
0x10b: {  	[tilespmem:v34+s22+$0x0] =	vst.idx.msk $0xffff, v50  }
0x10c: {  	[tilespmem:v35+s22+$0x0] =	vst.idx.msk $0xffff, v48  }
0x10d: {  	v48 =	vld [tilespmem:s28+$0xC0];
	_ =	sdelay $0x7  }
0x10e: {  	v49 =	vld.idx.msk [tilespmem:v48+s15+$0x0], $0xffff  }
0x10f: {  	v50 =	vld.idx.msk [tilespmem:v48+s16+$0x0], $0xffff  }
0x110: {  	v48 =	vld.idx.msk [tilespmem:v48+s17+$0x0], $0xffff;
	_ =	sdelay $0x2  }
0x111: {  	[tilespmem:v36+s22+$0x0] =	vst.idx.msk $0xffff, v49  }
0x112: {  	[tilespmem:v37+s22+$0x0] =	vst.idx.msk $0xffff, v50  }
0x113: {  	[tilespmem:v38+s22+$0x0] =	vst.idx.msk $0xffff, v48  }
0x114: {  	v48 =	vld [tilespmem:s28+$0xD0];
	_ =	sdelay $0x7  }
0x115: {  	v49 =	vld.idx.msk [tilespmem:v48+s15+$0x0], $0xffff  }
0x116: {  	v50 =	vld.idx.msk [tilespmem:v48+s16+$0x0], $0xffff  }
0x117: {  	v48 =	vld.idx.msk [tilespmem:v48+s17+$0x0], $0xffff;
	_ =	sdelay $0x2  }
0x118: {  	[tilespmem:v39+s22+$0x0] =	vst.idx.msk $0xffff, v49  }
0x119: {  	[tilespmem:v40+s22+$0x0] =	vst.idx.msk $0xffff, v50  }
0x11a: {  	[tilespmem:v41+s22+$0x0] =	vst.idx.msk $0xffff, v48  }
0x11b: {  	v48 =	vld [tilespmem:s28+$0xE0];
	_ =	sdelay $0x7  }
0x11c: {  	v49 =	vld.idx.msk [tilespmem:v48+s15+$0x0], $0xffff  }
0x11d: {  	v50 =	vld.idx.msk [tilespmem:v48+s16+$0x0], $0xffff  }
0x11e: {  	v48 =	vld.idx.msk [tilespmem:v48+s17+$0x0], $0xffff;
	_ =	sdelay $0x2  }
0x11f: {  	[tilespmem:v42+s22+$0x0] =	vst.idx.msk $0xffff, v49  }
0x120: {  	[tilespmem:v43+s22+$0x0] =	vst.idx.msk $0xffff, v50  }
0x121: {  	[tilespmem:v44+s22+$0x0] =	vst.idx.msk $0xffff, v48  }
0x122: {  	v48 =	vld [tilespmem:s28+$0xF0];
	_ =	sdelay $0x7  }
0x123: {  	v49 =	vld.idx.msk [tilespmem:v48+s15+$0x0], $0xffff  }
0x124: {  	v50 =	vld.idx.msk [tilespmem:v48+s16+$0x0], $0xffff  }
0x125: {  	v48 =	vld.idx.msk [tilespmem:v48+s17+$0x0], $0xffff;
	_ =	sdelay $0x2  }
0x126: {  	[tilespmem:v45+s22+$0x0] =	vst.idx.msk $0xffff, v49  }
0x127: {  	[tilespmem:v46+s22+$0x0] =	vst.idx.msk $0xffff, v50  }
0x128: {  	[tilespmem:v47+s22+$0x0] =	vst.idx.msk $0xffff, v48  }
0x129: {  	_ =	swait.ge [sflag:s23], $0x4000  }
0x12a: {  	s0 =	sadd.s32 $0x1, s0;
	[sflag:s23] =	ssyncset.done $0x0  }
0x12b: {  	s3 =	sadd.s32 $0x200, s3;
	s31 =	sadd.s32 $0x800, s31;
	[sflag:s23] =	ssyncadd.s32 $0xFFFFC000  }
0x12c: {  	p0 =	sne.s32 s31, $0x5000;
	s11 =	sadd.s32 s6, s28;
	_ =	swait.ge [sflag:s23], $0x4000  }
.Ltmp0:
0x12d: {  	s28 =	sshll.u32 s11, $0x4;
	[sflag:s23] =	ssyncset.done $0x0;
	(pc) =	sbr.rel @p0 .LBB2_2-.Ltmp0, $4  }
0x12e: {  	s5 =	sshrl.u32 s11, $0x1;
	s7 =	sadd.s32 s9, s28;
	[sflag:s23] =	ssyncadd.s32 $0xFFFFC000  }
0x12f: {  	[hbm4b:s7+s4] =	stream.linear.scatter [tilespmem:s19], [sflag:$0x4], $0x8000, $0x38;
	[tilespmem:$0x19280] =	vst v63  }
0x130: {  	s5 =	sadd.s32 s2, s5;
	s29 =	sadd.s32 $0x2000, s29;
	s30 =	sadd.s32 $0x100, s30  }
0x131: {  	[hbm4b:s5+s4] =	stream.linear.scatter [tilespmem:s22], [sflag:$0x4], $0x400, $0x38;
	[tilespmem:$0x19280] =	vst v63  }
0x132: {  	_ =	swait.ge [sflag:s24], $0x8000  }
0x133: {  	[sflag:s24] =	ssyncset.done $0x0  }
0x134: {  	[sflag:s24] =	ssyncadd.s32 $0xFFFF8000  }
0x135: {  	_ =	swait.ge [sflag:s24], $0x400  }
0x136: {  	[sflag:s24] =	ssyncset.done $0x0  }
0x137: {  	[sflag:s24] =	ssyncadd.s32 $0xFFFFFC00  }
0x138: {  	_ =	swait.ge [sflag:s25], $0x8000  }
0x139: {  	[sflag:s25] =	ssyncset.done $0x0  }
0x13a: {  	[sflag:s25] =	ssyncadd.s32 $0xFFFF8000  }
0x13b: {  	_ =	swait.ge [sflag:s25], $0x400  }
0x13c: {  	s26 =	sadd.s32 $0x1, s26;
	s0 =	rddreg [dreg:$0xa]  }
0x13d: {  	p0 =	sne.s32 s26, s0  }
.Ltmp1:
0x13e: {  	_ = 	snop;
	(pc) =	sbr.rel @p0 .LBB2_1-.Ltmp1, $3  }
0x13f: {  	_ =	sdelay $0x1  }
0x140: {  	[sflag:s25] =	ssyncset.done $0x0  }
0x141: {  	[sflag:s25] =	ssyncadd.s32 $0xFFFFFC00  }
0x142: {  	_ =	sfence.sel $0x180000  }
0x143: {  	[bflag:$0x0] =	sbarrier.arrive $0xFFFF  }
0x144: {  	_ =	strace $0x9000004A  }
0x145: {  	s0 =	stileid.u32;
	[bflag:$0x2] =	sbarrier.arrive $0xFFFF  }
0x146: {  	p0 =	sne.s32 s0, $0x0;
	s0 =	rddreg [dreg:$0x3]  }
0x147: {  	s0 =	sadd.s32 @!p0 $0x100000, s0  }
0x148: {  	[sflag:s0] =	ssyncadd.tile.s32 @!p0 $0x1;
	_ =	shalt  }
.Lfunc_end2:
_tile_overlayer_lowered:
.L_overlay_start_2:
0x149: {  	(tag) =	ssettag $0x2  }
0x14a: {  	s0 =	rddreg [dreg:$0x0];
	s2 =	stileid.u32  }
0x14b: {  	s1 =	rddreg [dreg:$0x1];
	p0 =	sne.s32 s2, $0x0  }
0x14c: {  	s3 =	rddreg [dreg:$0x2];
	[bflag:$0x3] =	sbarrier.arrive $0xFFFF;
	s2 =	simm.s32 @!p0 $0x1C05  }
0x14d: {  	[timem:s3], [sflag:s2] =	dma.local @!p0 [hbm:s0], s1  }
0x14e: {  	s0 =	simm.s32 @!p0 $0x5  }
0x14f: {  	_ =	swait.ge @!p0 [sflag:s0], s1  }
0x150: {  	s1 =	ssub.s32 @!p0 $0x0, s1;
	[sflag:s0] =	ssyncset.done @!p0 $0x0  }
0x151: {  	[sflag:s0] =	ssyncadd.s32 @!p0 s1  }
0x152: {  	[bflag:$0x3] =	sbarrier.arrive $0xFFFF  }
0x153: {  	_ =	shalt  }

// kernel: kernel.9.cloned.1.call-start
scs
__scs_entry_jumppad:
0x0: {  	(pc) =	sbr.rel $0x88, $3  }
0x1: {  	(tag) =	ssettag $0x0;
	lr =	simm.s32 $0x1  }
0x2: {  	[smem:$0x3F99] =	sst lr;
	_ =	strace $0xD0000000  }
0x3: {  	_ = 	snop  }
0x4: {  	_ = 	snop  }
0x5: {  	_ = 	snop  }
0x6: {  	_ = 	snop  }
0x7: {  	_ = 	snop  }
__scs_overlays_trampoline_lowered:
0x8: {  	[smem:$0x3FA8] =	sst s0  }
0x9: {  	[smem:$0x3FA9] =	sst s1  }
0xa: {  	[smem:$0x3FAA] =	sst s2  }
0xb: {  	[smem:$0x3FAB] =	sst s3  }
0xc: {  	[smem:$0x3FAC] =	sst s4  }
0xd: {  	[smem:$0x3FAD] =	sst s5  }
0xe: {  	[smem:$0x3FAE] =	sst s6  }
0xf: {  	[smem:$0x3FAF] =	sst s7  }
0x10: {  	[smem:$0x3FB0] =	sst s8  }
0x11: {  	[smem:$0x3FB1] =	sst s9;
	s0 =	simm.s32 @!p0 $0x0  }
0x12: {  	s1 =	sld [smem:$0x3F97];
	s0 =	simm.s32 @p0 $0x1  }
0x13: {  	[smem:$0x3FB2] =	sst s0;
	s0 =	simm.s32 @!p1 $0x0  }
0x14: {  	s2 =	sld [smem:$0x3F96];
	s0 =	simm.s32 @p1 $0x1  }
0x15: {  	[smem:$0x3FB3] =	sst s0;
	s0 =	simm.s32 @!p2 $0x0  }
0x16: {  	s3 =	sld [smem:$0x3FDB];
	s0 =	simm.s32 @p2 $0x1  }
0x17: {  	s4 =	simm.s32 $0x1BF5;
	[smem:$0x3FB5] =	sst s0  }
0x18: {  	s0 =	sld [smem:$0x3F98];
	_ =	swait.ge [sflag:s4], $0x0  }
0x19: {  	s7 =	sld [smem:$0x3F99]  }
0x1a: {  	s8 =	sadd.s32 $0xFFFFE003, lr  }
0x1b: {  	s9 =	sadd.s32 $0xFFFFFEF7, lr;
	s5 =	simm.s32 $0xFFFFFFFF;
	p2 =	slt.u32 s8, $0xFFFFF086  }
0x1c: {  	p1 =	slt.u32 s9, $0xF7A;
	s5 =	simm.s32 @!p2 $0x0  }
0x1d: {  	s5 =	simm.s32 @p1 $0x1;
	p0 =	seq.s32 s7, s2  }
0x1e: {  	s7 =	smul.u32 @!p0 $0xF7A, s2;
	p2 =	seq.s32 @!p0 s5, $0x0  }
0x1f: {  	s9 =	smul.u32 $0xF7A, s1;
	s8 =	simm.s32 @!p0 $0x1BF5;
	p2 =	por !p2, p0  }
0x20: {  	[sflag:s8] =	ssyncset.s32 @!p0 $0xFFFFF086;
	s6 =	sadd.s32 @!p0 s3, s7;
	s7 =	simm.s32 @!p0 $0x108  }
0x21: {  	s3 =	sadd.s32 s3, s9;
	s6 =	sadd.s32 @!p0 $0x88, s6;
	s7 =	simm.s32 @p2 $0x1082  }
0x22: {  	[simem:s7], [sflag:s8] =	dma.local @!p0 [hbm:s6], $0xF7A  }
0x23: {  	s9 =	sor.u32 $0xD0000000, s2;
	s6 =	simm.s32 $0x108;
	_ =	swait.ge @!p0 [sflag:s8], $0x0  }
0x24: {  	s3 =	sadd.s32 $0x88, s3;
	s6 =	simm.s32 @!p1 $0x1082;
	[sflag:s4] =	ssyncset.s32 $0xFFFFF086  }
0x25: {  	[simem:s6], [sflag:s4] =	dma.local [hbm:s3], $0xF7A  }
0x26: {  	[smem:$0x3F99] =	sst s1;
	(tag) =	ssettag s2;
	_ =	strace s9  }
0x27: {  	s1 =	sld [smem:$0x3FA9]  }
0x28: {  	s2 =	sld [smem:$0x3FAA]  }
0x29: {  	s4 =	sld [smem:$0x3FAC]  }
0x2a: {  	p0 =	seq.s32 s5, $0x0;
	s5 =	sld [smem:$0x3FAD]  }
0x2b: {  	s6 =	sld [smem:$0x3FAE]  }
0x2c: {  	s7 =	sld [smem:$0x3FAF]  }
0x2d: {  	s3 =	simm.s32 $0x108;
	s8 =	sld [smem:$0x3FB0]  }
0x2e: {  	s3 =	simm.s32 @!p0 $0x1082;
	s9 =	sld [smem:$0x3FB1]  }
0x2f: {  	lr =	sadd.s32 s0, s3;
	s0 =	sld [smem:$0x3FA8]  }
0x30: {  	s3 =	sld [smem:$0x3FAB]  }
0x31: {  	[smem:$0x3FB4] =	sst s10  }
0x32: {  	s10 =	sld [smem:$0x3FB2];
	_ =	sdelay $0x3  }
0x33: {  	p0 =	seq.s32 s10, $0x1;
	s10 =	sld [smem:$0x3FB4];
	_ =	sdelay $0x3  }
0x34: {  	[smem:$0x3FB4] =	sst s10  }
0x35: {  	s10 =	sld [smem:$0x3FB3];
	_ =	sdelay $0x3  }
0x36: {  	p1 =	seq.s32 s10, $0x1;
	s10 =	sld [smem:$0x3FB4];
	_ =	sdelay $0x3  }
0x37: {  	[smem:$0x3FB4] =	sst s10  }
0x38: {  	s10 =	sld [smem:$0x3FB5]  }
0x39: {  	_ = 	snop;
	(pc) =	sbr.ind lr, $3  }
0x3a: {  	_ = 	snop  }
0x3b: {  	_ = 	snop  }
0x3c: {  	p2 =	seq.s32 s10, $0x1;
	s10 =	sld [smem:$0x3FB4]  }
0x3d: {  	_ =	shalt  }
0x3e: {  	_ =	shalt  }
0x3f: {  	_ =	shalt  }
0x40: {  	_ =	shalt  }
0x41: {  	_ =	shalt  }
0x42: {  	_ =	shalt  }
0x43: {  	_ =	shalt  }
0x44: {  	_ =	shalt  }
0x45: {  	_ =	shalt  }
0x46: {  	_ =	shalt  }
0x47: {  	_ =	shalt  }
0x48: {  	_ =	shalt  }
0x49: {  	_ =	shalt  }
0x4a: {  	_ =	shalt  }
0x4b: {  	_ =	shalt  }
0x4c: {  	_ =	shalt  }
0x4d: {  	_ =	shalt  }
0x4e: {  	_ =	shalt  }
0x4f: {  	_ =	shalt  }
0x50: {  	_ =	shalt  }
0x51: {  	_ =	shalt  }
0x52: {  	_ =	shalt  }
0x53: {  	_ =	shalt  }
0x54: {  	_ =	shalt  }
0x55: {  	_ =	shalt  }
0x56: {  	_ =	shalt  }
0x57: {  	_ =	shalt  }
0x58: {  	_ =	shalt  }
0x59: {  	_ =	shalt  }
0x5a: {  	_ =	shalt  }
0x5b: {  	_ =	shalt  }
0x5c: {  	_ =	shalt  }
0x5d: {  	_ =	shalt  }
0x5e: {  	_ =	shalt  }
0x5f: {  	_ =	shalt  }
0x60: {  	_ =	shalt  }
0x61: {  	_ =	shalt  }
0x62: {  	_ =	shalt  }
0x63: {  	_ =	shalt  }
0x64: {  	_ =	shalt  }
0x65: {  	_ =	shalt  }
0x66: {  	_ =	shalt  }
0x67: {  	_ =	shalt  }
0x68: {  	_ =	shalt  }
0x69: {  	_ =	shalt  }
0x6a: {  	_ =	shalt  }
0x6b: {  	_ =	shalt  }
0x6c: {  	_ =	shalt  }
0x6d: {  	_ =	shalt  }
0x6e: {  	_ =	shalt  }
0x6f: {  	_ =	shalt  }
0x70: {  	_ =	shalt  }
0x71: {  	_ =	shalt  }
0x72: {  	_ =	shalt  }
0x73: {  	_ =	shalt  }
0x74: {  	_ =	shalt  }
0x75: {  	_ =	shalt  }
0x76: {  	_ =	shalt  }
0x77: {  	_ =	shalt  }
0x78: {  	_ =	shalt  }
0x79: {  	_ =	shalt  }
0x7a: {  	_ =	shalt  }
0x7b: {  	_ =	shalt  }
0x7c: {  	_ =	shalt  }
0x7d: {  	_ =	shalt  }
0x7e: {  	_ =	shalt  }
0x7f: {  	_ =	shalt  }
0x80: {  	_ =	shalt  }
0x81: {  	_ =	shalt  }
0x82: {  	_ =	shalt  }
0x83: {  	_ =	shalt  }
0x84: {  	_ =	shalt  }
0x85: {  	_ =	shalt  }
0x86: {  	_ =	shalt  }
0x87: {  	_ =	shalt  }
.Lfunc_end0:
.L_simem_size_0:
called_computation.1_lowered:
.L_overlay_start_0:
0x88: {  	s2 =	sld [smem:$0x3FD9]  }
0x89: {  	s3 =	sld [smem:$0x3FFE];
	_ =	sdelay $0x1  }
0x8a: {  	s1 =	srdreg.scid  }
0x8b: {  	s0 =	sand.u32 $0x1, s1  }
0x8c: {  	s17 =	sshll.u32 s0, $0xA;
	s2 =	sadd.s32 s3, s2  }
0x8d: {  	s2 =	sadd.s32 s2, s17  }
0x8e: {  	[smem:$0x3FC0] =	sst s2  }
0x8f: {  	_ = 	snop  }
0x90: {  	s2 =	sld [smem:$0x3FC6];
	(tm) =	ssettm $0x1  }
0x91: {  	s18 =	sld [smem:$0x3FFB];
	_ =	sdelay $0x3  }
0x92: {  	_ =	strace s18  }
0x93: {  	s3 =	sld [smem:$0x3FFC];
	_ =	sdelay $0x3  }
0x94: {  	_ =	strace s3  }
0x95: {  	s3 =	sld [smem:$0x3FFD];
	_ =	sdelay $0x3  }
0x96: {  	_ =	strace s3  }
0x97: {  	_ =	strace $0x8FFFFFFF  }
0x98: {  	s19 =	sld [smem:$0x3FDB];
	_ =	sdelay $0x1  }
0x99: {  	s4 =	simm.s32 $_scs_section_size  }
0x9a: {  	s5 =	simm.s32 $_size__tile_overlayer_lowered;
	s6 =	simm.s32 $_tile_overlayer_lowered  }
0x9b: {  	s22 =	simm.s32 $0x1BFF;
	s21 =	sshll.u32 s6, $0x1;
	s3 =	sadd.s32 s4, s19  }
0x9c: {  	s7 =	simm.s32 $0x0;
	s20 =	sshll.u32 s5, $0x1;
	s5 =	sadd.s32 s21, s3  }
0x9d: {  	[timem:s7], [sflag:s22] =	dma.local [hbm:s5], s20  }
0x9e: {  	_ =	swait.ge [sflag:s22], s20  }
0x9f: {  	s4 =	ssub.s32 $0x0, s20;
	[sflag:s22] =	ssyncset.done $0x0  }
0xa0: {  	[sflag:s22] =	ssyncadd.s32 s4;
	_ =	sdelay $0x1  }
0xa1: {  	s23 =	simm.s32 $0x1B8B  }
0xa2: {  	_ =	swait.ge [sflag:s23], $0x1  }
0xa3: {  	[sflag:s23] =	ssyncset.done $0x0  }
0xa4: {  	s25 =	simm.s32 $0x1B8E;
	s24 =	sld [smem:$0x3FFE];
	[sflag:s23] =	ssyncadd.s32 $0xFFFFFFFF  }
0xa5: {  	s26 =	simm.s32 $execute0_lowered;
	[smem:$0x3FD2] =	sst s25  }
0xa6: {  	s5 =	sshll.u32 s26, $0x1;
	_ =	strace $0x80000046;
	[dreg:$0x1] =	wrdreg $0xFFFFFFFF  }
0xa7: {  	s28 =	simm.s32 $_size_execute0_lowered;
	s3 =	sadd.s32 s3, s5;
	[dreg:$0x0] =	wrdreg $0x0  }
0xa8: {  	s5 =	sshll.u32 s28, $0x1;
	[dreg:$0x2] =	wrdreg s3  }
0xa9: {  	[dreg:$0x3] =	wrdreg s5  }
0xaa: {  	[dreg:$0x4] =	wrdreg $0xC0  }
0xab: {  	_ =	task [dreg:s7], $0x5FFFF  }
0xac: {  	[dreg:$0x1] =	wrdreg $0xFFFFFFFF  }
0xad: {  	[dreg:$0x0] =	wrdreg $0x60  }
0xae: {  	[dreg:$0x2] =	wrdreg s2  }
0xaf: {  	[dreg:$0x3] =	wrdreg s24  }
0xb0: {  	[dreg:$0x4] =	wrdreg $0xA  }
0xb1: {  	_ =	task.clear_ibuf [dreg:s7], $0x5FFFF;
	_ =	strace $0x90000046  }
0xb2: {  	s29 =	simm.s32 $0xA;
	_ =	strace $0x80000048  }
0xb3: {  	_ =	swait.ge [sflag:s29], $0x1  }
0xb4: {  	[sflag:s29] =	ssyncadd.s32 $0xFFFFFFFF  }
0xb5: {  	_ =	strace $0x90000048  }
0xb6: {  	_ =	sfence  }
0xb7: {  	s30 =	sld [smem:$0x0];
	_ =	sdelay $0x2  }
0xb8: {  	s31 =	sshll.u32 s1, $0xD;
	s1 =	sshrl.u32 s1, $0x2  }
0xb9: {  	s3 =	sand.u32 $0x4000, s31;
	s1 =	sadd.s32 s1, s30  }
0xba: {  	s0 =	sor.u32 s3, s0;
	s1 =	sshll.u32 s1, $0x11  }
0xbb: {  	s0 =	sor.u32 s1, s0  }
0xbc: {  	s0 =	sadd.s32 $0x8F2B, s0  }
0xbd: {  	[sflag:s0] =	ssyncadd.remote.s32 $0x1  }
0xbe: {  	_ =	sfence.sel $0xFFFF  }
0xbf: {  	[dreg:$0x0] =	wrdreg $0xFFFFFFFF;
	(pc) =	sbr.abs _section_cstart, $3  }
0xc0: {  	[dreg:$0x1] =	wrdreg $0xFFFFFFFF  }
0xc1: {  	_ =	task.clear_ibuf [dreg:s7], $0x2FFFF;
	_ =	strace $0x9FFFFFFF  }
0xc2: {  	(tm) =	ssettm $0x7FFFFFFF  }
0xc3: {  	_ =	shalt  }
tec
execute0_lowered:
.L_overlay_start_1:
0x0: {  	(tag) =	ssettag $0x1  }
0x1: {  	s1 =	rddreg [dreg:$0x0];
	v0 =	vlaneseq.u32  }
0x2: {  	s0 =	rddreg [dreg:$0x1];
	s2 =	srdreg.scid;
	v0 =	vmul.u32 $0x4, v0  }
0x3: {  	s7 =	stileid.u32;
	s3 =	simm.s32 $0x0;
	s14 =	simm.s32 $0x5  }
0x4: {  	s15 =	simm.s32 $0x11400;
	s16 =	simm.s32 $0x13B80;
	s17 =	simm.s32 $0x16300;
	v1 =	vor.u32 $0x1, v0;
	v2 =	vor.u32 $0x2, v0  }
0x5: {  	s30 =	simm.s32 $0xD400;
	s18 =	simm.s32 $0x80;
	s19 =	simm.s32 $0x9400;
	v3 =	vor.u32 $0x40, v0;
	v4 =	vor.u32 $0x41, v0;
	v5 =	vor.u32 $0x42, v0  }
0x6: {  	s20 =	simm.s32 $0x18A80;
	s21 =	simm.s32 $0x1;
	s31 =	simm.s32 $0x1400;
	v6 =	vor.u32 $0x80, v0;
	v7 =	vor.u32 $0x81, v0;
	v8 =	vor.u32 $0x82, v0  }
0x7: {  	s22 =	simm.s32 $0x18E80;
	s2 =	sand.u32 $0x1, s2;
	s4 =	sshll.u32 s7, $0x1;
	v9 =	vor.u32 $0xC0, v0;
	v10 =	vor.u32 $0xC1, v0;
	v11 =	vor.u32 $0xC2, v0  }
0x8: {  	[smem:$0x7FF] =	sst s3;
	s5 =	sadd.s32 $0x2000, s0;
	s23 =	sadd.s32 $0x1A00, s0;
	v12 =	vor.u32 $0x100, v0;
	v13 =	vor.u32 $0x101, v0;
	v14 =	vor.u32 $0x102, v0  }
0x9: {  	s24 =	sadd.s32 $0x1400, s0;
	s6 =	smul.u32 $0x2800, s7;
	s8 =	sadd.s32 $0x1B600, s0;
	v15 =	vor.u32 $0x140, v0;
	v16 =	vor.u32 $0x141, v0;
	v17 =	vor.u32 $0x142, v0  }
0xa: {  	s13 =	smul.u32 $0x28000, s7;
	_ =	strace $0x80000047;
	[dreg:$0x5] =	wrdreg s5;
	v18 =	vor.u32 $0x180, v0;
	v19 =	vor.u32 $0x181, v0;
	v20 =	vor.u32 $0x182, v0  }
0xb: {  	s4 =	sor.u32 s2, s4;
	[dreg:$0x6] =	wrdreg s23;
	s11 =	smul.u32 $0x1400, s2;
	v21 =	vor.u32 $0x1C0, v0;
	v22 =	vor.u32 $0x1C1, v0;
	v23 =	vor.u32 $0x1C2, v0  }
0xc: {  	[dreg:$0x7] =	wrdreg s24;
	s10 =	ssub.s32 $0x2, s2;
	s2 =	smul.u32 $0x14000, s2;
	v24 =	vor.u32 $0x200, v0;
	v25 =	vor.u32 $0x201, v0;
	v26 =	vor.u32 $0x202, v0  }
0xd: {  	s9 =	sadd.s32 $0x7600, s0;
	[dreg:$0x3] =	wrdreg s30;
	s4 =	smul.u32 $0x1400, s4;
	v27 =	vor.u32 $0x240, v0;
	v28 =	vor.u32 $0x241, v0;
	v29 =	vor.u32 $0x242, v0  }
0xe: {  	[dreg:$0x4] =	wrdreg s31;
	s23 =	simm.s32 $0x2;
	s24 =	simm.s32 $0x3;
	v30 =	vor.u32 $0x280, v0;
	v31 =	vor.u32 $0x281, v0;
	v32 =	vor.u32 $0x282, v0  }
0xf: {  	s26 =	sshrl.u32 s10, $0x1;
	s29 =	sadd.s32 s13, s8;
	v33 =	vor.u32 $0x2C0, v0;
	v34 =	vor.u32 $0x2C1, v0;
	v35 =	vor.u32 $0x2C2, v0;
	s25 =	sshrl.u32 s4, $0x3  }
0x10: {  	v36 =	vor.u32 $0x300, v0;
	v37 =	vor.u32 $0x301, v0;
	v38 =	vor.u32 $0x302, v0;
	s6 =	sadd.s32 s11, s6;
	s13 =	sadd.s32 s2, s29;
	s5 =	sadd.s32 s25, s0  }
0x11: {  	v39 =	vor.u32 $0x340, v0;
	v40 =	vor.u32 $0x341, v0;
	v41 =	vor.u32 $0x342, v0;
	s28 =	sshrl.u32 s6, $0x1;
	s0 =	ssub.s32 s10, s26;
	s5 =	sadd.s32 $0x2600, s5  }
0x12: {  	v42 =	vor.u32 $0x380, v0;
	v43 =	vor.u32 $0x381, v0;
	v44 =	vor.u32 $0x382, v0;
	s12 =	sadd.s32 s28, s9;
	s0 =	smax.u32 s0, $0x1;
	[dreg:$0x8] =	wrdreg s5  }
0x13: {  	v45 =	vor.u32 $0x3C0, v0;
	v46 =	vor.u32 $0x3C1, v0;
	v47 =	vor.u32 $0x3C2, v0;
	s25 =	simm.s32 $0x4;
	s26 =	simm.s32 $0x0;
	[dreg:$0x9] =	wrdreg s0  }
.LBB2_1:
0x14: {  	s0 =	rddreg [dreg:$0x8]  }
0x15: {  	[tilespmem:s3], [sflag:$0x5] =	stream.linear.gather [hbm4b:s0+s3], $0x1400, $0x38;
	[tilespmem:$0x19280] =	vst v63  }
0x16: {  	_ =	swait.ge [sflag:s14], $0x1400  }
0x17: {  	[sflag:s14] =	ssyncset.done $0x0  }
0x18: {  	s10 =	rddreg [dreg:$0x5];
	[sflag:s14] =	ssyncadd.s32 $0xFFFFEC00  }
0x19: {  	[tilespmem:s15], [sflag:$0x5] =	stream.linear.gather [hbm4b:s10+s3], $0x2780, $0x38;
	[tilespmem:$0x19280] =	vst v63  }
0x1a: {  	_ =	swait.ge [sflag:s14], $0x2780  }
0x1b: {  	[sflag:s14] =	ssyncset.done $0x0  }
0x1c: {  	s11 =	rddreg [dreg:$0x6];
	[sflag:s14] =	ssyncadd.s32 $0xFFFFD880  }
0x1d: {  	[tilespmem:s16], [sflag:$0x5] =	stream.linear.gather [hbm4b:s11+s3], $0x2780, $0x38;
	[tilespmem:$0x19280] =	vst v63  }
0x1e: {  	_ =	swait.ge [sflag:s14], $0x2780  }
0x1f: {  	[sflag:s14] =	ssyncset.done $0x0  }
0x20: {  	s28 =	rddreg [dreg:$0x7];
	[sflag:s14] =	ssyncadd.s32 $0xFFFFD880  }
0x21: {  	[tilespmem:s17], [sflag:$0x5] =	stream.linear.gather [hbm4b:s28+s3], $0x2780, $0x38;
	[tilespmem:$0x19280] =	vst v63  }
0x22: {  	s2 =	simm.s32 $0x100;
	_ =	swait.ge [sflag:s14], $0x2780  }
0x23: {  	s29 =	smov.u32 s13;
	s30 =	smov.u32 s12;
	[sflag:s14] =	ssyncset.done $0x0  }
0x24: {  	s31 =	simm.s32 $0x0;
	s0 =	simm.s32 $0x0;
	[sflag:s14] =	ssyncadd.s32 $0xFFFFD880  }
.LBB2_2:
0x25: {  	p0 =	sne.s32 s31, $0x0  }
0x26: {  	s5 =	simm.s32 @p0 $0x3  }
0x27: {  	_ =	swait.ge @p0 [sflag:s5], $0x8000  }
0x28: {  	[sflag:s5] =	ssyncset.done @p0 $0x0  }
0x29: {  	[sflag:s5] =	ssyncadd.s32 @p0 $0xFFFF8000  }
0x2a: {  	_ =	swait.ge @p0 [sflag:s5], $0x400  }
0x2b: {  	s6 =	simm.s32 @p0 $0x80;
	[sflag:s5] =	ssyncset.done @p0 $0x0  }
0x2c: {  	s28 =	simm.s32 @p0 $0x1400;
	[sflag:s5] =	ssyncadd.s32 @p0 $0xFFFFFC00;
	s5 =	sshra.s32 @p0 s31, $0x2  }
0x2d: {  	[tilespmem:s28], [sflag:$0x1] =	stream.indirect.gather @p0 [hbm4b:s1+s6], $0x80, s5, s6, $0xb8;
	[tilespmem:$0x19280] =	vst v63  }
0x2e: {  	s5 =	sadd.s32 @p0 $0x80, s5;
	s28 =	simm.s32 @p0 $0x5400  }
0x2f: {  	[tilespmem:s28], [sflag:$0x1] =	stream.indirect.gather @p0 [hbm4b:s1+s6], $0x80, s5, s6, $0xb8;
	[tilespmem:$0x19280] =	vst v63  }
0x30: {  	s5 =	simm.s32 @p0 $0x4  }
0x31: {  	_ =	swait.ge @p0 [sflag:s5], $0x8000  }
0x32: {  	[sflag:s5] =	ssyncset.done @p0 $0x0  }
0x33: {  	[sflag:s5] =	ssyncadd.s32 @p0 $0xFFFF8000  }
0x34: {  	_ =	swait.ge @p0 [sflag:s5], $0x400  }
0x35: {  	s28 =	simm.s32 @!p0 $0x80;
	[sflag:s5] =	ssyncset.done @p0 $0x0  }
0x36: {  	s6 =	simm.s32 @!p0 $0x1400;
	[sflag:s5] =	ssyncadd.s32 @p0 $0xFFFFFC00;
	s5 =	sshra.s32 @!p0 s31, $0x2  }
0x37: {  	[tilespmem:s6], [sflag:$0x1] =	stream.indirect.gather @!p0 [hbm4b:s1+s28], $0x80, s5, s28, $0xb8;
	[tilespmem:$0x19280] =	vst v63  }
0x38: {  	s7 =	simm.s32 @!p0 $0x5400;
	s6 =	sadd.s32 @!p0 $0x80, s5  }
0x39: {  	[tilespmem:s7], [sflag:$0x1] =	stream.indirect.gather @!p0 [hbm4b:s1+s28], $0x80, s6, s28, $0xb8;
	[tilespmem:$0x19280] =	vst v63  }
0x3a: {  	s28 =	smov.u32 s2  }
0x3b: {  	s7 =	sshll.u32 s0, $0x9;
	s28 =	simm.s32 @!p0 $0x100  }
0x3c: {  	[tilespmem:s19], [sflag:$0x2] =	stream.indirect.gather [hbm4b:s1+s18], $0x80, s28, s18, $0xb8;
	[tilespmem:$0x19280] =	vst v63  }
0x3d: {  	s10 =	rddreg [dreg:$0x3];
	s5 =	smov.u32 @p0 s7;
	s11 =	sadd.s32 $0x80, s28  }
0x3e: {  	[tilespmem:s10], [sflag:$0x2] =	stream.indirect.gather [hbm4b:s1+s18], $0x80, s11, s18, $0xb8;
	[tilespmem:$0x19280] =	vst v63  }
0x3f: {  	v48 =	vld [tilespmem:s5+$0x0];
	_ =	sdelay $0x7  }
0x40: {  	v49 =	vld.idx.msk [tilespmem:v48+s15+$0x0], $0xffff  }
0x41: {  	v50 =	vld.idx.msk [tilespmem:v48+s16+$0x0], $0xffff  }
0x42: {  	v48 =	vld.idx.msk [tilespmem:v48+s17+$0x0], $0xffff;
	_ =	sdelay $0x2  }
0x43: {  	[tilespmem:v0+s20+$0x0] =	vst.idx.msk $0xffff, v49  }
0x44: {  	[tilespmem:v1+s20+$0x0] =	vst.idx.msk $0xffff, v50  }
0x45: {  	s11 =	sshra.s32 s31, $0x2;
	[tilespmem:v2+s20+$0x0] =	vst.idx.msk $0xffff, v48  }
0x46: {  	v48 =	vld [tilespmem:s11+$0x10];
	_ =	sdelay $0x7  }
0x47: {  	v49 =	vld.idx.msk [tilespmem:v48+s15+$0x0], $0xffff  }
0x48: {  	v50 =	vld.idx.msk [tilespmem:v48+s16+$0x0], $0xffff  }
0x49: {  	v48 =	vld.idx.msk [tilespmem:v48+s17+$0x0], $0xffff;
	_ =	sdelay $0x2  }
0x4a: {  	[tilespmem:v3+s20+$0x0] =	vst.idx.msk $0xffff, v49  }
0x4b: {  	[tilespmem:v4+s20+$0x0] =	vst.idx.msk $0xffff, v50  }
0x4c: {  	[tilespmem:v5+s20+$0x0] =	vst.idx.msk $0xffff, v48  }
0x4d: {  	v48 =	vld [tilespmem:s11+$0x20];
	_ =	sdelay $0x7  }
0x4e: {  	v49 =	vld.idx.msk [tilespmem:v48+s15+$0x0], $0xffff  }
0x4f: {  	v50 =	vld.idx.msk [tilespmem:v48+s16+$0x0], $0xffff  }
0x50: {  	v48 =	vld.idx.msk [tilespmem:v48+s17+$0x0], $0xffff;
	_ =	sdelay $0x2  }
0x51: {  	[tilespmem:v6+s20+$0x0] =	vst.idx.msk $0xffff, v49  }
0x52: {  	[tilespmem:v7+s20+$0x0] =	vst.idx.msk $0xffff, v50  }
0x53: {  	[tilespmem:v8+s20+$0x0] =	vst.idx.msk $0xffff, v48  }
0x54: {  	v48 =	vld [tilespmem:s11+$0x30];
	_ =	sdelay $0x7  }
0x55: {  	v49 =	vld.idx.msk [tilespmem:v48+s15+$0x0], $0xffff  }
0x56: {  	v50 =	vld.idx.msk [tilespmem:v48+s16+$0x0], $0xffff  }
0x57: {  	v48 =	vld.idx.msk [tilespmem:v48+s17+$0x0], $0xffff;
	_ =	sdelay $0x2  }
0x58: {  	[tilespmem:v9+s20+$0x0] =	vst.idx.msk $0xffff, v49  }
0x59: {  	[tilespmem:v10+s20+$0x0] =	vst.idx.msk $0xffff, v50  }
0x5a: {  	[tilespmem:v11+s20+$0x0] =	vst.idx.msk $0xffff, v48  }
0x5b: {  	v48 =	vld [tilespmem:s11+$0x40];
	_ =	sdelay $0x7  }
0x5c: {  	v49 =	vld.idx.msk [tilespmem:v48+s15+$0x0], $0xffff  }
0x5d: {  	v50 =	vld.idx.msk [tilespmem:v48+s16+$0x0], $0xffff  }
0x5e: {  	v48 =	vld.idx.msk [tilespmem:v48+s17+$0x0], $0xffff;
	_ =	sdelay $0x2  }
0x5f: {  	[tilespmem:v12+s20+$0x0] =	vst.idx.msk $0xffff, v49  }
0x60: {  	[tilespmem:v13+s20+$0x0] =	vst.idx.msk $0xffff, v50  }
0x61: {  	[tilespmem:v14+s20+$0x0] =	vst.idx.msk $0xffff, v48  }
0x62: {  	v48 =	vld [tilespmem:s11+$0x50];
	_ =	sdelay $0x7  }
0x63: {  	v49 =	vld.idx.msk [tilespmem:v48+s15+$0x0], $0xffff  }
0x64: {  	v50 =	vld.idx.msk [tilespmem:v48+s16+$0x0], $0xffff  }
0x65: {  	v48 =	vld.idx.msk [tilespmem:v48+s17+$0x0], $0xffff;
	_ =	sdelay $0x2  }
0x66: {  	[tilespmem:v15+s20+$0x0] =	vst.idx.msk $0xffff, v49  }
0x67: {  	[tilespmem:v16+s20+$0x0] =	vst.idx.msk $0xffff, v50  }
0x68: {  	[tilespmem:v17+s20+$0x0] =	vst.idx.msk $0xffff, v48  }
0x69: {  	v48 =	vld [tilespmem:s11+$0x60];
	_ =	sdelay $0x7  }
0x6a: {  	v49 =	vld.idx.msk [tilespmem:v48+s15+$0x0], $0xffff  }
0x6b: {  	v50 =	vld.idx.msk [tilespmem:v48+s16+$0x0], $0xffff  }
0x6c: {  	v48 =	vld.idx.msk [tilespmem:v48+s17+$0x0], $0xffff;
	_ =	sdelay $0x2  }
0x6d: {  	[tilespmem:v18+s20+$0x0] =	vst.idx.msk $0xffff, v49  }
0x6e: {  	[tilespmem:v19+s20+$0x0] =	vst.idx.msk $0xffff, v50  }
0x6f: {  	[tilespmem:v20+s20+$0x0] =	vst.idx.msk $0xffff, v48  }
0x70: {  	v48 =	vld [tilespmem:s11+$0x70];
	_ =	sdelay $0x7  }
0x71: {  	v49 =	vld.idx.msk [tilespmem:v48+s15+$0x0], $0xffff  }
0x72: {  	v50 =	vld.idx.msk [tilespmem:v48+s16+$0x0], $0xffff  }
0x73: {  	v48 =	vld.idx.msk [tilespmem:v48+s17+$0x0], $0xffff;
	_ =	sdelay $0x2  }
0x74: {  	[tilespmem:v21+s20+$0x0] =	vst.idx.msk $0xffff, v49  }
0x75: {  	s7 =	sadd.s32 @p0 $0x80, s7;
	[tilespmem:v22+s20+$0x0] =	vst.idx.msk $0xffff, v50  }
0x76: {  	s6 =	smov.u32 @p0 s7;
	[tilespmem:v23+s20+$0x0] =	vst.idx.msk $0xffff, v48  }
0x77: {  	v48 =	vld [tilespmem:s6+$0x0];
	_ =	sdelay $0x7  }
0x78: {  	v49 =	vld.idx.msk [tilespmem:v48+s15+$0x0], $0xffff  }
0x79: {  	v50 =	vld.idx.msk [tilespmem:v48+s16+$0x0], $0xffff  }
0x7a: {  	v48 =	vld.idx.msk [tilespmem:v48+s17+$0x0], $0xffff;
	_ =	sdelay $0x2  }
0x7b: {  	[tilespmem:v24+s20+$0x0] =	vst.idx.msk $0xffff, v49  }
0x7c: {  	[tilespmem:v25+s20+$0x0] =	vst.idx.msk $0xffff, v50  }
0x7d: {  	[tilespmem:v26+s20+$0x0] =	vst.idx.msk $0xffff, v48  }
0x7e: {  	v48 =	vld [tilespmem:s11+$0x90];
	_ =	sdelay $0x7  }
0x7f: {  	v49 =	vld.idx.msk [tilespmem:v48+s15+$0x0], $0xffff  }
0x80: {  	v50 =	vld.idx.msk [tilespmem:v48+s16+$0x0], $0xffff  }
0x81: {  	v48 =	vld.idx.msk [tilespmem:v48+s17+$0x0], $0xffff;
	_ =	sdelay $0x2  }
0x82: {  	[tilespmem:v27+s20+$0x0] =	vst.idx.msk $0xffff, v49  }
0x83: {  	[tilespmem:v28+s20+$0x0] =	vst.idx.msk $0xffff, v50  }
0x84: {  	[tilespmem:v29+s20+$0x0] =	vst.idx.msk $0xffff, v48  }
0x85: {  	v48 =	vld [tilespmem:s11+$0xA0];
	_ =	sdelay $0x7  }
0x86: {  	v49 =	vld.idx.msk [tilespmem:v48+s15+$0x0], $0xffff  }
0x87: {  	v50 =	vld.idx.msk [tilespmem:v48+s16+$0x0], $0xffff  }
0x88: {  	v48 =	vld.idx.msk [tilespmem:v48+s17+$0x0], $0xffff;
	_ =	sdelay $0x2  }
0x89: {  	[tilespmem:v30+s20+$0x0] =	vst.idx.msk $0xffff, v49  }
0x8a: {  	[tilespmem:v31+s20+$0x0] =	vst.idx.msk $0xffff, v50  }
0x8b: {  	[tilespmem:v32+s20+$0x0] =	vst.idx.msk $0xffff, v48  }
0x8c: {  	v48 =	vld [tilespmem:s11+$0xB0];
	_ =	sdelay $0x7  }
0x8d: {  	v49 =	vld.idx.msk [tilespmem:v48+s15+$0x0], $0xffff  }
0x8e: {  	v50 =	vld.idx.msk [tilespmem:v48+s16+$0x0], $0xffff  }
0x8f: {  	v48 =	vld.idx.msk [tilespmem:v48+s17+$0x0], $0xffff;
	_ =	sdelay $0x2  }
0x90: {  	[tilespmem:v33+s20+$0x0] =	vst.idx.msk $0xffff, v49  }
0x91: {  	[tilespmem:v34+s20+$0x0] =	vst.idx.msk $0xffff, v50  }
0x92: {  	[tilespmem:v35+s20+$0x0] =	vst.idx.msk $0xffff, v48  }
0x93: {  	v48 =	vld [tilespmem:s11+$0xC0];
	_ =	sdelay $0x7  }
0x94: {  	v49 =	vld.idx.msk [tilespmem:v48+s15+$0x0], $0xffff  }
0x95: {  	v50 =	vld.idx.msk [tilespmem:v48+s16+$0x0], $0xffff  }
0x96: {  	v48 =	vld.idx.msk [tilespmem:v48+s17+$0x0], $0xffff;
	_ =	sdelay $0x2  }
0x97: {  	[tilespmem:v36+s20+$0x0] =	vst.idx.msk $0xffff, v49  }
0x98: {  	[tilespmem:v37+s20+$0x0] =	vst.idx.msk $0xffff, v50  }
0x99: {  	[tilespmem:v38+s20+$0x0] =	vst.idx.msk $0xffff, v48  }
0x9a: {  	v48 =	vld [tilespmem:s11+$0xD0];
	_ =	sdelay $0x7  }
0x9b: {  	v49 =	vld.idx.msk [tilespmem:v48+s15+$0x0], $0xffff  }
0x9c: {  	v50 =	vld.idx.msk [tilespmem:v48+s16+$0x0], $0xffff  }
0x9d: {  	v48 =	vld.idx.msk [tilespmem:v48+s17+$0x0], $0xffff;
	_ =	sdelay $0x2  }
0x9e: {  	[tilespmem:v39+s20+$0x0] =	vst.idx.msk $0xffff, v49  }
0x9f: {  	[tilespmem:v40+s20+$0x0] =	vst.idx.msk $0xffff, v50  }
0xa0: {  	[tilespmem:v41+s20+$0x0] =	vst.idx.msk $0xffff, v48  }
0xa1: {  	v48 =	vld [tilespmem:s11+$0xE0];
	_ =	sdelay $0x7  }
0xa2: {  	v49 =	vld.idx.msk [tilespmem:v48+s15+$0x0], $0xffff  }
0xa3: {  	v50 =	vld.idx.msk [tilespmem:v48+s16+$0x0], $0xffff  }
0xa4: {  	v48 =	vld.idx.msk [tilespmem:v48+s17+$0x0], $0xffff;
	_ =	sdelay $0x2  }
0xa5: {  	[tilespmem:v42+s20+$0x0] =	vst.idx.msk $0xffff, v49  }
0xa6: {  	[tilespmem:v43+s20+$0x0] =	vst.idx.msk $0xffff, v50  }
0xa7: {  	[tilespmem:v44+s20+$0x0] =	vst.idx.msk $0xffff, v48  }
0xa8: {  	v48 =	vld [tilespmem:s11+$0xF0];
	_ =	sdelay $0x7  }
0xa9: {  	v49 =	vld.idx.msk [tilespmem:v48+s15+$0x0], $0xffff  }
0xaa: {  	v50 =	vld.idx.msk [tilespmem:v48+s16+$0x0], $0xffff  }
0xab: {  	v48 =	vld.idx.msk [tilespmem:v48+s17+$0x0], $0xffff;
	_ =	sdelay $0x2  }
0xac: {  	[tilespmem:v45+s20+$0x0] =	vst.idx.msk $0xffff, v49  }
0xad: {  	[tilespmem:v46+s20+$0x0] =	vst.idx.msk $0xffff, v50  }
0xae: {  	[tilespmem:v47+s20+$0x0] =	vst.idx.msk $0xffff, v48  }
0xaf: {  	_ =	swait.ge [sflag:s21], $0x4000  }
0xb0: {  	[sflag:s21] =	ssyncset.done $0x0  }
0xb1: {  	[sflag:s21] =	ssyncadd.s32 $0xFFFFC000  }
0xb2: {  	_ =	swait.ge [sflag:s21], $0x4000  }
0xb3: {  	[sflag:s21] =	ssyncset.done $0x0  }
0xb4: {  	s10 =	rddreg [dreg:$0x4];
	[sflag:s21] =	ssyncadd.s32 $0xFFFFC000  }
0xb5: {  	[hbm4b:s29+s3] =	stream.linear.scatter [tilespmem:s10], [sflag:$0x3], $0x8000, $0x38;
	[tilespmem:$0x19280] =	vst v63  }
0xb6: {  	_ = 	snop  }
0xb7: {  	[hbm4b:s30+s3] =	stream.linear.scatter [tilespmem:s20], [sflag:$0x3], $0x400, $0x38;
	[tilespmem:$0x19280] =	vst v63  }
0xb8: {  	v61 =	vld [tilespmem:s28+$0x0];
	_ =	sdelay $0x7  }
0xb9: {  	v62 =	vld.idx.msk [tilespmem:v61+s15+$0x0], $0xffff  }
0xba: {  	v63 =	vld.idx.msk [tilespmem:v61+s16+$0x0], $0xffff  }
0xbb: {  	v48 =	vld.idx.msk [tilespmem:v61+s17+$0x0], $0xffff;
	_ =	sdelay $0x2  }
0xbc: {  	[tilespmem:v0+s22+$0x0] =	vst.idx.msk $0xffff, v62  }
0xbd: {  	[tilespmem:v1+s22+$0x0] =	vst.idx.msk $0xffff, v63  }
0xbe: {  	[tilespmem:v2+s22+$0x0] =	vst.idx.msk $0xffff, v48  }
0xbf: {  	v48 =	vld [tilespmem:s28+$0x10];
	_ =	sdelay $0x7  }
0xc0: {  	v49 =	vld.idx.msk [tilespmem:v48+s15+$0x0], $0xffff  }
0xc1: {  	v50 =	vld.idx.msk [tilespmem:v48+s16+$0x0], $0xffff  }
0xc2: {  	v48 =	vld.idx.msk [tilespmem:v48+s17+$0x0], $0xffff;
	_ =	sdelay $0x2  }
0xc3: {  	[tilespmem:v3+s22+$0x0] =	vst.idx.msk $0xffff, v49  }
0xc4: {  	[tilespmem:v4+s22+$0x0] =	vst.idx.msk $0xffff, v50  }
0xc5: {  	[tilespmem:v5+s22+$0x0] =	vst.idx.msk $0xffff, v48  }
0xc6: {  	v48 =	vld [tilespmem:s28+$0x20];
	_ =	sdelay $0x7  }
0xc7: {  	v49 =	vld.idx.msk [tilespmem:v48+s15+$0x0], $0xffff  }
0xc8: {  	v50 =	vld.idx.msk [tilespmem:v48+s16+$0x0], $0xffff  }
0xc9: {  	v48 =	vld.idx.msk [tilespmem:v48+s17+$0x0], $0xffff;
	_ =	sdelay $0x2  }
0xca: {  	[tilespmem:v6+s22+$0x0] =	vst.idx.msk $0xffff, v49  }
0xcb: {  	[tilespmem:v7+s22+$0x0] =	vst.idx.msk $0xffff, v50  }
0xcc: {  	[tilespmem:v8+s22+$0x0] =	vst.idx.msk $0xffff, v48  }
0xcd: {  	v48 =	vld [tilespmem:s28+$0x30];
	_ =	sdelay $0x7  }
0xce: {  	v49 =	vld.idx.msk [tilespmem:v48+s15+$0x0], $0xffff  }
0xcf: {  	v50 =	vld.idx.msk [tilespmem:v48+s16+$0x0], $0xffff  }
0xd0: {  	v48 =	vld.idx.msk [tilespmem:v48+s17+$0x0], $0xffff;
	_ =	sdelay $0x2  }
0xd1: {  	[tilespmem:v9+s22+$0x0] =	vst.idx.msk $0xffff, v49  }
0xd2: {  	[tilespmem:v10+s22+$0x0] =	vst.idx.msk $0xffff, v50  }
0xd3: {  	[tilespmem:v11+s22+$0x0] =	vst.idx.msk $0xffff, v48  }
0xd4: {  	v48 =	vld [tilespmem:s28+$0x40];
	_ =	sdelay $0x7  }
0xd5: {  	v49 =	vld.idx.msk [tilespmem:v48+s15+$0x0], $0xffff  }
0xd6: {  	v50 =	vld.idx.msk [tilespmem:v48+s16+$0x0], $0xffff  }
0xd7: {  	v48 =	vld.idx.msk [tilespmem:v48+s17+$0x0], $0xffff;
	_ =	sdelay $0x2  }
0xd8: {  	[tilespmem:v12+s22+$0x0] =	vst.idx.msk $0xffff, v49  }
0xd9: {  	[tilespmem:v13+s22+$0x0] =	vst.idx.msk $0xffff, v50  }
0xda: {  	[tilespmem:v14+s22+$0x0] =	vst.idx.msk $0xffff, v48  }
0xdb: {  	v48 =	vld [tilespmem:s28+$0x50];
	_ =	sdelay $0x7  }
0xdc: {  	v49 =	vld.idx.msk [tilespmem:v48+s15+$0x0], $0xffff  }
0xdd: {  	v50 =	vld.idx.msk [tilespmem:v48+s16+$0x0], $0xffff  }
0xde: {  	v48 =	vld.idx.msk [tilespmem:v48+s17+$0x0], $0xffff;
	_ =	sdelay $0x2  }
0xdf: {  	[tilespmem:v15+s22+$0x0] =	vst.idx.msk $0xffff, v49  }
0xe0: {  	[tilespmem:v16+s22+$0x0] =	vst.idx.msk $0xffff, v50  }
0xe1: {  	[tilespmem:v17+s22+$0x0] =	vst.idx.msk $0xffff, v48  }
0xe2: {  	v48 =	vld [tilespmem:s28+$0x60];
	_ =	sdelay $0x7  }
0xe3: {  	v49 =	vld.idx.msk [tilespmem:v48+s15+$0x0], $0xffff  }
0xe4: {  	v50 =	vld.idx.msk [tilespmem:v48+s16+$0x0], $0xffff  }
0xe5: {  	v48 =	vld.idx.msk [tilespmem:v48+s17+$0x0], $0xffff;
	_ =	sdelay $0x2  }
0xe6: {  	[tilespmem:v18+s22+$0x0] =	vst.idx.msk $0xffff, v49  }
0xe7: {  	[tilespmem:v19+s22+$0x0] =	vst.idx.msk $0xffff, v50  }
0xe8: {  	[tilespmem:v20+s22+$0x0] =	vst.idx.msk $0xffff, v48  }
0xe9: {  	v48 =	vld [tilespmem:s28+$0x70];
	_ =	sdelay $0x7  }
0xea: {  	v49 =	vld.idx.msk [tilespmem:v48+s15+$0x0], $0xffff  }
0xeb: {  	v50 =	vld.idx.msk [tilespmem:v48+s16+$0x0], $0xffff  }
0xec: {  	v48 =	vld.idx.msk [tilespmem:v48+s17+$0x0], $0xffff;
	_ =	sdelay $0x2  }
0xed: {  	[tilespmem:v21+s22+$0x0] =	vst.idx.msk $0xffff, v49  }
0xee: {  	[tilespmem:v22+s22+$0x0] =	vst.idx.msk $0xffff, v50  }
0xef: {  	[tilespmem:v23+s22+$0x0] =	vst.idx.msk $0xffff, v48  }
0xf0: {  	v48 =	vld [tilespmem:s28+$0x80];
	_ =	sdelay $0x7  }
0xf1: {  	v49 =	vld.idx.msk [tilespmem:v48+s15+$0x0], $0xffff  }
0xf2: {  	v50 =	vld.idx.msk [tilespmem:v48+s16+$0x0], $0xffff  }
0xf3: {  	v48 =	vld.idx.msk [tilespmem:v48+s17+$0x0], $0xffff;
	_ =	sdelay $0x2  }
0xf4: {  	[tilespmem:v24+s22+$0x0] =	vst.idx.msk $0xffff, v49  }
0xf5: {  	[tilespmem:v25+s22+$0x0] =	vst.idx.msk $0xffff, v50  }
0xf6: {  	[tilespmem:v26+s22+$0x0] =	vst.idx.msk $0xffff, v48  }
0xf7: {  	v48 =	vld [tilespmem:s28+$0x90];
	_ =	sdelay $0x7  }
0xf8: {  	v49 =	vld.idx.msk [tilespmem:v48+s15+$0x0], $0xffff  }
0xf9: {  	v50 =	vld.idx.msk [tilespmem:v48+s16+$0x0], $0xffff  }
0xfa: {  	v48 =	vld.idx.msk [tilespmem:v48+s17+$0x0], $0xffff;
	_ =	sdelay $0x2  }
0xfb: {  	[tilespmem:v27+s22+$0x0] =	vst.idx.msk $0xffff, v49  }
0xfc: {  	[tilespmem:v28+s22+$0x0] =	vst.idx.msk $0xffff, v50  }
0xfd: {  	[tilespmem:v29+s22+$0x0] =	vst.idx.msk $0xffff, v48  }
0xfe: {  	v48 =	vld [tilespmem:s28+$0xA0];
	_ =	sdelay $0x7  }
0xff: {  	v49 =	vld.idx.msk [tilespmem:v48+s15+$0x0], $0xffff  }
0x100: {  	v50 =	vld.idx.msk [tilespmem:v48+s16+$0x0], $0xffff  }
0x101: {  	v48 =	vld.idx.msk [tilespmem:v48+s17+$0x0], $0xffff;
	_ =	sdelay $0x2  }
0x102: {  	[tilespmem:v30+s22+$0x0] =	vst.idx.msk $0xffff, v49  }
0x103: {  	[tilespmem:v31+s22+$0x0] =	vst.idx.msk $0xffff, v50  }
0x104: {  	[tilespmem:v32+s22+$0x0] =	vst.idx.msk $0xffff, v48  }
0x105: {  	v48 =	vld [tilespmem:s28+$0xB0];
	_ =	sdelay $0x7  }
0x106: {  	v49 =	vld.idx.msk [tilespmem:v48+s15+$0x0], $0xffff  }
0x107: {  	v50 =	vld.idx.msk [tilespmem:v48+s16+$0x0], $0xffff  }
0x108: {  	v48 =	vld.idx.msk [tilespmem:v48+s17+$0x0], $0xffff;
	_ =	sdelay $0x2  }
0x109: {  	[tilespmem:v33+s22+$0x0] =	vst.idx.msk $0xffff, v49  }
0x10a: {  	[tilespmem:v34+s22+$0x0] =	vst.idx.msk $0xffff, v50  }
0x10b: {  	[tilespmem:v35+s22+$0x0] =	vst.idx.msk $0xffff, v48  }
0x10c: {  	v48 =	vld [tilespmem:s28+$0xC0];
	_ =	sdelay $0x7  }
0x10d: {  	v49 =	vld.idx.msk [tilespmem:v48+s15+$0x0], $0xffff  }
0x10e: {  	v50 =	vld.idx.msk [tilespmem:v48+s16+$0x0], $0xffff  }
0x10f: {  	v48 =	vld.idx.msk [tilespmem:v48+s17+$0x0], $0xffff;
	_ =	sdelay $0x2  }
0x110: {  	[tilespmem:v36+s22+$0x0] =	vst.idx.msk $0xffff, v49  }
0x111: {  	[tilespmem:v37+s22+$0x0] =	vst.idx.msk $0xffff, v50  }
0x112: {  	[tilespmem:v38+s22+$0x0] =	vst.idx.msk $0xffff, v48  }
0x113: {  	v48 =	vld [tilespmem:s28+$0xD0];
	_ =	sdelay $0x7  }
0x114: {  	v49 =	vld.idx.msk [tilespmem:v48+s15+$0x0], $0xffff  }
0x115: {  	v50 =	vld.idx.msk [tilespmem:v48+s16+$0x0], $0xffff  }
0x116: {  	v48 =	vld.idx.msk [tilespmem:v48+s17+$0x0], $0xffff;
	_ =	sdelay $0x2  }
0x117: {  	[tilespmem:v39+s22+$0x0] =	vst.idx.msk $0xffff, v49  }
0x118: {  	[tilespmem:v40+s22+$0x0] =	vst.idx.msk $0xffff, v50  }
0x119: {  	[tilespmem:v41+s22+$0x0] =	vst.idx.msk $0xffff, v48  }
0x11a: {  	v48 =	vld [tilespmem:s28+$0xE0];
	_ =	sdelay $0x7  }
0x11b: {  	v49 =	vld.idx.msk [tilespmem:v48+s15+$0x0], $0xffff  }
0x11c: {  	v50 =	vld.idx.msk [tilespmem:v48+s16+$0x0], $0xffff  }
0x11d: {  	v48 =	vld.idx.msk [tilespmem:v48+s17+$0x0], $0xffff;
	_ =	sdelay $0x2  }
0x11e: {  	[tilespmem:v42+s22+$0x0] =	vst.idx.msk $0xffff, v49  }
0x11f: {  	[tilespmem:v43+s22+$0x0] =	vst.idx.msk $0xffff, v50  }
0x120: {  	[tilespmem:v44+s22+$0x0] =	vst.idx.msk $0xffff, v48  }
0x121: {  	v48 =	vld [tilespmem:s28+$0xF0];
	_ =	sdelay $0x7  }
0x122: {  	v49 =	vld.idx.msk [tilespmem:v48+s15+$0x0], $0xffff  }
0x123: {  	v50 =	vld.idx.msk [tilespmem:v48+s16+$0x0], $0xffff  }
0x124: {  	v48 =	vld.idx.msk [tilespmem:v48+s17+$0x0], $0xffff;
	_ =	sdelay $0x2  }
0x125: {  	[tilespmem:v45+s22+$0x0] =	vst.idx.msk $0xffff, v49  }
0x126: {  	[tilespmem:v46+s22+$0x0] =	vst.idx.msk $0xffff, v50  }
0x127: {  	[tilespmem:v47+s22+$0x0] =	vst.idx.msk $0xffff, v48  }
0x128: {  	_ =	swait.ge [sflag:s23], $0x4000  }
0x129: {  	s0 =	sadd.s32 $0x1, s0;
	[sflag:s23] =	ssyncset.done $0x0  }
0x12a: {  	s2 =	sadd.s32 $0x200, s2;
	s31 =	sadd.s32 $0x800, s31;
	[sflag:s23] =	ssyncadd.s32 $0xFFFFC000  }
0x12b: {  	p0 =	sne.s32 s31, $0x5000;
	s11 =	sadd.s32 s4, s28;
	_ =	swait.ge [sflag:s23], $0x4000  }
.Ltmp0:
0x12c: {  	s28 =	sshll.u32 s11, $0x4;
	[sflag:s23] =	ssyncset.done $0x0;
	(pc) =	sbr.rel @p0 .LBB2_2-.Ltmp0, $4  }
0x12d: {  	s5 =	sshrl.u32 s11, $0x1;
	s6 =	sadd.s32 s8, s28;
	[sflag:s23] =	ssyncadd.s32 $0xFFFFC000  }
0x12e: {  	[hbm4b:s6+s3] =	stream.linear.scatter [tilespmem:s19], [sflag:$0x4], $0x8000, $0x38;
	[tilespmem:$0x19280] =	vst v63  }
0x12f: {  	s5 =	sadd.s32 s9, s5;
	s29 =	sadd.s32 $0x2000, s29;
	s30 =	sadd.s32 $0x100, s30  }
0x130: {  	[hbm4b:s5+s3] =	stream.linear.scatter [tilespmem:s22], [sflag:$0x4], $0x400, $0x38;
	[tilespmem:$0x19280] =	vst v63  }
0x131: {  	_ =	swait.ge [sflag:s24], $0x8000  }
0x132: {  	[sflag:s24] =	ssyncset.done $0x0  }
0x133: {  	[sflag:s24] =	ssyncadd.s32 $0xFFFF8000  }
0x134: {  	_ =	swait.ge [sflag:s24], $0x400  }
0x135: {  	[sflag:s24] =	ssyncset.done $0x0  }
0x136: {  	[sflag:s24] =	ssyncadd.s32 $0xFFFFFC00  }
0x137: {  	_ =	swait.ge [sflag:s25], $0x8000  }
0x138: {  	[sflag:s25] =	ssyncset.done $0x0  }
0x139: {  	[sflag:s25] =	ssyncadd.s32 $0xFFFF8000  }
0x13a: {  	_ =	swait.ge [sflag:s25], $0x400  }
0x13b: {  	s26 =	sadd.s32 $0x1, s26;
	s0 =	rddreg [dreg:$0x9]  }
0x13c: {  	p0 =	sne.s32 s26, s0  }
.Ltmp1:
0x13d: {  	_ = 	snop;
	(pc) =	sbr.rel @p0 .LBB2_1-.Ltmp1, $3  }
0x13e: {  	_ =	sdelay $0x1  }
0x13f: {  	[sflag:s25] =	ssyncset.done $0x0  }
0x140: {  	[sflag:s25] =	ssyncadd.s32 $0xFFFFFC00  }
0x141: {  	_ =	sfence.sel $0x180000  }
0x142: {  	[bflag:$0x0] =	sbarrier.arrive $0xFFFF  }
0x143: {  	_ =	strace $0x90000047  }
0x144: {  	s0 =	stileid.u32;
	[bflag:$0x2] =	sbarrier.arrive $0xFFFF  }
0x145: {  	p0 =	sne.s32 s0, $0x0;
	s0 =	rddreg [dreg:$0x2]  }
0x146: {  	s0 =	sadd.s32 @!p0 $0x100000, s0  }
0x147: {  	[sflag:s0] =	ssyncadd.tile.s32 @!p0 $0x1;
	_ =	shalt  }
.Lfunc_end2:
_tile_overlayer_lowered:
.L_overlay_start_2:
0x148: {  	(tag) =	ssettag $0x2  }
0x149: {  	s0 =	rddreg [dreg:$0x0];
	s2 =	stileid.u32  }
0x14a: {  	s1 =	rddreg [dreg:$0x1];
	p0 =	sne.s32 s2, $0x0  }
0x14b: {  	s3 =	rddreg [dreg:$0x2];
	[bflag:$0x3] =	sbarrier.arrive $0xFFFF;
	s2 =	simm.s32 @!p0 $0x1C05  }
0x14c: {  	[timem:s3], [sflag:s2] =	dma.local @!p0 [hbm:s0], s1  }
0x14d: {  	s0 =	simm.s32 @!p0 $0x5  }
0x14e: {  	_ =	swait.ge @!p0 [sflag:s0], s1  }
0x14f: {  	s1 =	ssub.s32 @!p0 $0x0, s1;
	[sflag:s0] =	ssyncset.done @!p0 $0x0  }
0x150: {  	[sflag:s0] =	ssyncadd.s32 @!p0 s1  }
0x151: {  	[bflag:$0x3] =	sbarrier.arrive $0xFFFF  }
0x152: {  	_ =	shalt  }

</sc_bundles>
